<compile_context>
chip_gen: v7x
topology: tpu7x:2x2x1
jax: 0.10.2.dev20260603
libtpu: 0.0.44.dev20260713+nightly
codegen_flags: <defaults>
</compile_context>

<pallas_src>
import functools

import jax
import jax.numpy as jnp
from jax import lax
from jax.experimental import pallas as pl
from jax.experimental.pallas import tpu as pltpu
from jax.experimental.pallas import tpu_sc as plsc

NC = 2
NS = 16
NW = NC * NS
L = 16

B = 1024
W = 25
D = 25
WD = W * D
E = 128
V = 16
NE = 9
NI = 6
GR = 3 * V * V + 3 * V
NG = 40
PWD = NG * L
ECE = 8
NEC = E // ECE


def _body(gt_hbm, idx_hbm, out_hbm, gt_v, idx_v, acc_v,
          sem0, sem1, isem0, isem1):
    wid = lax.axis_index("s") * NC + lax.axis_index("c")
    pltpu.sync_copy(gt_hbm, gt_v)
    sems = [sem0, sem1]
    isems = [isem0, isem1]
    NT = B // NW

    pltpu.async_copy(idx_hbm.at[wid], idx_v.at[0], isems[0])

    def row2_body(r2, carry):
        for rh in range(2):
            t = r2 * 2 + rh
            b = t * NW + wid
            idx_b = idx_v.at[rh]

            pltpu.make_async_copy(idx_hbm.at[b], idx_b, isems[rh]).wait()

            @pl.when(t + 1 < NT)
            def _prefetch(t=t, rh=rh):
                pltpu.async_copy(idx_hbm.at[(t + 1) * NW + wid],
                                 idx_v.at[1 - rh], isems[1 - rh])

            def chunk2_body(c2, cc, t=t, b=b, idx_b=idx_b):
                dsts = [out_hbm.at[b, pl.ds((c2 * 2 + h) * ECE, ECE)]
                        for h in range(2)]

                @pl.when((c2 > 0) | (t > 0))
                def _wait_prev(dsts=dsts):
                    for h in range(2):
                        pltpu.make_async_copy(
                            acc_v.at[h], dsts[h], sems[h]).wait()

                @plsc.parallel_loop(0, NG, unroll=2)
                def g_body(g, c2=c2, idx_b=idx_b):
                    o = lax.min(g * L, WD - L)
                    ivs = [idx_b[i, pl.ds(o, L)] for i in range(NI)]
                    for half in range(2):
                        for j in range(ECE):
                            base = ((c2 * 2 + half) * ECE + j) * GR
                            win = gt_v.at[pl.ds(base, GR)]
                            gv = [plsc.load_gather(win, [ivs[i]])
                                  for i in range(NI)]
                            s = (((gv[0] + gv[1]) + (gv[2] + gv[3]))
                                 + (gv[4] + gv[5]))
                            acc_v[half, j, pl.ds(o, L)] = s

                for h in range(2):
                    pltpu.async_copy(acc_v.at[h], dsts[h], sems[h])
                return cc

            lax.fori_loop(0, NEC // 2, chunk2_body, 0)
        return carry

    lax.fori_loop(0, NT // 2, row2_body, 0)

    for bufi in range(2):
        pltpu.make_async_copy(
            acc_v.at[bufi], out_hbm.at[0, pl.ds(bufi * ECE, ECE)],
            sems[bufi]).wait()


@jax.jit
def _embed(gtT, idx6):
    mesh = plsc.VectorSubcoreMesh(core_axis_name="c", subcore_axis_name="s")
    f = pl.kernel(
        _body,
        out_type=jax.ShapeDtypeStruct((B, E, WD), jnp.float32),
        mesh=mesh,
        scratch_types=[
            pltpu.VMEM((E * GR,), jnp.float32),
            pltpu.VMEM((2, NI, PWD), jnp.int32),
            pltpu.VMEM((2, ECE, WD), jnp.float32),
            pltpu.SemaphoreType.DMA,
            pltpu.SemaphoreType.DMA,
            pltpu.SemaphoreType.DMA,
            pltpu.SemaphoreType.DMA,
        ],
        compiler_params=pltpu.CompilerParams(needs_layout_passes=False),
    )
    return f(gtT, idx6)


def kernel(prop_types, hut_colors, hut_rotations, tree_types, plant_types,
           windmill_rotations, tower_rotations, tent_rotations, terrain,
           table_0, table_1, table_2, table_3, table_4, table_5, table_6,
           table_7, table_8):
    idxs = [prop_types, hut_colors, hut_rotations, tree_types, plant_types,
            windmill_rotations, tower_rotations, tent_rotations, terrain]
    tables = [table_0, table_1, table_2, table_3, table_4, table_5, table_6,
              table_7, table_8]

    iv = [a.reshape(B, WD).astype(jnp.int32) for a in idxs]
    streams = [
        iv[0] * V + iv[1],
        iv[2] * V + iv[3] + 256,
        iv[4] * V + iv[5] + 512,
        iv[6] + 768,
        iv[7] + 768 + V,
        iv[8] + 768 + 2 * V,
    ]
    idx6 = jnp.stack(streams, axis=1)
    idx6 = jnp.pad(idx6, ((0, 0), (0, 0), (0, PWD - WD)))

    tbl = jnp.stack([t.astype(jnp.float32) for t in tables])
    tbl = tbl.at[:8, 0, :].set(0.0)
    pairs = [
        (tbl[2 * k][:, None, :] + tbl[2 * k + 1][None, :, :]).reshape(
            V * V, E)
        for k in range(3)
    ]
    grand = jnp.concatenate(pairs + [tbl[6], tbl[7], tbl[8]])
    gtT = grand.T.reshape(-1)

    out = _embed(gtT, idx6)
    return out.reshape(B, E, W, D)

# --- scband reference (transcript-rebuilt; emitter-appended) ---
"""Pipeline reference for scband-static-environment-embedder-55817394979283 (READ-ONLY COPY).

The authoritative reference and input builder live on the scoring server;
editing this copy changes nothing except your own understanding.
"""

import jax, jax.numpy as jnp
import numpy as np

B = 1024
W = 25
D = 25
E = 128
V = 16
NAMES = ['prop_types', 'hut_colors', 'hut_rotations', 'tree_types', 'plant_types', 'windmill_rotations', 'tower_rotations', 'tent_rotations', 'terrain']
# zero_out=True for all embedders except the terrain embedder (last)
ZERO_OUT = [True, True, True, True, True, True, True, True, False]


def setup_inputs(seed: int = 0) -> dict:
    key = jax.random.key(seed)
    keys = jax.random.split(key, 2 * len(NAMES))
    inp = {}
    for i, n in enumerate(NAMES):
        inp[n] = jax.random.randint(keys[i], (B, W, D), 0, V, dtype=jnp.int64 if jax.config.jax_enable_x64 else jnp.int32)
    for i in range(len(NAMES)):
        inp['table_%d' % i] = jax.random.normal(keys[len(NAMES) + i], (V, E), dtype=jnp.float32) * 0.02
    return inp


def reference(prop_types, hut_colors, hut_rotations, tree_types, plant_types, windmill_rotations, tower_rotations, tent_rotations, terrain, table_0, table_1, table_2, table_3, table_4, table_5, table_6, table_7, table_8):
    idxs = [prop_types, hut_colors, hut_rotations, tree_types, plant_types, windmill_rotations, tower_rotations, tent_rotations, terrain]
    tables = [table_0, table_1, table_2, table_3, table_4, table_5, table_6, table_7, table_8]
    embedded = []
    for idx, table, zo in zip(idxs, tables, ZERO_OUT):
        batch_size = idx.shape[0]
        flat = idx.reshape(batch_size, -1)
        emb = jnp.take(table, flat, axis=0)  # [B, W*D, E]
        if zo:
            # WordEmbedder zero_out: index 0 (absence of property) embeds to zeros
            emb = emb * (flat != 0)[..., None].astype(emb.dtype)
        emb = emb.reshape(batch_size, W, D, E)
        # bhwc_to_bchw
        emb = jnp.transpose(emb, (0, 3, 1, 2))
        embedded.append(emb)
    stacked = jnp.stack(embedded)  # [9, B, E, W, D]
    permuted = jnp.transpose(stacked, (1, 0, 2, 3, 4))  # [B, 9, E, W, D]
    emb_state = jnp.sum(permuted, axis=1)  # [B, E, W, D]
    return emb_state

if __name__ == "__main__":
    import jax
    _d = setup_inputs()
    print(jax.jit(kernel)(*tuple(_d.values())))

</pallas_src>

<mosaic_0001>
#map = affine_map<(d0, d1) -> (0)>
#map1 = affine_map<(d0, d1) -> (0, 0, 0)>
module attributes {stable_mosaic.version = 14 : i64} {
  func.func @_body(%arg0: i32, %arg1: i32, %arg2: memref<104448xf32, #tpu.memory_space<hbm>>, %arg3: memref<1024x6x640xi32, #tpu.memory_space<hbm>>, %arg4: memref<1024x128x625xf32, #tpu.memory_space<hbm>>, %arg5: memref<104448xf32, #tpu.memory_space<vmem>>, %arg6: memref<2x6x640xi32, #tpu.memory_space<vmem>>, %arg7: memref<2x8x625xf32, #tpu.memory_space<vmem>>, %arg8: memref<!tpu.dma_semaphore, #tpu.memory_space<semaphore_mem>>, %arg9: memref<!tpu.dma_semaphore, #tpu.memory_space<semaphore_mem>>, %arg10: memref<!tpu.dma_semaphore, #tpu.memory_space<semaphore_mem>>, %arg11: memref<!tpu.dma_semaphore, #tpu.memory_space<semaphore_mem>>) attributes {dimension_semantics = [#tpu.dimension_semantics<core_parallel>, #tpu.dimension_semantics<subcore_parallel>], iteration_bounds = array<i64: 2, 16>, scalar_prefetch = 0 : i64, scratch_operands = 7 : i64, tpu.core_type = #tpu.core_type<sc_vector_subcore>, window_params = [{transform_indices = #map}, {transform_indices = #map1}, {transform_indices = #map1}]} {
    %mul3A = arith.constant 2 : i32
    %mul3A_0 = arith.muli %arg1, %mul3A : i32
    %add3A = arith.addi %mul3A_0, %arg0 : i32
    "tpu.region"() ({
      %run_scoped3A = tpu.sem_alloc : memref<!tpu.dma_semaphore, #tpu.memory_space<semaphore_mem>>
      tpu.enqueue_dma source(%arg2 : memref<104448xf32, #tpu.memory_space<hbm>>) target(%arg5 : memref<104448xf32, #tpu.memory_space<vmem>>) target_semaphore(%run_scoped3A : memref<!tpu.dma_semaphore, #tpu.memory_space<semaphore_mem>>)
      tpu.wait_dma2 semaphore(%run_scoped3A : memref<!tpu.dma_semaphore, #tpu.memory_space<semaphore_mem>>) src(%arg2 : memref<104448xf32, #tpu.memory_space<hbm>>) dst(%arg5 : memref<104448xf32, #tpu.memory_space<vmem>>)
      tpu.yield
    }) : () -> ()
    %dma_start3A = arith.constant 0 : i32
    %dma_start3A_1 = arith.constant 0 : i32
    %dma_start3A_2 = arith.constant 0 : i32
    %dma_start3A_3 = tpu.memref_slice %arg6[%dma_start3A, %dma_start3A_1, %dma_start3A_2] : memref<2x6x640xi32, #tpu.memory_space<vmem>> -> memref<1x6x640xi32, #tpu.memory_space<vmem>>
    %dma_start3A_4 = tpu.memref_squeeze %dma_start3A_3 : memref<1x6x640xi32, #tpu.memory_space<vmem>> -> memref<6x640xi32, #tpu.memory_space<vmem>>
    %dma_start3A_5 = arith.constant 0 : i32
    %dma_start3A_6 = arith.constant 0 : i32
    %dma_start3A_7 = tpu.memref_slice %arg3[%add3A, %dma_start3A_5, %dma_start3A_6] : memref<1024x6x640xi32, #tpu.memory_space<hbm>> -> memref<1x6x640xi32, #tpu.memory_space<hbm>>
    %dma_start3A_8 = tpu.memref_squeeze %dma_start3A_7 : memref<1x6x640xi32, #tpu.memory_space<hbm>> -> memref<6x640xi32, #tpu.memory_space<hbm>>
    %dma_start3A_9 = arith.constant 0 : i32
    %dma_start3A_10 = arith.constant 0 : i32
    %dma_start3A_11 = tpu.memref_slice %arg6[%dma_start3A, %dma_start3A_9, %dma_start3A_10] : memref<2x6x640xi32, #tpu.memory_space<vmem>> -> memref<1x6x640xi32, #tpu.memory_space<vmem>>
    %dma_start3A_12 = tpu.memref_squeeze %dma_start3A_11 : memref<1x6x640xi32, #tpu.memory_space<vmem>> -> memref<6x640xi32, #tpu.memory_space<vmem>>
    %dma_start3A_13 = arith.constant 0 : i32
    %dma_start3A_14 = arith.constant 0 : i32
    %dma_start3A_15 = tpu.memref_slice %arg3[%add3A, %dma_start3A_13, %dma_start3A_14] : memref<1024x6x640xi32, #tpu.memory_space<hbm>> -> memref<1x6x640xi32, #tpu.memory_space<hbm>>
    %dma_start3A_16 = tpu.memref_squeeze %dma_start3A_15 : memref<1x6x640xi32, #tpu.memory_space<hbm>> -> memref<6x640xi32, #tpu.memory_space<hbm>>
    tpu.enqueue_dma source(%dma_start3A_16 : memref<6x640xi32, #tpu.memory_space<hbm>>) target(%dma_start3A_12 : memref<6x640xi32, #tpu.memory_space<vmem>>) target_semaphore(%arg10 : memref<!tpu.dma_semaphore, #tpu.memory_space<semaphore_mem>>)
    %scan3A = arith.constant 0 : i32
    %scan3A_17 = arith.constant 0 : i32
    %scan3A_18 = arith.constant 16 : i32
    %scan3A_19 = arith.addi %scan3A_17, %scan3A_18 : i32
    %scan3A_20 = arith.constant 1 : i32
    scf.for %scan3A_57 = %scan3A_17 to %scan3A_19 step %scan3A_20  : i32 {
      %mul3A_58 = arith.constant 2 : i32
      %mul3A_59 = arith.muli %scan3A_57, %mul3A_58 : i32
      %add3A_60 = arith.constant 0 : i32
      %add3A_61 = arith.addi %mul3A_59, %add3A_60 : i32
      %mul3A_62 = arith.constant 32 : i32
      %mul3A_63 = arith.muli %add3A_61, %mul3A_62 : i32
      %add3A_64 = arith.addi %mul3A_63, %add3A : i32
      %dma_wait3A_65 = arith.constant 0 : i32
      %dma_wait3A_66 = arith.constant 0 : i32
      %dma_wait3A_67 = arith.constant 0 : i32
      %dma_wait3A_68 = tpu.memref_slice %arg6[%dma_wait3A_65, %dma_wait3A_66, %dma_wait3A_67] : memref<2x6x640xi32, #tpu.memory_space<vmem>> -> memref<1x6x640xi32, #tpu.memory_space<vmem>>
      %dma_wait3A_69 = tpu.memref_squeeze %dma_wait3A_68 : memref<1x6x640xi32, #tpu.memory_space<vmem>> -> memref<6x640xi32, #tpu.memory_space<vmem>>
      %dma_wait3A_70 = arith.constant 0 : i32
      %dma_wait3A_71 = arith.constant 0 : i32
      %dma_wait3A_72 = tpu.memref_slice %arg3[%add3A_64, %dma_wait3A_70, %dma_wait3A_71] : memref<1024x6x640xi32, #tpu.memory_space<hbm>> -> memref<1x6x640xi32, #tpu.memory_space<hbm>>
      %dma_wait3A_73 = tpu.memref_squeeze %dma_wait3A_72 : memref<1x6x640xi32, #tpu.memory_space<hbm>> -> memref<6x640xi32, #tpu.memory_space<hbm>>
      %dma_wait3A_74 = arith.constant 0 : i32
      %dma_wait3A_75 = arith.constant 0 : i32
      %dma_wait3A_76 = tpu.memref_slice %arg6[%dma_wait3A_65, %dma_wait3A_74, %dma_wait3A_75] : memref<2x6x640xi32, #tpu.memory_space<vmem>> -> memref<1x6x640xi32, #tpu.memory_space<vmem>>
      %dma_wait3A_77 = tpu.memref_squeeze %dma_wait3A_76 : memref<1x6x640xi32, #tpu.memory_space<vmem>> -> memref<6x640xi32, #tpu.memory_space<vmem>>
      %dma_wait3A_78 = arith.constant 0 : i32
      %dma_wait3A_79 = arith.constant 0 : i32
      %dma_wait3A_80 = tpu.memref_slice %arg3[%add3A_64, %dma_wait3A_78, %dma_wait3A_79] : memref<1024x6x640xi32, #tpu.memory_space<hbm>> -> memref<1x6x640xi32, #tpu.memory_space<hbm>>
      %dma_wait3A_81 = tpu.memref_squeeze %dma_wait3A_80 : memref<1x6x640xi32, #tpu.memory_space<hbm>> -> memref<6x640xi32, #tpu.memory_space<hbm>>
      tpu.wait_dma2 semaphore(%arg10 : memref<!tpu.dma_semaphore, #tpu.memory_space<semaphore_mem>>) src(%dma_wait3A_81 : memref<6x640xi32, #tpu.memory_space<hbm>>) dst(%dma_wait3A_77 : memref<6x640xi32, #tpu.memory_space<vmem>>)
      %add3A_82 = arith.constant 1 : i32
      %add3A_83 = arith.addi %add3A_61, %add3A_82 : i32
      %lt3A = arith.constant 32 : i32
      %lt3A_84 = arith.cmpi slt, %add3A_83, %lt3A : i32
      %convert_element_type3A = arith.extui %lt3A_84 : i1 to i32
      %cond3A = arith.constant 0 : i32
      %cond3A_85 = arith.cmpi ne, %convert_element_type3A, %cond3A : i32
      scf.if %cond3A_85 {
        %add3A_131 = arith.constant 1 : i32
        %add3A_132 = arith.addi %add3A_61, %add3A_131 : i32
        %mul3A_133 = arith.constant 32 : i32
        %mul3A_134 = arith.muli %add3A_132, %mul3A_133 : i32
        %add3A_135 = arith.addi %mul3A_134, %add3A : i32
        %dma_start3A_136 = arith.constant 1 : i32
        %dma_start3A_137 = arith.constant 0 : i32
        %dma_start3A_138 = arith.constant 0 : i32
        %dma_start3A_139 = tpu.memref_slice %arg6[%dma_start3A_136, %dma_start3A_137, %dma_start3A_138] : memref<2x6x640xi32, #tpu.memory_space<vmem>> -> memref<1x6x640xi32, #tpu.memory_space<vmem>>
        %dma_start3A_140 = tpu.memref_squeeze %dma_start3A_139 : memref<1x6x640xi32, #tpu.memory_space<vmem>> -> memref<6x640xi32, #tpu.memory_space<vmem>>
        %dma_start3A_141 = arith.constant 0 : i32
        %dma_start3A_142 = arith.constant 0 : i32
        %dma_start3A_143 = tpu.memref_slice %arg3[%add3A_135, %dma_start3A_141, %dma_start3A_142] : memref<1024x6x640xi32, #tpu.memory_space<hbm>> -> memref<1x6x640xi32, #tpu.memory_space<hbm>>
        %dma_start3A_144 = tpu.memref_squeeze %dma_start3A_143 : memref<1x6x640xi32, #tpu.memory_space<hbm>> -> memref<6x640xi32, #tpu.memory_space<hbm>>
        %dma_start3A_145 = arith.constant 0 : i32
        %dma_start3A_146 = arith.constant 0 : i32
        %dma_start3A_147 = tpu.memref_slice %arg6[%dma_start3A_136, %dma_start3A_145, %dma_start3A_146] : memref<2x6x640xi32, #tpu.memory_space<vmem>> -> memref<1x6x640xi32, #tpu.memory_space<vmem>>
        %dma_start3A_148 = tpu.memref_squeeze %dma_start3A_147 : memref<1x6x640xi32, #tpu.memory_space<vmem>> -> memref<6x640xi32, #tpu.memory_space<vmem>>
        %dma_start3A_149 = arith.constant 0 : i32
        %dma_start3A_150 = arith.constant 0 : i32
        %dma_start3A_151 = tpu.memref_slice %arg3[%add3A_135, %dma_start3A_149, %dma_start3A_150] : memref<1024x6x640xi32, #tpu.memory_space<hbm>> -> memref<1x6x640xi32, #tpu.memory_space<hbm>>
        %dma_start3A_152 = tpu.memref_squeeze %dma_start3A_151 : memref<1x6x640xi32, #tpu.memory_space<hbm>> -> memref<6x640xi32, #tpu.memory_space<hbm>>
        tpu.enqueue_dma source(%dma_start3A_152 : memref<6x640xi32, #tpu.memory_space<hbm>>) target(%dma_start3A_148 : memref<6x640xi32, #tpu.memory_space<vmem>>) target_semaphore(%arg11 : memref<!tpu.dma_semaphore, #tpu.memory_space<semaphore_mem>>)
      } else {
      }
      %scan3A_86 = arith.constant 0 : i32
      %scan3A_87 = arith.constant 0 : i32
      %scan3A_88 = arith.constant 0 : i32
      %scan3A_89 = arith.constant 8 : i32
      %scan3A_90 = arith.addi %scan3A_88, %scan3A_89 : i32
      %scan3A_91 = arith.constant 1 : i32
      scf.for %scan3A_131 = %scan3A_88 to %scan3A_90 step %scan3A_91  : i32 {
        %mul3A_132 = arith.constant 2 : i32
        %mul3A_133 = arith.muli %scan3A_131, %mul3A_132 : i32
        %add3A_134 = arith.constant 0 : i32
        %add3A_135 = arith.addi %mul3A_133, %add3A_134 : i32
        %mul3A_136 = arith.constant 8 : i32
        %mul3A_137 = arith.muli %add3A_135, %mul3A_136 : i32
        %mul3A_138 = arith.constant 2 : i32
        %mul3A_139 = arith.muli %scan3A_131, %mul3A_138 : i32
        %add3A_140 = arith.constant 1 : i32
        %add3A_141 = arith.addi %mul3A_139, %add3A_140 : i32
        %mul3A_142 = arith.constant 8 : i32
        %mul3A_143 = arith.muli %add3A_141, %mul3A_142 : i32
        %gt3A = arith.constant 0 : i32
        %gt3A_144 = arith.cmpi sgt, %scan3A_131, %gt3A : i32
        %gt3A_145 = arith.constant 0 : i32
        %gt3A_146 = arith.cmpi sgt, %add3A_61, %gt3A_145 : i32
        %or3A = arith.ori %gt3A_144, %gt3A_146 : i1
        %convert_element_type3A_147 = arith.extui %or3A : i1 to i32
        %cond3A_148 = arith.constant 0 : i32
        %cond3A_149 = arith.cmpi ne, %convert_element_type3A_147, %cond3A_148 : i32
        scf.if %cond3A_149 {
          %dma_wait3A_182 = arith.constant 0 : i32
          %dma_wait3A_183 = arith.constant 0 : i32
          %dma_wait3A_184 = arith.constant 0 : i32
          %dma_wait3A_185 = tpu.memref_slice %arg7[%dma_wait3A_182, %dma_wait3A_183, %dma_wait3A_184] : memref<2x8x625xf32, #tpu.memory_space<vmem>> -> memref<1x8x625xf32, #tpu.memory_space<vmem>>
          %dma_wait3A_186 = tpu.memref_squeeze %dma_wait3A_185 : memref<1x8x625xf32, #tpu.memory_space<vmem>> -> memref<8x625xf32, #tpu.memory_space<vmem>>
          %dma_wait3A_187 = arith.constant 0 : i32
          %dma_wait3A_188 = tpu.memref_slice %arg4[%add3A_64, %mul3A_137, %dma_wait3A_187] : memref<1024x128x625xf32, #tpu.memory_space<hbm>> -> memref<1x8x625xf32, #tpu.memory_space<hbm>>
          %dma_wait3A_189 = tpu.memref_squeeze %dma_wait3A_188 : memref<1x8x625xf32, #tpu.memory_space<hbm>> -> memref<8x625xf32, #tpu.memory_space<hbm>>
          %dma_wait3A_190 = arith.constant 0 : i32
          %dma_wait3A_191 = tpu.memref_slice %arg4[%add3A_64, %mul3A_137, %dma_wait3A_190] : memref<1024x128x625xf32, #tpu.memory_space<hbm>> -> memref<1x8x625xf32, #tpu.memory_space<hbm>>
          %dma_wait3A_192 = tpu.memref_squeeze %dma_wait3A_191 : memref<1x8x625xf32, #tpu.memory_space<hbm>> -> memref<8x625xf32, #tpu.memory_space<hbm>>
          %dma_wait3A_193 = arith.constant 0 : i32
          %dma_wait3A_194 = arith.constant 0 : i32
          %dma_wait3A_195 = tpu.memref_slice %arg7[%dma_wait3A_182, %dma_wait3A_193, %dma_wait3A_194] : memref<2x8x625xf32, #tpu.memory_space<vmem>> -> memref<1x8x625xf32, #tpu.memory_space<vmem>>
          %dma_wait3A_196 = tpu.memref_squeeze %dma_wait3A_195 : memref<1x8x625xf32, #tpu.memory_space<vmem>> -> memref<8x625xf32, #tpu.memory_space<vmem>>
          tpu.wait_dma2 semaphore(%arg8 : memref<!tpu.dma_semaphore, #tpu.memory_space<semaphore_mem>>) src(%dma_wait3A_196 : memref<8x625xf32, #tpu.memory_space<vmem>>) dst(%dma_wait3A_192 : memref<8x625xf32, #tpu.memory_space<hbm>>)
          %dma_wait3A_197 = arith.constant 1 : i32
          %dma_wait3A_198 = arith.constant 0 : i32
          %dma_wait3A_199 = arith.constant 0 : i32
          %dma_wait3A_200 = tpu.memref_slice %arg7[%dma_wait3A_197, %dma_wait3A_198, %dma_wait3A_199] : memref<2x8x625xf32, #tpu.memory_space<vmem>> -> memref<1x8x625xf32, #tpu.memory_space<vmem>>
          %dma_wait3A_201 = tpu.memref_squeeze %dma_wait3A_200 : memref<1x8x625xf32, #tpu.memory_space<vmem>> -> memref<8x625xf32, #tpu.memory_space<vmem>>
          %dma_wait3A_202 = arith.constant 0 : i32
          %dma_wait3A_203 = tpu.memref_slice %arg4[%add3A_64, %mul3A_143, %dma_wait3A_202] : memref<1024x128x625xf32, #tpu.memory_space<hbm>> -> memref<1x8x625xf32, #tpu.memory_space<hbm>>
          %dma_wait3A_204 = tpu.memref_squeeze %dma_wait3A_203 : memref<1x8x625xf32, #tpu.memory_space<hbm>> -> memref<8x625xf32, #tpu.memory_space<hbm>>
          %dma_wait3A_205 = arith.constant 0 : i32
          %dma_wait3A_206 = tpu.memref_slice %arg4[%add3A_64, %mul3A_143, %dma_wait3A_205] : memref<1024x128x625xf32, #tpu.memory_space<hbm>> -> memref<1x8x625xf32, #tpu.memory_space<hbm>>
          %dma_wait3A_207 = tpu.memref_squeeze %dma_wait3A_206 : memref<1x8x625xf32, #tpu.memory_space<hbm>> -> memref<8x625xf32, #tpu.memory_space<hbm>>
          %dma_wait3A_208 = arith.constant 0 : i32
          %dma_wait3A_209 = arith.constant 0 : i32
          %dma_wait3A_210 = tpu.memref_slice %arg7[%dma_wait3A_197, %dma_wait3A_208, %dma_wait3A_209] : memref<2x8x625xf32, #tpu.memory_space<vmem>> -> memref<1x8x625xf32, #tpu.memory_space<vmem>>
          %dma_wait3A_211 = tpu.memref_squeeze %dma_wait3A_210 : memref<1x8x625xf32, #tpu.memory_space<vmem>> -> memref<8x625xf32, #tpu.memory_space<vmem>>
          tpu.wait_dma2 semaphore(%arg9 : memref<!tpu.dma_semaphore, #tpu.memory_space<semaphore_mem>>) src(%dma_wait3A_211 : memref<8x625xf32, #tpu.memory_space<vmem>>) dst(%dma_wait3A_207 : memref<8x625xf32, #tpu.memory_space<hbm>>)
        } else {
        }
        %parallel_loop3A = arith.constant 0 : i32
        %parallel_loop3A_150 = arith.constant 40 : i32
        %parallel_loop3A_151 = arith.constant 1 : i32
        scf.for %parallel_loop3A_182 = %parallel_loop3A to %parallel_loop3A_150 step %parallel_loop3A_151  : i32 {
          %parallel_loop3A_183 = arith.constant 16 : i32
          %parallel_loop3A_184 = arith.muli %parallel_loop3A_182, %parallel_loop3A_183 : i32
          %parallel_loop3A_185 = arith.constant 609 : i32
          %parallel_loop3A_186 = arith.minsi %parallel_loop3A_184, %parallel_loop3A_185 : i32
          %parallel_loop3A_187 = arith.constant 0 : i32
          %parallel_loop3A_188 = arith.constant 0 : i32
          %parallel_loop3A_189 = arith.constant 0 : i32
          %parallel_loop3A_190 = tpu.memref_slice %arg6[%scan3A_87, %parallel_loop3A_188, %parallel_loop3A_189] : memref<2x6x640xi32, #tpu.memory_space<vmem>> -> memref<1x6x640xi32, #tpu.memory_space<vmem>>
          %parallel_loop3A_191 = tpu.memref_squeeze %parallel_loop3A_190 : memref<1x6x640xi32, #tpu.memory_space<vmem>> -> memref<6x640xi32, #tpu.memory_space<vmem>>
          %parallel_loop3A_192 = arith.index_cast %parallel_loop3A_187 : i32 to index
          %parallel_loop3A_193 = arith.index_cast %parallel_loop3A_186 : i32 to index
          %parallel_loop3A_194 = tpu.vector_load %parallel_loop3A_191[%parallel_loop3A_192, %parallel_loop3A_193] {strides = array<i32>} : memref<6x640xi32, #tpu.memory_space<vmem>>, vector<16xi32>,
          %parallel_loop3A_195 = arith.constant 1 : i32
          %parallel_loop3A_196 = arith.constant 0 : i32
          %parallel_loop3A_197 = arith.constant 0 : i32
          %parallel_loop3A_198 = tpu.memref_slice %arg6[%scan3A_87, %parallel_loop3A_196, %parallel_loop3A_197] : memref<2x6x640xi32, #tpu.memory_space<vmem>> -> memref<1x6x640xi32, #tpu.memory_space<vmem>>
          %parallel_loop3A_199 = tpu.memref_squeeze %parallel_loop3A_198 : memref<1x6x640xi32, #tpu.memory_space<vmem>> -> memref<6x640xi32, #tpu.memory_space<vmem>>
          %parallel_loop3A_200 = arith.index_cast %parallel_loop3A_195 : i32 to index
          %parallel_loop3A_201 = arith.index_cast %parallel_loop3A_186 : i32 to index
          %parallel_loop3A_202 = tpu.vector_load %parallel_loop3A_199[%parallel_loop3A_200, %parallel_loop3A_201] {strides = array<i32>} : memref<6x640xi32, #tpu.memory_space<vmem>>, vector<16xi32>,
          %parallel_loop3A_203 = arith.constant 2 : i32
          %parallel_loop3A_204 = arith.constant 0 : i32
          %parallel_loop3A_205 = arith.constant 0 : i32
          %parallel_loop3A_206 = tpu.memref_slice %arg6[%scan3A_87, %parallel_loop3A_204, %parallel_loop3A_205] : memref<2x6x640xi32, #tpu.memory_space<vmem>> -> memref<1x6x640xi32, #tpu.memory_space<vmem>>
          %parallel_loop3A_207 = tpu.memref_squeeze %parallel_loop3A_206 : memref<1x6x640xi32, #tpu.memory_space<vmem>> -> memref<6x640xi32, #tpu.memory_space<vmem>>
          %parallel_loop3A_208 = arith.index_cast %parallel_loop3A_203 : i32 to index
          %parallel_loop3A_209 = arith.index_cast %parallel_loop3A_186 : i32 to index
          %parallel_loop3A_210 = tpu.vector_load %parallel_loop3A_207[%parallel_loop3A_208, %parallel_loop3A_209] {strides = array<i32>} : memref<6x640xi32, #tpu.memory_space<vmem>>, vector<16xi32>,
          %parallel_loop3A_211 = arith.constant 3 : i32
          %parallel_loop3A_212 = arith.constant 0 : i32
          %parallel_loop3A_213 = arith.constant 0 : i32
          %parallel_loop3A_214 = tpu.memref_slice %arg6[%scan3A_87, %parallel_loop3A_212, %parallel_loop3A_213] : memref<2x6x640xi32, #tpu.memory_space<vmem>> -> memref<1x6x640xi32, #tpu.memory_space<vmem>>
          %parallel_loop3A_215 = tpu.memref_squeeze %parallel_loop3A_214 : memref<1x6x640xi32, #tpu.memory_space<vmem>> -> memref<6x640xi32, #tpu.memory_space<vmem>>
          %parallel_loop3A_216 = arith.index_cast %parallel_loop3A_211 : i32 to index
          %parallel_loop3A_217 = arith.index_cast %parallel_loop3A_186 : i32 to index
          %parallel_loop3A_218 = tpu.vector_load %parallel_loop3A_215[%parallel_loop3A_216, %parallel_loop3A_217] {strides = array<i32>} : memref<6x640xi32, #tpu.memory_space<vmem>>, vector<16xi32>,
          %parallel_loop3A_219 = arith.constant 4 : i32
          %parallel_loop3A_220 = arith.constant 0 : i32
          %parallel_loop3A_221 = arith.constant 0 : i32
          %parallel_loop3A_222 = tpu.memref_slice %arg6[%scan3A_87, %parallel_loop3A_220, %parallel_loop3A_221] : memref<2x6x640xi32, #tpu.memory_space<vmem>> -> memref<1x6x640xi32, #tpu.memory_space<vmem>>
          %parallel_loop3A_223 = tpu.memref_squeeze %parallel_loop3A_222 : memref<1x6x640xi32, #tpu.memory_space<vmem>> -> memref<6x640xi32, #tpu.memory_space<vmem>>
          %parallel_loop3A_224 = arith.index_cast %parallel_loop3A_219 : i32 to index
          %parallel_loop3A_225 = arith.index_cast %parallel_loop3A_186 : i32 to index
          %parallel_loop3A_226 = tpu.vector_load %parallel_loop3A_223[%parallel_loop3A_224, %parallel_loop3A_225] {strides = array<i32>} : memref<6x640xi32, #tpu.memory_space<vmem>>, vector<16xi32>,
          %parallel_loop3A_227 = arith.constant 5 : i32
          %parallel_loop3A_228 = arith.constant 0 : i32
          %parallel_loop3A_229 = arith.constant 0 : i32
          %parallel_loop3A_230 = tpu.memref_slice %arg6[%scan3A_87, %parallel_loop3A_228, %parallel_loop3A_229] : memref<2x6x640xi32, #tpu.memory_space<vmem>> -> memref<1x6x640xi32, #tpu.memory_space<vmem>>
          %parallel_loop3A_231 = tpu.memref_squeeze %parallel_loop3A_230 : memref<1x6x640xi32, #tpu.memory_space<vmem>> -> memref<6x640xi32, #tpu.memory_space<vmem>>
          %parallel_loop3A_232 = arith.index_cast %parallel_loop3A_227 : i32 to index
          %parallel_loop3A_233 = arith.index_cast %parallel_loop3A_186 : i32 to index
          %parallel_loop3A_234 = tpu.vector_load %parallel_loop3A_231[%parallel_loop3A_232, %parallel_loop3A_233] {strides = array<i32>} : memref<6x640xi32, #tpu.memory_space<vmem>>, vector<16xi32>,
          %parallel_loop3A_235 = arith.constant 2 : i32
          %parallel_loop3A_236 = arith.muli %scan3A_131, %parallel_loop3A_235 : i32
          %parallel_loop3A_237 = arith.constant 0 : i32
          %parallel_loop3A_238 = arith.addi %parallel_loop3A_236, %parallel_loop3A_237 : i32
          %parallel_loop3A_239 = arith.constant 8 : i32
          %parallel_loop3A_240 = arith.muli %parallel_loop3A_238, %parallel_loop3A_239 : i32
          %parallel_loop3A_241 = arith.constant 0 : i32
          %parallel_loop3A_242 = arith.addi %parallel_loop3A_240, %parallel_loop3A_241 : i32
          %parallel_loop3A_243 = arith.constant 816 : i32
          %parallel_loop3A_244 = arith.muli %parallel_loop3A_242, %parallel_loop3A_243 : i32
          %parallel_loop3A_245 = tpu.memref_slice %arg5[%parallel_loop3A_244] : memref<104448xf32, #tpu.memory_space<vmem>> -> memref<816xf32, #tpu.memory_space<vmem>>
          %parallel_loop3A_246 = tpu.vector_load_idx %parallel_loop3A_245[%parallel_loop3A_194] : memref<816xf32, #tpu.memory_space<vmem>>[vector<16xi32>], vector<16xf32>,
          %parallel_loop3A_247 = tpu.memref_slice %arg5[%parallel_loop3A_244] : memref<104448xf32, #tpu.memory_space<vmem>> -> memref<816xf32, #tpu.memory_space<vmem>>
          %parallel_loop3A_248 = tpu.vector_load_idx %parallel_loop3A_247[%parallel_loop3A_202] : memref<816xf32, #tpu.memory_space<vmem>>[vector<16xi32>], vector<16xf32>,
          %parallel_loop3A_249 = tpu.memref_slice %arg5[%parallel_loop3A_244] : memref<104448xf32, #tpu.memory_space<vmem>> -> memref<816xf32, #tpu.memory_space<vmem>>
          %parallel_loop3A_250 = tpu.vector_load_idx %parallel_loop3A_249[%parallel_loop3A_210] : memref<816xf32, #tpu.memory_space<vmem>>[vector<16xi32>], vector<16xf32>,
          %parallel_loop3A_251 = tpu.memref_slice %arg5[%parallel_loop3A_244] : memref<104448xf32, #tpu.memory_space<vmem>> -> memref<816xf32, #tpu.memory_space<vmem>>
          %parallel_loop3A_252 = tpu.vector_load_idx %parallel_loop3A_251[%parallel_loop3A_218] : memref<816xf32, #tpu.memory_space<vmem>>[vector<16xi32>], vector<16xf32>,
          %parallel_loop3A_253 = tpu.memref_slice %arg5[%parallel_loop3A_244] : memref<104448xf32, #tpu.memory_space<vmem>> -> memref<816xf32, #tpu.memory_space<vmem>>
          %parallel_loop3A_254 = tpu.vector_load_idx %parallel_loop3A_253[%parallel_loop3A_226] : memref<816xf32, #tpu.memory_space<vmem>>[vector<16xi32>], vector<16xf32>,
          %parallel_loop3A_255 = tpu.memref_slice %arg5[%parallel_loop3A_244] : memref<104448xf32, #tpu.memory_space<vmem>> -> memref<816xf32, #tpu.memory_space<vmem>>
          %parallel_loop3A_256 = tpu.vector_load_idx %parallel_loop3A_255[%parallel_loop3A_234] : memref<816xf32, #tpu.memory_space<vmem>>[vector<16xi32>], vector<16xf32>,
          %parallel_loop3A_257 = arith.addf %parallel_loop3A_246, %parallel_loop3A_248 : vector<16xf32>
          %parallel_loop3A_258 = arith.addf %parallel_loop3A_250, %parallel_loop3A_252 : vector<16xf32>
          %parallel_loop3A_259 = arith.addf %parallel_loop3A_257, %parallel_loop3A_258 : vector<16xf32>
          %parallel_loop3A_260 = arith.addf %parallel_loop3A_254, %parallel_loop3A_256 : vector<16xf32>
          %parallel_loop3A_261 = arith.addf %parallel_loop3A_259, %parallel_loop3A_260 : vector<16xf32>
          %parallel_loop3A_262 = arith.constant 0 : i32
          %parallel_loop3A_263 = arith.constant 0 : i32
          %parallel_loop3A_264 = arith.index_cast %parallel_loop3A_262 : i32 to index
          %parallel_loop3A_265 = arith.index_cast %parallel_loop3A_263 : i32 to index
          %parallel_loop3A_266 = arith.index_cast %parallel_loop3A_186 : i32 to index
          %parallel_loop3A_267 = tpu.vector_load %arg7[%parallel_loop3A_264, %parallel_loop3A_265, %parallel_loop3A_266] {strides = array<i32>} : memref<2x8x625xf32, #tpu.memory_space<vmem>>, vector<16xf32>,
          tpu.vector_store %arg7[%parallel_loop3A_264, %parallel_loop3A_265, %parallel_loop3A_266], %parallel_loop3A_261 {strides = array<i32>} : memref<2x8x625xf32, #tpu.memory_space<vmem>>, vector<16xf32>,
          %parallel_loop3A_268 = arith.constant 2 : i32
          %parallel_loop3A_269 = arith.muli %scan3A_131, %parallel_loop3A_268 : i32
          %parallel_loop3A_270 = arith.constant 0 : i32
          %parallel_loop3A_271 = arith.addi %parallel_loop3A_269, %parallel_loop3A_270 : i32
          %parallel_loop3A_272 = arith.constant 8 : i32
          %parallel_loop3A_273 = arith.muli %parallel_loop3A_271, %parallel_loop3A_272 : i32
          %parallel_loop3A_274 = arith.constant 1 : i32
          %parallel_loop3A_275 = arith.addi %parallel_loop3A_273, %parallel_loop3A_274 : i32
          %parallel_loop3A_276 = arith.constant 816 : i32
          %parallel_loop3A_277 = arith.muli %parallel_loop3A_275, %parallel_loop3A_276 : i32
          %parallel_loop3A_278 = tpu.memref_slice %arg5[%parallel_loop3A_277] : memref<104448xf32, #tpu.memory_space<vmem>> -> memref<816xf32, #tpu.memory_space<vmem>>
          %parallel_loop3A_279 = tpu.vector_load_idx %parallel_loop3A_278[%parallel_loop3A_194] : memref<816xf32, #tpu.memory_space<vmem>>[vector<16xi32>], vector<16xf32>,
          %parallel_loop3A_280 = tpu.memref_slice %arg5[%parallel_loop3A_277] : memref<104448xf32, #tpu.memory_space<vmem>> -> memref<816xf32, #tpu.memory_space<vmem>>
          %parallel_loop3A_281 = tpu.vector_load_idx %parallel_loop3A_280[%parallel_loop3A_202] : memref<816xf32, #tpu.memory_space<vmem>>[vector<16xi32>], vector<16xf32>,
          %parallel_loop3A_282 = tpu.memref_slice %arg5[%parallel_loop3A_277] : memref<104448xf32, #tpu.memory_space<vmem>> -> memref<816xf32, #tpu.memory_space<vmem>>
          %parallel_loop3A_283 = tpu.vector_load_idx %parallel_loop3A_282[%parallel_loop3A_210] : memref<816xf32, #tpu.memory_space<vmem>>[vector<16xi32>], vector<16xf32>,
          %parallel_loop3A_284 = tpu.memref_slice %arg5[%parallel_loop3A_277] : memref<104448xf32, #tpu.memory_space<vmem>> -> memref<816xf32, #tpu.memory_space<vmem>>
          %parallel_loop3A_285 = tpu.vector_load_idx %parallel_loop3A_284[%parallel_loop3A_218] : memref<816xf32, #tpu.memory_space<vmem>>[vector<16xi32>], vector<16xf32>,
          %parallel_loop3A_286 = tpu.memref_slice %arg5[%parallel_loop3A_277] : memref<104448xf32, #tpu.memory_space<vmem>> -> memref<816xf32, #tpu.memory_space<vmem>>
          %parallel_loop3A_287 = tpu.vector_load_idx %parallel_loop3A_286[%parallel_loop3A_226] : memref<816xf32, #tpu.memory_space<vmem>>[vector<16xi32>], vector<16xf32>,
          %parallel_loop3A_288 = tpu.memref_slice %arg5[%parallel_loop3A_277] : memref<104448xf32, #tpu.memory_space<vmem>> -> memref<816xf32, #tpu.memory_space<vmem>>
          %parallel_loop3A_289 = tpu.vector_load_idx %parallel_loop3A_288[%parallel_loop3A_234] : memref<816xf32, #tpu.memory_space<vmem>>[vector<16xi32>], vector<16xf32>,
          %parallel_loop3A_290 = arith.addf %parallel_loop3A_279, %parallel_loop3A_281 : vector<16xf32>
          %parallel_loop3A_291 = arith.addf %parallel_loop3A_283, %parallel_loop3A_285 : vector<16xf32>
          %parallel_loop3A_292 = arith.addf %parallel_loop3A_290, %parallel_loop3A_291 : vector<16xf32>
          %parallel_loop3A_293 = arith.addf %parallel_loop3A_287, %parallel_loop3A_289 : vector<16xf32>
          %parallel_loop3A_294 = arith.addf %parallel_loop3A_292, %parallel_loop3A_293 : vector<16xf32>
          %parallel_loop3A_295 = arith.constant 0 : i32
          %parallel_loop3A_296 = arith.constant 1 : i32
          %parallel_loop3A_297 = arith.index_cast %parallel_loop3A_295 : i32 to index
          %parallel_loop3A_298 = arith.index_cast %parallel_loop3A_296 : i32 to index
          %parallel_loop3A_299 = arith.index_cast %parallel_loop3A_186 : i32 to index
          %parallel_loop3A_300 = tpu.vector_load %arg7[%parallel_loop3A_297, %parallel_loop3A_298, %parallel_loop3A_299] {strides = array<i32>} : memref<2x8x625xf32, #tpu.memory_space<vmem>>, vector<16xf32>,
          tpu.vector_store %arg7[%parallel_loop3A_297, %parallel_loop3A_298, %parallel_loop3A_299], %parallel_loop3A_294 {strides = array<i32>} : memref<2x8x625xf32, #tpu.memory_space<vmem>>, vector<16xf32>,
          %parallel_loop3A_301 = arith.constant 2 : i32
          %parallel_loop3A_302 = arith.muli %scan3A_131, %parallel_loop3A_301 : i32
          %parallel_loop3A_303 = arith.constant 0 : i32
          %parallel_loop3A_304 = arith.addi %parallel_loop3A_302, %parallel_loop3A_303 : i32
          %parallel_loop3A_305 = arith.constant 8 : i32
          %parallel_loop3A_306 = arith.muli %parallel_loop3A_304, %parallel_loop3A_305 : i32
          %parallel_loop3A_307 = arith.constant 2 : i32
          %parallel_loop3A_308 = arith.addi %parallel_loop3A_306, %parallel_loop3A_307 : i32
          %parallel_loop3A_309 = arith.constant 816 : i32
          %parallel_loop3A_310 = arith.muli %parallel_loop3A_308, %parallel_loop3A_309 : i32
          %parallel_loop3A_311 = tpu.memref_slice %arg5[%parallel_loop3A_310] : memref<104448xf32, #tpu.memory_space<vmem>> -> memref<816xf32, #tpu.memory_space<vmem>>
          %parallel_loop3A_312 = tpu.vector_load_idx %parallel_loop3A_311[%parallel_loop3A_194] : memref<816xf32, #tpu.memory_space<vmem>>[vector<16xi32>], vector<16xf32>,
          %parallel_loop3A_313 = tpu.memref_slice %arg5[%parallel_loop3A_310] : memref<104448xf32, #tpu.memory_space<vmem>> -> memref<816xf32, #tpu.memory_space<vmem>>
          %parallel_loop3A_314 = tpu.vector_load_idx %parallel_loop3A_313[%parallel_loop3A_202] : memref<816xf32, #tpu.memory_space<vmem>>[vector<16xi32>], vector<16xf32>,
          %parallel_loop3A_315 = tpu.memref_slice %arg5[%parallel_loop3A_310] : memref<104448xf32, #tpu.memory_space<vmem>> -> memref<816xf32, #tpu.memory_space<vmem>>
          %parallel_loop3A_316 = tpu.vector_load_idx %parallel_loop3A_315[%parallel_loop3A_210] : memref<816xf32, #tpu.memory_space<vmem>>[vector<16xi32>], vector<16xf32>,
          %parallel_loop3A_317 = tpu.memref_slice %arg5[%parallel_loop3A_310] : memref<104448xf32, #tpu.memory_space<vmem>> -> memref<816xf32, #tpu.memory_space<vmem>>
          %parallel_loop3A_318 = tpu.vector_load_idx %parallel_loop3A_317[%parallel_loop3A_218] : memref<816xf32, #tpu.memory_space<vmem>>[vector<16xi32>], vector<16xf32>,
          %parallel_loop3A_319 = tpu.memref_slice %arg5[%parallel_loop3A_310] : memref<104448xf32, #tpu.memory_space<vmem>> -> memref<816xf32, #tpu.memory_space<vmem>>
          %parallel_loop3A_320 = tpu.vector_load_idx %parallel_loop3A_319[%parallel_loop3A_226] : memref<816xf32, #tpu.memory_space<vmem>>[vector<16xi32>], vector<16xf32>,
          %parallel_loop3A_321 = tpu.memref_slice %arg5[%parallel_loop3A_310] : memref<104448xf32, #tpu.memory_space<vmem>> -> memref<816xf32, #tpu.memory_space<vmem>>
          %parallel_loop3A_322 = tpu.vector_load_idx %parallel_loop3A_321[%parallel_loop3A_234] : memref<816xf32, #tpu.memory_space<vmem>>[vector<16xi32>], vector<16xf32>,
          %parallel_loop3A_323 = arith.addf %parallel_loop3A_312, %parallel_loop3A_314 : vector<16xf32>
          %parallel_loop3A_324 = arith.addf %parallel_loop3A_316, %parallel_loop3A_318 : vector<16xf32>
          %parallel_loop3A_325 = arith.addf %parallel_loop3A_323, %parallel_loop3A_324 : vector<16xf32>
          %parallel_loop3A_326 = arith.addf %parallel_loop3A_320, %parallel_loop3A_322 : vector<16xf32>
          %parallel_loop3A_327 = arith.addf %parallel_loop3A_325, %parallel_loop3A_326 : vector<16xf32>
          %parallel_loop3A_328 = arith.constant 0 : i32
          %parallel_loop3A_329 = arith.constant 2 : i32
          %parallel_loop3A_330 = arith.index_cast %parallel_loop3A_328 : i32 to index
          %parallel_loop3A_331 = arith.index_cast %parallel_loop3A_329 : i32 to index
          %parallel_loop3A_332 = arith.index_cast %parallel_loop3A_186 : i32 to index
          %parallel_loop3A_333 = tpu.vector_load %arg7[%parallel_loop3A_330, %parallel_loop3A_331, %parallel_loop3A_332] {strides = array<i32>} : memref<2x8x625xf32, #tpu.memory_space<vmem>>, vector<16xf32>,
          tpu.vector_store %arg7[%parallel_loop3A_330, %parallel_loop3A_331, %parallel_loop3A_332], %parallel_loop3A_327 {strides = array<i32>} : memref<2x8x625xf32, #tpu.memory_space<vmem>>, vector<16xf32>,
          %parallel_loop3A_334 = arith.constant 2 : i32
          %parallel_loop3A_335 = arith.muli %scan3A_131, %parallel_loop3A_334 : i32
          %parallel_loop3A_336 = arith.constant 0 : i32
          %parallel_loop3A_337 = arith.addi %parallel_loop3A_335, %parallel_loop3A_336 : i32
          %parallel_loop3A_338 = arith.constant 8 : i32
          %parallel_loop3A_339 = arith.muli %parallel_loop3A_337, %parallel_loop3A_338 : i32
          %parallel_loop3A_340 = arith.constant 3 : i32
          %parallel_loop3A_341 = arith.addi %parallel_loop3A_339, %parallel_loop3A_340 : i32
          %parallel_loop3A_342 = arith.constant 816 : i32
          %parallel_loop3A_343 = arith.muli %parallel_loop3A_341, %parallel_loop3A_342 : i32
          %parallel_loop3A_344 = tpu.memref_slice %arg5[%parallel_loop3A_343] : memref<104448xf32, #tpu.memory_space<vmem>> -> memref<816xf32, #tpu.memory_space<vmem>>
          %parallel_loop3A_345 = tpu.vector_load_idx %parallel_loop3A_344[%parallel_loop3A_194] : memref<816xf32, #tpu.memory_space<vmem>>[vector<16xi32>], vector<16xf32>,
          %parallel_loop3A_346 = tpu.memref_slice %arg5[%parallel_loop3A_343] : memref<104448xf32, #tpu.memory_space<vmem>> -> memref<816xf32, #tpu.memory_space<vmem>>
          %parallel_loop3A_347 = tpu.vector_load_idx %parallel_loop3A_346[%parallel_loop3A_202] : memref<816xf32, #tpu.memory_space<vmem>>[vector<16xi32>], vector<16xf32>,
          %parallel_loop3A_348 = tpu.memref_slice %arg5[%parallel_loop3A_343] : memref<104448xf32, #tpu.memory_space<vmem>> -> memref<816xf32, #tpu.memory_space<vmem>>
          %parallel_loop3A_349 = tpu.vector_load_idx %parallel_loop3A_348[%parallel_loop3A_210] : memref<816xf32, #tpu.memory_space<vmem>>[vector<16xi32>], vector<16xf32>,
          %parallel_loop3A_350 = tpu.memref_slice %arg5[%parallel_loop3A_343] : memref<104448xf32, #tpu.memory_space<vmem>> -> memref<816xf32, #tpu.memory_space<vmem>>
          %parallel_loop3A_351 = tpu.vector_load_idx %parallel_loop3A_350[%parallel_loop3A_218] : memref<816xf32, #tpu.memory_space<vmem>>[vector<16xi32>], vector<16xf32>,
          %parallel_loop3A_352 = tpu.memref_slice %arg5[%parallel_loop3A_343] : memref<104448xf32, #tpu.memory_space<vmem>> -> memref<816xf32, #tpu.memory_space<vmem>>
          %parallel_loop3A_353 = tpu.vector_load_idx %parallel_loop3A_352[%parallel_loop3A_226] : memref<816xf32, #tpu.memory_space<vmem>>[vector<16xi32>], vector<16xf32>,
          %parallel_loop3A_354 = tpu.memref_slice %arg5[%parallel_loop3A_343] : memref<104448xf32, #tpu.memory_space<vmem>> -> memref<816xf32, #tpu.memory_space<vmem>>
          %parallel_loop3A_355 = tpu.vector_load_idx %parallel_loop3A_354[%parallel_loop3A_234] : memref<816xf32, #tpu.memory_space<vmem>>[vector<16xi32>], vector<16xf32>,
          %parallel_loop3A_356 = arith.addf %parallel_loop3A_345, %parallel_loop3A_347 : vector<16xf32>
          %parallel_loop3A_357 = arith.addf %parallel_loop3A_349, %parallel_loop3A_351 : vector<16xf32>
          %parallel_loop3A_358 = arith.addf %parallel_loop3A_356, %parallel_loop3A_357 : vector<16xf32>
          %parallel_loop3A_359 = arith.addf %parallel_loop3A_353, %parallel_loop3A_355 : vector<16xf32>
          %parallel_loop3A_360 = arith.addf %parallel_loop3A_358, %parallel_loop3A_359 : vector<16xf32>
          %parallel_loop3A_361 = arith.constant 0 : i32
          %parallel_loop3A_362 = arith.constant 3 : i32
          %parallel_loop3A_363 = arith.index_cast %parallel_loop3A_361 : i32 to index
          %parallel_loop3A_364 = arith.index_cast %parallel_loop3A_362 : i32 to index
          %parallel_loop3A_365 = arith.index_cast %parallel_loop3A_186 : i32 to index
          %parallel_loop3A_366 = tpu.vector_load %arg7[%parallel_loop3A_363, %parallel_loop3A_364, %parallel_loop3A_365] {strides = array<i32>} : memref<2x8x625xf32, #tpu.memory_space<vmem>>, vector<16xf32>,
          tpu.vector_store %arg7[%parallel_loop3A_363, %parallel_loop3A_364, %parallel_loop3A_365], %parallel_loop3A_360 {strides = array<i32>} : memref<2x8x625xf32, #tpu.memory_space<vmem>>, vector<16xf32>,
          %parallel_loop3A_367 = arith.constant 2 : i32
          %parallel_loop3A_368 = arith.muli %scan3A_131, %parallel_loop3A_367 : i32
          %parallel_loop3A_369 = arith.constant 0 : i32
          %parallel_loop3A_370 = arith.addi %parallel_loop3A_368, %parallel_loop3A_369 : i32
          %parallel_loop3A_371 = arith.constant 8 : i32
          %parallel_loop3A_372 = arith.muli %parallel_loop3A_370, %parallel_loop3A_371 : i32
          %parallel_loop3A_373 = arith.constant 4 : i32
          %parallel_loop3A_374 = arith.addi %parallel_loop3A_372, %parallel_loop3A_373 : i32
          %parallel_loop3A_375 = arith.constant 816 : i32
          %parallel_loop3A_376 = arith.muli %parallel_loop3A_374, %parallel_loop3A_375 : i32
          %parallel_loop3A_377 = tpu.memref_slice %arg5[%parallel_loop3A_376] : memref<104448xf32, #tpu.memory_space<vmem>> -> memref<816xf32, #tpu.memory_space<vmem>>
          %parallel_loop3A_378 = tpu.vector_load_idx %parallel_loop3A_377[%parallel_loop3A_194] : memref<816xf32, #tpu.memory_space<vmem>>[vector<16xi32>], vector<16xf32>,
          %parallel_loop3A_379 = tpu.memref_slice %arg5[%parallel_loop3A_376] : memref<104448xf32, #tpu.memory_space<vmem>> -> memref<816xf32, #tpu.memory_space<vmem>>
          %parallel_loop3A_380 = tpu.vector_load_idx %parallel_loop3A_379[%parallel_loop3A_202] : memref<816xf32, #tpu.memory_space<vmem>>[vector<16xi32>], vector<16xf32>,
          %parallel_loop3A_381 = tpu.memref_slice %arg5[%parallel_loop3A_376] : memref<104448xf32, #tpu.memory_space<vmem>> -> memref<816xf32, #tpu.memory_space<vmem>>
          %parallel_loop3A_382 = tpu.vector_load_idx %parallel_loop3A_381[%parallel_loop3A_210] : memref<816xf32, #tpu.memory_space<vmem>>[vector<16xi32>], vector<16xf32>,
          %parallel_loop3A_383 = tpu.memref_slice %arg5[%parallel_loop3A_376] : memref<104448xf32, #tpu.memory_space<vmem>> -> memref<816xf32, #tpu.memory_space<vmem>>
          %parallel_loop3A_384 = tpu.vector_load_idx %parallel_loop3A_383[%parallel_loop3A_218] : memref<816xf32, #tpu.memory_space<vmem>>[vector<16xi32>], vector<16xf32>,
          %parallel_loop3A_385 = tpu.memref_slice %arg5[%parallel_loop3A_376] : memref<104448xf32, #tpu.memory_space<vmem>> -> memref<816xf32, #tpu.memory_space<vmem>>
          %parallel_loop3A_386 = tpu.vector_load_idx %parallel_loop3A_385[%parallel_loop3A_226] : memref<816xf32, #tpu.memory_space<vmem>>[vector<16xi32>], vector<16xf32>,
          %parallel_loop3A_387 = tpu.memref_slice %arg5[%parallel_loop3A_376] : memref<104448xf32, #tpu.memory_space<vmem>> -> memref<816xf32, #tpu.memory_space<vmem>>
          %parallel_loop3A_388 = tpu.vector_load_idx %parallel_loop3A_387[%parallel_loop3A_234] : memref<816xf32, #tpu.memory_space<vmem>>[vector<16xi32>], vector<16xf32>,
          %parallel_loop3A_389 = arith.addf %parallel_loop3A_378, %parallel_loop3A_380 : vector<16xf32>
          %parallel_loop3A_390 = arith.addf %parallel_loop3A_382, %parallel_loop3A_384 : vector<16xf32>
          %parallel_loop3A_391 = arith.addf %parallel_loop3A_389, %parallel_loop3A_390 : vector<16xf32>
          %parallel_loop3A_392 = arith.addf %parallel_loop3A_386, %parallel_loop3A_388 : vector<16xf32>
          %parallel_loop3A_393 = arith.addf %parallel_loop3A_391, %parallel_loop3A_392 : vector<16xf32>
          %parallel_loop3A_394 = arith.constant 0 : i32
          %parallel_loop3A_395 = arith.constant 4 : i32
          %parallel_loop3A_396 = arith.index_cast %parallel_loop3A_394 : i32 to index
          %parallel_loop3A_397 = arith.index_cast %parallel_loop3A_395 : i32 to index
          %parallel_loop3A_398 = arith.index_cast %parallel_loop3A_186 : i32 to index
          %parallel_loop3A_399 = tpu.vector_load %arg7[%parallel_loop3A_396, %parallel_loop3A_397, %parallel_loop3A_398] {strides = array<i32>} : memref<2x8x625xf32, #tpu.memory_space<vmem>>, vector<16xf32>,
          tpu.vector_store %arg7[%parallel_loop3A_396, %parallel_loop3A_397, %parallel_loop3A_398], %parallel_loop3A_393 {strides = array<i32>} : memref<2x8x625xf32, #tpu.memory_space<vmem>>, vector<16xf32>,
          %parallel_loop3A_400 = arith.constant 2 : i32
          %parallel_loop3A_401 = arith.muli %scan3A_131, %parallel_loop3A_400 : i32
          %parallel_loop3A_402 = arith.constant 0 : i32
          %parallel_loop3A_403 = arith.addi %parallel_loop3A_401, %parallel_loop3A_402 : i32
          %parallel_loop3A_404 = arith.constant 8 : i32
          %parallel_loop3A_405 = arith.muli %parallel_loop3A_403, %parallel_loop3A_404 : i32
          %parallel_loop3A_406 = arith.constant 5 : i32
          %parallel_loop3A_407 = arith.addi %parallel_loop3A_405, %parallel_loop3A_406 : i32
          %parallel_loop3A_408 = arith.constant 816 : i32
          %parallel_loop3A_409 = arith.muli %parallel_loop3A_407, %parallel_loop3A_408 : i32
          %parallel_loop3A_410 = tpu.memref_slice %arg5[%parallel_loop3A_409] : memref<104448xf32, #tpu.memory_space<vmem>> -> memref<816xf32, #tpu.memory_space<vmem>>
          %parallel_loop3A_411 = tpu.vector_load_idx %parallel_loop3A_410[%parallel_loop3A_194] : memref<816xf32, #tpu.memory_space<vmem>>[vector<16xi32>], vector<16xf32>,
          %parallel_loop3A_412 = tpu.memref_slice %arg5[%parallel_loop3A_409] : memref<104448xf32, #tpu.memory_space<vmem>> -> memref<816xf32, #tpu.memory_space<vmem>>
          %parallel_loop3A_413 = tpu.vector_load_idx %parallel_loop3A_412[%parallel_loop3A_202] : memref<816xf32, #tpu.memory_space<vmem>>[vector<16xi32>], vector<16xf32>,
          %parallel_loop3A_414 = tpu.memref_slice %arg5[%parallel_loop3A_409] : memref<104448xf32, #tpu.memory_space<vmem>> -> memref<816xf32, #tpu.memory_space<vmem>>
          %parallel_loop3A_415 = tpu.vector_load_idx %parallel_loop3A_414[%parallel_loop3A_210] : memref<816xf32, #tpu.memory_space<vmem>>[vector<16xi32>], vector<16xf32>,
          %parallel_loop3A_416 = tpu.memref_slice %arg5[%parallel_loop3A_409] : memref<104448xf32, #tpu.memory_space<vmem>> -> memref<816xf32, #tpu.memory_space<vmem>>
          %parallel_loop3A_417 = tpu.vector_load_idx %parallel_loop3A_416[%parallel_loop3A_218] : memref<816xf32, #tpu.memory_space<vmem>>[vector<16xi32>], vector<16xf32>,
          %parallel_loop3A_418 = tpu.memref_slice %arg5[%parallel_loop3A_409] : memref<104448xf32, #tpu.memory_space<vmem>> -> memref<816xf32, #tpu.memory_space<vmem>>
          %parallel_loop3A_419 = tpu.vector_load_idx %parallel_loop3A_418[%parallel_loop3A_226] : memref<816xf32, #tpu.memory_space<vmem>>[vector<16xi32>], vector<16xf32>,
          %parallel_loop3A_420 = tpu.memref_slice %arg5[%parallel_loop3A_409] : memref<104448xf32, #tpu.memory_space<vmem>> -> memref<816xf32, #tpu.memory_space<vmem>>
          %parallel_loop3A_421 = tpu.vector_load_idx %parallel_loop3A_420[%parallel_loop3A_234] : memref<816xf32, #tpu.memory_space<vmem>>[vector<16xi32>], vector<16xf32>,
          %parallel_loop3A_422 = arith.addf %parallel_loop3A_411, %parallel_loop3A_413 : vector<16xf32>
          %parallel_loop3A_423 = arith.addf %parallel_loop3A_415, %parallel_loop3A_417 : vector<16xf32>
          %parallel_loop3A_424 = arith.addf %parallel_loop3A_422, %parallel_loop3A_423 : vector<16xf32>
          %parallel_loop3A_425 = arith.addf %parallel_loop3A_419, %parallel_loop3A_421 : vector<16xf32>
          %parallel_loop3A_426 = arith.addf %parallel_loop3A_424, %parallel_loop3A_425 : vector<16xf32>
          %parallel_loop3A_427 = arith.constant 0 : i32
          %parallel_loop3A_428 = arith.constant 5 : i32
          %parallel_loop3A_429 = arith.index_cast %parallel_loop3A_427 : i32 to index
          %parallel_loop3A_430 = arith.index_cast %parallel_loop3A_428 : i32 to index
          %parallel_loop3A_431 = arith.index_cast %parallel_loop3A_186 : i32 to index
          %parallel_loop3A_432 = tpu.vector_load %arg7[%parallel_loop3A_429, %parallel_loop3A_430, %parallel_loop3A_431] {strides = array<i32>} : memref<2x8x625xf32, #tpu.memory_space<vmem>>, vector<16xf32>,
          tpu.vector_store %arg7[%parallel_loop3A_429, %parallel_loop3A_430, %parallel_loop3A_431], %parallel_loop3A_426 {strides = array<i32>} : memref<2x8x625xf32, #tpu.memory_space<vmem>>, vector<16xf32>,
          %parallel_loop3A_433 = arith.constant 2 : i32
          %parallel_loop3A_434 = arith.muli %scan3A_131, %parallel_loop3A_433 : i32
          %parallel_loop3A_435 = arith.constant 0 : i32
          %parallel_loop3A_436 = arith.addi %parallel_loop3A_434, %parallel_loop3A_435 : i32
          %parallel_loop3A_437 = arith.constant 8 : i32
          %parallel_loop3A_438 = arith.muli %parallel_loop3A_436, %parallel_loop3A_437 : i32
          %parallel_loop3A_439 = arith.constant 6 : i32
          %parallel_loop3A_440 = arith.addi %parallel_loop3A_438, %parallel_loop3A_439 : i32
          %parallel_loop3A_441 = arith.constant 816 : i32
          %parallel_loop3A_442 = arith.muli %parallel_loop3A_440, %parallel_loop3A_441 : i32
          %parallel_loop3A_443 = tpu.memref_slice %arg5[%parallel_loop3A_442] : memref<104448xf32, #tpu.memory_space<vmem>> -> memref<816xf32, #tpu.memory_space<vmem>>
          %parallel_loop3A_444 = tpu.vector_load_idx %parallel_loop3A_443[%parallel_loop3A_194] : memref<816xf32, #tpu.memory_space<vmem>>[vector<16xi32>], vector<16xf32>,
          %parallel_loop3A_445 = tpu.memref_slice %arg5[%parallel_loop3A_442] : memref<104448xf32, #tpu.memory_space<vmem>> -> memref<816xf32, #tpu.memory_space<vmem>>
          %parallel_loop3A_446 = tpu.vector_load_idx %parallel_loop3A_445[%parallel_loop3A_202] : memref<816xf32, #tpu.memory_space<vmem>>[vector<16xi32>], vector<16xf32>,
          %parallel_loop3A_447 = tpu.memref_slice %arg5[%parallel_loop3A_442] : memref<104448xf32, #tpu.memory_space<vmem>> -> memref<816xf32, #tpu.memory_space<vmem>>
          %parallel_loop3A_448 = tpu.vector_load_idx %parallel_loop3A_447[%parallel_loop3A_210] : memref<816xf32, #tpu.memory_space<vmem>>[vector<16xi32>], vector<16xf32>,
          %parallel_loop3A_449 = tpu.memref_slice %arg5[%parallel_loop3A_442] : memref<104448xf32, #tpu.memory_space<vmem>> -> memref<816xf32, #tpu.memory_space<vmem>>
          %parallel_loop3A_450 = tpu.vector_load_idx %parallel_loop3A_449[%parallel_loop3A_218] : memref<816xf32, #tpu.memory_space<vmem>>[vector<16xi32>], vector<16xf32>,
          %parallel_loop3A_451 = tpu.memref_slice %arg5[%parallel_loop3A_442] : memref<104448xf32, #tpu.memory_space<vmem>> -> memref<816xf32, #tpu.memory_space<vmem>>
          %parallel_loop3A_452 = tpu.vector_load_idx %parallel_loop3A_451[%parallel_loop3A_226] : memref<816xf32, #tpu.memory_space<vmem>>[vector<16xi32>], vector<16xf32>,
          %parallel_loop3A_453 = tpu.memref_slice %arg5[%parallel_loop3A_442] : memref<104448xf32, #tpu.memory_space<vmem>> -> memref<816xf32, #tpu.memory_space<vmem>>
          %parallel_loop3A_454 = tpu.vector_load_idx %parallel_loop3A_453[%parallel_loop3A_234] : memref<816xf32, #tpu.memory_space<vmem>>[vector<16xi32>], vector<16xf32>,
          %parallel_loop3A_455 = arith.addf %parallel_loop3A_444, %parallel_loop3A_446 : vector<16xf32>
          %parallel_loop3A_456 = arith.addf %parallel_loop3A_448, %parallel_loop3A_450 : vector<16xf32>
          %parallel_loop3A_457 = arith.addf %parallel_loop3A_455, %parallel_loop3A_456 : vector<16xf32>
          %parallel_loop3A_458 = arith.addf %parallel_loop3A_452, %parallel_loop3A_454 : vector<16xf32>
          %parallel_loop3A_459 = arith.addf %parallel_loop3A_457, %parallel_loop3A_458 : vector<16xf32>
          %parallel_loop3A_460 = arith.constant 0 : i32
          %parallel_loop3A_461 = arith.constant 6 : i32
          %parallel_loop3A_462 = arith.index_cast %parallel_loop3A_460 : i32 to index
          %parallel_loop3A_463 = arith.index_cast %parallel_loop3A_461 : i32 to index
          %parallel_loop3A_464 = arith.index_cast %parallel_loop3A_186 : i32 to index
          %parallel_loop3A_465 = tpu.vector_load %arg7[%parallel_loop3A_462, %parallel_loop3A_463, %parallel_loop3A_464] {strides = array<i32>} : memref<2x8x625xf32, #tpu.memory_space<vmem>>, vector<16xf32>,
          tpu.vector_store %arg7[%parallel_loop3A_462, %parallel_loop3A_463, %parallel_loop3A_464], %parallel_loop3A_459 {strides = array<i32>} : memref<2x8x625xf32, #tpu.memory_space<vmem>>, vector<16xf32>,
          %parallel_loop3A_466 = arith.constant 2 : i32
          %parallel_loop3A_467 = arith.muli %scan3A_131, %parallel_loop3A_466 : i32
          %parallel_loop3A_468 = arith.constant 0 : i32
          %parallel_loop3A_469 = arith.addi %parallel_loop3A_467, %parallel_loop3A_468 : i32
          %parallel_loop3A_470 = arith.constant 8 : i32
          %parallel_loop3A_471 = arith.muli %parallel_loop3A_469, %parallel_loop3A_470 : i32
          %parallel_loop3A_472 = arith.constant 7 : i32
          %parallel_loop3A_473 = arith.addi %parallel_loop3A_471, %parallel_loop3A_472 : i32
          %parallel_loop3A_474 = arith.constant 816 : i32
          %parallel_loop3A_475 = arith.muli %parallel_loop3A_473, %parallel_loop3A_474 : i32
          %parallel_loop3A_476 = tpu.memref_slice %arg5[%parallel_loop3A_475] : memref<104448xf32, #tpu.memory_space<vmem>> -> memref<816xf32, #tpu.memory_space<vmem>>
          %parallel_loop3A_477 = tpu.vector_load_idx %parallel_loop3A_476[%parallel_loop3A_194] : memref<816xf32, #tpu.memory_space<vmem>>[vector<16xi32>], vector<16xf32>,
          %parallel_loop3A_478 = tpu.memref_slice %arg5[%parallel_loop3A_475] : memref<104448xf32, #tpu.memory_space<vmem>> -> memref<816xf32, #tpu.memory_space<vmem>>
          %parallel_loop3A_479 = tpu.vector_load_idx %parallel_loop3A_478[%parallel_loop3A_202] : memref<816xf32, #tpu.memory_space<vmem>>[vector<16xi32>], vector<16xf32>,
          %parallel_loop3A_480 = tpu.memref_slice %arg5[%parallel_loop3A_475] : memref<104448xf32, #tpu.memory_space<vmem>> -> memref<816xf32, #tpu.memory_space<vmem>>
          %parallel_loop3A_481 = tpu.vector_load_idx %parallel_loop3A_480[%parallel_loop3A_210] : memref<816xf32, #tpu.memory_space<vmem>>[vector<16xi32>], vector<16xf32>,
          %parallel_loop3A_482 = tpu.memref_slice %arg5[%parallel_loop3A_475] : memref<104448xf32, #tpu.memory_space<vmem>> -> memref<816xf32, #tpu.memory_space<vmem>>
          %parallel_loop3A_483 = tpu.vector_load_idx %parallel_loop3A_482[%parallel_loop3A_218] : memref<816xf32, #tpu.memory_space<vmem>>[vector<16xi32>], vector<16xf32>,
          %parallel_loop3A_484 = tpu.memref_slice %arg5[%parallel_loop3A_475] : memref<104448xf32, #tpu.memory_space<vmem>> -> memref<816xf32, #tpu.memory_space<vmem>>
          %parallel_loop3A_485 = tpu.vector_load_idx %parallel_loop3A_484[%parallel_loop3A_226] : memref<816xf32, #tpu.memory_space<vmem>>[vector<16xi32>], vector<16xf32>,
          %parallel_loop3A_486 = tpu.memref_slice %arg5[%parallel_loop3A_475] : memref<104448xf32, #tpu.memory_space<vmem>> -> memref<816xf32, #tpu.memory_space<vmem>>
          %parallel_loop3A_487 = tpu.vector_load_idx %parallel_loop3A_486[%parallel_loop3A_234] : memref<816xf32, #tpu.memory_space<vmem>>[vector<16xi32>], vector<16xf32>,
          %parallel_loop3A_488 = arith.addf %parallel_loop3A_477, %parallel_loop3A_479 : vector<16xf32>
          %parallel_loop3A_489 = arith.addf %parallel_loop3A_481, %parallel_loop3A_483 : vector<16xf32>
          %parallel_loop3A_490 = arith.addf %parallel_loop3A_488, %parallel_loop3A_489 : vector<16xf32>
          %parallel_loop3A_491 = arith.addf %parallel_loop3A_485, %parallel_loop3A_487 : vector<16xf32>
          %parallel_loop3A_492 = arith.addf %parallel_loop3A_490, %parallel_loop3A_491 : vector<16xf32>
          %parallel_loop3A_493 = arith.constant 0 : i32
          %parallel_loop3A_494 = arith.constant 7 : i32
          %parallel_loop3A_495 = arith.index_cast %parallel_loop3A_493 : i32 to index
          %parallel_loop3A_496 = arith.index_cast %parallel_loop3A_494 : i32 to index
          %parallel_loop3A_497 = arith.index_cast %parallel_loop3A_186 : i32 to index
          %parallel_loop3A_498 = tpu.vector_load %arg7[%parallel_loop3A_495, %parallel_loop3A_496, %parallel_loop3A_497] {strides = array<i32>} : memref<2x8x625xf32, #tpu.memory_space<vmem>>, vector<16xf32>,
          tpu.vector_store %arg7[%parallel_loop3A_495, %parallel_loop3A_496, %parallel_loop3A_497], %parallel_loop3A_492 {strides = array<i32>} : memref<2x8x625xf32, #tpu.memory_space<vmem>>, vector<16xf32>,
          %parallel_loop3A_499 = arith.constant 2 : i32
          %parallel_loop3A_500 = arith.muli %scan3A_131, %parallel_loop3A_499 : i32
          %parallel_loop3A_501 = arith.constant 1 : i32
          %parallel_loop3A_502 = arith.addi %parallel_loop3A_500, %parallel_loop3A_501 : i32
          %parallel_loop3A_503 = arith.constant 8 : i32
          %parallel_loop3A_504 = arith.muli %parallel_loop3A_502, %parallel_loop3A_503 : i32
          %parallel_loop3A_505 = arith.constant 0 : i32
          %parallel_loop3A_506 = arith.addi %parallel_loop3A_504, %parallel_loop3A_505 : i32
          %parallel_loop3A_507 = arith.constant 816 : i32
          %parallel_loop3A_508 = arith.muli %parallel_loop3A_506, %parallel_loop3A_507 : i32
          %parallel_loop3A_509 = tpu.memref_slice %arg5[%parallel_loop3A_508] : memref<104448xf32, #tpu.memory_space<vmem>> -> memref<816xf32, #tpu.memory_space<vmem>>
          %parallel_loop3A_510 = tpu.vector_load_idx %parallel_loop3A_509[%parallel_loop3A_194] : memref<816xf32, #tpu.memory_space<vmem>>[vector<16xi32>], vector<16xf32>,
          %parallel_loop3A_511 = tpu.memref_slice %arg5[%parallel_loop3A_508] : memref<104448xf32, #tpu.memory_space<vmem>> -> memref<816xf32, #tpu.memory_space<vmem>>
          %parallel_loop3A_512 = tpu.vector_load_idx %parallel_loop3A_511[%parallel_loop3A_202] : memref<816xf32, #tpu.memory_space<vmem>>[vector<16xi32>], vector<16xf32>,
          %parallel_loop3A_513 = tpu.memref_slice %arg5[%parallel_loop3A_508] : memref<104448xf32, #tpu.memory_space<vmem>> -> memref<816xf32, #tpu.memory_space<vmem>>
          %parallel_loop3A_514 = tpu.vector_load_idx %parallel_loop3A_513[%parallel_loop3A_210] : memref<816xf32, #tpu.memory_space<vmem>>[vector<16xi32>], vector<16xf32>,
          %parallel_loop3A_515 = tpu.memref_slice %arg5[%parallel_loop3A_508] : memref<104448xf32, #tpu.memory_space<vmem>> -> memref<816xf32, #tpu.memory_space<vmem>>
          %parallel_loop3A_516 = tpu.vector_load_idx %parallel_loop3A_515[%parallel_loop3A_218] : memref<816xf32, #tpu.memory_space<vmem>>[vector<16xi32>], vector<16xf32>,
          %parallel_loop3A_517 = tpu.memref_slice %arg5[%parallel_loop3A_508] : memref<104448xf32, #tpu.memory_space<vmem>> -> memref<816xf32, #tpu.memory_space<vmem>>
          %parallel_loop3A_518 = tpu.vector_load_idx %parallel_loop3A_517[%parallel_loop3A_226] : memref<816xf32, #tpu.memory_space<vmem>>[vector<16xi32>], vector<16xf32>,
          %parallel_loop3A_519 = tpu.memref_slice %arg5[%parallel_loop3A_508] : memref<104448xf32, #tpu.memory_space<vmem>> -> memref<816xf32, #tpu.memory_space<vmem>>
          %parallel_loop3A_520 = tpu.vector_load_idx %parallel_loop3A_519[%parallel_loop3A_234] : memref<816xf32, #tpu.memory_space<vmem>>[vector<16xi32>], vector<16xf32>,
          %parallel_loop3A_521 = arith.addf %parallel_loop3A_510, %parallel_loop3A_512 : vector<16xf32>
          %parallel_loop3A_522 = arith.addf %parallel_loop3A_514, %parallel_loop3A_516 : vector<16xf32>
          %parallel_loop3A_523 = arith.addf %parallel_loop3A_521, %parallel_loop3A_522 : vector<16xf32>
          %parallel_loop3A_524 = arith.addf %parallel_loop3A_518, %parallel_loop3A_520 : vector<16xf32>
          %parallel_loop3A_525 = arith.addf %parallel_loop3A_523, %parallel_loop3A_524 : vector<16xf32>
          %parallel_loop3A_526 = arith.constant 1 : i32
          %parallel_loop3A_527 = arith.constant 0 : i32
          %parallel_loop3A_528 = arith.index_cast %parallel_loop3A_526 : i32 to index
          %parallel_loop3A_529 = arith.index_cast %parallel_loop3A_527 : i32 to index
          %parallel_loop3A_530 = arith.index_cast %parallel_loop3A_186 : i32 to index
          %parallel_loop3A_531 = tpu.vector_load %arg7[%parallel_loop3A_528, %parallel_loop3A_529, %parallel_loop3A_530] {strides = array<i32>} : memref<2x8x625xf32, #tpu.memory_space<vmem>>, vector<16xf32>,
          tpu.vector_store %arg7[%parallel_loop3A_528, %parallel_loop3A_529, %parallel_loop3A_530], %parallel_loop3A_525 {strides = array<i32>} : memref<2x8x625xf32, #tpu.memory_space<vmem>>, vector<16xf32>,
          %parallel_loop3A_532 = arith.constant 2 : i32
          %parallel_loop3A_533 = arith.muli %scan3A_131, %parallel_loop3A_532 : i32
          %parallel_loop3A_534 = arith.constant 1 : i32
          %parallel_loop3A_535 = arith.addi %parallel_loop3A_533, %parallel_loop3A_534 : i32
          %parallel_loop3A_536 = arith.constant 8 : i32
          %parallel_loop3A_537 = arith.muli %parallel_loop3A_535, %parallel_loop3A_536 : i32
          %parallel_loop3A_538 = arith.constant 1 : i32
          %parallel_loop3A_539 = arith.addi %parallel_loop3A_537, %parallel_loop3A_538 : i32
          %parallel_loop3A_540 = arith.constant 816 : i32
          %parallel_loop3A_541 = arith.muli %parallel_loop3A_539, %parallel_loop3A_540 : i32
          %parallel_loop3A_542 = tpu.memref_slice %arg5[%parallel_loop3A_541] : memref<104448xf32, #tpu.memory_space<vmem>> -> memref<816xf32, #tpu.memory_space<vmem>>
          %parallel_loop3A_543 = tpu.vector_load_idx %parallel_loop3A_542[%parallel_loop3A_194] : memref<816xf32, #tpu.memory_space<vmem>>[vector<16xi32>], vector<16xf32>,
          %parallel_loop3A_544 = tpu.memref_slice %arg5[%parallel_loop3A_541] : memref<104448xf32, #tpu.memory_space<vmem>> -> memref<816xf32, #tpu.memory_space<vmem>>
          %parallel_loop3A_545 = tpu.vector_load_idx %parallel_loop3A_544[%parallel_loop3A_202] : memref<816xf32, #tpu.memory_space<vmem>>[vector<16xi32>], vector<16xf32>,
          %parallel_loop3A_546 = tpu.memref_slice %arg5[%parallel_loop3A_541] : memref<104448xf32, #tpu.memory_space<vmem>> -> memref<816xf32, #tpu.memory_space<vmem>>
          %parallel_loop3A_547 = tpu.vector_load_idx %parallel_loop3A_546[%parallel_loop3A_210] : memref<816xf32, #tpu.memory_space<vmem>>[vector<16xi32>], vector<16xf32>,
          %parallel_loop3A_548 = tpu.memref_slice %arg5[%parallel_loop3A_541] : memref<104448xf32, #tpu.memory_space<vmem>> -> memref<816xf32, #tpu.memory_space<vmem>>
          %parallel_loop3A_549 = tpu.vector_load_idx %parallel_loop3A_548[%parallel_loop3A_218] : memref<816xf32, #tpu.memory_space<vmem>>[vector<16xi32>], vector<16xf32>,
          %parallel_loop3A_550 = tpu.memref_slice %arg5[%parallel_loop3A_541] : memref<104448xf32, #tpu.memory_space<vmem>> -> memref<816xf32, #tpu.memory_space<vmem>>
          %parallel_loop3A_551 = tpu.vector_load_idx %parallel_loop3A_550[%parallel_loop3A_226] : memref<816xf32, #tpu.memory_space<vmem>>[vector<16xi32>], vector<16xf32>,
          %parallel_loop3A_552 = tpu.memref_slice %arg5[%parallel_loop3A_541] : memref<104448xf32, #tpu.memory_space<vmem>> -> memref<816xf32, #tpu.memory_space<vmem>>
          %parallel_loop3A_553 = tpu.vector_load_idx %parallel_loop3A_552[%parallel_loop3A_234] : memref<816xf32, #tpu.memory_space<vmem>>[vector<16xi32>], vector<16xf32>,
          %parallel_loop3A_554 = arith.addf %parallel_loop3A_543, %parallel_loop3A_545 : vector<16xf32>
          %parallel_loop3A_555 = arith.addf %parallel_loop3A_547, %parallel_loop3A_549 : vector<16xf32>
          %parallel_loop3A_556 = arith.addf %parallel_loop3A_554, %parallel_loop3A_555 : vector<16xf32>
          %parallel_loop3A_557 = arith.addf %parallel_loop3A_551, %parallel_loop3A_553 : vector<16xf32>
          %parallel_loop3A_558 = arith.addf %parallel_loop3A_556, %parallel_loop3A_557 : vector<16xf32>
          %parallel_loop3A_559 = arith.constant 1 : i32
          %parallel_loop3A_560 = arith.constant 1 : i32
          %parallel_loop3A_561 = arith.index_cast %parallel_loop3A_559 : i32 to index
          %parallel_loop3A_562 = arith.index_cast %parallel_loop3A_560 : i32 to index
          %parallel_loop3A_563 = arith.index_cast %parallel_loop3A_186 : i32 to index
          %parallel_loop3A_564 = tpu.vector_load %arg7[%parallel_loop3A_561, %parallel_loop3A_562, %parallel_loop3A_563] {strides = array<i32>} : memref<2x8x625xf32, #tpu.memory_space<vmem>>, vector<16xf32>,
          tpu.vector_store %arg7[%parallel_loop3A_561, %parallel_loop3A_562, %parallel_loop3A_563], %parallel_loop3A_558 {strides = array<i32>} : memref<2x8x625xf32, #tpu.memory_space<vmem>>, vector<16xf32>,
          %parallel_loop3A_565 = arith.constant 2 : i32
          %parallel_loop3A_566 = arith.muli %scan3A_131, %parallel_loop3A_565 : i32
          %parallel_loop3A_567 = arith.constant 1 : i32
          %parallel_loop3A_568 = arith.addi %parallel_loop3A_566, %parallel_loop3A_567 : i32
          %parallel_loop3A_569 = arith.constant 8 : i32
          %parallel_loop3A_570 = arith.muli %parallel_loop3A_568, %parallel_loop3A_569 : i32
          %parallel_loop3A_571 = arith.constant 2 : i32
          %parallel_loop3A_572 = arith.addi %parallel_loop3A_570, %parallel_loop3A_571 : i32
          %parallel_loop3A_573 = arith.constant 816 : i32
          %parallel_loop3A_574 = arith.muli %parallel_loop3A_572, %parallel_loop3A_573 : i32
          %parallel_loop3A_575 = tpu.memref_slice %arg5[%parallel_loop3A_574] : memref<104448xf32, #tpu.memory_space<vmem>> -> memref<816xf32, #tpu.memory_space<vmem>>
          %parallel_loop3A_576 = tpu.vector_load_idx %parallel_loop3A_575[%parallel_loop3A_194] : memref<816xf32, #tpu.memory_space<vmem>>[vector<16xi32>], vector<16xf32>,
          %parallel_loop3A_577 = tpu.memref_slice %arg5[%parallel_loop3A_574] : memref<104448xf32, #tpu.memory_space<vmem>> -> memref<816xf32, #tpu.memory_space<vmem>>
          %parallel_loop3A_578 = tpu.vector_load_idx %parallel_loop3A_577[%parallel_loop3A_202] : memref<816xf32, #tpu.memory_space<vmem>>[vector<16xi32>], vector<16xf32>,
          %parallel_loop3A_579 = tpu.memref_slice %arg5[%parallel_loop3A_574] : memref<104448xf32, #tpu.memory_space<vmem>> -> memref<816xf32, #tpu.memory_space<vmem>>
          %parallel_loop3A_580 = tpu.vector_load_idx %parallel_loop3A_579[%parallel_loop3A_210] : memref<816xf32, #tpu.memory_space<vmem>>[vector<16xi32>], vector<16xf32>,
          %parallel_loop3A_581 = tpu.memref_slice %arg5[%parallel_loop3A_574] : memref<104448xf32, #tpu.memory_space<vmem>> -> memref<816xf32, #tpu.memory_space<vmem>>
          %parallel_loop3A_582 = tpu.vector_load_idx %parallel_loop3A_581[%parallel_loop3A_218] : memref<816xf32, #tpu.memory_space<vmem>>[vector<16xi32>], vector<16xf32>,
          %parallel_loop3A_583 = tpu.memref_slice %arg5[%parallel_loop3A_574] : memref<104448xf32, #tpu.memory_space<vmem>> -> memref<816xf32, #tpu.memory_space<vmem>>
          %parallel_loop3A_584 = tpu.vector_load_idx %parallel_loop3A_583[%parallel_loop3A_226] : memref<816xf32, #tpu.memory_space<vmem>>[vector<16xi32>], vector<16xf32>,
          %parallel_loop3A_585 = tpu.memref_slice %arg5[%parallel_loop3A_574] : memref<104448xf32, #tpu.memory_space<vmem>> -> memref<816xf32, #tpu.memory_space<vmem>>
          %parallel_loop3A_586 = tpu.vector_load_idx %parallel_loop3A_585[%parallel_loop3A_234] : memref<816xf32, #tpu.memory_space<vmem>>[vector<16xi32>], vector<16xf32>,
          %parallel_loop3A_587 = arith.addf %parallel_loop3A_576, %parallel_loop3A_578 : vector<16xf32>
          %parallel_loop3A_588 = arith.addf %parallel_loop3A_580, %parallel_loop3A_582 : vector<16xf32>
          %parallel_loop3A_589 = arith.addf %parallel_loop3A_587, %parallel_loop3A_588 : vector<16xf32>
          %parallel_loop3A_590 = arith.addf %parallel_loop3A_584, %parallel_loop3A_586 : vector<16xf32>
          %parallel_loop3A_591 = arith.addf %parallel_loop3A_589, %parallel_loop3A_590 : vector<16xf32>
          %parallel_loop3A_592 = arith.constant 1 : i32
          %parallel_loop3A_593 = arith.constant 2 : i32
          %parallel_loop3A_594 = arith.index_cast %parallel_loop3A_592 : i32 to index
          %parallel_loop3A_595 = arith.index_cast %parallel_loop3A_593 : i32 to index
          %parallel_loop3A_596 = arith.index_cast %parallel_loop3A_186 : i32 to index
          %parallel_loop3A_597 = tpu.vector_load %arg7[%parallel_loop3A_594, %parallel_loop3A_595, %parallel_loop3A_596] {strides = array<i32>} : memref<2x8x625xf32, #tpu.memory_space<vmem>>, vector<16xf32>,
          tpu.vector_store %arg7[%parallel_loop3A_594, %parallel_loop3A_595, %parallel_loop3A_596], %parallel_loop3A_591 {strides = array<i32>} : memref<2x8x625xf32, #tpu.memory_space<vmem>>, vector<16xf32>,
          %parallel_loop3A_598 = arith.constant 2 : i32
          %parallel_loop3A_599 = arith.muli %scan3A_131, %parallel_loop3A_598 : i32
          %parallel_loop3A_600 = arith.constant 1 : i32
          %parallel_loop3A_601 = arith.addi %parallel_loop3A_599, %parallel_loop3A_600 : i32
          %parallel_loop3A_602 = arith.constant 8 : i32
          %parallel_loop3A_603 = arith.muli %parallel_loop3A_601, %parallel_loop3A_602 : i32
          %parallel_loop3A_604 = arith.constant 3 : i32
          %parallel_loop3A_605 = arith.addi %parallel_loop3A_603, %parallel_loop3A_604 : i32
          %parallel_loop3A_606 = arith.constant 816 : i32
          %parallel_loop3A_607 = arith.muli %parallel_loop3A_605, %parallel_loop3A_606 : i32
          %parallel_loop3A_608 = tpu.memref_slice %arg5[%parallel_loop3A_607] : memref<104448xf32, #tpu.memory_space<vmem>> -> memref<816xf32, #tpu.memory_space<vmem>>
          %parallel_loop3A_609 = tpu.vector_load_idx %parallel_loop3A_608[%parallel_loop3A_194] : memref<816xf32, #tpu.memory_space<vmem>>[vector<16xi32>], vector<16xf32>,
          %parallel_loop3A_610 = tpu.memref_slice %arg5[%parallel_loop3A_607] : memref<104448xf32, #tpu.memory_space<vmem>> -> memref<816xf32, #tpu.memory_space<vmem>>
          %parallel_loop3A_611 = tpu.vector_load_idx %parallel_loop3A_610[%parallel_loop3A_202] : memref<816xf32, #tpu.memory_space<vmem>>[vector<16xi32>], vector<16xf32>,
          %parallel_loop3A_612 = tpu.memref_slice %arg5[%parallel_loop3A_607] : memref<104448xf32, #tpu.memory_space<vmem>> -> memref<816xf32, #tpu.memory_space<vmem>>
          %parallel_loop3A_613 = tpu.vector_load_idx %parallel_loop3A_612[%parallel_loop3A_210] : memref<816xf32, #tpu.memory_space<vmem>>[vector<16xi32>], vector<16xf32>,
          %parallel_loop3A_614 = tpu.memref_slice %arg5[%parallel_loop3A_607] : memref<104448xf32, #tpu.memory_space<vmem>> -> memref<816xf32, #tpu.memory_space<vmem>>
          %parallel_loop3A_615 = tpu.vector_load_idx %parallel_loop3A_614[%parallel_loop3A_218] : memref<816xf32, #tpu.memory_space<vmem>>[vector<16xi32>], vector<16xf32>,
          %parallel_loop3A_616 = tpu.memref_slice %arg5[%parallel_loop3A_607] : memref<104448xf32, #tpu.memory_space<vmem>> -> memref<816xf32, #tpu.memory_space<vmem>>
          %parallel_loop3A_617 = tpu.vector_load_idx %parallel_loop3A_616[%parallel_loop3A_226] : memref<816xf32, #tpu.memory_space<vmem>>[vector<16xi32>], vector<16xf32>,
          %parallel_loop3A_618 = tpu.memref_slice %arg5[%parallel_loop3A_607] : memref<104448xf32, #tpu.memory_space<vmem>> -> memref<816xf32, #tpu.memory_space<vmem>>
          %parallel_loop3A_619 = tpu.vector_load_idx %parallel_loop3A_618[%parallel_loop3A_234] : memref<816xf32, #tpu.memory_space<vmem>>[vector<16xi32>], vector<16xf32>,
          %parallel_loop3A_620 = arith.addf %parallel_loop3A_609, %parallel_loop3A_611 : vector<16xf32>
          %parallel_loop3A_621 = arith.addf %parallel_loop3A_613, %parallel_loop3A_615 : vector<16xf32>
          %parallel_loop3A_622 = arith.addf %parallel_loop3A_620, %parallel_loop3A_621 : vector<16xf32>
          %parallel_loop3A_623 = arith.addf %parallel_loop3A_617, %parallel_loop3A_619 : vector<16xf32>
          %parallel_loop3A_624 = arith.addf %parallel_loop3A_622, %parallel_loop3A_623 : vector<16xf32>
          %parallel_loop3A_625 = arith.constant 1 : i32
          %parallel_loop3A_626 = arith.constant 3 : i32
          %parallel_loop3A_627 = arith.index_cast %parallel_loop3A_625 : i32 to index
          %parallel_loop3A_628 = arith.index_cast %parallel_loop3A_626 : i32 to index
          %parallel_loop3A_629 = arith.index_cast %parallel_loop3A_186 : i32 to index
          %parallel_loop3A_630 = tpu.vector_load %arg7[%parallel_loop3A_627, %parallel_loop3A_628, %parallel_loop3A_629] {strides = array<i32>} : memref<2x8x625xf32, #tpu.memory_space<vmem>>, vector<16xf32>,
          tpu.vector_store %arg7[%parallel_loop3A_627, %parallel_loop3A_628, %parallel_loop3A_629], %parallel_loop3A_624 {strides = array<i32>} : memref<2x8x625xf32, #tpu.memory_space<vmem>>, vector<16xf32>,
          %parallel_loop3A_631 = arith.constant 2 : i32
          %parallel_loop3A_632 = arith.muli %scan3A_131, %parallel_loop3A_631 : i32
          %parallel_loop3A_633 = arith.constant 1 : i32
          %parallel_loop3A_634 = arith.addi %parallel_loop3A_632, %parallel_loop3A_633 : i32
          %parallel_loop3A_635 = arith.constant 8 : i32
          %parallel_loop3A_636 = arith.muli %parallel_loop3A_634, %parallel_loop3A_635 : i32
          %parallel_loop3A_637 = arith.constant 4 : i32
          %parallel_loop3A_638 = arith.addi %parallel_loop3A_636, %parallel_loop3A_637 : i32
          %parallel_loop3A_639 = arith.constant 816 : i32
          %parallel_loop3A_640 = arith.muli %parallel_loop3A_638, %parallel_loop3A_639 : i32
          %parallel_loop3A_641 = tpu.memref_slice %arg5[%parallel_loop3A_640] : memref<104448xf32, #tpu.memory_space<vmem>> -> memref<816xf32, #tpu.memory_space<vmem>>
          %parallel_loop3A_642 = tpu.vector_load_idx %parallel_loop3A_641[%parallel_loop3A_194] : memref<816xf32, #tpu.memory_space<vmem>>[vector<16xi32>], vector<16xf32>,
          %parallel_loop3A_643 = tpu.memref_slice %arg5[%parallel_loop3A_640] : memref<104448xf32, #tpu.memory_space<vmem>> -> memref<816xf32, #tpu.memory_space<vmem>>
          %parallel_loop3A_644 = tpu.vector_load_idx %parallel_loop3A_643[%parallel_loop3A_202] : memref<816xf32, #tpu.memory_space<vmem>>[vector<16xi32>], vector<16xf32>,
          %parallel_loop3A_645 = tpu.memref_slice %arg5[%parallel_loop3A_640] : memref<104448xf32, #tpu.memory_space<vmem>> -> memref<816xf32, #tpu.memory_space<vmem>>
          %parallel_loop3A_646 = tpu.vector_load_idx %parallel_loop3A_645[%parallel_loop3A_210] : memref<816xf32, #tpu.memory_space<vmem>>[vector<16xi32>], vector<16xf32>,
          %parallel_loop3A_647 = tpu.memref_slice %arg5[%parallel_loop3A_640] : memref<104448xf32, #tpu.memory_space<vmem>> -> memref<816xf32, #tpu.memory_space<vmem>>
          %parallel_loop3A_648 = tpu.vector_load_idx %parallel_loop3A_647[%parallel_loop3A_218] : memref<816xf32, #tpu.memory_space<vmem>>[vector<16xi32>], vector<16xf32>,
          %parallel_loop3A_649 = tpu.memref_slice %arg5[%parallel_loop3A_640] : memref<104448xf32, #tpu.memory_space<vmem>> -> memref<816xf32, #tpu.memory_space<vmem>>
          %parallel_loop3A_650 = tpu.vector_load_idx %parallel_loop3A_649[%parallel_loop3A_226] : memref<816xf32, #tpu.memory_space<vmem>>[vector<16xi32>], vector<16xf32>,
          %parallel_loop3A_651 = tpu.memref_slice %arg5[%parallel_loop3A_640] : memref<104448xf32, #tpu.memory_space<vmem>> -> memref<816xf32, #tpu.memory_space<vmem>>
          %parallel_loop3A_652 = tpu.vector_load_idx %parallel_loop3A_651[%parallel_loop3A_234] : memref<816xf32, #tpu.memory_space<vmem>>[vector<16xi32>], vector<16xf32>,
          %parallel_loop3A_653 = arith.addf %parallel_loop3A_642, %parallel_loop3A_644 : vector<16xf32>
          %parallel_loop3A_654 = arith.addf %parallel_loop3A_646, %parallel_loop3A_648 : vector<16xf32>
          %parallel_loop3A_655 = arith.addf %parallel_loop3A_653, %parallel_loop3A_654 : vector<16xf32>
          %parallel_loop3A_656 = arith.addf %parallel_loop3A_650, %parallel_loop3A_652 : vector<16xf32>
          %parallel_loop3A_657 = arith.addf %parallel_loop3A_655, %parallel_loop3A_656 : vector<16xf32>
          %parallel_loop3A_658 = arith.constant 1 : i32
          %parallel_loop3A_659 = arith.constant 4 : i32
          %parallel_loop3A_660 = arith.index_cast %parallel_loop3A_658 : i32 to index
          %parallel_loop3A_661 = arith.index_cast %parallel_loop3A_659 : i32 to index
          %parallel_loop3A_662 = arith.index_cast %parallel_loop3A_186 : i32 to index
          %parallel_loop3A_663 = tpu.vector_load %arg7[%parallel_loop3A_660, %parallel_loop3A_661, %parallel_loop3A_662] {strides = array<i32>} : memref<2x8x625xf32, #tpu.memory_space<vmem>>, vector<16xf32>,
          tpu.vector_store %arg7[%parallel_loop3A_660, %parallel_loop3A_661, %parallel_loop3A_662], %parallel_loop3A_657 {strides = array<i32>} : memref<2x8x625xf32, #tpu.memory_space<vmem>>, vector<16xf32>,
          %parallel_loop3A_664 = arith.constant 2 : i32
          %parallel_loop3A_665 = arith.muli %scan3A_131, %parallel_loop3A_664 : i32
          %parallel_loop3A_666 = arith.constant 1 : i32
          %parallel_loop3A_667 = arith.addi %parallel_loop3A_665, %parallel_loop3A_666 : i32
          %parallel_loop3A_668 = arith.constant 8 : i32
          %parallel_loop3A_669 = arith.muli %parallel_loop3A_667, %parallel_loop3A_668 : i32
          %parallel_loop3A_670 = arith.constant 5 : i32
          %parallel_loop3A_671 = arith.addi %parallel_loop3A_669, %parallel_loop3A_670 : i32
          %parallel_loop3A_672 = arith.constant 816 : i32
          %parallel_loop3A_673 = arith.muli %parallel_loop3A_671, %parallel_loop3A_672 : i32
          %parallel_loop3A_674 = tpu.memref_slice %arg5[%parallel_loop3A_673] : memref<104448xf32, #tpu.memory_space<vmem>> -> memref<816xf32, #tpu.memory_space<vmem>>
          %parallel_loop3A_675 = tpu.vector_load_idx %parallel_loop3A_674[%parallel_loop3A_194] : memref<816xf32, #tpu.memory_space<vmem>>[vector<16xi32>], vector<16xf32>,
          %parallel_loop3A_676 = tpu.memref_slice %arg5[%parallel_loop3A_673] : memref<104448xf32, #tpu.memory_space<vmem>> -> memref<816xf32, #tpu.memory_space<vmem>>
          %parallel_loop3A_677 = tpu.vector_load_idx %parallel_loop3A_676[%parallel_loop3A_202] : memref<816xf32, #tpu.memory_space<vmem>>[vector<16xi32>], vector<16xf32>,
          %parallel_loop3A_678 = tpu.memref_slice %arg5[%parallel_loop3A_673] : memref<104448xf32, #tpu.memory_space<vmem>> -> memref<816xf32, #tpu.memory_space<vmem>>
          %parallel_loop3A_679 = tpu.vector_load_idx %parallel_loop3A_678[%parallel_loop3A_210] : memref<816xf32, #tpu.memory_space<vmem>>[vector<16xi32>], vector<16xf32>,
          %parallel_loop3A_680 = tpu.memref_slice %arg5[%parallel_loop3A_673] : memref<104448xf32, #tpu.memory_space<vmem>> -> memref<816xf32, #tpu.memory_space<vmem>>
          %parallel_loop3A_681 = tpu.vector_load_idx %parallel_loop3A_680[%parallel_loop3A_218] : memref<816xf32, #tpu.memory_space<vmem>>[vector<16xi32>], vector<16xf32>,
          %parallel_loop3A_682 = tpu.memref_slice %arg5[%parallel_loop3A_673] : memref<104448xf32, #tpu.memory_space<vmem>> -> memref<816xf32, #tpu.memory_space<vmem>>
          %parallel_loop3A_683 = tpu.vector_load_idx %parallel_loop3A_682[%parallel_loop3A_226] : memref<816xf32, #tpu.memory_space<vmem>>[vector<16xi32>], vector<16xf32>,
          %parallel_loop3A_684 = tpu.memref_slice %arg5[%parallel_loop3A_673] : memref<104448xf32, #tpu.memory_space<vmem>> -> memref<816xf32, #tpu.memory_space<vmem>>
          %parallel_loop3A_685 = tpu.vector_load_idx %parallel_loop3A_684[%parallel_loop3A_234] : memref<816xf32, #tpu.memory_space<vmem>>[vector<16xi32>], vector<16xf32>,
          %parallel_loop3A_686 = arith.addf %parallel_loop3A_675, %parallel_loop3A_677 : vector<16xf32>
          %parallel_loop3A_687 = arith.addf %parallel_loop3A_679, %parallel_loop3A_681 : vector<16xf32>
          %parallel_loop3A_688 = arith.addf %parallel_loop3A_686, %parallel_loop3A_687 : vector<16xf32>
          %parallel_loop3A_689 = arith.addf %parallel_loop3A_683, %parallel_loop3A_685 : vector<16xf32>
          %parallel_loop3A_690 = arith.addf %parallel_loop3A_688, %parallel_loop3A_689 : vector<16xf32>
          %parallel_loop3A_691 = arith.constant 1 : i32
          %parallel_loop3A_692 = arith.constant 5 : i32
          %parallel_loop3A_693 = arith.index_cast %parallel_loop3A_691 : i32 to index
          %parallel_loop3A_694 = arith.index_cast %parallel_loop3A_692 : i32 to index
          %parallel_loop3A_695 = arith.index_cast %parallel_loop3A_186 : i32 to index
          %parallel_loop3A_696 = tpu.vector_load %arg7[%parallel_loop3A_693, %parallel_loop3A_694, %parallel_loop3A_695] {strides = array<i32>} : memref<2x8x625xf32, #tpu.memory_space<vmem>>, vector<16xf32>,
          tpu.vector_store %arg7[%parallel_loop3A_693, %parallel_loop3A_694, %parallel_loop3A_695], %parallel_loop3A_690 {strides = array<i32>} : memref<2x8x625xf32, #tpu.memory_space<vmem>>, vector<16xf32>,
          %parallel_loop3A_697 = arith.constant 2 : i32
          %parallel_loop3A_698 = arith.muli %scan3A_131, %parallel_loop3A_697 : i32
          %parallel_loop3A_699 = arith.constant 1 : i32
          %parallel_loop3A_700 = arith.addi %parallel_loop3A_698, %parallel_loop3A_699 : i32
          %parallel_loop3A_701 = arith.constant 8 : i32
          %parallel_loop3A_702 = arith.muli %parallel_loop3A_700, %parallel_loop3A_701 : i32
          %parallel_loop3A_703 = arith.constant 6 : i32
          %parallel_loop3A_704 = arith.addi %parallel_loop3A_702, %parallel_loop3A_703 : i32
          %parallel_loop3A_705 = arith.constant 816 : i32
          %parallel_loop3A_706 = arith.muli %parallel_loop3A_704, %parallel_loop3A_705 : i32
          %parallel_loop3A_707 = tpu.memref_slice %arg5[%parallel_loop3A_706] : memref<104448xf32, #tpu.memory_space<vmem>> -> memref<816xf32, #tpu.memory_space<vmem>>
          %parallel_loop3A_708 = tpu.vector_load_idx %parallel_loop3A_707[%parallel_loop3A_194] : memref<816xf32, #tpu.memory_space<vmem>>[vector<16xi32>], vector<16xf32>,
          %parallel_loop3A_709 = tpu.memref_slice %arg5[%parallel_loop3A_706] : memref<104448xf32, #tpu.memory_space<vmem>> -> memref<816xf32, #tpu.memory_space<vmem>>
          %parallel_loop3A_710 = tpu.vector_load_idx %parallel_loop3A_709[%parallel_loop3A_202] : memref<816xf32, #tpu.memory_space<vmem>>[vector<16xi32>], vector<16xf32>,
          %parallel_loop3A_711 = tpu.memref_slice %arg5[%parallel_loop3A_706] : memref<104448xf32, #tpu.memory_space<vmem>> -> memref<816xf32, #tpu.memory_space<vmem>>
          %parallel_loop3A_712 = tpu.vector_load_idx %parallel_loop3A_711[%parallel_loop3A_210] : memref<816xf32, #tpu.memory_space<vmem>>[vector<16xi32>], vector<16xf32>,
          %parallel_loop3A_713 = tpu.memref_slice %arg5[%parallel_loop3A_706] : memref<104448xf32, #tpu.memory_space<vmem>> -> memref<816xf32, #tpu.memory_space<vmem>>
          %parallel_loop3A_714 = tpu.vector_load_idx %parallel_loop3A_713[%parallel_loop3A_218] : memref<816xf32, #tpu.memory_space<vmem>>[vector<16xi32>], vector<16xf32>,
          %parallel_loop3A_715 = tpu.memref_slice %arg5[%parallel_loop3A_706] : memref<104448xf32, #tpu.memory_space<vmem>> -> memref<816xf32, #tpu.memory_space<vmem>>
          %parallel_loop3A_716 = tpu.vector_load_idx %parallel_loop3A_715[%parallel_loop3A_226] : memref<816xf32, #tpu.memory_space<vmem>>[vector<16xi32>], vector<16xf32>,
          %parallel_loop3A_717 = tpu.memref_slice %arg5[%parallel_loop3A_706] : memref<104448xf32, #tpu.memory_space<vmem>> -> memref<816xf32, #tpu.memory_space<vmem>>
          %parallel_loop3A_718 = tpu.vector_load_idx %parallel_loop3A_717[%parallel_loop3A_234] : memref<816xf32, #tpu.memory_space<vmem>>[vector<16xi32>], vector<16xf32>,
          %parallel_loop3A_719 = arith.addf %parallel_loop3A_708, %parallel_loop3A_710 : vector<16xf32>
          %parallel_loop3A_720 = arith.addf %parallel_loop3A_712, %parallel_loop3A_714 : vector<16xf32>
          %parallel_loop3A_721 = arith.addf %parallel_loop3A_719, %parallel_loop3A_720 : vector<16xf32>
          %parallel_loop3A_722 = arith.addf %parallel_loop3A_716, %parallel_loop3A_718 : vector<16xf32>
          %parallel_loop3A_723 = arith.addf %parallel_loop3A_721, %parallel_loop3A_722 : vector<16xf32>
          %parallel_loop3A_724 = arith.constant 1 : i32
          %parallel_loop3A_725 = arith.constant 6 : i32
          %parallel_loop3A_726 = arith.index_cast %parallel_loop3A_724 : i32 to index
          %parallel_loop3A_727 = arith.index_cast %parallel_loop3A_725 : i32 to index
          %parallel_loop3A_728 = arith.index_cast %parallel_loop3A_186 : i32 to index
          %parallel_loop3A_729 = tpu.vector_load %arg7[%parallel_loop3A_726, %parallel_loop3A_727, %parallel_loop3A_728] {strides = array<i32>} : memref<2x8x625xf32, #tpu.memory_space<vmem>>, vector<16xf32>,
          tpu.vector_store %arg7[%parallel_loop3A_726, %parallel_loop3A_727, %parallel_loop3A_728], %parallel_loop3A_723 {strides = array<i32>} : memref<2x8x625xf32, #tpu.memory_space<vmem>>, vector<16xf32>,
          %parallel_loop3A_730 = arith.constant 2 : i32
          %parallel_loop3A_731 = arith.muli %scan3A_131, %parallel_loop3A_730 : i32
          %parallel_loop3A_732 = arith.constant 1 : i32
          %parallel_loop3A_733 = arith.addi %parallel_loop3A_731, %parallel_loop3A_732 : i32
          %parallel_loop3A_734 = arith.constant 8 : i32
          %parallel_loop3A_735 = arith.muli %parallel_loop3A_733, %parallel_loop3A_734 : i32
          %parallel_loop3A_736 = arith.constant 7 : i32
          %parallel_loop3A_737 = arith.addi %parallel_loop3A_735, %parallel_loop3A_736 : i32
          %parallel_loop3A_738 = arith.constant 816 : i32
          %parallel_loop3A_739 = arith.muli %parallel_loop3A_737, %parallel_loop3A_738 : i32
          %parallel_loop3A_740 = tpu.memref_slice %arg5[%parallel_loop3A_739] : memref<104448xf32, #tpu.memory_space<vmem>> -> memref<816xf32, #tpu.memory_space<vmem>>
          %parallel_loop3A_741 = tpu.vector_load_idx %parallel_loop3A_740[%parallel_loop3A_194] : memref<816xf32, #tpu.memory_space<vmem>>[vector<16xi32>], vector<16xf32>,
          %parallel_loop3A_742 = tpu.memref_slice %arg5[%parallel_loop3A_739] : memref<104448xf32, #tpu.memory_space<vmem>> -> memref<816xf32, #tpu.memory_space<vmem>>
          %parallel_loop3A_743 = tpu.vector_load_idx %parallel_loop3A_742[%parallel_loop3A_202] : memref<816xf32, #tpu.memory_space<vmem>>[vector<16xi32>], vector<16xf32>,
          %parallel_loop3A_744 = tpu.memref_slice %arg5[%parallel_loop3A_739] : memref<104448xf32, #tpu.memory_space<vmem>> -> memref<816xf32, #tpu.memory_space<vmem>>
          %parallel_loop3A_745 = tpu.vector_load_idx %parallel_loop3A_744[%parallel_loop3A_210] : memref<816xf32, #tpu.memory_space<vmem>>[vector<16xi32>], vector<16xf32>,
          %parallel_loop3A_746 = tpu.memref_slice %arg5[%parallel_loop3A_739] : memref<104448xf32, #tpu.memory_space<vmem>> -> memref<816xf32, #tpu.memory_space<vmem>>
          %parallel_loop3A_747 = tpu.vector_load_idx %parallel_loop3A_746[%parallel_loop3A_218] : memref<816xf32, #tpu.memory_space<vmem>>[vector<16xi32>], vector<16xf32>,
          %parallel_loop3A_748 = tpu.memref_slice %arg5[%parallel_loop3A_739] : memref<104448xf32, #tpu.memory_space<vmem>> -> memref<816xf32, #tpu.memory_space<vmem>>
          %parallel_loop3A_749 = tpu.vector_load_idx %parallel_loop3A_748[%parallel_loop3A_226] : memref<816xf32, #tpu.memory_space<vmem>>[vector<16xi32>], vector<16xf32>,
          %parallel_loop3A_750 = tpu.memref_slice %arg5[%parallel_loop3A_739] : memref<104448xf32, #tpu.memory_space<vmem>> -> memref<816xf32, #tpu.memory_space<vmem>>
          %parallel_loop3A_751 = tpu.vector_load_idx %parallel_loop3A_750[%parallel_loop3A_234] : memref<816xf32, #tpu.memory_space<vmem>>[vector<16xi32>], vector<16xf32>,
          %parallel_loop3A_752 = arith.addf %parallel_loop3A_741, %parallel_loop3A_743 : vector<16xf32>
          %parallel_loop3A_753 = arith.addf %parallel_loop3A_745, %parallel_loop3A_747 : vector<16xf32>
          %parallel_loop3A_754 = arith.addf %parallel_loop3A_752, %parallel_loop3A_753 : vector<16xf32>
          %parallel_loop3A_755 = arith.addf %parallel_loop3A_749, %parallel_loop3A_751 : vector<16xf32>
          %parallel_loop3A_756 = arith.addf %parallel_loop3A_754, %parallel_loop3A_755 : vector<16xf32>
          %parallel_loop3A_757 = arith.constant 1 : i32
          %parallel_loop3A_758 = arith.constant 7 : i32
          %parallel_loop3A_759 = arith.index_cast %parallel_loop3A_757 : i32 to index
          %parallel_loop3A_760 = arith.index_cast %parallel_loop3A_758 : i32 to index
          %parallel_loop3A_761 = arith.index_cast %parallel_loop3A_186 : i32 to index
          %parallel_loop3A_762 = tpu.vector_load %arg7[%parallel_loop3A_759, %parallel_loop3A_760, %parallel_loop3A_761] {strides = array<i32>} : memref<2x8x625xf32, #tpu.memory_space<vmem>>, vector<16xf32>,
          tpu.vector_store %arg7[%parallel_loop3A_759, %parallel_loop3A_760, %parallel_loop3A_761], %parallel_loop3A_756 {strides = array<i32>} : memref<2x8x625xf32, #tpu.memory_space<vmem>>, vector<16xf32>,
        } {sc.loop_unroll_factor = 2 : i64, sc.parallel_access}
        %dma_start3A_152 = arith.constant 0 : i32
        %dma_start3A_153 = arith.constant 0 : i32
        %dma_start3A_154 = arith.constant 0 : i32
        %dma_start3A_155 = tpu.memref_slice %arg7[%dma_start3A_152, %dma_start3A_153, %dma_start3A_154] : memref<2x8x625xf32, #tpu.memory_space<vmem>> -> memref<1x8x625xf32, #tpu.memory_space<vmem>>
        %dma_start3A_156 = tpu.memref_squeeze %dma_start3A_155 : memref<1x8x625xf32, #tpu.memory_space<vmem>> -> memref<8x625xf32, #tpu.memory_space<vmem>>
        %dma_start3A_157 = arith.constant 0 : i32
        %dma_start3A_158 = tpu.memref_slice %arg4[%add3A_64, %mul3A_137, %dma_start3A_157] : memref<1024x128x625xf32, #tpu.memory_space<hbm>> -> memref<1x8x625xf32, #tpu.memory_space<hbm>>
        %dma_start3A_159 = tpu.memref_squeeze %dma_start3A_158 : memref<1x8x625xf32, #tpu.memory_space<hbm>> -> memref<8x625xf32, #tpu.memory_space<hbm>>
        %dma_start3A_160 = arith.constant 0 : i32
        %dma_start3A_161 = tpu.memref_slice %arg4[%add3A_64, %mul3A_137, %dma_start3A_160] : memref<1024x128x625xf32, #tpu.memory_space<hbm>> -> memref<1x8x625xf32, #tpu.memory_space<hbm>>
        %dma_start3A_162 = tpu.memref_squeeze %dma_start3A_161 : memref<1x8x625xf32, #tpu.memory_space<hbm>> -> memref<8x625xf32, #tpu.memory_space<hbm>>
        %dma_start3A_163 = arith.constant 0 : i32
        %dma_start3A_164 = arith.constant 0 : i32
        %dma_start3A_165 = tpu.memref_slice %arg7[%dma_start3A_152, %dma_start3A_163, %dma_start3A_164] : memref<2x8x625xf32, #tpu.memory_space<vmem>> -> memref<1x8x625xf32, #tpu.memory_space<vmem>>
        %dma_start3A_166 = tpu.memref_squeeze %dma_start3A_165 : memref<1x8x625xf32, #tpu.memory_space<vmem>> -> memref<8x625xf32, #tpu.memory_space<vmem>>
        tpu.enqueue_dma source(%dma_start3A_166 : memref<8x625xf32, #tpu.memory_space<vmem>>) target(%dma_start3A_162 : memref<8x625xf32, #tpu.memory_space<hbm>>) target_semaphore(%arg8 : memref<!tpu.dma_semaphore, #tpu.memory_space<semaphore_mem>>)
        %dma_start3A_167 = arith.constant 1 : i32
        %dma_start3A_168 = arith.constant 0 : i32
        %dma_start3A_169 = arith.constant 0 : i32
        %dma_start3A_170 = tpu.memref_slice %arg7[%dma_start3A_167, %dma_start3A_168, %dma_start3A_169] : memref<2x8x625xf32, #tpu.memory_space<vmem>> -> memref<1x8x625xf32, #tpu.memory_space<vmem>>
        %dma_start3A_171 = tpu.memref_squeeze %dma_start3A_170 : memref<1x8x625xf32, #tpu.memory_space<vmem>> -> memref<8x625xf32, #tpu.memory_space<vmem>>
        %dma_start3A_172 = arith.constant 0 : i32
        %dma_start3A_173 = tpu.memref_slice %arg4[%add3A_64, %mul3A_143, %dma_start3A_172] : memref<1024x128x625xf32, #tpu.memory_space<hbm>> -> memref<1x8x625xf32, #tpu.memory_space<hbm>>
        %dma_start3A_174 = tpu.memref_squeeze %dma_start3A_173 : memref<1x8x625xf32, #tpu.memory_space<hbm>> -> memref<8x625xf32, #tpu.memory_space<hbm>>
        %dma_start3A_175 = arith.constant 0 : i32
        %dma_start3A_176 = tpu.memref_slice %arg4[%add3A_64, %mul3A_143, %dma_start3A_175] : memref<1024x128x625xf32, #tpu.memory_space<hbm>> -> memref<1x8x625xf32, #tpu.memory_space<hbm>>
        %dma_start3A_177 = tpu.memref_squeeze %dma_start3A_176 : memref<1x8x625xf32, #tpu.memory_space<hbm>> -> memref<8x625xf32, #tpu.memory_space<hbm>>
        %dma_start3A_178 = arith.constant 0 : i32
        %dma_start3A_179 = arith.constant 0 : i32
        %dma_start3A_180 = tpu.memref_slice %arg7[%dma_start3A_167, %dma_start3A_178, %dma_start3A_179] : memref<2x8x625xf32, #tpu.memory_space<vmem>> -> memref<1x8x625xf32, #tpu.memory_space<vmem>>
        %dma_start3A_181 = tpu.memref_squeeze %dma_start3A_180 : memref<1x8x625xf32, #tpu.memory_space<vmem>> -> memref<8x625xf32, #tpu.memory_space<vmem>>
        tpu.enqueue_dma source(%dma_start3A_181 : memref<8x625xf32, #tpu.memory_space<vmem>>) target(%dma_start3A_177 : memref<8x625xf32, #tpu.memory_space<hbm>>) target_semaphore(%arg9 : memref<!tpu.dma_semaphore, #tpu.memory_space<semaphore_mem>>)
      }
      %scan3A_92 = arith.constant 8 : i32
      %mul3A_93 = arith.constant 2 : i32
      %mul3A_94 = arith.muli %scan3A_57, %mul3A_93 : i32
      %add3A_95 = arith.constant 1 : i32
      %add3A_96 = arith.addi %mul3A_94, %add3A_95 : i32
      %mul3A_97 = arith.constant 32 : i32
      %mul3A_98 = arith.muli %add3A_96, %mul3A_97 : i32
      %add3A_99 = arith.addi %mul3A_98, %add3A : i32
      %dma_wait3A_100 = arith.constant 1 : i32
      %dma_wait3A_101 = arith.constant 0 : i32
      %dma_wait3A_102 = arith.constant 0 : i32
      %dma_wait3A_103 = tpu.memref_slice %arg6[%dma_wait3A_100, %dma_wait3A_101, %dma_wait3A_102] : memref<2x6x640xi32, #tpu.memory_space<vmem>> -> memref<1x6x640xi32, #tpu.memory_space<vmem>>
      %dma_wait3A_104 = tpu.memref_squeeze %dma_wait3A_103 : memref<1x6x640xi32, #tpu.memory_space<vmem>> -> memref<6x640xi32, #tpu.memory_space<vmem>>
      %dma_wait3A_105 = arith.constant 0 : i32
      %dma_wait3A_106 = arith.constant 0 : i32
      %dma_wait3A_107 = tpu.memref_slice %arg3[%add3A_99, %dma_wait3A_105, %dma_wait3A_106] : memref<1024x6x640xi32, #tpu.memory_space<hbm>> -> memref<1x6x640xi32, #tpu.memory_space<hbm>>
      %dma_wait3A_108 = tpu.memref_squeeze %dma_wait3A_107 : memref<1x6x640xi32, #tpu.memory_space<hbm>> -> memref<6x640xi32, #tpu.memory_space<hbm>>
      %dma_wait3A_109 = arith.constant 0 : i32
      %dma_wait3A_110 = arith.constant 0 : i32
      %dma_wait3A_111 = tpu.memref_slice %arg6[%dma_wait3A_100, %dma_wait3A_109, %dma_wait3A_110] : memref<2x6x640xi32, #tpu.memory_space<vmem>> -> memref<1x6x640xi32, #tpu.memory_space<vmem>>
      %dma_wait3A_112 = tpu.memref_squeeze %dma_wait3A_111 : memref<1x6x640xi32, #tpu.memory_space<vmem>> -> memref<6x640xi32, #tpu.memory_space<vmem>>
      %dma_wait3A_113 = arith.constant 0 : i32
      %dma_wait3A_114 = arith.constant 0 : i32
      %dma_wait3A_115 = tpu.memref_slice %arg3[%add3A_99, %dma_wait3A_113, %dma_wait3A_114] : memref<1024x6x640xi32, #tpu.memory_space<hbm>> -> memref<1x6x640xi32, #tpu.memory_space<hbm>>
      %dma_wait3A_116 = tpu.memref_squeeze %dma_wait3A_115 : memref<1x6x640xi32, #tpu.memory_space<hbm>> -> memref<6x640xi32, #tpu.memory_space<hbm>>
      tpu.wait_dma2 semaphore(%arg11 : memref<!tpu.dma_semaphore, #tpu.memory_space<semaphore_mem>>) src(%dma_wait3A_116 : memref<6x640xi32, #tpu.memory_space<hbm>>) dst(%dma_wait3A_112 : memref<6x640xi32, #tpu.memory_space<vmem>>)
      %add3A_117 = arith.constant 1 : i32
      %add3A_118 = arith.addi %add3A_96, %add3A_117 : i32
      %lt3A_119 = arith.constant 32 : i32
      %lt3A_120 = arith.cmpi slt, %add3A_118, %lt3A_119 : i32
      %convert_element_type3A_121 = arith.extui %lt3A_120 : i1 to i32
      %cond3A_122 = arith.constant 0 : i32
      %cond3A_123 = arith.cmpi ne, %convert_element_type3A_121, %cond3A_122 : i32
      scf.if %cond3A_123 {
        %add3A_131 = arith.constant 1 : i32
        %add3A_132 = arith.addi %add3A_96, %add3A_131 : i32
        %mul3A_133 = arith.constant 32 : i32
        %mul3A_134 = arith.muli %add3A_132, %mul3A_133 : i32
        %add3A_135 = arith.addi %mul3A_134, %add3A : i32
        %dma_start3A_136 = arith.constant 0 : i32
        %dma_start3A_137 = arith.constant 0 : i32
        %dma_start3A_138 = arith.constant 0 : i32
        %dma_start3A_139 = tpu.memref_slice %arg6[%dma_start3A_136, %dma_start3A_137, %dma_start3A_138] : memref<2x6x640xi32, #tpu.memory_space<vmem>> -> memref<1x6x640xi32, #tpu.memory_space<vmem>>
        %dma_start3A_140 = tpu.memref_squeeze %dma_start3A_139 : memref<1x6x640xi32, #tpu.memory_space<vmem>> -> memref<6x640xi32, #tpu.memory_space<vmem>>
        %dma_start3A_141 = arith.constant 0 : i32
        %dma_start3A_142 = arith.constant 0 : i32
        %dma_start3A_143 = tpu.memref_slice %arg3[%add3A_135, %dma_start3A_141, %dma_start3A_142] : memref<1024x6x640xi32, #tpu.memory_space<hbm>> -> memref<1x6x640xi32, #tpu.memory_space<hbm>>
        %dma_start3A_144 = tpu.memref_squeeze %dma_start3A_143 : memref<1x6x640xi32, #tpu.memory_space<hbm>> -> memref<6x640xi32, #tpu.memory_space<hbm>>
        %dma_start3A_145 = arith.constant 0 : i32
        %dma_start3A_146 = arith.constant 0 : i32
        %dma_start3A_147 = tpu.memref_slice %arg6[%dma_start3A_136, %dma_start3A_145, %dma_start3A_146] : memref<2x6x640xi32, #tpu.memory_space<vmem>> -> memref<1x6x640xi32, #tpu.memory_space<vmem>>
        %dma_start3A_148 = tpu.memref_squeeze %dma_start3A_147 : memref<1x6x640xi32, #tpu.memory_space<vmem>> -> memref<6x640xi32, #tpu.memory_space<vmem>>
        %dma_start3A_149 = arith.constant 0 : i32
        %dma_start3A_150 = arith.constant 0 : i32
        %dma_start3A_151 = tpu.memref_slice %arg3[%add3A_135, %dma_start3A_149, %dma_start3A_150] : memref<1024x6x640xi32, #tpu.memory_space<hbm>> -> memref<1x6x640xi32, #tpu.memory_space<hbm>>
        %dma_start3A_152 = tpu.memref_squeeze %dma_start3A_151 : memref<1x6x640xi32, #tpu.memory_space<hbm>> -> memref<6x640xi32, #tpu.memory_space<hbm>>
        tpu.enqueue_dma source(%dma_start3A_152 : memref<6x640xi32, #tpu.memory_space<hbm>>) target(%dma_start3A_148 : memref<6x640xi32, #tpu.memory_space<vmem>>) target_semaphore(%arg10 : memref<!tpu.dma_semaphore, #tpu.memory_space<semaphore_mem>>)
      } else {
      }
      %scan3A_124 = arith.constant 0 : i32
      %scan3A_125 = arith.constant 1 : i32
      %scan3A_126 = arith.constant 0 : i32
      %scan3A_127 = arith.constant 8 : i32
      %scan3A_128 = arith.addi %scan3A_126, %scan3A_127 : i32
      %scan3A_129 = arith.constant 1 : i32
      scf.for %scan3A_131 = %scan3A_126 to %scan3A_128 step %scan3A_129  : i32 {
        %mul3A_132 = arith.constant 2 : i32
        %mul3A_133 = arith.muli %scan3A_131, %mul3A_132 : i32
        %add3A_134 = arith.constant 0 : i32
        %add3A_135 = arith.addi %mul3A_133, %add3A_134 : i32
        %mul3A_136 = arith.constant 8 : i32
        %mul3A_137 = arith.muli %add3A_135, %mul3A_136 : i32
        %mul3A_138 = arith.constant 2 : i32
        %mul3A_139 = arith.muli %scan3A_131, %mul3A_138 : i32
        %add3A_140 = arith.constant 1 : i32
        %add3A_141 = arith.addi %mul3A_139, %add3A_140 : i32
        %mul3A_142 = arith.constant 8 : i32
        %mul3A_143 = arith.muli %add3A_141, %mul3A_142 : i32
        %gt3A = arith.constant 0 : i32
        %gt3A_144 = arith.cmpi sgt, %scan3A_131, %gt3A : i32
        %gt3A_145 = arith.constant 0 : i32
        %gt3A_146 = arith.cmpi sgt, %add3A_96, %gt3A_145 : i32
        %or3A = arith.ori %gt3A_144, %gt3A_146 : i1
        %convert_element_type3A_147 = arith.extui %or3A : i1 to i32
        %cond3A_148 = arith.constant 0 : i32
        %cond3A_149 = arith.cmpi ne, %convert_element_type3A_147, %cond3A_148 : i32
        scf.if %cond3A_149 {
          %dma_wait3A_182 = arith.constant 0 : i32
          %dma_wait3A_183 = arith.constant 0 : i32
          %dma_wait3A_184 = arith.constant 0 : i32
          %dma_wait3A_185 = tpu.memref_slice %arg7[%dma_wait3A_182, %dma_wait3A_183, %dma_wait3A_184] : memref<2x8x625xf32, #tpu.memory_space<vmem>> -> memref<1x8x625xf32, #tpu.memory_space<vmem>>
          %dma_wait3A_186 = tpu.memref_squeeze %dma_wait3A_185 : memref<1x8x625xf32, #tpu.memory_space<vmem>> -> memref<8x625xf32, #tpu.memory_space<vmem>>
          %dma_wait3A_187 = arith.constant 0 : i32
          %dma_wait3A_188 = tpu.memref_slice %arg4[%add3A_99, %mul3A_137, %dma_wait3A_187] : memref<1024x128x625xf32, #tpu.memory_space<hbm>> -> memref<1x8x625xf32, #tpu.memory_space<hbm>>
          %dma_wait3A_189 = tpu.memref_squeeze %dma_wait3A_188 : memref<1x8x625xf32, #tpu.memory_space<hbm>> -> memref<8x625xf32, #tpu.memory_space<hbm>>
          %dma_wait3A_190 = arith.constant 0 : i32
          %dma_wait3A_191 = tpu.memref_slice %arg4[%add3A_99, %mul3A_137, %dma_wait3A_190] : memref<1024x128x625xf32, #tpu.memory_space<hbm>> -> memref<1x8x625xf32, #tpu.memory_space<hbm>>
          %dma_wait3A_192 = tpu.memref_squeeze %dma_wait3A_191 : memref<1x8x625xf32, #tpu.memory_space<hbm>> -> memref<8x625xf32, #tpu.memory_space<hbm>>
          %dma_wait3A_193 = arith.constant 0 : i32
          %dma_wait3A_194 = arith.constant 0 : i32
          %dma_wait3A_195 = tpu.memref_slice %arg7[%dma_wait3A_182, %dma_wait3A_193, %dma_wait3A_194] : memref<2x8x625xf32, #tpu.memory_space<vmem>> -> memref<1x8x625xf32, #tpu.memory_space<vmem>>
          %dma_wait3A_196 = tpu.memref_squeeze %dma_wait3A_195 : memref<1x8x625xf32, #tpu.memory_space<vmem>> -> memref<8x625xf32, #tpu.memory_space<vmem>>
          tpu.wait_dma2 semaphore(%arg8 : memref<!tpu.dma_semaphore, #tpu.memory_space<semaphore_mem>>) src(%dma_wait3A_196 : memref<8x625xf32, #tpu.memory_space<vmem>>) dst(%dma_wait3A_192 : memref<8x625xf32, #tpu.memory_space<hbm>>)
          %dma_wait3A_197 = arith.constant 1 : i32
          %dma_wait3A_198 = arith.constant 0 : i32
          %dma_wait3A_199 = arith.constant 0 : i32
          %dma_wait3A_200 = tpu.memref_slice %arg7[%dma_wait3A_197, %dma_wait3A_198, %dma_wait3A_199] : memref<2x8x625xf32, #tpu.memory_space<vmem>> -> memref<1x8x625xf32, #tpu.memory_space<vmem>>
          %dma_wait3A_201 = tpu.memref_squeeze %dma_wait3A_200 : memref<1x8x625xf32, #tpu.memory_space<vmem>> -> memref<8x625xf32, #tpu.memory_space<vmem>>
          %dma_wait3A_202 = arith.constant 0 : i32
          %dma_wait3A_203 = tpu.memref_slice %arg4[%add3A_99, %mul3A_143, %dma_wait3A_202] : memref<1024x128x625xf32, #tpu.memory_space<hbm>> -> memref<1x8x625xf32, #tpu.memory_space<hbm>>
          %dma_wait3A_204 = tpu.memref_squeeze %dma_wait3A_203 : memref<1x8x625xf32, #tpu.memory_space<hbm>> -> memref<8x625xf32, #tpu.memory_space<hbm>>
          %dma_wait3A_205 = arith.constant 0 : i32
          %dma_wait3A_206 = tpu.memref_slice %arg4[%add3A_99, %mul3A_143, %dma_wait3A_205] : memref<1024x128x625xf32, #tpu.memory_space<hbm>> -> memref<1x8x625xf32, #tpu.memory_space<hbm>>
          %dma_wait3A_207 = tpu.memref_squeeze %dma_wait3A_206 : memref<1x8x625xf32, #tpu.memory_space<hbm>> -> memref<8x625xf32, #tpu.memory_space<hbm>>
          %dma_wait3A_208 = arith.constant 0 : i32
          %dma_wait3A_209 = arith.constant 0 : i32
          %dma_wait3A_210 = tpu.memref_slice %arg7[%dma_wait3A_197, %dma_wait3A_208, %dma_wait3A_209] : memref<2x8x625xf32, #tpu.memory_space<vmem>> -> memref<1x8x625xf32, #tpu.memory_space<vmem>>
          %dma_wait3A_211 = tpu.memref_squeeze %dma_wait3A_210 : memref<1x8x625xf32, #tpu.memory_space<vmem>> -> memref<8x625xf32, #tpu.memory_space<vmem>>
          tpu.wait_dma2 semaphore(%arg9 : memref<!tpu.dma_semaphore, #tpu.memory_space<semaphore_mem>>) src(%dma_wait3A_211 : memref<8x625xf32, #tpu.memory_space<vmem>>) dst(%dma_wait3A_207 : memref<8x625xf32, #tpu.memory_space<hbm>>)
        } else {
        }
        %parallel_loop3A = arith.constant 0 : i32
        %parallel_loop3A_150 = arith.constant 40 : i32
        %parallel_loop3A_151 = arith.constant 1 : i32
        scf.for %parallel_loop3A_182 = %parallel_loop3A to %parallel_loop3A_150 step %parallel_loop3A_151  : i32 {
          %parallel_loop3A_183 = arith.constant 16 : i32
          %parallel_loop3A_184 = arith.muli %parallel_loop3A_182, %parallel_loop3A_183 : i32
          %parallel_loop3A_185 = arith.constant 609 : i32
          %parallel_loop3A_186 = arith.minsi %parallel_loop3A_184, %parallel_loop3A_185 : i32
          %parallel_loop3A_187 = arith.constant 0 : i32
          %parallel_loop3A_188 = arith.constant 0 : i32
          %parallel_loop3A_189 = arith.constant 0 : i32
          %parallel_loop3A_190 = tpu.memref_slice %arg6[%scan3A_125, %parallel_loop3A_188, %parallel_loop3A_189] : memref<2x6x640xi32, #tpu.memory_space<vmem>> -> memref<1x6x640xi32, #tpu.memory_space<vmem>>
          %parallel_loop3A_191 = tpu.memref_squeeze %parallel_loop3A_190 : memref<1x6x640xi32, #tpu.memory_space<vmem>> -> memref<6x640xi32, #tpu.memory_space<vmem>>
          %parallel_loop3A_192 = arith.index_cast %parallel_loop3A_187 : i32 to index
          %parallel_loop3A_193 = arith.index_cast %parallel_loop3A_186 : i32 to index
          %parallel_loop3A_194 = tpu.vector_load %parallel_loop3A_191[%parallel_loop3A_192, %parallel_loop3A_193] {strides = array<i32>} : memref<6x640xi32, #tpu.memory_space<vmem>>, vector<16xi32>,
          %parallel_loop3A_195 = arith.constant 1 : i32
          %parallel_loop3A_196 = arith.constant 0 : i32
          %parallel_loop3A_197 = arith.constant 0 : i32
          %parallel_loop3A_198 = tpu.memref_slice %arg6[%scan3A_125, %parallel_loop3A_196, %parallel_loop3A_197] : memref<2x6x640xi32, #tpu.memory_space<vmem>> -> memref<1x6x640xi32, #tpu.memory_space<vmem>>
          %parallel_loop3A_199 = tpu.memref_squeeze %parallel_loop3A_198 : memref<1x6x640xi32, #tpu.memory_space<vmem>> -> memref<6x640xi32, #tpu.memory_space<vmem>>
          %parallel_loop3A_200 = arith.index_cast %parallel_loop3A_195 : i32 to index
          %parallel_loop3A_201 = arith.index_cast %parallel_loop3A_186 : i32 to index
          %parallel_loop3A_202 = tpu.vector_load %parallel_loop3A_199[%parallel_loop3A_200, %parallel_loop3A_201] {strides = array<i32>} : memref<6x640xi32, #tpu.memory_space<vmem>>, vector<16xi32>,
          %parallel_loop3A_203 = arith.constant 2 : i32
          %parallel_loop3A_204 = arith.constant 0 : i32
          %parallel_loop3A_205 = arith.constant 0 : i32
          %parallel_loop3A_206 = tpu.memref_slice %arg6[%scan3A_125, %parallel_loop3A_204, %parallel_loop3A_205] : memref<2x6x640xi32, #tpu.memory_space<vmem>> -> memref<1x6x640xi32, #tpu.memory_space<vmem>>
          %parallel_loop3A_207 = tpu.memref_squeeze %parallel_loop3A_206 : memref<1x6x640xi32, #tpu.memory_space<vmem>> -> memref<6x640xi32, #tpu.memory_space<vmem>>
          %parallel_loop3A_208 = arith.index_cast %parallel_loop3A_203 : i32 to index
          %parallel_loop3A_209 = arith.index_cast %parallel_loop3A_186 : i32 to index
          %parallel_loop3A_210 = tpu.vector_load %parallel_loop3A_207[%parallel_loop3A_208, %parallel_loop3A_209] {strides = array<i32>} : memref<6x640xi32, #tpu.memory_space<vmem>>, vector<16xi32>,
          %parallel_loop3A_211 = arith.constant 3 : i32
          %parallel_loop3A_212 = arith.constant 0 : i32
          %parallel_loop3A_213 = arith.constant 0 : i32
          %parallel_loop3A_214 = tpu.memref_slice %arg6[%scan3A_125, %parallel_loop3A_212, %parallel_loop3A_213] : memref<2x6x640xi32, #tpu.memory_space<vmem>> -> memref<1x6x640xi32, #tpu.memory_space<vmem>>
          %parallel_loop3A_215 = tpu.memref_squeeze %parallel_loop3A_214 : memref<1x6x640xi32, #tpu.memory_space<vmem>> -> memref<6x640xi32, #tpu.memory_space<vmem>>
          %parallel_loop3A_216 = arith.index_cast %parallel_loop3A_211 : i32 to index
          %parallel_loop3A_217 = arith.index_cast %parallel_loop3A_186 : i32 to index
          %parallel_loop3A_218 = tpu.vector_load %parallel_loop3A_215[%parallel_loop3A_216, %parallel_loop3A_217] {strides = array<i32>} : memref<6x640xi32, #tpu.memory_space<vmem>>, vector<16xi32>,
          %parallel_loop3A_219 = arith.constant 4 : i32
          %parallel_loop3A_220 = arith.constant 0 : i32
          %parallel_loop3A_221 = arith.constant 0 : i32
          %parallel_loop3A_222 = tpu.memref_slice %arg6[%scan3A_125, %parallel_loop3A_220, %parallel_loop3A_221] : memref<2x6x640xi32, #tpu.memory_space<vmem>> -> memref<1x6x640xi32, #tpu.memory_space<vmem>>
          %parallel_loop3A_223 = tpu.memref_squeeze %parallel_loop3A_222 : memref<1x6x640xi32, #tpu.memory_space<vmem>> -> memref<6x640xi32, #tpu.memory_space<vmem>>
          %parallel_loop3A_224 = arith.index_cast %parallel_loop3A_219 : i32 to index
          %parallel_loop3A_225 = arith.index_cast %parallel_loop3A_186 : i32 to index
          %parallel_loop3A_226 = tpu.vector_load %parallel_loop3A_223[%parallel_loop3A_224, %parallel_loop3A_225] {strides = array<i32>} : memref<6x640xi32, #tpu.memory_space<vmem>>, vector<16xi32>,
          %parallel_loop3A_227 = arith.constant 5 : i32
          %parallel_loop3A_228 = arith.constant 0 : i32
          %parallel_loop3A_229 = arith.constant 0 : i32
          %parallel_loop3A_230 = tpu.memref_slice %arg6[%scan3A_125, %parallel_loop3A_228, %parallel_loop3A_229] : memref<2x6x640xi32, #tpu.memory_space<vmem>> -> memref<1x6x640xi32, #tpu.memory_space<vmem>>
          %parallel_loop3A_231 = tpu.memref_squeeze %parallel_loop3A_230 : memref<1x6x640xi32, #tpu.memory_space<vmem>> -> memref<6x640xi32, #tpu.memory_space<vmem>>
          %parallel_loop3A_232 = arith.index_cast %parallel_loop3A_227 : i32 to index
          %parallel_loop3A_233 = arith.index_cast %parallel_loop3A_186 : i32 to index
          %parallel_loop3A_234 = tpu.vector_load %parallel_loop3A_231[%parallel_loop3A_232, %parallel_loop3A_233] {strides = array<i32>} : memref<6x640xi32, #tpu.memory_space<vmem>>, vector<16xi32>,
          %parallel_loop3A_235 = arith.constant 2 : i32
          %parallel_loop3A_236 = arith.muli %scan3A_131, %parallel_loop3A_235 : i32
          %parallel_loop3A_237 = arith.constant 0 : i32
          %parallel_loop3A_238 = arith.addi %parallel_loop3A_236, %parallel_loop3A_237 : i32
          %parallel_loop3A_239 = arith.constant 8 : i32
          %parallel_loop3A_240 = arith.muli %parallel_loop3A_238, %parallel_loop3A_239 : i32
          %parallel_loop3A_241 = arith.constant 0 : i32
          %parallel_loop3A_242 = arith.addi %parallel_loop3A_240, %parallel_loop3A_241 : i32
          %parallel_loop3A_243 = arith.constant 816 : i32
          %parallel_loop3A_244 = arith.muli %parallel_loop3A_242, %parallel_loop3A_243 : i32
          %parallel_loop3A_245 = tpu.memref_slice %arg5[%parallel_loop3A_244] : memref<104448xf32, #tpu.memory_space<vmem>> -> memref<816xf32, #tpu.memory_space<vmem>>
          %parallel_loop3A_246 = tpu.vector_load_idx %parallel_loop3A_245[%parallel_loop3A_194] : memref<816xf32, #tpu.memory_space<vmem>>[vector<16xi32>], vector<16xf32>,
          %parallel_loop3A_247 = tpu.memref_slice %arg5[%parallel_loop3A_244] : memref<104448xf32, #tpu.memory_space<vmem>> -> memref<816xf32, #tpu.memory_space<vmem>>
          %parallel_loop3A_248 = tpu.vector_load_idx %parallel_loop3A_247[%parallel_loop3A_202] : memref<816xf32, #tpu.memory_space<vmem>>[vector<16xi32>], vector<16xf32>,
          %parallel_loop3A_249 = tpu.memref_slice %arg5[%parallel_loop3A_244] : memref<104448xf32, #tpu.memory_space<vmem>> -> memref<816xf32, #tpu.memory_space<vmem>>
          %parallel_loop3A_250 = tpu.vector_load_idx %parallel_loop3A_249[%parallel_loop3A_210] : memref<816xf32, #tpu.memory_space<vmem>>[vector<16xi32>], vector<16xf32>,
          %parallel_loop3A_251 = tpu.memref_slice %arg5[%parallel_loop3A_244] : memref<104448xf32, #tpu.memory_space<vmem>> -> memref<816xf32, #tpu.memory_space<vmem>>
          %parallel_loop3A_252 = tpu.vector_load_idx %parallel_loop3A_251[%parallel_loop3A_218] : memref<816xf32, #tpu.memory_space<vmem>>[vector<16xi32>], vector<16xf32>,
          %parallel_loop3A_253 = tpu.memref_slice %arg5[%parallel_loop3A_244] : memref<104448xf32, #tpu.memory_space<vmem>> -> memref<816xf32, #tpu.memory_space<vmem>>
          %parallel_loop3A_254 = tpu.vector_load_idx %parallel_loop3A_253[%parallel_loop3A_226] : memref<816xf32, #tpu.memory_space<vmem>>[vector<16xi32>], vector<16xf32>,
          %parallel_loop3A_255 = tpu.memref_slice %arg5[%parallel_loop3A_244] : memref<104448xf32, #tpu.memory_space<vmem>> -> memref<816xf32, #tpu.memory_space<vmem>>
          %parallel_loop3A_256 = tpu.vector_load_idx %parallel_loop3A_255[%parallel_loop3A_234] : memref<816xf32, #tpu.memory_space<vmem>>[vector<16xi32>], vector<16xf32>,
          %parallel_loop3A_257 = arith.addf %parallel_loop3A_246, %parallel_loop3A_248 : vector<16xf32>
          %parallel_loop3A_258 = arith.addf %parallel_loop3A_250, %parallel_loop3A_252 : vector<16xf32>
          %parallel_loop3A_259 = arith.addf %parallel_loop3A_257, %parallel_loop3A_258 : vector<16xf32>
          %parallel_loop3A_260 = arith.addf %parallel_loop3A_254, %parallel_loop3A_256 : vector<16xf32>
          %parallel_loop3A_261 = arith.addf %parallel_loop3A_259, %parallel_loop3A_260 : vector<16xf32>
          %parallel_loop3A_262 = arith.constant 0 : i32
          %parallel_loop3A_263 = arith.constant 0 : i32
          %parallel_loop3A_264 = arith.index_cast %parallel_loop3A_262 : i32 to index
          %parallel_loop3A_265 = arith.index_cast %parallel_loop3A_263 : i32 to index
          %parallel_loop3A_266 = arith.index_cast %parallel_loop3A_186 : i32 to index
          %parallel_loop3A_267 = tpu.vector_load %arg7[%parallel_loop3A_264, %parallel_loop3A_265, %parallel_loop3A_266] {strides = array<i32>} : memref<2x8x625xf32, #tpu.memory_space<vmem>>, vector<16xf32>,
          tpu.vector_store %arg7[%parallel_loop3A_264, %parallel_loop3A_265, %parallel_loop3A_266], %parallel_loop3A_261 {strides = array<i32>} : memref<2x8x625xf32, #tpu.memory_space<vmem>>, vector<16xf32>,
          %parallel_loop3A_268 = arith.constant 2 : i32
          %parallel_loop3A_269 = arith.muli %scan3A_131, %parallel_loop3A_268 : i32
          %parallel_loop3A_270 = arith.constant 0 : i32
          %parallel_loop3A_271 = arith.addi %parallel_loop3A_269, %parallel_loop3A_270 : i32
          %parallel_loop3A_272 = arith.constant 8 : i32
          %parallel_loop3A_273 = arith.muli %parallel_loop3A_271, %parallel_loop3A_272 : i32
          %parallel_loop3A_274 = arith.constant 1 : i32
          %parallel_loop3A_275 = arith.addi %parallel_loop3A_273, %parallel_loop3A_274 : i32
          %parallel_loop3A_276 = arith.constant 816 : i32
          %parallel_loop3A_277 = arith.muli %parallel_loop3A_275, %parallel_loop3A_276 : i32
          %parallel_loop3A_278 = tpu.memref_slice %arg5[%parallel_loop3A_277] : memref<104448xf32, #tpu.memory_space<vmem>> -> memref<816xf32, #tpu.memory_space<vmem>>
          %parallel_loop3A_279 = tpu.vector_load_idx %parallel_loop3A_278[%parallel_loop3A_194] : memref<816xf32, #tpu.memory_space<vmem>>[vector<16xi32>], vector<16xf32>,
          %parallel_loop3A_280 = tpu.memref_slice %arg5[%parallel_loop3A_277] : memref<104448xf32, #tpu.memory_space<vmem>> -> memref<816xf32, #tpu.memory_space<vmem>>
          %parallel_loop3A_281 = tpu.vector_load_idx %parallel_loop3A_280[%parallel_loop3A_202] : memref<816xf32, #tpu.memory_space<vmem>>[vector<16xi32>], vector<16xf32>,
          %parallel_loop3A_282 = tpu.memref_slice %arg5[%parallel_loop3A_277] : memref<104448xf32, #tpu.memory_space<vmem>> -> memref<816xf32, #tpu.memory_space<vmem>>
          %parallel_loop3A_283 = tpu.vector_load_idx %parallel_loop3A_282[%parallel_loop3A_210] : memref<816xf32, #tpu.memory_space<vmem>>[vector<16xi32>], vector<16xf32>,
          %parallel_loop3A_284 = tpu.memref_slice %arg5[%parallel_loop3A_277] : memref<104448xf32, #tpu.memory_space<vmem>> -> memref<816xf32, #tpu.memory_space<vmem>>
          %parallel_loop3A_285 = tpu.vector_load_idx %parallel_loop3A_284[%parallel_loop3A_218] : memref<816xf32, #tpu.memory_space<vmem>>[vector<16xi32>], vector<16xf32>,
          %parallel_loop3A_286 = tpu.memref_slice %arg5[%parallel_loop3A_277] : memref<104448xf32, #tpu.memory_space<vmem>> -> memref<816xf32, #tpu.memory_space<vmem>>
          %parallel_loop3A_287 = tpu.vector_load_idx %parallel_loop3A_286[%parallel_loop3A_226] : memref<816xf32, #tpu.memory_space<vmem>>[vector<16xi32>], vector<16xf32>,
          %parallel_loop3A_288 = tpu.memref_slice %arg5[%parallel_loop3A_277] : memref<104448xf32, #tpu.memory_space<vmem>> -> memref<816xf32, #tpu.memory_space<vmem>>
          %parallel_loop3A_289 = tpu.vector_load_idx %parallel_loop3A_288[%parallel_loop3A_234] : memref<816xf32, #tpu.memory_space<vmem>>[vector<16xi32>], vector<16xf32>,
          %parallel_loop3A_290 = arith.addf %parallel_loop3A_279, %parallel_loop3A_281 : vector<16xf32>
          %parallel_loop3A_291 = arith.addf %parallel_loop3A_283, %parallel_loop3A_285 : vector<16xf32>
          %parallel_loop3A_292 = arith.addf %parallel_loop3A_290, %parallel_loop3A_291 : vector<16xf32>
          %parallel_loop3A_293 = arith.addf %parallel_loop3A_287, %parallel_loop3A_289 : vector<16xf32>
          %parallel_loop3A_294 = arith.addf %parallel_loop3A_292, %parallel_loop3A_293 : vector<16xf32>
          %parallel_loop3A_295 = arith.constant 0 : i32
          %parallel_loop3A_296 = arith.constant 1 : i32
          %parallel_loop3A_297 = arith.index_cast %parallel_loop3A_295 : i32 to index
          %parallel_loop3A_298 = arith.index_cast %parallel_loop3A_296 : i32 to index
          %parallel_loop3A_299 = arith.index_cast %parallel_loop3A_186 : i32 to index
          %parallel_loop3A_300 = tpu.vector_load %arg7[%parallel_loop3A_297, %parallel_loop3A_298, %parallel_loop3A_299] {strides = array<i32>} : memref<2x8x625xf32, #tpu.memory_space<vmem>>, vector<16xf32>,
          tpu.vector_store %arg7[%parallel_loop3A_297, %parallel_loop3A_298, %parallel_loop3A_299], %parallel_loop3A_294 {strides = array<i32>} : memref<2x8x625xf32, #tpu.memory_space<vmem>>, vector<16xf32>,
          %parallel_loop3A_301 = arith.constant 2 : i32
          %parallel_loop3A_302 = arith.muli %scan3A_131, %parallel_loop3A_301 : i32
          %parallel_loop3A_303 = arith.constant 0 : i32
          %parallel_loop3A_304 = arith.addi %parallel_loop3A_302, %parallel_loop3A_303 : i32
          %parallel_loop3A_305 = arith.constant 8 : i32
          %parallel_loop3A_306 = arith.muli %parallel_loop3A_304, %parallel_loop3A_305 : i32
          %parallel_loop3A_307 = arith.constant 2 : i32
          %parallel_loop3A_308 = arith.addi %parallel_loop3A_306, %parallel_loop3A_307 : i32
          %parallel_loop3A_309 = arith.constant 816 : i32
          %parallel_loop3A_310 = arith.muli %parallel_loop3A_308, %parallel_loop3A_309 : i32
          %parallel_loop3A_311 = tpu.memref_slice %arg5[%parallel_loop3A_310] : memref<104448xf32, #tpu.memory_space<vmem>> -> memref<816xf32, #tpu.memory_space<vmem>>
          %parallel_loop3A_312 = tpu.vector_load_idx %parallel_loop3A_311[%parallel_loop3A_194] : memref<816xf32, #tpu.memory_space<vmem>>[vector<16xi32>], vector<16xf32>,
          %parallel_loop3A_313 = tpu.memref_slice %arg5[%parallel_loop3A_310] : memref<104448xf32, #tpu.memory_space<vmem>> -> memref<816xf32, #tpu.memory_space<vmem>>
          %parallel_loop3A_314 = tpu.vector_load_idx %parallel_loop3A_313[%parallel_loop3A_202] : memref<816xf32, #tpu.memory_space<vmem>>[vector<16xi32>], vector<16xf32>,
          %parallel_loop3A_315 = tpu.memref_slice %arg5[%parallel_loop3A_310] : memref<104448xf32, #tpu.memory_space<vmem>> -> memref<816xf32, #tpu.memory_space<vmem>>
          %parallel_loop3A_316 = tpu.vector_load_idx %parallel_loop3A_315[%parallel_loop3A_210] : memref<816xf32, #tpu.memory_space<vmem>>[vector<16xi32>], vector<16xf32>,
          %parallel_loop3A_317 = tpu.memref_slice %arg5[%parallel_loop3A_310] : memref<104448xf32, #tpu.memory_space<vmem>> -> memref<816xf32, #tpu.memory_space<vmem>>
          %parallel_loop3A_318 = tpu.vector_load_idx %parallel_loop3A_317[%parallel_loop3A_218] : memref<816xf32, #tpu.memory_space<vmem>>[vector<16xi32>], vector<16xf32>,
          %parallel_loop3A_319 = tpu.memref_slice %arg5[%parallel_loop3A_310] : memref<104448xf32, #tpu.memory_space<vmem>> -> memref<816xf32, #tpu.memory_space<vmem>>
          %parallel_loop3A_320 = tpu.vector_load_idx %parallel_loop3A_319[%parallel_loop3A_226] : memref<816xf32, #tpu.memory_space<vmem>>[vector<16xi32>], vector<16xf32>,
          %parallel_loop3A_321 = tpu.memref_slice %arg5[%parallel_loop3A_310] : memref<104448xf32, #tpu.memory_space<vmem>> -> memref<816xf32, #tpu.memory_space<vmem>>
          %parallel_loop3A_322 = tpu.vector_load_idx %parallel_loop3A_321[%parallel_loop3A_234] : memref<816xf32, #tpu.memory_space<vmem>>[vector<16xi32>], vector<16xf32>,
          %parallel_loop3A_323 = arith.addf %parallel_loop3A_312, %parallel_loop3A_314 : vector<16xf32>
          %parallel_loop3A_324 = arith.addf %parallel_loop3A_316, %parallel_loop3A_318 : vector<16xf32>
          %parallel_loop3A_325 = arith.addf %parallel_loop3A_323, %parallel_loop3A_324 : vector<16xf32>
          %parallel_loop3A_326 = arith.addf %parallel_loop3A_320, %parallel_loop3A_322 : vector<16xf32>
          %parallel_loop3A_327 = arith.addf %parallel_loop3A_325, %parallel_loop3A_326 : vector<16xf32>
          %parallel_loop3A_328 = arith.constant 0 : i32
          %parallel_loop3A_329 = arith.constant 2 : i32
          %parallel_loop3A_330 = arith.index_cast %parallel_loop3A_328 : i32 to index
          %parallel_loop3A_331 = arith.index_cast %parallel_loop3A_329 : i32 to index
          %parallel_loop3A_332 = arith.index_cast %parallel_loop3A_186 : i32 to index
          %parallel_loop3A_333 = tpu.vector_load %arg7[%parallel_loop3A_330, %parallel_loop3A_331, %parallel_loop3A_332] {strides = array<i32>} : memref<2x8x625xf32, #tpu.memory_space<vmem>>, vector<16xf32>,
          tpu.vector_store %arg7[%parallel_loop3A_330, %parallel_loop3A_331, %parallel_loop3A_332], %parallel_loop3A_327 {strides = array<i32>} : memref<2x8x625xf32, #tpu.memory_space<vmem>>, vector<16xf32>,
          %parallel_loop3A_334 = arith.constant 2 : i32
          %parallel_loop3A_335 = arith.muli %scan3A_131, %parallel_loop3A_334 : i32
          %parallel_loop3A_336 = arith.constant 0 : i32
          %parallel_loop3A_337 = arith.addi %parallel_loop3A_335, %parallel_loop3A_336 : i32
          %parallel_loop3A_338 = arith.constant 8 : i32
          %parallel_loop3A_339 = arith.muli %parallel_loop3A_337, %parallel_loop3A_338 : i32
          %parallel_loop3A_340 = arith.constant 3 : i32
          %parallel_loop3A_341 = arith.addi %parallel_loop3A_339, %parallel_loop3A_340 : i32
          %parallel_loop3A_342 = arith.constant 816 : i32
          %parallel_loop3A_343 = arith.muli %parallel_loop3A_341, %parallel_loop3A_342 : i32
          %parallel_loop3A_344 = tpu.memref_slice %arg5[%parallel_loop3A_343] : memref<104448xf32, #tpu.memory_space<vmem>> -> memref<816xf32, #tpu.memory_space<vmem>>
          %parallel_loop3A_345 = tpu.vector_load_idx %parallel_loop3A_344[%parallel_loop3A_194] : memref<816xf32, #tpu.memory_space<vmem>>[vector<16xi32>], vector<16xf32>,
          %parallel_loop3A_346 = tpu.memref_slice %arg5[%parallel_loop3A_343] : memref<104448xf32, #tpu.memory_space<vmem>> -> memref<816xf32, #tpu.memory_space<vmem>>
          %parallel_loop3A_347 = tpu.vector_load_idx %parallel_loop3A_346[%parallel_loop3A_202] : memref<816xf32, #tpu.memory_space<vmem>>[vector<16xi32>], vector<16xf32>,
          %parallel_loop3A_348 = tpu.memref_slice %arg5[%parallel_loop3A_343] : memref<104448xf32, #tpu.memory_space<vmem>> -> memref<816xf32, #tpu.memory_space<vmem>>
          %parallel_loop3A_349 = tpu.vector_load_idx %parallel_loop3A_348[%parallel_loop3A_210] : memref<816xf32, #tpu.memory_space<vmem>>[vector<16xi32>], vector<16xf32>,
          %parallel_loop3A_350 = tpu.memref_slice %arg5[%parallel_loop3A_343] : memref<104448xf32, #tpu.memory_space<vmem>> -> memref<816xf32, #tpu.memory_space<vmem>>
          %parallel_loop3A_351 = tpu.vector_load_idx %parallel_loop3A_350[%parallel_loop3A_218] : memref<816xf32, #tpu.memory_space<vmem>>[vector<16xi32>], vector<16xf32>,
          %parallel_loop3A_352 = tpu.memref_slice %arg5[%parallel_loop3A_343] : memref<104448xf32, #tpu.memory_space<vmem>> -> memref<816xf32, #tpu.memory_space<vmem>>
          %parallel_loop3A_353 = tpu.vector_load_idx %parallel_loop3A_352[%parallel_loop3A_226] : memref<816xf32, #tpu.memory_space<vmem>>[vector<16xi32>], vector<16xf32>,
          %parallel_loop3A_354 = tpu.memref_slice %arg5[%parallel_loop3A_343] : memref<104448xf32, #tpu.memory_space<vmem>> -> memref<816xf32, #tpu.memory_space<vmem>>
          %parallel_loop3A_355 = tpu.vector_load_idx %parallel_loop3A_354[%parallel_loop3A_234] : memref<816xf32, #tpu.memory_space<vmem>>[vector<16xi32>], vector<16xf32>,
          %parallel_loop3A_356 = arith.addf %parallel_loop3A_345, %parallel_loop3A_347 : vector<16xf32>
          %parallel_loop3A_357 = arith.addf %parallel_loop3A_349, %parallel_loop3A_351 : vector<16xf32>
          %parallel_loop3A_358 = arith.addf %parallel_loop3A_356, %parallel_loop3A_357 : vector<16xf32>
          %parallel_loop3A_359 = arith.addf %parallel_loop3A_353, %parallel_loop3A_355 : vector<16xf32>
          %parallel_loop3A_360 = arith.addf %parallel_loop3A_358, %parallel_loop3A_359 : vector<16xf32>
          %parallel_loop3A_361 = arith.constant 0 : i32
          %parallel_loop3A_362 = arith.constant 3 : i32
          %parallel_loop3A_363 = arith.index_cast %parallel_loop3A_361 : i32 to index
          %parallel_loop3A_364 = arith.index_cast %parallel_loop3A_362 : i32 to index
          %parallel_loop3A_365 = arith.index_cast %parallel_loop3A_186 : i32 to index
          %parallel_loop3A_366 = tpu.vector_load %arg7[%parallel_loop3A_363, %parallel_loop3A_364, %parallel_loop3A_365] {strides = array<i32>} : memref<2x8x625xf32, #tpu.memory_space<vmem>>, vector<16xf32>,
          tpu.vector_store %arg7[%parallel_loop3A_363, %parallel_loop3A_364, %parallel_loop3A_365], %parallel_loop3A_360 {strides = array<i32>} : memref<2x8x625xf32, #tpu.memory_space<vmem>>, vector<16xf32>,
          %parallel_loop3A_367 = arith.constant 2 : i32
          %parallel_loop3A_368 = arith.muli %scan3A_131, %parallel_loop3A_367 : i32
          %parallel_loop3A_369 = arith.constant 0 : i32
          %parallel_loop3A_370 = arith.addi %parallel_loop3A_368, %parallel_loop3A_369 : i32
          %parallel_loop3A_371 = arith.constant 8 : i32
          %parallel_loop3A_372 = arith.muli %parallel_loop3A_370, %parallel_loop3A_371 : i32
          %parallel_loop3A_373 = arith.constant 4 : i32
          %parallel_loop3A_374 = arith.addi %parallel_loop3A_372, %parallel_loop3A_373 : i32
          %parallel_loop3A_375 = arith.constant 816 : i32
          %parallel_loop3A_376 = arith.muli %parallel_loop3A_374, %parallel_loop3A_375 : i32
          %parallel_loop3A_377 = tpu.memref_slice %arg5[%parallel_loop3A_376] : memref<104448xf32, #tpu.memory_space<vmem>> -> memref<816xf32, #tpu.memory_space<vmem>>
          %parallel_loop3A_378 = tpu.vector_load_idx %parallel_loop3A_377[%parallel_loop3A_194] : memref<816xf32, #tpu.memory_space<vmem>>[vector<16xi32>], vector<16xf32>,
          %parallel_loop3A_379 = tpu.memref_slice %arg5[%parallel_loop3A_376] : memref<104448xf32, #tpu.memory_space<vmem>> -> memref<816xf32, #tpu.memory_space<vmem>>
          %parallel_loop3A_380 = tpu.vector_load_idx %parallel_loop3A_379[%parallel_loop3A_202] : memref<816xf32, #tpu.memory_space<vmem>>[vector<16xi32>], vector<16xf32>,
          %parallel_loop3A_381 = tpu.memref_slice %arg5[%parallel_loop3A_376] : memref<104448xf32, #tpu.memory_space<vmem>> -> memref<816xf32, #tpu.memory_space<vmem>>
          %parallel_loop3A_382 = tpu.vector_load_idx %parallel_loop3A_381[%parallel_loop3A_210] : memref<816xf32, #tpu.memory_space<vmem>>[vector<16xi32>], vector<16xf32>,
          %parallel_loop3A_383 = tpu.memref_slice %arg5[%parallel_loop3A_376] : memref<104448xf32, #tpu.memory_space<vmem>> -> memref<816xf32, #tpu.memory_space<vmem>>
          %parallel_loop3A_384 = tpu.vector_load_idx %parallel_loop3A_383[%parallel_loop3A_218] : memref<816xf32, #tpu.memory_space<vmem>>[vector<16xi32>], vector<16xf32>,
          %parallel_loop3A_385 = tpu.memref_slice %arg5[%parallel_loop3A_376] : memref<104448xf32, #tpu.memory_space<vmem>> -> memref<816xf32, #tpu.memory_space<vmem>>
          %parallel_loop3A_386 = tpu.vector_load_idx %parallel_loop3A_385[%parallel_loop3A_226] : memref<816xf32, #tpu.memory_space<vmem>>[vector<16xi32>], vector<16xf32>,
          %parallel_loop3A_387 = tpu.memref_slice %arg5[%parallel_loop3A_376] : memref<104448xf32, #tpu.memory_space<vmem>> -> memref<816xf32, #tpu.memory_space<vmem>>
          %parallel_loop3A_388 = tpu.vector_load_idx %parallel_loop3A_387[%parallel_loop3A_234] : memref<816xf32, #tpu.memory_space<vmem>>[vector<16xi32>], vector<16xf32>,
          %parallel_loop3A_389 = arith.addf %parallel_loop3A_378, %parallel_loop3A_380 : vector<16xf32>
          %parallel_loop3A_390 = arith.addf %parallel_loop3A_382, %parallel_loop3A_384 : vector<16xf32>
          %parallel_loop3A_391 = arith.addf %parallel_loop3A_389, %parallel_loop3A_390 : vector<16xf32>
          %parallel_loop3A_392 = arith.addf %parallel_loop3A_386, %parallel_loop3A_388 : vector<16xf32>
          %parallel_loop3A_393 = arith.addf %parallel_loop3A_391, %parallel_loop3A_392 : vector<16xf32>
          %parallel_loop3A_394 = arith.constant 0 : i32
          %parallel_loop3A_395 = arith.constant 4 : i32
          %parallel_loop3A_396 = arith.index_cast %parallel_loop3A_394 : i32 to index
          %parallel_loop3A_397 = arith.index_cast %parallel_loop3A_395 : i32 to index
          %parallel_loop3A_398 = arith.index_cast %parallel_loop3A_186 : i32 to index
          %parallel_loop3A_399 = tpu.vector_load %arg7[%parallel_loop3A_396, %parallel_loop3A_397, %parallel_loop3A_398] {strides = array<i32>} : memref<2x8x625xf32, #tpu.memory_space<vmem>>, vector<16xf32>,
          tpu.vector_store %arg7[%parallel_loop3A_396, %parallel_loop3A_397, %parallel_loop3A_398], %parallel_loop3A_393 {strides = array<i32>} : memref<2x8x625xf32, #tpu.memory_space<vmem>>, vector<16xf32>,
          %parallel_loop3A_400 = arith.constant 2 : i32
          %parallel_loop3A_401 = arith.muli %scan3A_131, %parallel_loop3A_400 : i32
          %parallel_loop3A_402 = arith.constant 0 : i32
          %parallel_loop3A_403 = arith.addi %parallel_loop3A_401, %parallel_loop3A_402 : i32
          %parallel_loop3A_404 = arith.constant 8 : i32
          %parallel_loop3A_405 = arith.muli %parallel_loop3A_403, %parallel_loop3A_404 : i32
          %parallel_loop3A_406 = arith.constant 5 : i32
          %parallel_loop3A_407 = arith.addi %parallel_loop3A_405, %parallel_loop3A_406 : i32
          %parallel_loop3A_408 = arith.constant 816 : i32
          %parallel_loop3A_409 = arith.muli %parallel_loop3A_407, %parallel_loop3A_408 : i32
          %parallel_loop3A_410 = tpu.memref_slice %arg5[%parallel_loop3A_409] : memref<104448xf32, #tpu.memory_space<vmem>> -> memref<816xf32, #tpu.memory_space<vmem>>
          %parallel_loop3A_411 = tpu.vector_load_idx %parallel_loop3A_410[%parallel_loop3A_194] : memref<816xf32, #tpu.memory_space<vmem>>[vector<16xi32>], vector<16xf32>,
          %parallel_loop3A_412 = tpu.memref_slice %arg5[%parallel_loop3A_409] : memref<104448xf32, #tpu.memory_space<vmem>> -> memref<816xf32, #tpu.memory_space<vmem>>
          %parallel_loop3A_413 = tpu.vector_load_idx %parallel_loop3A_412[%parallel_loop3A_202] : memref<816xf32, #tpu.memory_space<vmem>>[vector<16xi32>], vector<16xf32>,
          %parallel_loop3A_414 = tpu.memref_slice %arg5[%parallel_loop3A_409] : memref<104448xf32, #tpu.memory_space<vmem>> -> memref<816xf32, #tpu.memory_space<vmem>>
          %parallel_loop3A_415 = tpu.vector_load_idx %parallel_loop3A_414[%parallel_loop3A_210] : memref<816xf32, #tpu.memory_space<vmem>>[vector<16xi32>], vector<16xf32>,
          %parallel_loop3A_416 = tpu.memref_slice %arg5[%parallel_loop3A_409] : memref<104448xf32, #tpu.memory_space<vmem>> -> memref<816xf32, #tpu.memory_space<vmem>>
          %parallel_loop3A_417 = tpu.vector_load_idx %parallel_loop3A_416[%parallel_loop3A_218] : memref<816xf32, #tpu.memory_space<vmem>>[vector<16xi32>], vector<16xf32>,
          %parallel_loop3A_418 = tpu.memref_slice %arg5[%parallel_loop3A_409] : memref<104448xf32, #tpu.memory_space<vmem>> -> memref<816xf32, #tpu.memory_space<vmem>>
          %parallel_loop3A_419 = tpu.vector_load_idx %parallel_loop3A_418[%parallel_loop3A_226] : memref<816xf32, #tpu.memory_space<vmem>>[vector<16xi32>], vector<16xf32>,
          %parallel_loop3A_420 = tpu.memref_slice %arg5[%parallel_loop3A_409] : memref<104448xf32, #tpu.memory_space<vmem>> -> memref<816xf32, #tpu.memory_space<vmem>>
          %parallel_loop3A_421 = tpu.vector_load_idx %parallel_loop3A_420[%parallel_loop3A_234] : memref<816xf32, #tpu.memory_space<vmem>>[vector<16xi32>], vector<16xf32>,
          %parallel_loop3A_422 = arith.addf %parallel_loop3A_411, %parallel_loop3A_413 : vector<16xf32>
          %parallel_loop3A_423 = arith.addf %parallel_loop3A_415, %parallel_loop3A_417 : vector<16xf32>
          %parallel_loop3A_424 = arith.addf %parallel_loop3A_422, %parallel_loop3A_423 : vector<16xf32>
          %parallel_loop3A_425 = arith.addf %parallel_loop3A_419, %parallel_loop3A_421 : vector<16xf32>
          %parallel_loop3A_426 = arith.addf %parallel_loop3A_424, %parallel_loop3A_425 : vector<16xf32>
          %parallel_loop3A_427 = arith.constant 0 : i32
          %parallel_loop3A_428 = arith.constant 5 : i32
          %parallel_loop3A_429 = arith.index_cast %parallel_loop3A_427 : i32 to index
          %parallel_loop3A_430 = arith.index_cast %parallel_loop3A_428 : i32 to index
          %parallel_loop3A_431 = arith.index_cast %parallel_loop3A_186 : i32 to index
          %parallel_loop3A_432 = tpu.vector_load %arg7[%parallel_loop3A_429, %parallel_loop3A_430, %parallel_loop3A_431] {strides = array<i32>} : memref<2x8x625xf32, #tpu.memory_space<vmem>>, vector<16xf32>,
          tpu.vector_store %arg7[%parallel_loop3A_429, %parallel_loop3A_430, %parallel_loop3A_431], %parallel_loop3A_426 {strides = array<i32>} : memref<2x8x625xf32, #tpu.memory_space<vmem>>, vector<16xf32>,
          %parallel_loop3A_433 = arith.constant 2 : i32
          %parallel_loop3A_434 = arith.muli %scan3A_131, %parallel_loop3A_433 : i32
          %parallel_loop3A_435 = arith.constant 0 : i32
          %parallel_loop3A_436 = arith.addi %parallel_loop3A_434, %parallel_loop3A_435 : i32
          %parallel_loop3A_437 = arith.constant 8 : i32
          %parallel_loop3A_438 = arith.muli %parallel_loop3A_436, %parallel_loop3A_437 : i32
          %parallel_loop3A_439 = arith.constant 6 : i32
          %parallel_loop3A_440 = arith.addi %parallel_loop3A_438, %parallel_loop3A_439 : i32
          %parallel_loop3A_441 = arith.constant 816 : i32
          %parallel_loop3A_442 = arith.muli %parallel_loop3A_440, %parallel_loop3A_441 : i32
          %parallel_loop3A_443 = tpu.memref_slice %arg5[%parallel_loop3A_442] : memref<104448xf32, #tpu.memory_space<vmem>> -> memref<816xf32, #tpu.memory_space<vmem>>
          %parallel_loop3A_444 = tpu.vector_load_idx %parallel_loop3A_443[%parallel_loop3A_194] : memref<816xf32, #tpu.memory_space<vmem>>[vector<16xi32>], vector<16xf32>,
          %parallel_loop3A_445 = tpu.memref_slice %arg5[%parallel_loop3A_442] : memref<104448xf32, #tpu.memory_space<vmem>> -> memref<816xf32, #tpu.memory_space<vmem>>
          %parallel_loop3A_446 = tpu.vector_load_idx %parallel_loop3A_445[%parallel_loop3A_202] : memref<816xf32, #tpu.memory_space<vmem>>[vector<16xi32>], vector<16xf32>,
          %parallel_loop3A_447 = tpu.memref_slice %arg5[%parallel_loop3A_442] : memref<104448xf32, #tpu.memory_space<vmem>> -> memref<816xf32, #tpu.memory_space<vmem>>
          %parallel_loop3A_448 = tpu.vector_load_idx %parallel_loop3A_447[%parallel_loop3A_210] : memref<816xf32, #tpu.memory_space<vmem>>[vector<16xi32>], vector<16xf32>,
          %parallel_loop3A_449 = tpu.memref_slice %arg5[%parallel_loop3A_442] : memref<104448xf32, #tpu.memory_space<vmem>> -> memref<816xf32, #tpu.memory_space<vmem>>
          %parallel_loop3A_450 = tpu.vector_load_idx %parallel_loop3A_449[%parallel_loop3A_218] : memref<816xf32, #tpu.memory_space<vmem>>[vector<16xi32>], vector<16xf32>,
          %parallel_loop3A_451 = tpu.memref_slice %arg5[%parallel_loop3A_442] : memref<104448xf32, #tpu.memory_space<vmem>> -> memref<816xf32, #tpu.memory_space<vmem>>
          %parallel_loop3A_452 = tpu.vector_load_idx %parallel_loop3A_451[%parallel_loop3A_226] : memref<816xf32, #tpu.memory_space<vmem>>[vector<16xi32>], vector<16xf32>,
          %parallel_loop3A_453 = tpu.memref_slice %arg5[%parallel_loop3A_442] : memref<104448xf32, #tpu.memory_space<vmem>> -> memref<816xf32, #tpu.memory_space<vmem>>
          %parallel_loop3A_454 = tpu.vector_load_idx %parallel_loop3A_453[%parallel_loop3A_234] : memref<816xf32, #tpu.memory_space<vmem>>[vector<16xi32>], vector<16xf32>,
          %parallel_loop3A_455 = arith.addf %parallel_loop3A_444, %parallel_loop3A_446 : vector<16xf32>
          %parallel_loop3A_456 = arith.addf %parallel_loop3A_448, %parallel_loop3A_450 : vector<16xf32>
          %parallel_loop3A_457 = arith.addf %parallel_loop3A_455, %parallel_loop3A_456 : vector<16xf32>
          %parallel_loop3A_458 = arith.addf %parallel_loop3A_452, %parallel_loop3A_454 : vector<16xf32>
          %parallel_loop3A_459 = arith.addf %parallel_loop3A_457, %parallel_loop3A_458 : vector<16xf32>
          %parallel_loop3A_460 = arith.constant 0 : i32
          %parallel_loop3A_461 = arith.constant 6 : i32
          %parallel_loop3A_462 = arith.index_cast %parallel_loop3A_460 : i32 to index
          %parallel_loop3A_463 = arith.index_cast %parallel_loop3A_461 : i32 to index
          %parallel_loop3A_464 = arith.index_cast %parallel_loop3A_186 : i32 to index
          %parallel_loop3A_465 = tpu.vector_load %arg7[%parallel_loop3A_462, %parallel_loop3A_463, %parallel_loop3A_464] {strides = array<i32>} : memref<2x8x625xf32, #tpu.memory_space<vmem>>, vector<16xf32>,
          tpu.vector_store %arg7[%parallel_loop3A_462, %parallel_loop3A_463, %parallel_loop3A_464], %parallel_loop3A_459 {strides = array<i32>} : memref<2x8x625xf32, #tpu.memory_space<vmem>>, vector<16xf32>,
          %parallel_loop3A_466 = arith.constant 2 : i32
          %parallel_loop3A_467 = arith.muli %scan3A_131, %parallel_loop3A_466 : i32
          %parallel_loop3A_468 = arith.constant 0 : i32
          %parallel_loop3A_469 = arith.addi %parallel_loop3A_467, %parallel_loop3A_468 : i32
          %parallel_loop3A_470 = arith.constant 8 : i32
          %parallel_loop3A_471 = arith.muli %parallel_loop3A_469, %parallel_loop3A_470 : i32
          %parallel_loop3A_472 = arith.constant 7 : i32
          %parallel_loop3A_473 = arith.addi %parallel_loop3A_471, %parallel_loop3A_472 : i32
          %parallel_loop3A_474 = arith.constant 816 : i32
          %parallel_loop3A_475 = arith.muli %parallel_loop3A_473, %parallel_loop3A_474 : i32
          %parallel_loop3A_476 = tpu.memref_slice %arg5[%parallel_loop3A_475] : memref<104448xf32, #tpu.memory_space<vmem>> -> memref<816xf32, #tpu.memory_space<vmem>>
          %parallel_loop3A_477 = tpu.vector_load_idx %parallel_loop3A_476[%parallel_loop3A_194] : memref<816xf32, #tpu.memory_space<vmem>>[vector<16xi32>], vector<16xf32>,
          %parallel_loop3A_478 = tpu.memref_slice %arg5[%parallel_loop3A_475] : memref<104448xf32, #tpu.memory_space<vmem>> -> memref<816xf32, #tpu.memory_space<vmem>>
          %parallel_loop3A_479 = tpu.vector_load_idx %parallel_loop3A_478[%parallel_loop3A_202] : memref<816xf32, #tpu.memory_space<vmem>>[vector<16xi32>], vector<16xf32>,
          %parallel_loop3A_480 = tpu.memref_slice %arg5[%parallel_loop3A_475] : memref<104448xf32, #tpu.memory_space<vmem>> -> memref<816xf32, #tpu.memory_space<vmem>>
          %parallel_loop3A_481 = tpu.vector_load_idx %parallel_loop3A_480[%parallel_loop3A_210] : memref<816xf32, #tpu.memory_space<vmem>>[vector<16xi32>], vector<16xf32>,
          %parallel_loop3A_482 = tpu.memref_slice %arg5[%parallel_loop3A_475] : memref<104448xf32, #tpu.memory_space<vmem>> -> memref<816xf32, #tpu.memory_space<vmem>>
          %parallel_loop3A_483 = tpu.vector_load_idx %parallel_loop3A_482[%parallel_loop3A_218] : memref<816xf32, #tpu.memory_space<vmem>>[vector<16xi32>], vector<16xf32>,
          %parallel_loop3A_484 = tpu.memref_slice %arg5[%parallel_loop3A_475] : memref<104448xf32, #tpu.memory_space<vmem>> -> memref<816xf32, #tpu.memory_space<vmem>>
          %parallel_loop3A_485 = tpu.vector_load_idx %parallel_loop3A_484[%parallel_loop3A_226] : memref<816xf32, #tpu.memory_space<vmem>>[vector<16xi32>], vector<16xf32>,
          %parallel_loop3A_486 = tpu.memref_slice %arg5[%parallel_loop3A_475] : memref<104448xf32, #tpu.memory_space<vmem>> -> memref<816xf32, #tpu.memory_space<vmem>>
          %parallel_loop3A_487 = tpu.vector_load_idx %parallel_loop3A_486[%parallel_loop3A_234] : memref<816xf32, #tpu.memory_space<vmem>>[vector<16xi32>], vector<16xf32>,
          %parallel_loop3A_488 = arith.addf %parallel_loop3A_477, %parallel_loop3A_479 : vector<16xf32>
          %parallel_loop3A_489 = arith.addf %parallel_loop3A_481, %parallel_loop3A_483 : vector<16xf32>
          %parallel_loop3A_490 = arith.addf %parallel_loop3A_488, %parallel_loop3A_489 : vector<16xf32>
          %parallel_loop3A_491 = arith.addf %parallel_loop3A_485, %parallel_loop3A_487 : vector<16xf32>
          %parallel_loop3A_492 = arith.addf %parallel_loop3A_490, %parallel_loop3A_491 : vector<16xf32>
          %parallel_loop3A_493 = arith.constant 0 : i32
          %parallel_loop3A_494 = arith.constant 7 : i32
          %parallel_loop3A_495 = arith.index_cast %parallel_loop3A_493 : i32 to index
          %parallel_loop3A_496 = arith.index_cast %parallel_loop3A_494 : i32 to index
          %parallel_loop3A_497 = arith.index_cast %parallel_loop3A_186 : i32 to index
          %parallel_loop3A_498 = tpu.vector_load %arg7[%parallel_loop3A_495, %parallel_loop3A_496, %parallel_loop3A_497] {strides = array<i32>} : memref<2x8x625xf32, #tpu.memory_space<vmem>>, vector<16xf32>,
          tpu.vector_store %arg7[%parallel_loop3A_495, %parallel_loop3A_496, %parallel_loop3A_497], %parallel_loop3A_492 {strides = array<i32>} : memref<2x8x625xf32, #tpu.memory_space<vmem>>, vector<16xf32>,
          %parallel_loop3A_499 = arith.constant 2 : i32
          %parallel_loop3A_500 = arith.muli %scan3A_131, %parallel_loop3A_499 : i32
          %parallel_loop3A_501 = arith.constant 1 : i32
          %parallel_loop3A_502 = arith.addi %parallel_loop3A_500, %parallel_loop3A_501 : i32
          %parallel_loop3A_503 = arith.constant 8 : i32
          %parallel_loop3A_504 = arith.muli %parallel_loop3A_502, %parallel_loop3A_503 : i32
          %parallel_loop3A_505 = arith.constant 0 : i32
          %parallel_loop3A_506 = arith.addi %parallel_loop3A_504, %parallel_loop3A_505 : i32
          %parallel_loop3A_507 = arith.constant 816 : i32
          %parallel_loop3A_508 = arith.muli %parallel_loop3A_506, %parallel_loop3A_507 : i32
          %parallel_loop3A_509 = tpu.memref_slice %arg5[%parallel_loop3A_508] : memref<104448xf32, #tpu.memory_space<vmem>> -> memref<816xf32, #tpu.memory_space<vmem>>
          %parallel_loop3A_510 = tpu.vector_load_idx %parallel_loop3A_509[%parallel_loop3A_194] : memref<816xf32, #tpu.memory_space<vmem>>[vector<16xi32>], vector<16xf32>,
          %parallel_loop3A_511 = tpu.memref_slice %arg5[%parallel_loop3A_508] : memref<104448xf32, #tpu.memory_space<vmem>> -> memref<816xf32, #tpu.memory_space<vmem>>
          %parallel_loop3A_512 = tpu.vector_load_idx %parallel_loop3A_511[%parallel_loop3A_202] : memref<816xf32, #tpu.memory_space<vmem>>[vector<16xi32>], vector<16xf32>,
          %parallel_loop3A_513 = tpu.memref_slice %arg5[%parallel_loop3A_508] : memref<104448xf32, #tpu.memory_space<vmem>> -> memref<816xf32, #tpu.memory_space<vmem>>
          %parallel_loop3A_514 = tpu.vector_load_idx %parallel_loop3A_513[%parallel_loop3A_210] : memref<816xf32, #tpu.memory_space<vmem>>[vector<16xi32>], vector<16xf32>,
          %parallel_loop3A_515 = tpu.memref_slice %arg5[%parallel_loop3A_508] : memref<104448xf32, #tpu.memory_space<vmem>> -> memref<816xf32, #tpu.memory_space<vmem>>
          %parallel_loop3A_516 = tpu.vector_load_idx %parallel_loop3A_515[%parallel_loop3A_218] : memref<816xf32, #tpu.memory_space<vmem>>[vector<16xi32>], vector<16xf32>,
          %parallel_loop3A_517 = tpu.memref_slice %arg5[%parallel_loop3A_508] : memref<104448xf32, #tpu.memory_space<vmem>> -> memref<816xf32, #tpu.memory_space<vmem>>
          %parallel_loop3A_518 = tpu.vector_load_idx %parallel_loop3A_517[%parallel_loop3A_226] : memref<816xf32, #tpu.memory_space<vmem>>[vector<16xi32>], vector<16xf32>,
          %parallel_loop3A_519 = tpu.memref_slice %arg5[%parallel_loop3A_508] : memref<104448xf32, #tpu.memory_space<vmem>> -> memref<816xf32, #tpu.memory_space<vmem>>
          %parallel_loop3A_520 = tpu.vector_load_idx %parallel_loop3A_519[%parallel_loop3A_234] : memref<816xf32, #tpu.memory_space<vmem>>[vector<16xi32>], vector<16xf32>,
          %parallel_loop3A_521 = arith.addf %parallel_loop3A_510, %parallel_loop3A_512 : vector<16xf32>
          %parallel_loop3A_522 = arith.addf %parallel_loop3A_514, %parallel_loop3A_516 : vector<16xf32>
          %parallel_loop3A_523 = arith.addf %parallel_loop3A_521, %parallel_loop3A_522 : vector<16xf32>
          %parallel_loop3A_524 = arith.addf %parallel_loop3A_518, %parallel_loop3A_520 : vector<16xf32>
          %parallel_loop3A_525 = arith.addf %parallel_loop3A_523, %parallel_loop3A_524 : vector<16xf32>
          %parallel_loop3A_526 = arith.constant 1 : i32
          %parallel_loop3A_527 = arith.constant 0 : i32
          %parallel_loop3A_528 = arith.index_cast %parallel_loop3A_526 : i32 to index
          %parallel_loop3A_529 = arith.index_cast %parallel_loop3A_527 : i32 to index
          %parallel_loop3A_530 = arith.index_cast %parallel_loop3A_186 : i32 to index
          %parallel_loop3A_531 = tpu.vector_load %arg7[%parallel_loop3A_528, %parallel_loop3A_529, %parallel_loop3A_530] {strides = array<i32>} : memref<2x8x625xf32, #tpu.memory_space<vmem>>, vector<16xf32>,
          tpu.vector_store %arg7[%parallel_loop3A_528, %parallel_loop3A_529, %parallel_loop3A_530], %parallel_loop3A_525 {strides = array<i32>} : memref<2x8x625xf32, #tpu.memory_space<vmem>>, vector<16xf32>,
          %parallel_loop3A_532 = arith.constant 2 : i32
          %parallel_loop3A_533 = arith.muli %scan3A_131, %parallel_loop3A_532 : i32
          %parallel_loop3A_534 = arith.constant 1 : i32
          %parallel_loop3A_535 = arith.addi %parallel_loop3A_533, %parallel_loop3A_534 : i32
          %parallel_loop3A_536 = arith.constant 8 : i32
          %parallel_loop3A_537 = arith.muli %parallel_loop3A_535, %parallel_loop3A_536 : i32
          %parallel_loop3A_538 = arith.constant 1 : i32
          %parallel_loop3A_539 = arith.addi %parallel_loop3A_537, %parallel_loop3A_538 : i32
          %parallel_loop3A_540 = arith.constant 816 : i32
          %parallel_loop3A_541 = arith.muli %parallel_loop3A_539, %parallel_loop3A_540 : i32
          %parallel_loop3A_542 = tpu.memref_slice %arg5[%parallel_loop3A_541] : memref<104448xf32, #tpu.memory_space<vmem>> -> memref<816xf32, #tpu.memory_space<vmem>>
          %parallel_loop3A_543 = tpu.vector_load_idx %parallel_loop3A_542[%parallel_loop3A_194] : memref<816xf32, #tpu.memory_space<vmem>>[vector<16xi32>], vector<16xf32>,
          %parallel_loop3A_544 = tpu.memref_slice %arg5[%parallel_loop3A_541] : memref<104448xf32, #tpu.memory_space<vmem>> -> memref<816xf32, #tpu.memory_space<vmem>>
          %parallel_loop3A_545 = tpu.vector_load_idx %parallel_loop3A_544[%parallel_loop3A_202] : memref<816xf32, #tpu.memory_space<vmem>>[vector<16xi32>], vector<16xf32>,
          %parallel_loop3A_546 = tpu.memref_slice %arg5[%parallel_loop3A_541] : memref<104448xf32, #tpu.memory_space<vmem>> -> memref<816xf32, #tpu.memory_space<vmem>>
          %parallel_loop3A_547 = tpu.vector_load_idx %parallel_loop3A_546[%parallel_loop3A_210] : memref<816xf32, #tpu.memory_space<vmem>>[vector<16xi32>], vector<16xf32>,
          %parallel_loop3A_548 = tpu.memref_slice %arg5[%parallel_loop3A_541] : memref<104448xf32, #tpu.memory_space<vmem>> -> memref<816xf32, #tpu.memory_space<vmem>>
          %parallel_loop3A_549 = tpu.vector_load_idx %parallel_loop3A_548[%parallel_loop3A_218] : memref<816xf32, #tpu.memory_space<vmem>>[vector<16xi32>], vector<16xf32>,
          %parallel_loop3A_550 = tpu.memref_slice %arg5[%parallel_loop3A_541] : memref<104448xf32, #tpu.memory_space<vmem>> -> memref<816xf32, #tpu.memory_space<vmem>>
          %parallel_loop3A_551 = tpu.vector_load_idx %parallel_loop3A_550[%parallel_loop3A_226] : memref<816xf32, #tpu.memory_space<vmem>>[vector<16xi32>], vector<16xf32>,
          %parallel_loop3A_552 = tpu.memref_slice %arg5[%parallel_loop3A_541] : memref<104448xf32, #tpu.memory_space<vmem>> -> memref<816xf32, #tpu.memory_space<vmem>>
          %parallel_loop3A_553 = tpu.vector_load_idx %parallel_loop3A_552[%parallel_loop3A_234] : memref<816xf32, #tpu.memory_space<vmem>>[vector<16xi32>], vector<16xf32>,
          %parallel_loop3A_554 = arith.addf %parallel_loop3A_543, %parallel_loop3A_545 : vector<16xf32>
          %parallel_loop3A_555 = arith.addf %parallel_loop3A_547, %parallel_loop3A_549 : vector<16xf32>
          %parallel_loop3A_556 = arith.addf %parallel_loop3A_554, %parallel_loop3A_555 : vector<16xf32>
          %parallel_loop3A_557 = arith.addf %parallel_loop3A_551, %parallel_loop3A_553 : vector<16xf32>
          %parallel_loop3A_558 = arith.addf %parallel_loop3A_556, %parallel_loop3A_557 : vector<16xf32>
          %parallel_loop3A_559 = arith.constant 1 : i32
          %parallel_loop3A_560 = arith.constant 1 : i32
          %parallel_loop3A_561 = arith.index_cast %parallel_loop3A_559 : i32 to index
          %parallel_loop3A_562 = arith.index_cast %parallel_loop3A_560 : i32 to index
          %parallel_loop3A_563 = arith.index_cast %parallel_loop3A_186 : i32 to index
          %parallel_loop3A_564 = tpu.vector_load %arg7[%parallel_loop3A_561, %parallel_loop3A_562, %parallel_loop3A_563] {strides = array<i32>} : memref<2x8x625xf32, #tpu.memory_space<vmem>>, vector<16xf32>,
          tpu.vector_store %arg7[%parallel_loop3A_561, %parallel_loop3A_562, %parallel_loop3A_563], %parallel_loop3A_558 {strides = array<i32>} : memref<2x8x625xf32, #tpu.memory_space<vmem>>, vector<16xf32>,
          %parallel_loop3A_565 = arith.constant 2 : i32
          %parallel_loop3A_566 = arith.muli %scan3A_131, %parallel_loop3A_565 : i32
          %parallel_loop3A_567 = arith.constant 1 : i32
          %parallel_loop3A_568 = arith.addi %parallel_loop3A_566, %parallel_loop3A_567 : i32
          %parallel_loop3A_569 = arith.constant 8 : i32
          %parallel_loop3A_570 = arith.muli %parallel_loop3A_568, %parallel_loop3A_569 : i32
          %parallel_loop3A_571 = arith.constant 2 : i32
          %parallel_loop3A_572 = arith.addi %parallel_loop3A_570, %parallel_loop3A_571 : i32
          %parallel_loop3A_573 = arith.constant 816 : i32
          %parallel_loop3A_574 = arith.muli %parallel_loop3A_572, %parallel_loop3A_573 : i32
          %parallel_loop3A_575 = tpu.memref_slice %arg5[%parallel_loop3A_574] : memref<104448xf32, #tpu.memory_space<vmem>> -> memref<816xf32, #tpu.memory_space<vmem>>
          %parallel_loop3A_576 = tpu.vector_load_idx %parallel_loop3A_575[%parallel_loop3A_194] : memref<816xf32, #tpu.memory_space<vmem>>[vector<16xi32>], vector<16xf32>,
          %parallel_loop3A_577 = tpu.memref_slice %arg5[%parallel_loop3A_574] : memref<104448xf32, #tpu.memory_space<vmem>> -> memref<816xf32, #tpu.memory_space<vmem>>
          %parallel_loop3A_578 = tpu.vector_load_idx %parallel_loop3A_577[%parallel_loop3A_202] : memref<816xf32, #tpu.memory_space<vmem>>[vector<16xi32>], vector<16xf32>,
          %parallel_loop3A_579 = tpu.memref_slice %arg5[%parallel_loop3A_574] : memref<104448xf32, #tpu.memory_space<vmem>> -> memref<816xf32, #tpu.memory_space<vmem>>
          %parallel_loop3A_580 = tpu.vector_load_idx %parallel_loop3A_579[%parallel_loop3A_210] : memref<816xf32, #tpu.memory_space<vmem>>[vector<16xi32>], vector<16xf32>,
          %parallel_loop3A_581 = tpu.memref_slice %arg5[%parallel_loop3A_574] : memref<104448xf32, #tpu.memory_space<vmem>> -> memref<816xf32, #tpu.memory_space<vmem>>
          %parallel_loop3A_582 = tpu.vector_load_idx %parallel_loop3A_581[%parallel_loop3A_218] : memref<816xf32, #tpu.memory_space<vmem>>[vector<16xi32>], vector<16xf32>,
          %parallel_loop3A_583 = tpu.memref_slice %arg5[%parallel_loop3A_574] : memref<104448xf32, #tpu.memory_space<vmem>> -> memref<816xf32, #tpu.memory_space<vmem>>
          %parallel_loop3A_584 = tpu.vector_load_idx %parallel_loop3A_583[%parallel_loop3A_226] : memref<816xf32, #tpu.memory_space<vmem>>[vector<16xi32>], vector<16xf32>,
          %parallel_loop3A_585 = tpu.memref_slice %arg5[%parallel_loop3A_574] : memref<104448xf32, #tpu.memory_space<vmem>> -> memref<816xf32, #tpu.memory_space<vmem>>
          %parallel_loop3A_586 = tpu.vector_load_idx %parallel_loop3A_585[%parallel_loop3A_234] : memref<816xf32, #tpu.memory_space<vmem>>[vector<16xi32>], vector<16xf32>,
          %parallel_loop3A_587 = arith.addf %parallel_loop3A_576, %parallel_loop3A_578 : vector<16xf32>
          %parallel_loop3A_588 = arith.addf %parallel_loop3A_580, %parallel_loop3A_582 : vector<16xf32>
          %parallel_loop3A_589 = arith.addf %parallel_loop3A_587, %parallel_loop3A_588 : vector<16xf32>
          %parallel_loop3A_590 = arith.addf %parallel_loop3A_584, %parallel_loop3A_586 : vector<16xf32>
          %parallel_loop3A_591 = arith.addf %parallel_loop3A_589, %parallel_loop3A_590 : vector<16xf32>
          %parallel_loop3A_592 = arith.constant 1 : i32
          %parallel_loop3A_593 = arith.constant 2 : i32
          %parallel_loop3A_594 = arith.index_cast %parallel_loop3A_592 : i32 to index
          %parallel_loop3A_595 = arith.index_cast %parallel_loop3A_593 : i32 to index
          %parallel_loop3A_596 = arith.index_cast %parallel_loop3A_186 : i32 to index
          %parallel_loop3A_597 = tpu.vector_load %arg7[%parallel_loop3A_594, %parallel_loop3A_595, %parallel_loop3A_596] {strides = array<i32>} : memref<2x8x625xf32, #tpu.memory_space<vmem>>, vector<16xf32>,
          tpu.vector_store %arg7[%parallel_loop3A_594, %parallel_loop3A_595, %parallel_loop3A_596], %parallel_loop3A_591 {strides = array<i32>} : memref<2x8x625xf32, #tpu.memory_space<vmem>>, vector<16xf32>,
          %parallel_loop3A_598 = arith.constant 2 : i32
          %parallel_loop3A_599 = arith.muli %scan3A_131, %parallel_loop3A_598 : i32
          %parallel_loop3A_600 = arith.constant 1 : i32
          %parallel_loop3A_601 = arith.addi %parallel_loop3A_599, %parallel_loop3A_600 : i32
          %parallel_loop3A_602 = arith.constant 8 : i32
          %parallel_loop3A_603 = arith.muli %parallel_loop3A_601, %parallel_loop3A_602 : i32
          %parallel_loop3A_604 = arith.constant 3 : i32
          %parallel_loop3A_605 = arith.addi %parallel_loop3A_603, %parallel_loop3A_604 : i32
          %parallel_loop3A_606 = arith.constant 816 : i32
          %parallel_loop3A_607 = arith.muli %parallel_loop3A_605, %parallel_loop3A_606 : i32
          %parallel_loop3A_608 = tpu.memref_slice %arg5[%parallel_loop3A_607] : memref<104448xf32, #tpu.memory_space<vmem>> -> memref<816xf32, #tpu.memory_space<vmem>>
          %parallel_loop3A_609 = tpu.vector_load_idx %parallel_loop3A_608[%parallel_loop3A_194] : memref<816xf32, #tpu.memory_space<vmem>>[vector<16xi32>], vector<16xf32>,
          %parallel_loop3A_610 = tpu.memref_slice %arg5[%parallel_loop3A_607] : memref<104448xf32, #tpu.memory_space<vmem>> -> memref<816xf32, #tpu.memory_space<vmem>>
          %parallel_loop3A_611 = tpu.vector_load_idx %parallel_loop3A_610[%parallel_loop3A_202] : memref<816xf32, #tpu.memory_space<vmem>>[vector<16xi32>], vector<16xf32>,
          %parallel_loop3A_612 = tpu.memref_slice %arg5[%parallel_loop3A_607] : memref<104448xf32, #tpu.memory_space<vmem>> -> memref<816xf32, #tpu.memory_space<vmem>>
          %parallel_loop3A_613 = tpu.vector_load_idx %parallel_loop3A_612[%parallel_loop3A_210] : memref<816xf32, #tpu.memory_space<vmem>>[vector<16xi32>], vector<16xf32>,
          %parallel_loop3A_614 = tpu.memref_slice %arg5[%parallel_loop3A_607] : memref<104448xf32, #tpu.memory_space<vmem>> -> memref<816xf32, #tpu.memory_space<vmem>>
          %parallel_loop3A_615 = tpu.vector_load_idx %parallel_loop3A_614[%parallel_loop3A_218] : memref<816xf32, #tpu.memory_space<vmem>>[vector<16xi32>], vector<16xf32>,
          %parallel_loop3A_616 = tpu.memref_slice %arg5[%parallel_loop3A_607] : memref<104448xf32, #tpu.memory_space<vmem>> -> memref<816xf32, #tpu.memory_space<vmem>>
          %parallel_loop3A_617 = tpu.vector_load_idx %parallel_loop3A_616[%parallel_loop3A_226] : memref<816xf32, #tpu.memory_space<vmem>>[vector<16xi32>], vector<16xf32>,
          %parallel_loop3A_618 = tpu.memref_slice %arg5[%parallel_loop3A_607] : memref<104448xf32, #tpu.memory_space<vmem>> -> memref<816xf32, #tpu.memory_space<vmem>>
          %parallel_loop3A_619 = tpu.vector_load_idx %parallel_loop3A_618[%parallel_loop3A_234] : memref<816xf32, #tpu.memory_space<vmem>>[vector<16xi32>], vector<16xf32>,
          %parallel_loop3A_620 = arith.addf %parallel_loop3A_609, %parallel_loop3A_611 : vector<16xf32>
          %parallel_loop3A_621 = arith.addf %parallel_loop3A_613, %parallel_loop3A_615 : vector<16xf32>
          %parallel_loop3A_622 = arith.addf %parallel_loop3A_620, %parallel_loop3A_621 : vector<16xf32>
          %parallel_loop3A_623 = arith.addf %parallel_loop3A_617, %parallel_loop3A_619 : vector<16xf32>
          %parallel_loop3A_624 = arith.addf %parallel_loop3A_622, %parallel_loop3A_623 : vector<16xf32>
          %parallel_loop3A_625 = arith.constant 1 : i32
          %parallel_loop3A_626 = arith.constant 3 : i32
          %parallel_loop3A_627 = arith.index_cast %parallel_loop3A_625 : i32 to index
          %parallel_loop3A_628 = arith.index_cast %parallel_loop3A_626 : i32 to index
          %parallel_loop3A_629 = arith.index_cast %parallel_loop3A_186 : i32 to index
          %parallel_loop3A_630 = tpu.vector_load %arg7[%parallel_loop3A_627, %parallel_loop3A_628, %parallel_loop3A_629] {strides = array<i32>} : memref<2x8x625xf32, #tpu.memory_space<vmem>>, vector<16xf32>,
          tpu.vector_store %arg7[%parallel_loop3A_627, %parallel_loop3A_628, %parallel_loop3A_629], %parallel_loop3A_624 {strides = array<i32>} : memref<2x8x625xf32, #tpu.memory_space<vmem>>, vector<16xf32>,
          %parallel_loop3A_631 = arith.constant 2 : i32
          %parallel_loop3A_632 = arith.muli %scan3A_131, %parallel_loop3A_631 : i32
          %parallel_loop3A_633 = arith.constant 1 : i32
          %parallel_loop3A_634 = arith.addi %parallel_loop3A_632, %parallel_loop3A_633 : i32
          %parallel_loop3A_635 = arith.constant 8 : i32
          %parallel_loop3A_636 = arith.muli %parallel_loop3A_634, %parallel_loop3A_635 : i32
          %parallel_loop3A_637 = arith.constant 4 : i32
          %parallel_loop3A_638 = arith.addi %parallel_loop3A_636, %parallel_loop3A_637 : i32
          %parallel_loop3A_639 = arith.constant 816 : i32
          %parallel_loop3A_640 = arith.muli %parallel_loop3A_638, %parallel_loop3A_639 : i32
          %parallel_loop3A_641 = tpu.memref_slice %arg5[%parallel_loop3A_640] : memref<104448xf32, #tpu.memory_space<vmem>> -> memref<816xf32, #tpu.memory_space<vmem>>
          %parallel_loop3A_642 = tpu.vector_load_idx %parallel_loop3A_641[%parallel_loop3A_194] : memref<816xf32, #tpu.memory_space<vmem>>[vector<16xi32>], vector<16xf32>,
          %parallel_loop3A_643 = tpu.memref_slice %arg5[%parallel_loop3A_640] : memref<104448xf32, #tpu.memory_space<vmem>> -> memref<816xf32, #tpu.memory_space<vmem>>
          %parallel_loop3A_644 = tpu.vector_load_idx %parallel_loop3A_643[%parallel_loop3A_202] : memref<816xf32, #tpu.memory_space<vmem>>[vector<16xi32>], vector<16xf32>,
          %parallel_loop3A_645 = tpu.memref_slice %arg5[%parallel_loop3A_640] : memref<104448xf32, #tpu.memory_space<vmem>> -> memref<816xf32, #tpu.memory_space<vmem>>
          %parallel_loop3A_646 = tpu.vector_load_idx %parallel_loop3A_645[%parallel_loop3A_210] : memref<816xf32, #tpu.memory_space<vmem>>[vector<16xi32>], vector<16xf32>,
          %parallel_loop3A_647 = tpu.memref_slice %arg5[%parallel_loop3A_640] : memref<104448xf32, #tpu.memory_space<vmem>> -> memref<816xf32, #tpu.memory_space<vmem>>
          %parallel_loop3A_648 = tpu.vector_load_idx %parallel_loop3A_647[%parallel_loop3A_218] : memref<816xf32, #tpu.memory_space<vmem>>[vector<16xi32>], vector<16xf32>,
          %parallel_loop3A_649 = tpu.memref_slice %arg5[%parallel_loop3A_640] : memref<104448xf32, #tpu.memory_space<vmem>> -> memref<816xf32, #tpu.memory_space<vmem>>
          %parallel_loop3A_650 = tpu.vector_load_idx %parallel_loop3A_649[%parallel_loop3A_226] : memref<816xf32, #tpu.memory_space<vmem>>[vector<16xi32>], vector<16xf32>,
          %parallel_loop3A_651 = tpu.memref_slice %arg5[%parallel_loop3A_640] : memref<104448xf32, #tpu.memory_space<vmem>> -> memref<816xf32, #tpu.memory_space<vmem>>
          %parallel_loop3A_652 = tpu.vector_load_idx %parallel_loop3A_651[%parallel_loop3A_234] : memref<816xf32, #tpu.memory_space<vmem>>[vector<16xi32>], vector<16xf32>,
          %parallel_loop3A_653 = arith.addf %parallel_loop3A_642, %parallel_loop3A_644 : vector<16xf32>
          %parallel_loop3A_654 = arith.addf %parallel_loop3A_646, %parallel_loop3A_648 : vector<16xf32>
          %parallel_loop3A_655 = arith.addf %parallel_loop3A_653, %parallel_loop3A_654 : vector<16xf32>
          %parallel_loop3A_656 = arith.addf %parallel_loop3A_650, %parallel_loop3A_652 : vector<16xf32>
          %parallel_loop3A_657 = arith.addf %parallel_loop3A_655, %parallel_loop3A_656 : vector<16xf32>
          %parallel_loop3A_658 = arith.constant 1 : i32
          %parallel_loop3A_659 = arith.constant 4 : i32
          %parallel_loop3A_660 = arith.index_cast %parallel_loop3A_658 : i32 to index
          %parallel_loop3A_661 = arith.index_cast %parallel_loop3A_659 : i32 to index
          %parallel_loop3A_662 = arith.index_cast %parallel_loop3A_186 : i32 to index
          %parallel_loop3A_663 = tpu.vector_load %arg7[%parallel_loop3A_660, %parallel_loop3A_661, %parallel_loop3A_662] {strides = array<i32>} : memref<2x8x625xf32, #tpu.memory_space<vmem>>, vector<16xf32>,
          tpu.vector_store %arg7[%parallel_loop3A_660, %parallel_loop3A_661, %parallel_loop3A_662], %parallel_loop3A_657 {strides = array<i32>} : memref<2x8x625xf32, #tpu.memory_space<vmem>>, vector<16xf32>,
          %parallel_loop3A_664 = arith.constant 2 : i32
          %parallel_loop3A_665 = arith.muli %scan3A_131, %parallel_loop3A_664 : i32
          %parallel_loop3A_666 = arith.constant 1 : i32
          %parallel_loop3A_667 = arith.addi %parallel_loop3A_665, %parallel_loop3A_666 : i32
          %parallel_loop3A_668 = arith.constant 8 : i32
          %parallel_loop3A_669 = arith.muli %parallel_loop3A_667, %parallel_loop3A_668 : i32
          %parallel_loop3A_670 = arith.constant 5 : i32
          %parallel_loop3A_671 = arith.addi %parallel_loop3A_669, %parallel_loop3A_670 : i32
          %parallel_loop3A_672 = arith.constant 816 : i32
          %parallel_loop3A_673 = arith.muli %parallel_loop3A_671, %parallel_loop3A_672 : i32
          %parallel_loop3A_674 = tpu.memref_slice %arg5[%parallel_loop3A_673] : memref<104448xf32, #tpu.memory_space<vmem>> -> memref<816xf32, #tpu.memory_space<vmem>>
          %parallel_loop3A_675 = tpu.vector_load_idx %parallel_loop3A_674[%parallel_loop3A_194] : memref<816xf32, #tpu.memory_space<vmem>>[vector<16xi32>], vector<16xf32>,
          %parallel_loop3A_676 = tpu.memref_slice %arg5[%parallel_loop3A_673] : memref<104448xf32, #tpu.memory_space<vmem>> -> memref<816xf32, #tpu.memory_space<vmem>>
          %parallel_loop3A_677 = tpu.vector_load_idx %parallel_loop3A_676[%parallel_loop3A_202] : memref<816xf32, #tpu.memory_space<vmem>>[vector<16xi32>], vector<16xf32>,
          %parallel_loop3A_678 = tpu.memref_slice %arg5[%parallel_loop3A_673] : memref<104448xf32, #tpu.memory_space<vmem>> -> memref<816xf32, #tpu.memory_space<vmem>>
          %parallel_loop3A_679 = tpu.vector_load_idx %parallel_loop3A_678[%parallel_loop3A_210] : memref<816xf32, #tpu.memory_space<vmem>>[vector<16xi32>], vector<16xf32>,
          %parallel_loop3A_680 = tpu.memref_slice %arg5[%parallel_loop3A_673] : memref<104448xf32, #tpu.memory_space<vmem>> -> memref<816xf32, #tpu.memory_space<vmem>>
          %parallel_loop3A_681 = tpu.vector_load_idx %parallel_loop3A_680[%parallel_loop3A_218] : memref<816xf32, #tpu.memory_space<vmem>>[vector<16xi32>], vector<16xf32>,
          %parallel_loop3A_682 = tpu.memref_slice %arg5[%parallel_loop3A_673] : memref<104448xf32, #tpu.memory_space<vmem>> -> memref<816xf32, #tpu.memory_space<vmem>>
          %parallel_loop3A_683 = tpu.vector_load_idx %parallel_loop3A_682[%parallel_loop3A_226] : memref<816xf32, #tpu.memory_space<vmem>>[vector<16xi32>], vector<16xf32>,
          %parallel_loop3A_684 = tpu.memref_slice %arg5[%parallel_loop3A_673] : memref<104448xf32, #tpu.memory_space<vmem>> -> memref<816xf32, #tpu.memory_space<vmem>>
          %parallel_loop3A_685 = tpu.vector_load_idx %parallel_loop3A_684[%parallel_loop3A_234] : memref<816xf32, #tpu.memory_space<vmem>>[vector<16xi32>], vector<16xf32>,
          %parallel_loop3A_686 = arith.addf %parallel_loop3A_675, %parallel_loop3A_677 : vector<16xf32>
          %parallel_loop3A_687 = arith.addf %parallel_loop3A_679, %parallel_loop3A_681 : vector<16xf32>
          %parallel_loop3A_688 = arith.addf %parallel_loop3A_686, %parallel_loop3A_687 : vector<16xf32>
          %parallel_loop3A_689 = arith.addf %parallel_loop3A_683, %parallel_loop3A_685 : vector<16xf32>
          %parallel_loop3A_690 = arith.addf %parallel_loop3A_688, %parallel_loop3A_689 : vector<16xf32>
          %parallel_loop3A_691 = arith.constant 1 : i32
          %parallel_loop3A_692 = arith.constant 5 : i32
          %parallel_loop3A_693 = arith.index_cast %parallel_loop3A_691 : i32 to index
          %parallel_loop3A_694 = arith.index_cast %parallel_loop3A_692 : i32 to index
          %parallel_loop3A_695 = arith.index_cast %parallel_loop3A_186 : i32 to index
          %parallel_loop3A_696 = tpu.vector_load %arg7[%parallel_loop3A_693, %parallel_loop3A_694, %parallel_loop3A_695] {strides = array<i32>} : memref<2x8x625xf32, #tpu.memory_space<vmem>>, vector<16xf32>,
          tpu.vector_store %arg7[%parallel_loop3A_693, %parallel_loop3A_694, %parallel_loop3A_695], %parallel_loop3A_690 {strides = array<i32>} : memref<2x8x625xf32, #tpu.memory_space<vmem>>, vector<16xf32>,
          %parallel_loop3A_697 = arith.constant 2 : i32
          %parallel_loop3A_698 = arith.muli %scan3A_131, %parallel_loop3A_697 : i32
          %parallel_loop3A_699 = arith.constant 1 : i32
          %parallel_loop3A_700 = arith.addi %parallel_loop3A_698, %parallel_loop3A_699 : i32
          %parallel_loop3A_701 = arith.constant 8 : i32
          %parallel_loop3A_702 = arith.muli %parallel_loop3A_700, %parallel_loop3A_701 : i32
          %parallel_loop3A_703 = arith.constant 6 : i32
          %parallel_loop3A_704 = arith.addi %parallel_loop3A_702, %parallel_loop3A_703 : i32
          %parallel_loop3A_705 = arith.constant 816 : i32
          %parallel_loop3A_706 = arith.muli %parallel_loop3A_704, %parallel_loop3A_705 : i32
          %parallel_loop3A_707 = tpu.memref_slice %arg5[%parallel_loop3A_706] : memref<104448xf32, #tpu.memory_space<vmem>> -> memref<816xf32, #tpu.memory_space<vmem>>
          %parallel_loop3A_708 = tpu.vector_load_idx %parallel_loop3A_707[%parallel_loop3A_194] : memref<816xf32, #tpu.memory_space<vmem>>[vector<16xi32>], vector<16xf32>,
          %parallel_loop3A_709 = tpu.memref_slice %arg5[%parallel_loop3A_706] : memref<104448xf32, #tpu.memory_space<vmem>> -> memref<816xf32, #tpu.memory_space<vmem>>
          %parallel_loop3A_710 = tpu.vector_load_idx %parallel_loop3A_709[%parallel_loop3A_202] : memref<816xf32, #tpu.memory_space<vmem>>[vector<16xi32>], vector<16xf32>,
          %parallel_loop3A_711 = tpu.memref_slice %arg5[%parallel_loop3A_706] : memref<104448xf32, #tpu.memory_space<vmem>> -> memref<816xf32, #tpu.memory_space<vmem>>
          %parallel_loop3A_712 = tpu.vector_load_idx %parallel_loop3A_711[%parallel_loop3A_210] : memref<816xf32, #tpu.memory_space<vmem>>[vector<16xi32>], vector<16xf32>,
          %parallel_loop3A_713 = tpu.memref_slice %arg5[%parallel_loop3A_706] : memref<104448xf32, #tpu.memory_space<vmem>> -> memref<816xf32, #tpu.memory_space<vmem>>
          %parallel_loop3A_714 = tpu.vector_load_idx %parallel_loop3A_713[%parallel_loop3A_218] : memref<816xf32, #tpu.memory_space<vmem>>[vector<16xi32>], vector<16xf32>,
          %parallel_loop3A_715 = tpu.memref_slice %arg5[%parallel_loop3A_706] : memref<104448xf32, #tpu.memory_space<vmem>> -> memref<816xf32, #tpu.memory_space<vmem>>
          %parallel_loop3A_716 = tpu.vector_load_idx %parallel_loop3A_715[%parallel_loop3A_226] : memref<816xf32, #tpu.memory_space<vmem>>[vector<16xi32>], vector<16xf32>,
          %parallel_loop3A_717 = tpu.memref_slice %arg5[%parallel_loop3A_706] : memref<104448xf32, #tpu.memory_space<vmem>> -> memref<816xf32, #tpu.memory_space<vmem>>
          %parallel_loop3A_718 = tpu.vector_load_idx %parallel_loop3A_717[%parallel_loop3A_234] : memref<816xf32, #tpu.memory_space<vmem>>[vector<16xi32>], vector<16xf32>,
          %parallel_loop3A_719 = arith.addf %parallel_loop3A_708, %parallel_loop3A_710 : vector<16xf32>
          %parallel_loop3A_720 = arith.addf %parallel_loop3A_712, %parallel_loop3A_714 : vector<16xf32>
          %parallel_loop3A_721 = arith.addf %parallel_loop3A_719, %parallel_loop3A_720 : vector<16xf32>
          %parallel_loop3A_722 = arith.addf %parallel_loop3A_716, %parallel_loop3A_718 : vector<16xf32>
          %parallel_loop3A_723 = arith.addf %parallel_loop3A_721, %parallel_loop3A_722 : vector<16xf32>
          %parallel_loop3A_724 = arith.constant 1 : i32
          %parallel_loop3A_725 = arith.constant 6 : i32
          %parallel_loop3A_726 = arith.index_cast %parallel_loop3A_724 : i32 to index
          %parallel_loop3A_727 = arith.index_cast %parallel_loop3A_725 : i32 to index
          %parallel_loop3A_728 = arith.index_cast %parallel_loop3A_186 : i32 to index
          %parallel_loop3A_729 = tpu.vector_load %arg7[%parallel_loop3A_726, %parallel_loop3A_727, %parallel_loop3A_728] {strides = array<i32>} : memref<2x8x625xf32, #tpu.memory_space<vmem>>, vector<16xf32>,
          tpu.vector_store %arg7[%parallel_loop3A_726, %parallel_loop3A_727, %parallel_loop3A_728], %parallel_loop3A_723 {strides = array<i32>} : memref<2x8x625xf32, #tpu.memory_space<vmem>>, vector<16xf32>,
          %parallel_loop3A_730 = arith.constant 2 : i32
          %parallel_loop3A_731 = arith.muli %scan3A_131, %parallel_loop3A_730 : i32
          %parallel_loop3A_732 = arith.constant 1 : i32
          %parallel_loop3A_733 = arith.addi %parallel_loop3A_731, %parallel_loop3A_732 : i32
          %parallel_loop3A_734 = arith.constant 8 : i32
          %parallel_loop3A_735 = arith.muli %parallel_loop3A_733, %parallel_loop3A_734 : i32
          %parallel_loop3A_736 = arith.constant 7 : i32
          %parallel_loop3A_737 = arith.addi %parallel_loop3A_735, %parallel_loop3A_736 : i32
          %parallel_loop3A_738 = arith.constant 816 : i32
          %parallel_loop3A_739 = arith.muli %parallel_loop3A_737, %parallel_loop3A_738 : i32
          %parallel_loop3A_740 = tpu.memref_slice %arg5[%parallel_loop3A_739] : memref<104448xf32, #tpu.memory_space<vmem>> -> memref<816xf32, #tpu.memory_space<vmem>>
          %parallel_loop3A_741 = tpu.vector_load_idx %parallel_loop3A_740[%parallel_loop3A_194] : memref<816xf32, #tpu.memory_space<vmem>>[vector<16xi32>], vector<16xf32>,
          %parallel_loop3A_742 = tpu.memref_slice %arg5[%parallel_loop3A_739] : memref<104448xf32, #tpu.memory_space<vmem>> -> memref<816xf32, #tpu.memory_space<vmem>>
          %parallel_loop3A_743 = tpu.vector_load_idx %parallel_loop3A_742[%parallel_loop3A_202] : memref<816xf32, #tpu.memory_space<vmem>>[vector<16xi32>], vector<16xf32>,
          %parallel_loop3A_744 = tpu.memref_slice %arg5[%parallel_loop3A_739] : memref<104448xf32, #tpu.memory_space<vmem>> -> memref<816xf32, #tpu.memory_space<vmem>>
          %parallel_loop3A_745 = tpu.vector_load_idx %parallel_loop3A_744[%parallel_loop3A_210] : memref<816xf32, #tpu.memory_space<vmem>>[vector<16xi32>], vector<16xf32>,
          %parallel_loop3A_746 = tpu.memref_slice %arg5[%parallel_loop3A_739] : memref<104448xf32, #tpu.memory_space<vmem>> -> memref<816xf32, #tpu.memory_space<vmem>>
          %parallel_loop3A_747 = tpu.vector_load_idx %parallel_loop3A_746[%parallel_loop3A_218] : memref<816xf32, #tpu.memory_space<vmem>>[vector<16xi32>], vector<16xf32>,
          %parallel_loop3A_748 = tpu.memref_slice %arg5[%parallel_loop3A_739] : memref<104448xf32, #tpu.memory_space<vmem>> -> memref<816xf32, #tpu.memory_space<vmem>>
          %parallel_loop3A_749 = tpu.vector_load_idx %parallel_loop3A_748[%parallel_loop3A_226] : memref<816xf32, #tpu.memory_space<vmem>>[vector<16xi32>], vector<16xf32>,
          %parallel_loop3A_750 = tpu.memref_slice %arg5[%parallel_loop3A_739] : memref<104448xf32, #tpu.memory_space<vmem>> -> memref<816xf32, #tpu.memory_space<vmem>>
          %parallel_loop3A_751 = tpu.vector_load_idx %parallel_loop3A_750[%parallel_loop3A_234] : memref<816xf32, #tpu.memory_space<vmem>>[vector<16xi32>], vector<16xf32>,
          %parallel_loop3A_752 = arith.addf %parallel_loop3A_741, %parallel_loop3A_743 : vector<16xf32>
          %parallel_loop3A_753 = arith.addf %parallel_loop3A_745, %parallel_loop3A_747 : vector<16xf32>
          %parallel_loop3A_754 = arith.addf %parallel_loop3A_752, %parallel_loop3A_753 : vector<16xf32>
          %parallel_loop3A_755 = arith.addf %parallel_loop3A_749, %parallel_loop3A_751 : vector<16xf32>
          %parallel_loop3A_756 = arith.addf %parallel_loop3A_754, %parallel_loop3A_755 : vector<16xf32>
          %parallel_loop3A_757 = arith.constant 1 : i32
          %parallel_loop3A_758 = arith.constant 7 : i32
          %parallel_loop3A_759 = arith.index_cast %parallel_loop3A_757 : i32 to index
          %parallel_loop3A_760 = arith.index_cast %parallel_loop3A_758 : i32 to index
          %parallel_loop3A_761 = arith.index_cast %parallel_loop3A_186 : i32 to index
          %parallel_loop3A_762 = tpu.vector_load %arg7[%parallel_loop3A_759, %parallel_loop3A_760, %parallel_loop3A_761] {strides = array<i32>} : memref<2x8x625xf32, #tpu.memory_space<vmem>>, vector<16xf32>,
          tpu.vector_store %arg7[%parallel_loop3A_759, %parallel_loop3A_760, %parallel_loop3A_761], %parallel_loop3A_756 {strides = array<i32>} : memref<2x8x625xf32, #tpu.memory_space<vmem>>, vector<16xf32>,
        } {sc.loop_unroll_factor = 2 : i64, sc.parallel_access}
        %dma_start3A_152 = arith.constant 0 : i32
        %dma_start3A_153 = arith.constant 0 : i32
        %dma_start3A_154 = arith.constant 0 : i32
        %dma_start3A_155 = tpu.memref_slice %arg7[%dma_start3A_152, %dma_start3A_153, %dma_start3A_154] : memref<2x8x625xf32, #tpu.memory_space<vmem>> -> memref<1x8x625xf32, #tpu.memory_space<vmem>>
        %dma_start3A_156 = tpu.memref_squeeze %dma_start3A_155 : memref<1x8x625xf32, #tpu.memory_space<vmem>> -> memref<8x625xf32, #tpu.memory_space<vmem>>
        %dma_start3A_157 = arith.constant 0 : i32
        %dma_start3A_158 = tpu.memref_slice %arg4[%add3A_99, %mul3A_137, %dma_start3A_157] : memref<1024x128x625xf32, #tpu.memory_space<hbm>> -> memref<1x8x625xf32, #tpu.memory_space<hbm>>
        %dma_start3A_159 = tpu.memref_squeeze %dma_start3A_158 : memref<1x8x625xf32, #tpu.memory_space<hbm>> -> memref<8x625xf32, #tpu.memory_space<hbm>>
        %dma_start3A_160 = arith.constant 0 : i32
        %dma_start3A_161 = tpu.memref_slice %arg4[%add3A_99, %mul3A_137, %dma_start3A_160] : memref<1024x128x625xf32, #tpu.memory_space<hbm>> -> memref<1x8x625xf32, #tpu.memory_space<hbm>>
        %dma_start3A_162 = tpu.memref_squeeze %dma_start3A_161 : memref<1x8x625xf32, #tpu.memory_space<hbm>> -> memref<8x625xf32, #tpu.memory_space<hbm>>
        %dma_start3A_163 = arith.constant 0 : i32
        %dma_start3A_164 = arith.constant 0 : i32
        %dma_start3A_165 = tpu.memref_slice %arg7[%dma_start3A_152, %dma_start3A_163, %dma_start3A_164] : memref<2x8x625xf32, #tpu.memory_space<vmem>> -> memref<1x8x625xf32, #tpu.memory_space<vmem>>
        %dma_start3A_166 = tpu.memref_squeeze %dma_start3A_165 : memref<1x8x625xf32, #tpu.memory_space<vmem>> -> memref<8x625xf32, #tpu.memory_space<vmem>>
        tpu.enqueue_dma source(%dma_start3A_166 : memref<8x625xf32, #tpu.memory_space<vmem>>) target(%dma_start3A_162 : memref<8x625xf32, #tpu.memory_space<hbm>>) target_semaphore(%arg8 : memref<!tpu.dma_semaphore, #tpu.memory_space<semaphore_mem>>)
        %dma_start3A_167 = arith.constant 1 : i32
        %dma_start3A_168 = arith.constant 0 : i32
        %dma_start3A_169 = arith.constant 0 : i32
        %dma_start3A_170 = tpu.memref_slice %arg7[%dma_start3A_167, %dma_start3A_168, %dma_start3A_169] : memref<2x8x625xf32, #tpu.memory_space<vmem>> -> memref<1x8x625xf32, #tpu.memory_space<vmem>>
        %dma_start3A_171 = tpu.memref_squeeze %dma_start3A_170 : memref<1x8x625xf32, #tpu.memory_space<vmem>> -> memref<8x625xf32, #tpu.memory_space<vmem>>
        %dma_start3A_172 = arith.constant 0 : i32
        %dma_start3A_173 = tpu.memref_slice %arg4[%add3A_99, %mul3A_143, %dma_start3A_172] : memref<1024x128x625xf32, #tpu.memory_space<hbm>> -> memref<1x8x625xf32, #tpu.memory_space<hbm>>
        %dma_start3A_174 = tpu.memref_squeeze %dma_start3A_173 : memref<1x8x625xf32, #tpu.memory_space<hbm>> -> memref<8x625xf32, #tpu.memory_space<hbm>>
        %dma_start3A_175 = arith.constant 0 : i32
        %dma_start3A_176 = tpu.memref_slice %arg4[%add3A_99, %mul3A_143, %dma_start3A_175] : memref<1024x128x625xf32, #tpu.memory_space<hbm>> -> memref<1x8x625xf32, #tpu.memory_space<hbm>>
        %dma_start3A_177 = tpu.memref_squeeze %dma_start3A_176 : memref<1x8x625xf32, #tpu.memory_space<hbm>> -> memref<8x625xf32, #tpu.memory_space<hbm>>
        %dma_start3A_178 = arith.constant 0 : i32
        %dma_start3A_179 = arith.constant 0 : i32
        %dma_start3A_180 = tpu.memref_slice %arg7[%dma_start3A_167, %dma_start3A_178, %dma_start3A_179] : memref<2x8x625xf32, #tpu.memory_space<vmem>> -> memref<1x8x625xf32, #tpu.memory_space<vmem>>
        %dma_start3A_181 = tpu.memref_squeeze %dma_start3A_180 : memref<1x8x625xf32, #tpu.memory_space<vmem>> -> memref<8x625xf32, #tpu.memory_space<vmem>>
        tpu.enqueue_dma source(%dma_start3A_181 : memref<8x625xf32, #tpu.memory_space<vmem>>) target(%dma_start3A_177 : memref<8x625xf32, #tpu.memory_space<hbm>>) target_semaphore(%arg9 : memref<!tpu.dma_semaphore, #tpu.memory_space<semaphore_mem>>)
      }
      %scan3A_130 = arith.constant 8 : i32
    }
    %scan3A_21 = arith.constant 16 : i32
    %dma_wait3A = arith.constant 0 : i32
    %dma_wait3A_22 = arith.constant 0 : i32
    %dma_wait3A_23 = arith.constant 0 : i32
    %dma_wait3A_24 = arith.constant 0 : i32
    %dma_wait3A_25 = tpu.memref_slice %arg7[%dma_wait3A, %dma_wait3A_23, %dma_wait3A_24] : memref<2x8x625xf32, #tpu.memory_space<vmem>> -> memref<1x8x625xf32, #tpu.memory_space<vmem>>
    %dma_wait3A_26 = tpu.memref_squeeze %dma_wait3A_25 : memref<1x8x625xf32, #tpu.memory_space<vmem>> -> memref<8x625xf32, #tpu.memory_space<vmem>>
    %dma_wait3A_27 = arith.constant 0 : i32
    %dma_wait3A_28 = arith.constant 0 : i32
    %dma_wait3A_29 = tpu.memref_slice %arg4[%dma_wait3A_22, %dma_wait3A_27, %dma_wait3A_28] : memref<1024x128x625xf32, #tpu.memory_space<hbm>> -> memref<1x8x625xf32, #tpu.memory_space<hbm>>
    %dma_wait3A_30 = tpu.memref_squeeze %dma_wait3A_29 : memref<1x8x625xf32, #tpu.memory_space<hbm>> -> memref<8x625xf32, #tpu.memory_space<hbm>>
    %dma_wait3A_31 = arith.constant 0 : i32
    %dma_wait3A_32 = arith.constant 0 : i32
    %dma_wait3A_33 = tpu.memref_slice %arg4[%dma_wait3A_22, %dma_wait3A_31, %dma_wait3A_32] : memref<1024x128x625xf32, #tpu.memory_space<hbm>> -> memref<1x8x625xf32, #tpu.memory_space<hbm>>
    %dma_wait3A_34 = tpu.memref_squeeze %dma_wait3A_33 : memref<1x8x625xf32, #tpu.memory_space<hbm>> -> memref<8x625xf32, #tpu.memory_space<hbm>>
    %dma_wait3A_35 = arith.constant 0 : i32
    %dma_wait3A_36 = arith.constant 0 : i32
    %dma_wait3A_37 = tpu.memref_slice %arg7[%dma_wait3A, %dma_wait3A_35, %dma_wait3A_36] : memref<2x8x625xf32, #tpu.memory_space<vmem>> -> memref<1x8x625xf32, #tpu.memory_space<vmem>>
    %dma_wait3A_38 = tpu.memref_squeeze %dma_wait3A_37 : memref<1x8x625xf32, #tpu.memory_space<vmem>> -> memref<8x625xf32, #tpu.memory_space<vmem>>
    tpu.wait_dma2 semaphore(%arg8 : memref<!tpu.dma_semaphore, #tpu.memory_space<semaphore_mem>>) src(%dma_wait3A_38 : memref<8x625xf32, #tpu.memory_space<vmem>>) dst(%dma_wait3A_34 : memref<8x625xf32, #tpu.memory_space<hbm>>)
    %dma_wait3A_39 = arith.constant 1 : i32
    %dma_wait3A_40 = arith.constant 0 : i32
    %dma_wait3A_41 = arith.constant 0 : i32
    %dma_wait3A_42 = arith.constant 0 : i32
    %dma_wait3A_43 = tpu.memref_slice %arg7[%dma_wait3A_39, %dma_wait3A_41, %dma_wait3A_42] : memref<2x8x625xf32, #tpu.memory_space<vmem>> -> memref<1x8x625xf32, #tpu.memory_space<vmem>>
    %dma_wait3A_44 = tpu.memref_squeeze %dma_wait3A_43 : memref<1x8x625xf32, #tpu.memory_space<vmem>> -> memref<8x625xf32, #tpu.memory_space<vmem>>
    %dma_wait3A_45 = arith.constant 8 : i32
    %dma_wait3A_46 = arith.constant 0 : i32
    %dma_wait3A_47 = tpu.memref_slice %arg4[%dma_wait3A_40, %dma_wait3A_45, %dma_wait3A_46] : memref<1024x128x625xf32, #tpu.memory_space<hbm>> -> memref<1x8x625xf32, #tpu.memory_space<hbm>>
    %dma_wait3A_48 = tpu.memref_squeeze %dma_wait3A_47 : memref<1x8x625xf32, #tpu.memory_space<hbm>> -> memref<8x625xf32, #tpu.memory_space<hbm>>
    %dma_wait3A_49 = arith.constant 8 : i32
    %dma_wait3A_50 = arith.constant 0 : i32
    %dma_wait3A_51 = tpu.memref_slice %arg4[%dma_wait3A_40, %dma_wait3A_49, %dma_wait3A_50] : memref<1024x128x625xf32, #tpu.memory_space<hbm>> -> memref<1x8x625xf32, #tpu.memory_space<hbm>>
    %dma_wait3A_52 = tpu.memref_squeeze %dma_wait3A_51 : memref<1x8x625xf32, #tpu.memory_space<hbm>> -> memref<8x625xf32, #tpu.memory_space<hbm>>
    %dma_wait3A_53 = arith.constant 0 : i32
    %dma_wait3A_54 = arith.constant 0 : i32
    %dma_wait3A_55 = tpu.memref_slice %arg7[%dma_wait3A_39, %dma_wait3A_53, %dma_wait3A_54] : memref<2x8x625xf32, #tpu.memory_space<vmem>> -> memref<1x8x625xf32, #tpu.memory_space<vmem>>
    %dma_wait3A_56 = tpu.memref_squeeze %dma_wait3A_55 : memref<1x8x625xf32, #tpu.memory_space<vmem>> -> memref<8x625xf32, #tpu.memory_space<vmem>>
    tpu.wait_dma2 semaphore(%arg9 : memref<!tpu.dma_semaphore, #tpu.memory_space<semaphore_mem>>) src(%dma_wait3A_56 : memref<8x625xf32, #tpu.memory_space<vmem>>) dst(%dma_wait3A_52 : memref<8x625xf32, #tpu.memory_space<hbm>>)
    return
  }
}

</mosaic_0001>

<sc_bundles>
// kernel: _embed.3.cloned.1.call-start
scs
__scs_entry_jumppad:
0x0: {  	(pc) =	sbr.rel $0x88, $3  }
0x1: {  	(tag) =	ssettag $0x0;
	lr =	simm.s32 $0x1  }
0x2: {  	[smem:$0x3F9F] =	sst lr;
	_ =	strace $0xD0000000  }
0x3: {  	_ = 	snop  }
0x4: {  	_ = 	snop  }
0x5: {  	_ = 	snop  }
0x6: {  	_ = 	snop  }
0x7: {  	_ = 	snop  }
__scs_overlays_trampoline_lowered:
0x8: {  	[smem:$0x3FAE] =	sst s0  }
0x9: {  	[smem:$0x3FAF] =	sst s1  }
0xa: {  	[smem:$0x3FB0] =	sst s2  }
0xb: {  	[smem:$0x3FB1] =	sst s3  }
0xc: {  	[smem:$0x3FB2] =	sst s4  }
0xd: {  	[smem:$0x3FB3] =	sst s5  }
0xe: {  	[smem:$0x3FB4] =	sst s6  }
0xf: {  	[smem:$0x3FB5] =	sst s7  }
0x10: {  	[smem:$0x3FB6] =	sst s8  }
0x11: {  	[smem:$0x3FB7] =	sst s9;
	s0 =	simm.s32 @!p0 $0x0  }
0x12: {  	s1 =	sld [smem:$0x3F9D];
	s0 =	simm.s32 @p0 $0x1  }
0x13: {  	[smem:$0x3FB8] =	sst s0;
	s0 =	simm.s32 @!p1 $0x0  }
0x14: {  	s2 =	sld [smem:$0x3F9C];
	s0 =	simm.s32 @p1 $0x1  }
0x15: {  	[smem:$0x3FB9] =	sst s0;
	s0 =	simm.s32 @!p2 $0x0  }
0x16: {  	s3 =	sld [smem:$0x3FDB];
	s0 =	simm.s32 @p2 $0x1  }
0x17: {  	s4 =	simm.s32 $0x1BF5;
	[smem:$0x3FBB] =	sst s0  }
0x18: {  	s0 =	sld [smem:$0x3F9E];
	_ =	swait.ge [sflag:s4], $0x0  }
0x19: {  	s7 =	sld [smem:$0x3F9F]  }
0x1a: {  	s8 =	sadd.s32 $0xFFFFE003, lr  }
0x1b: {  	s9 =	sadd.s32 $0xFFFFFEF7, lr;
	s5 =	simm.s32 $0xFFFFFFFF;
	p2 =	slt.u32 s8, $0xFFFFF086  }
0x1c: {  	p1 =	slt.u32 s9, $0xF7A;
	s5 =	simm.s32 @!p2 $0x0  }
0x1d: {  	s5 =	simm.s32 @p1 $0x1;
	p0 =	seq.s32 s7, s2  }
0x1e: {  	s7 =	smul.u32 @!p0 $0xF7A, s2;
	p2 =	seq.s32 @!p0 s5, $0x0  }
0x1f: {  	s9 =	smul.u32 $0xF7A, s1;
	s8 =	simm.s32 @!p0 $0x1BF5;
	p2 =	por !p2, p0  }
0x20: {  	[sflag:s8] =	ssyncset.s32 @!p0 $0xFFFFF086;
	s6 =	sadd.s32 @!p0 s3, s7;
	s7 =	simm.s32 @!p0 $0x108  }
0x21: {  	s3 =	sadd.s32 s3, s9;
	s6 =	sadd.s32 @!p0 $0x88, s6;
	s7 =	simm.s32 @p2 $0x1082  }
0x22: {  	[simem:s7], [sflag:s8] =	dma.local @!p0 [hbm:s6], $0xF7A  }
0x23: {  	s9 =	sor.u32 $0xD0000000, s2;
	s6 =	simm.s32 $0x108;
	_ =	swait.ge @!p0 [sflag:s8], $0x0  }
0x24: {  	s3 =	sadd.s32 $0x88, s3;
	s6 =	simm.s32 @!p1 $0x1082;
	[sflag:s4] =	ssyncset.s32 $0xFFFFF086  }
0x25: {  	[simem:s6], [sflag:s4] =	dma.local [hbm:s3], $0xF7A  }
0x26: {  	[smem:$0x3F9F] =	sst s1;
	(tag) =	ssettag s2;
	_ =	strace s9  }
0x27: {  	s1 =	sld [smem:$0x3FAF]  }
0x28: {  	s2 =	sld [smem:$0x3FB0]  }
0x29: {  	s4 =	sld [smem:$0x3FB2]  }
0x2a: {  	p0 =	seq.s32 s5, $0x0;
	s5 =	sld [smem:$0x3FB3]  }
0x2b: {  	s6 =	sld [smem:$0x3FB4]  }
0x2c: {  	s7 =	sld [smem:$0x3FB5]  }
0x2d: {  	s3 =	simm.s32 $0x108;
	s8 =	sld [smem:$0x3FB6]  }
0x2e: {  	s3 =	simm.s32 @!p0 $0x1082;
	s9 =	sld [smem:$0x3FB7]  }
0x2f: {  	lr =	sadd.s32 s0, s3;
	s0 =	sld [smem:$0x3FAE]  }
0x30: {  	s3 =	sld [smem:$0x3FB1]  }
0x31: {  	[smem:$0x3FBA] =	sst s10  }
0x32: {  	s10 =	sld [smem:$0x3FB8];
	_ =	sdelay $0x3  }
0x33: {  	p0 =	seq.s32 s10, $0x1;
	s10 =	sld [smem:$0x3FBA];
	_ =	sdelay $0x3  }
0x34: {  	[smem:$0x3FBA] =	sst s10  }
0x35: {  	s10 =	sld [smem:$0x3FB9];
	_ =	sdelay $0x3  }
0x36: {  	p1 =	seq.s32 s10, $0x1;
	s10 =	sld [smem:$0x3FBA];
	_ =	sdelay $0x3  }
0x37: {  	[smem:$0x3FBA] =	sst s10  }
0x38: {  	s10 =	sld [smem:$0x3FBB]  }
0x39: {  	_ = 	snop;
	(pc) =	sbr.ind lr, $3  }
0x3a: {  	_ = 	snop  }
0x3b: {  	_ = 	snop  }
0x3c: {  	p2 =	seq.s32 s10, $0x1;
	s10 =	sld [smem:$0x3FBA]  }
0x3d: {  	_ =	shalt  }
0x3e: {  	_ =	shalt  }
0x3f: {  	_ =	shalt  }
0x40: {  	_ =	shalt  }
0x41: {  	_ =	shalt  }
0x42: {  	_ =	shalt  }
0x43: {  	_ =	shalt  }
0x44: {  	_ =	shalt  }
0x45: {  	_ =	shalt  }
0x46: {  	_ =	shalt  }
0x47: {  	_ =	shalt  }
0x48: {  	_ =	shalt  }
0x49: {  	_ =	shalt  }
0x4a: {  	_ =	shalt  }
0x4b: {  	_ =	shalt  }
0x4c: {  	_ =	shalt  }
0x4d: {  	_ =	shalt  }
0x4e: {  	_ =	shalt  }
0x4f: {  	_ =	shalt  }
0x50: {  	_ =	shalt  }
0x51: {  	_ =	shalt  }
0x52: {  	_ =	shalt  }
0x53: {  	_ =	shalt  }
0x54: {  	_ =	shalt  }
0x55: {  	_ =	shalt  }
0x56: {  	_ =	shalt  }
0x57: {  	_ =	shalt  }
0x58: {  	_ =	shalt  }
0x59: {  	_ =	shalt  }
0x5a: {  	_ =	shalt  }
0x5b: {  	_ =	shalt  }
0x5c: {  	_ =	shalt  }
0x5d: {  	_ =	shalt  }
0x5e: {  	_ =	shalt  }
0x5f: {  	_ =	shalt  }
0x60: {  	_ =	shalt  }
0x61: {  	_ =	shalt  }
0x62: {  	_ =	shalt  }
0x63: {  	_ =	shalt  }
0x64: {  	_ =	shalt  }
0x65: {  	_ =	shalt  }
0x66: {  	_ =	shalt  }
0x67: {  	_ =	shalt  }
0x68: {  	_ =	shalt  }
0x69: {  	_ =	shalt  }
0x6a: {  	_ =	shalt  }
0x6b: {  	_ =	shalt  }
0x6c: {  	_ =	shalt  }
0x6d: {  	_ =	shalt  }
0x6e: {  	_ =	shalt  }
0x6f: {  	_ =	shalt  }
0x70: {  	_ =	shalt  }
0x71: {  	_ =	shalt  }
0x72: {  	_ =	shalt  }
0x73: {  	_ =	shalt  }
0x74: {  	_ =	shalt  }
0x75: {  	_ =	shalt  }
0x76: {  	_ =	shalt  }
0x77: {  	_ =	shalt  }
0x78: {  	_ =	shalt  }
0x79: {  	_ =	shalt  }
0x7a: {  	_ =	shalt  }
0x7b: {  	_ =	shalt  }
0x7c: {  	_ =	shalt  }
0x7d: {  	_ =	shalt  }
0x7e: {  	_ =	shalt  }
0x7f: {  	_ =	shalt  }
0x80: {  	_ =	shalt  }
0x81: {  	_ =	shalt  }
0x82: {  	_ =	shalt  }
0x83: {  	_ =	shalt  }
0x84: {  	_ =	shalt  }
0x85: {  	_ =	shalt  }
0x86: {  	_ =	shalt  }
0x87: {  	_ =	shalt  }
.Lfunc_end0:
.L_simem_size_0:
called_computation_lowered:
.L_overlay_start_0:
0x88: {  	s2 =	sld [smem:$0x3FD9]  }
0x89: {  	s3 =	sld [smem:$0x3FFE];
	_ =	sdelay $0x1  }
0x8a: {  	s1 =	srdreg.scid  }
0x8b: {  	s0 =	sand.u32 $0x1, s1  }
0x8c: {  	s17 =	sshll.u32 s0, $0xA;
	s2 =	sadd.s32 s3, s2  }
0x8d: {  	s2 =	sadd.s32 s2, s17  }
0x8e: {  	[smem:$0x3FC6] =	sst s2  }
0x8f: {  	_ = 	snop  }
0x90: {  	s2 =	sld [smem:$0x3FC9]  }
0x91: {  	s18 =	sld [smem:$0x3FD0];
	(tm) =	ssettm $0x1  }
0x92: {  	s4 =	sld [smem:$0x3FFB];
	_ =	sdelay $0x3  }
0x93: {  	_ =	strace s4  }
0x94: {  	s4 =	sld [smem:$0x3FFC];
	_ =	sdelay $0x3  }
0x95: {  	_ =	strace s4  }
0x96: {  	s4 =	sld [smem:$0x3FFD];
	_ =	sdelay $0x3  }
0x97: {  	_ =	strace s4  }
0x98: {  	_ =	strace $0x8FFFFFFF  }
0x99: {  	s19 =	sld [smem:$0x3FDB];
	_ =	sdelay $0x1  }
0x9a: {  	s5 =	simm.s32 $_scs_section_size  }
0x9b: {  	s6 =	simm.s32 $_size__tile_overlayer_lowered;
	s7 =	simm.s32 $_tile_overlayer_lowered  }
0x9c: {  	s22 =	simm.s32 $0x1BFF;
	s21 =	sshll.u32 s7, $0x1;
	s4 =	sadd.s32 s5, s19  }
0x9d: {  	s8 =	simm.s32 $0x0;
	s20 =	sshll.u32 s6, $0x1;
	s6 =	sadd.s32 s21, s4  }
0x9e: {  	[timem:s8], [sflag:s22] =	dma.local [hbm:s6], s20  }
0x9f: {  	_ =	swait.ge [sflag:s22], s20  }
0xa0: {  	s5 =	ssub.s32 $0x0, s20;
	[sflag:s22] =	ssyncset.done $0x0  }
0xa1: {  	[sflag:s22] =	ssyncadd.s32 s5;
	_ =	sdelay $0x1  }
0xa2: {  	s23 =	simm.s32 $0x1B8B  }
0xa3: {  	_ =	swait.ge [sflag:s23], $0x1  }
0xa4: {  	[sflag:s23] =	ssyncset.done $0x0  }
0xa5: {  	s25 =	simm.s32 $0x1B8E;
	s24 =	sld [smem:$0x3FFE];
	[sflag:s23] =	ssyncadd.s32 $0xFFFFFFFF  }
0xa6: {  	s26 =	simm.s32 $execute0_lowered;
	[smem:$0x3FD2] =	sst s25  }
0xa7: {  	s6 =	sshll.u32 s26, $0x1;
	_ =	strace $0x80000046;
	[dreg:$0x1] =	wrdreg $0xFFFFFFFF  }
0xa8: {  	s28 =	simm.s32 $_size_execute0_lowered;
	s4 =	sadd.s32 s4, s6;
	[dreg:$0x0] =	wrdreg $0x0  }
0xa9: {  	s6 =	sshll.u32 s28, $0x1;
	[dreg:$0x2] =	wrdreg s4  }
0xaa: {  	[dreg:$0x3] =	wrdreg s6  }
0xab: {  	[dreg:$0x4] =	wrdreg $0xC0  }
0xac: {  	_ =	task [dreg:s8], $0x5FFFF  }
0xad: {  	[dreg:$0x1] =	wrdreg $0xFFFFFFFF  }
0xae: {  	[dreg:$0x0] =	wrdreg $0x60  }
0xaf: {  	[dreg:$0x2] =	wrdreg s2  }
0xb0: {  	[dreg:$0x3] =	wrdreg s18  }
0xb1: {  	[dreg:$0x4] =	wrdreg s24  }
0xb2: {  	[dreg:$0x5] =	wrdreg $0x9  }
0xb3: {  	_ =	task.clear_ibuf [dreg:s8], $0x6FFFF;
	_ =	strace $0x90000046  }
0xb4: {  	s29 =	simm.s32 $0x9;
	_ =	strace $0x80000048  }
0xb5: {  	_ =	swait.ge [sflag:s29], $0x1  }
0xb6: {  	[sflag:s29] =	ssyncadd.s32 $0xFFFFFFFF  }
0xb7: {  	_ =	strace $0x90000048  }
0xb8: {  	_ =	sfence  }
0xb9: {  	s30 =	sld [smem:$0x0];
	_ =	sdelay $0x2  }
0xba: {  	s31 =	sshll.u32 s1, $0xD;
	s1 =	sshrl.u32 s1, $0x2  }
0xbb: {  	s3 =	sand.u32 $0x4000, s31;
	s1 =	sadd.s32 s1, s30  }
0xbc: {  	s0 =	sor.u32 s3, s0;
	s1 =	sshll.u32 s1, $0x11  }
0xbd: {  	s0 =	sor.u32 s1, s0  }
0xbe: {  	s0 =	sadd.s32 $0x8F2B, s0  }
0xbf: {  	[sflag:s0] =	ssyncadd.remote.s32 $0x1  }
0xc0: {  	_ =	sfence.sel $0xFFFF  }
0xc1: {  	[dreg:$0x0] =	wrdreg $0xFFFFFFFF;
	(pc) =	sbr.abs _section_cstart, $3  }
0xc2: {  	[dreg:$0x1] =	wrdreg $0xFFFFFFFF  }
0xc3: {  	_ =	task.clear_ibuf [dreg:s8], $0x2FFFF;
	_ =	strace $0x9FFFFFFF  }
0xc4: {  	(tm) =	ssettm $0x7FFFFFFF  }
0xc5: {  	_ =	shalt  }
tec
execute0_lowered:
.L_overlay_start_1:
0x0: {  	(tag) =	ssettag $0x1  }
0x1: {  	s4 =	rddreg [dreg:$0x1];
	s0 =	srdreg.scid  }
0x2: {  	s2 =	stileid.u32;
	s1 =	rddreg [dreg:$0x2];
	s3 =	simm.s32 $0x0  }
0x3: {  	s0 =	sand.u32 $0x1, s0;
	s2 =	sshll.u32 s2, $0x1;
	[smem:$0x7FF] =	sst s3  }
0x4: {  	s5 =	sor.u32 s0, s2;
	s0 =	ssub.s32 $0x2, s0;
	_ =	strace $0x80000047  }
0x5: {  	s2 =	smul.u32 $0x280, s5;
	s30 =	sor.u32 $0x20, s5;
	[dreg:$0x4] =	wrdreg s5  }
0x6: {  	s28 =	sshrl.u32 s0, $0x1;
	s31 =	sor.u32 $0x40, s5;
	[dreg:$0x6] =	wrdreg s30  }
0x7: {  	s0 =	ssub.s32 s0, s28;
	[dreg:$0x7] =	wrdreg s31;
	s29 =	sadd.s32 s4, s2  }
0x8: {  	s0 =	smax.u32 s0, $0x1;
	[dreg:$0x5] =	wrdreg s29  }
0x9: {  	s6 =	sadd.s32 $0x400, s1;
	s2 =	simm.s32 $0x0;
	[dreg:$0x8] =	wrdreg s0  }
.LBB2_1:
0xa: {  	[dreg:$0x9] =	wrdreg s2  }
0xb: {  	s0 =	rddreg [dreg:$0x0];
	s1 =	simm.s32 $0x0;
	s29 =	simm.s32 $0x5  }
0xc: {  	[tilespmem:s1], [sflag:$0x5] =	stream.linear.gather [hbm4b:s0+s1], $0x19800, $0x38;
	[tilespmem:$0x1E800] =	vst v63  }
0xd: {  	_ =	swait.ge [sflag:s29], $0x19800  }
0xe: {  	s31 =	simm.s32 $0x19800;
	[sflag:s29] =	ssyncset.done $0x0  }
0xf: {  	s2 =	simm.s32 $0x0;
	s30 =	rddreg [dreg:$0x5];
	[sflag:s29] =	ssyncadd.s32 $0xFFFE6800  }
0x10: {  	[tilespmem:s31], [sflag:$0x3] =	stream.linear.gather [hbm4b:s30+s1], $0x1400, $0x38;
	[tilespmem:$0x1E800] =	vst v63  }
.LBB2_2:
0x11: {  	s3 =	sshll.u32 s2, $0x6;
	s0 =	rddreg [dreg:$0x6]  }
0x12: {  	s1 =	simm.s32 $0x3;
	s0 =	sor.u32 s0, s3  }
0x13: {  	_ =	swait.ge [sflag:s1], $0x1400;
	[dreg:$0xb] =	wrdreg s0;
	s0 =	smul.u32 $0x280, s0  }
0x14: {  	s24 =	simm.s32 $0x0;
	s30 =	simm.s32 $0x1AC00;
	[sflag:s1] =	ssyncset.done $0x0  }
0x15: {  	s31 =	rddreg [dreg:$0x4];
	[sflag:s1] =	ssyncadd.s32 $0xFFFFEC00;
	s0 =	sadd.s32 s4, s0  }
0x16: {  	[tilespmem:s30], [sflag:$0x4] =	stream.linear.gather [hbm4b:s0+s24], $0x1400, $0x38;
	[tilespmem:$0x1E800] =	vst v63  }
0x17: {  	[dreg:$0xc] =	wrdreg s3;
	s0 =	sor.u32 s31, s3  }
0x18: {  	s26 =	simm.s32 $0x0;
	[dreg:$0xa] =	wrdreg s2;
	s25 =	smul.u32 $0x14000, s0  }
.LBB2_3:
0x19: {  	s0 =	sor.u32 s2, s26  }
0x1a: {  	p0 =	seq.s32 s0, $0x0  }
0x1b: {  	s0 =	simm.s32 @!p0 $0x1  }
0x1c: {  	_ =	swait.ge @!p0 [sflag:s0], $0x1400  }
0x1d: {  	s1 =	simm.s32 $0x10;
	[sflag:s0] =	ssyncset.done @!p0 $0x0  }
0x1e: {  	s1 =	smin.u32 s1, $0x261;
	[sflag:s0] =	ssyncadd.s32 @!p0 $0xFFFFEC00;
	s0 =	simm.s32 @!p0 $0x2  }
0x1f: {  	s18 =	sshll.u32 s1, $0x3;
	_ =	swait.ge @!p0 [sflag:s0], $0x1400  }
0x20: {  	s1 =	sand.u32 $0x71, s1;
	s2 =	sand.u32 $0x1C00, s18;
	[sflag:s0] =	ssyncset.done @!p0 $0x0  }
0x21: {  	s23 =	sor.u32 s1, s2;
	[sflag:s0] =	ssyncadd.s32 @!p0 $0xFFFFEC00  }
0x22: {  	v22 =	vld [tilespmem:s23+$0x19800]  }
0x23: {  	v23 =	vld [tilespmem:s23+$0x19880]  }
0x24: {  	v20 =	vld [tilespmem:s23+$0x19900]  }
0x25: {  	v21 =	vld [tilespmem:s23+$0x19980]  }
0x26: {  	v19 =	vld [tilespmem:s23+$0x19A00]  }
0x27: {  	s19 =	smul.u32 $0xCC00, s26;
	v18 =	vld [tilespmem:s23+$0x19A80];
	_ =	sdelay $0x1  }
0x28: {  	s29 =	sshra.s32 s19, $0x2  }
0x29: {  	v0 =	vld.idx.msk [tilespmem:v22+s29+$0x0], $0xffff  }
0x2a: {  	v1 =	vld.idx.msk [tilespmem:v23+s29+$0x0], $0xffff  }
0x2b: {  	v2 =	vld.idx.msk [tilespmem:v20+s29+$0x0], $0xffff  }
0x2c: {  	v3 =	vld.idx.msk [tilespmem:v21+s29+$0x0], $0xffff  }
0x2d: {  	v4 =	vld.idx.msk [tilespmem:v19+s29+$0x0], $0xffff  }
0x2e: {  	v5 =	vld.idx.msk [tilespmem:v18+s29+$0x0], $0xffff;
	_ =	sdelay $0x2  }
0x2f: {  	s20 =	sand.u32 $0x60, s24;
	s21 =	sand.u32 $0x1C00, s24;
	v0 =	vadd.f32 v1, v0;
	v2 =	vadd.f32 v3, v2  }
0x30: {  	s28 =	sor.u32 s20, s21  }
0x31: {  	v1 =	vld [tilespmem:s28+$0x19800];
	v3 =	vadd.f32 v5, v4;
	v2 =	vadd.f32 v2, v0  }
0x32: {  	v4 =	vld [tilespmem:s28+$0x19880]  }
0x33: {  	v0 =	vld [tilespmem:s28+$0x19900];
	v5 =	vadd.f32 v3, v2  }
0x34: {  	v2 =	vld [tilespmem:s28+$0x19980]  }
0x35: {  	s30 =	sadd.s32 $0x330, s29;
	[tilespmem:s23+$0x1C000] =	vst v5;
	v5 =	vld [tilespmem:s28+$0x19A80]  }
0x36: {  	v6 =	vld.idx.msk [tilespmem:v22+s30+$0x0], $0xffff  }
0x37: {  	v7 =	vld.idx.msk [tilespmem:v23+s30+$0x0], $0xffff  }
0x38: {  	v8 =	vld.idx.msk [tilespmem:v20+s30+$0x0], $0xffff  }
0x39: {  	v9 =	vld.idx.msk [tilespmem:v21+s30+$0x0], $0xffff  }
0x3a: {  	v10 =	vld.idx.msk [tilespmem:v19+s30+$0x0], $0xffff  }
0x3b: {  	v11 =	vld.idx.msk [tilespmem:v18+s30+$0x0], $0xffff  }
0x3c: {  	v3 =	vld [tilespmem:s28+$0x19A00];
	_ =	sdelay $0x1  }
0x3d: {  	v6 =	vadd.f32 v7, v6;
	v7 =	vadd.f32 v9, v8  }
0x3e: {  	v8 =	vld.idx.msk [tilespmem:v1+s29+$0x0], $0xffff  }
0x3f: {  	v9 =	vld.idx.msk [tilespmem:v4+s29+$0x0], $0xffff;
	v6 =	vadd.f32 v7, v6;
	v7 =	vadd.f32 v11, v10  }
0x40: {  	v10 =	vld.idx.msk [tilespmem:v0+s29+$0x0], $0xffff  }
0x41: {  	v11 =	vld.idx.msk [tilespmem:v2+s29+$0x0], $0xffff;
	v6 =	vadd.f32 v7, v6  }
0x42: {  	v12 =	vld.idx.msk [tilespmem:v5+s29+$0x0], $0xffff  }
0x43: {  	s2 =	sadd.s32 $0x660, s29;
	v7 =	vld.idx.msk [tilespmem:v3+s29+$0x0], $0xffff;
	[tilespmem:s23+$0x1C080] =	vst v6  }
0x44: {  	v6 =	vld.idx.msk [tilespmem:v22+s2+$0x0], $0xffff  }
0x45: {  	v13 =	vld.idx.msk [tilespmem:v23+s2+$0x0], $0xffff  }
0x46: {  	v8 =	vadd.f32 v9, v8;
	v9 =	vadd.f32 v11, v10;
	v10 =	vld.idx.msk [tilespmem:v20+s2+$0x0], $0xffff  }
0x47: {  	v11 =	vld.idx.msk [tilespmem:v21+s2+$0x0], $0xffff  }
0x48: {  	v14 =	vld.idx.msk [tilespmem:v19+s2+$0x0], $0xffff;
	v8 =	vadd.f32 v9, v8;
	v7 =	vadd.f32 v12, v7  }
0x49: {  	v9 =	vld.idx.msk [tilespmem:v18+s2+$0x0], $0xffff  }
0x4a: {  	v7 =	vadd.f32 v7, v8;
	_ =	sdelay $0x1  }
0x4b: {  	v6 =	vadd.f32 v13, v6;
	[tilespmem:s28+$0x1C000] =	vst v7;
	v7 =	vadd.f32 v11, v10  }
0x4c: {  	v8 =	vld.idx.msk [tilespmem:v1+s30+$0x0], $0xffff  }
0x4d: {  	v10 =	vld.idx.msk [tilespmem:v0+s30+$0x0], $0xffff;
	v6 =	vadd.f32 v7, v6;
	v7 =	vadd.f32 v9, v14  }
0x4e: {  	v9 =	vld.idx.msk [tilespmem:v4+s30+$0x0], $0xffff  }
0x4f: {  	v6 =	vadd.f32 v7, v6;
	v7 =	vld.idx.msk [tilespmem:v2+s30+$0x0], $0xffff  }
0x50: {  	v11 =	vld.idx.msk [tilespmem:v3+s30+$0x0], $0xffff  }
0x51: {  	s0 =	sadd.s32 $0x990, s29;
	v12 =	vld.idx.msk [tilespmem:v5+s30+$0x0], $0xffff;
	[tilespmem:s23+$0x1C100] =	vst v6  }
0x52: {  	v6 =	vld.idx.msk [tilespmem:v22+s0+$0x0], $0xffff  }
0x53: {  	v13 =	vld.idx.msk [tilespmem:v23+s0+$0x0], $0xffff  }
0x54: {  	v8 =	vadd.f32 v9, v8;
	v9 =	vld.idx.msk [tilespmem:v20+s0+$0x0], $0xffff;
	v7 =	vadd.f32 v7, v10  }
0x55: {  	v10 =	vld.idx.msk [tilespmem:v21+s0+$0x0], $0xffff  }
0x56: {  	v14 =	vld.idx.msk [tilespmem:v19+s0+$0x0], $0xffff;
	v7 =	vadd.f32 v7, v8;
	v8 =	vadd.f32 v12, v11  }
0x57: {  	v11 =	vld.idx.msk [tilespmem:v18+s0+$0x0], $0xffff  }
0x58: {  	v7 =	vadd.f32 v8, v7;
	_ =	sdelay $0x1  }
0x59: {  	v6 =	vadd.f32 v13, v6;
	[tilespmem:s28+$0x1C080] =	vst v7;
	v7 =	vadd.f32 v10, v9  }
0x5a: {  	v8 =	vld.idx.msk [tilespmem:v1+s2+$0x0], $0xffff  }
0x5b: {  	v9 =	vld.idx.msk [tilespmem:v4+s2+$0x0], $0xffff;
	v6 =	vadd.f32 v7, v6;
	v7 =	vadd.f32 v11, v14  }
0x5c: {  	v10 =	vld.idx.msk [tilespmem:v0+s2+$0x0], $0xffff  }
0x5d: {  	v11 =	vld.idx.msk [tilespmem:v2+s2+$0x0], $0xffff;
	v6 =	vadd.f32 v7, v6  }
0x5e: {  	v12 =	vld.idx.msk [tilespmem:v5+s2+$0x0], $0xffff  }
0x5f: {  	s1 =	sadd.s32 $0xCC0, s29;
	v7 =	vld.idx.msk [tilespmem:v3+s2+$0x0], $0xffff;
	[tilespmem:s23+$0x1C180] =	vst v6  }
0x60: {  	v6 =	vld.idx.msk [tilespmem:v22+s1+$0x0], $0xffff  }
0x61: {  	v13 =	vld.idx.msk [tilespmem:v23+s1+$0x0], $0xffff  }
0x62: {  	v8 =	vadd.f32 v9, v8;
	v9 =	vld.idx.msk [tilespmem:v20+s1+$0x0], $0xffff;
	v10 =	vadd.f32 v11, v10  }
0x63: {  	v11 =	vld.idx.msk [tilespmem:v21+s1+$0x0], $0xffff  }
0x64: {  	v14 =	vld.idx.msk [tilespmem:v19+s1+$0x0], $0xffff;
	v8 =	vadd.f32 v10, v8;
	v7 =	vadd.f32 v12, v7  }
0x65: {  	v10 =	vld.idx.msk [tilespmem:v18+s1+$0x0], $0xffff  }
0x66: {  	v7 =	vadd.f32 v7, v8;
	_ =	sdelay $0x1  }
0x67: {  	v6 =	vadd.f32 v13, v6;
	[tilespmem:s28+$0x1C100] =	vst v7;
	v7 =	vadd.f32 v11, v9  }
0x68: {  	v8 =	vld.idx.msk [tilespmem:v1+s0+$0x0], $0xffff  }
0x69: {  	v9 =	vld.idx.msk [tilespmem:v4+s0+$0x0], $0xffff;
	v6 =	vadd.f32 v7, v6;
	v7 =	vadd.f32 v10, v14  }
0x6a: {  	v11 =	vld.idx.msk [tilespmem:v2+s0+$0x0], $0xffff  }
0x6b: {  	v10 =	vld.idx.msk [tilespmem:v0+s0+$0x0], $0xffff;
	v6 =	vadd.f32 v7, v6  }
0x6c: {  	v12 =	vld.idx.msk [tilespmem:v5+s0+$0x0], $0xffff  }
0x6d: {  	s12 =	sadd.s32 $0xFF0, s29;
	v7 =	vld.idx.msk [tilespmem:v3+s0+$0x0], $0xffff;
	[tilespmem:s23+$0x1C200] =	vst v6  }
0x6e: {  	v6 =	vld.idx.msk [tilespmem:v22+s12+$0x0], $0xffff  }
0x6f: {  	v13 =	vld.idx.msk [tilespmem:v23+s12+$0x0], $0xffff  }
0x70: {  	v8 =	vadd.f32 v9, v8;
	v9 =	vld.idx.msk [tilespmem:v20+s12+$0x0], $0xffff;
	v10 =	vadd.f32 v11, v10  }
0x71: {  	v11 =	vld.idx.msk [tilespmem:v21+s12+$0x0], $0xffff  }
0x72: {  	v14 =	vld.idx.msk [tilespmem:v19+s12+$0x0], $0xffff;
	v8 =	vadd.f32 v10, v8;
	v7 =	vadd.f32 v12, v7  }
0x73: {  	v10 =	vld.idx.msk [tilespmem:v18+s12+$0x0], $0xffff  }
0x74: {  	v7 =	vadd.f32 v7, v8;
	_ =	sdelay $0x1  }
0x75: {  	v6 =	vadd.f32 v13, v6;
	[tilespmem:s28+$0x1C180] =	vst v7;
	v7 =	vadd.f32 v11, v9  }
0x76: {  	v8 =	vld.idx.msk [tilespmem:v1+s1+$0x0], $0xffff  }
0x77: {  	v9 =	vld.idx.msk [tilespmem:v4+s1+$0x0], $0xffff;
	v6 =	vadd.f32 v7, v6;
	v7 =	vadd.f32 v10, v14  }
0x78: {  	v11 =	vld.idx.msk [tilespmem:v2+s1+$0x0], $0xffff  }
0x79: {  	v10 =	vld.idx.msk [tilespmem:v0+s1+$0x0], $0xffff;
	v6 =	vadd.f32 v7, v6  }
0x7a: {  	v12 =	vld.idx.msk [tilespmem:v5+s1+$0x0], $0xffff  }
0x7b: {  	s10 =	sadd.s32 $0x1320, s29;
	v7 =	vld.idx.msk [tilespmem:v3+s1+$0x0], $0xffff;
	[tilespmem:s23+$0x1C280] =	vst v6  }
0x7c: {  	v6 =	vld.idx.msk [tilespmem:v22+s10+$0x0], $0xffff  }
0x7d: {  	v13 =	vld.idx.msk [tilespmem:v23+s10+$0x0], $0xffff  }
0x7e: {  	v8 =	vadd.f32 v9, v8;
	v9 =	vld.idx.msk [tilespmem:v20+s10+$0x0], $0xffff;
	v10 =	vadd.f32 v11, v10  }
0x7f: {  	v11 =	vld.idx.msk [tilespmem:v21+s10+$0x0], $0xffff  }
0x80: {  	v14 =	vld.idx.msk [tilespmem:v19+s10+$0x0], $0xffff;
	v8 =	vadd.f32 v10, v8;
	v7 =	vadd.f32 v12, v7  }
0x81: {  	v10 =	vld.idx.msk [tilespmem:v18+s10+$0x0], $0xffff  }
0x82: {  	v7 =	vadd.f32 v7, v8;
	_ =	sdelay $0x1  }
0x83: {  	v6 =	vadd.f32 v13, v6;
	[tilespmem:s28+$0x1C200] =	vst v7;
	v7 =	vadd.f32 v11, v9  }
0x84: {  	v8 =	vld.idx.msk [tilespmem:v1+s12+$0x0], $0xffff  }
0x85: {  	v9 =	vld.idx.msk [tilespmem:v4+s12+$0x0], $0xffff;
	v6 =	vadd.f32 v7, v6;
	v7 =	vadd.f32 v10, v14  }
0x86: {  	v11 =	vld.idx.msk [tilespmem:v2+s12+$0x0], $0xffff  }
0x87: {  	v10 =	vld.idx.msk [tilespmem:v0+s12+$0x0], $0xffff;
	v6 =	vadd.f32 v7, v6  }
0x88: {  	v12 =	vld.idx.msk [tilespmem:v5+s12+$0x0], $0xffff  }
0x89: {  	s20 =	sadd.s32 $0x1650, s29;
	v7 =	vld.idx.msk [tilespmem:v3+s12+$0x0], $0xffff;
	[tilespmem:s23+$0x1C300] =	vst v6  }
0x8a: {  	v6 =	vld.idx.msk [tilespmem:v22+s20+$0x0], $0xffff  }
0x8b: {  	v13 =	vld.idx.msk [tilespmem:v23+s20+$0x0], $0xffff  }
0x8c: {  	v8 =	vadd.f32 v9, v8;
	v9 =	vld.idx.msk [tilespmem:v20+s20+$0x0], $0xffff;
	v10 =	vadd.f32 v11, v10  }
0x8d: {  	v11 =	vld.idx.msk [tilespmem:v21+s20+$0x0], $0xffff  }
0x8e: {  	v14 =	vld.idx.msk [tilespmem:v19+s20+$0x0], $0xffff;
	v8 =	vadd.f32 v10, v8;
	v7 =	vadd.f32 v12, v7  }
0x8f: {  	v10 =	vld.idx.msk [tilespmem:v18+s20+$0x0], $0xffff  }
0x90: {  	v7 =	vadd.f32 v7, v8;
	_ =	sdelay $0x1  }
0x91: {  	v6 =	vadd.f32 v13, v6;
	[tilespmem:s28+$0x1C280] =	vst v7;
	v7 =	vadd.f32 v11, v9  }
0x92: {  	v8 =	vld.idx.msk [tilespmem:v1+s10+$0x0], $0xffff  }
0x93: {  	v9 =	vld.idx.msk [tilespmem:v4+s10+$0x0], $0xffff;
	v6 =	vadd.f32 v7, v6;
	v7 =	vadd.f32 v10, v14  }
0x94: {  	s31 =	sshllo.u32 s26, $0x1;
	v11 =	vld.idx.msk [tilespmem:v2+s10+$0x0], $0xffff  }
0x95: {  	s3 =	smul.u32 $0x6600, s31;
	v10 =	vld.idx.msk [tilespmem:v0+s10+$0x0], $0xffff;
	v6 =	vadd.f32 v7, v6  }
0x96: {  	v12 =	vld.idx.msk [tilespmem:v5+s10+$0x0], $0xffff  }
0x97: {  	s14 =	sshra.s32 s3, $0x2;
	v7 =	vld.idx.msk [tilespmem:v3+s10+$0x0], $0xffff;
	[tilespmem:s23+$0x1C380] =	vst v6  }
0x98: {  	v6 =	vld.idx.msk [tilespmem:v22+s14+$0x0], $0xffff  }
0x99: {  	v13 =	vld.idx.msk [tilespmem:v23+s14+$0x0], $0xffff  }
0x9a: {  	v8 =	vadd.f32 v9, v8;
	v9 =	vld.idx.msk [tilespmem:v20+s14+$0x0], $0xffff;
	v10 =	vadd.f32 v11, v10  }
0x9b: {  	v11 =	vld.idx.msk [tilespmem:v21+s14+$0x0], $0xffff  }
0x9c: {  	v14 =	vld.idx.msk [tilespmem:v19+s14+$0x0], $0xffff;
	v8 =	vadd.f32 v10, v8;
	v7 =	vadd.f32 v12, v7  }
0x9d: {  	v10 =	vld.idx.msk [tilespmem:v18+s14+$0x0], $0xffff  }
0x9e: {  	v7 =	vadd.f32 v7, v8;
	_ =	sdelay $0x1  }
0x9f: {  	v6 =	vadd.f32 v13, v6;
	[tilespmem:s28+$0x1C300] =	vst v7;
	v7 =	vadd.f32 v11, v9  }
0xa0: {  	v8 =	vld.idx.msk [tilespmem:v1+s20+$0x0], $0xffff  }
0xa1: {  	v9 =	vld.idx.msk [tilespmem:v4+s20+$0x0], $0xffff;
	v6 =	vadd.f32 v7, v6;
	v7 =	vadd.f32 v10, v14  }
0xa2: {  	v11 =	vld.idx.msk [tilespmem:v2+s20+$0x0], $0xffff  }
0xa3: {  	v10 =	vld.idx.msk [tilespmem:v0+s20+$0x0], $0xffff;
	v6 =	vadd.f32 v7, v6  }
0xa4: {  	v12 =	vld.idx.msk [tilespmem:v5+s20+$0x0], $0xffff  }
0xa5: {  	s3 =	sadd.s32 $0x330, s14;
	v7 =	vld.idx.msk [tilespmem:v3+s20+$0x0], $0xffff;
	[tilespmem:s23+$0x1D400] =	vst v6  }
0xa6: {  	v6 =	vld.idx.msk [tilespmem:v22+s3+$0x0], $0xffff  }
0xa7: {  	s11 =	simm.s32 $0x30;
	v13 =	vld.idx.msk [tilespmem:v23+s3+$0x0], $0xffff  }
0xa8: {  	s7 =	simm.s32 $0x100;
	s9 =	simm.s32 $0x20;
	s22 =	smin.u32 s11, $0x261;
	v8 =	vadd.f32 v9, v8;
	v9 =	vld.idx.msk [tilespmem:v20+s3+$0x0], $0xffff;
	v10 =	vadd.f32 v11, v10  }
0xa9: {  	s9 =	sand.u32 $0x60, s9;
	s7 =	sand.u32 $0x1C00, s7;
	s11 =	sshll.u32 s22, $0x3;
	v11 =	vld.idx.msk [tilespmem:v21+s3+$0x0], $0xffff  }
0xaa: {  	s7 =	sor.u32 s9, s7;
	s9 =	sand.u32 $0x71, s22;
	s11 =	sand.u32 $0x1C00, s11;
	v14 =	vld.idx.msk [tilespmem:v19+s3+$0x0], $0xffff;
	v8 =	vadd.f32 v10, v8;
	v7 =	vadd.f32 v12, v7  }
0xab: {  	s11 =	sor.u32 s9, s11;
	v10 =	vld.idx.msk [tilespmem:v18+s3+$0x0], $0xffff  }
0xac: {  	v16 =	vld [tilespmem:s11+$0x19800];
	v7 =	vadd.f32 v7, v8  }
0xad: {  	v17 =	vld [tilespmem:s11+$0x19880]  }
0xae: {  	v15 =	vld [tilespmem:s11+$0x19900];
	v6 =	vadd.f32 v13, v6;
	[tilespmem:s28+$0x1C380] =	vst v7;
	v7 =	vadd.f32 v11, v9  }
0xaf: {  	v8 =	vld.idx.msk [tilespmem:v1+s14+$0x0], $0xffff  }
0xb0: {  	v9 =	vld.idx.msk [tilespmem:v4+s14+$0x0], $0xffff;
	v6 =	vadd.f32 v7, v6;
	v7 =	vadd.f32 v10, v14  }
0xb1: {  	v11 =	vld.idx.msk [tilespmem:v2+s14+$0x0], $0xffff  }
0xb2: {  	v12 =	vld.idx.msk [tilespmem:v5+s14+$0x0], $0xffff;
	v6 =	vadd.f32 v7, v6  }
0xb3: {  	v10 =	vld.idx.msk [tilespmem:v0+s14+$0x0], $0xffff  }
0xb4: {  	s5 =	sadd.s32 $0x660, s14;
	v7 =	vld.idx.msk [tilespmem:v3+s14+$0x0], $0xffff;
	[tilespmem:s23+$0x1D480] =	vst v6  }
0xb5: {  	v6 =	vld.idx.msk [tilespmem:v22+s5+$0x0], $0xffff  }
0xb6: {  	v13 =	vld.idx.msk [tilespmem:v23+s5+$0x0], $0xffff  }
0xb7: {  	v14 =	vld.idx.msk [tilespmem:v20+s5+$0x0], $0xffff  }
0xb8: {  	v8 =	vadd.f32 v9, v8;
	v9 =	vadd.f32 v11, v10;
	v10 =	vld.idx.msk [tilespmem:v21+s5+$0x0], $0xffff  }
0xb9: {  	v11 =	vld.idx.msk [tilespmem:v19+s5+$0x0], $0xffff  }
0xba: {  	v8 =	vadd.f32 v9, v8;
	v7 =	vadd.f32 v12, v7;
	v9 =	vld.idx.msk [tilespmem:v18+s5+$0x0], $0xffff;
	_ =	sdelay $0x1  }
0xbb: {  	v7 =	vadd.f32 v7, v8  }
0xbc: {  	v6 =	vadd.f32 v13, v6;
	v8 =	vadd.f32 v10, v14  }
0xbd: {  	v52 =	vld.idx.msk [tilespmem:v16+s29+$0x0], $0xffff  }
0xbe: {  	v53 =	vld.idx.msk [tilespmem:v17+s29+$0x0], $0xffff;
	[tilespmem:s28+$0x1D400] =	vst v7;
	v6 =	vadd.f32 v8, v6;
	v7 =	vadd.f32 v9, v11  }
0xbf: {  	v55 =	vld.idx.msk [tilespmem:v15+s29+$0x0], $0xffff  }
0xc0: {  	v24 =	vld.idx.msk [tilespmem:v1+s3+$0x0], $0xffff;
	v6 =	vadd.f32 v7, v6  }
0xc1: {  	v25 =	vld.idx.msk [tilespmem:v4+s3+$0x0], $0xffff  }
0xc2: {  	s8 =	sadd.s32 $0x990, s14;
	v26 =	vld.idx.msk [tilespmem:v0+s3+$0x0], $0xffff;
	[tilespmem:s23+$0x1D500] =	vst v6  }
0xc3: {  	v7 =	vld.idx.msk [tilespmem:v22+s8+$0x0], $0xffff  }
0xc4: {  	v8 =	vld.idx.msk [tilespmem:v23+s8+$0x0], $0xffff  }
0xc5: {  	v9 =	vld.idx.msk [tilespmem:v20+s8+$0x0], $0xffff  }
0xc6: {  	v10 =	vld.idx.msk [tilespmem:v21+s8+$0x0], $0xffff  }
0xc7: {  	v11 =	vld.idx.msk [tilespmem:v19+s8+$0x0], $0xffff  }
0xc8: {  	v12 =	vld.idx.msk [tilespmem:v18+s8+$0x0], $0xffff  }
0xc9: {  	v27 =	vld.idx.msk [tilespmem:v2+s3+$0x0], $0xffff  }
0xca: {  	v28 =	vld.idx.msk [tilespmem:v3+s3+$0x0], $0xffff  }
0xcb: {  	v29 =	vld.idx.msk [tilespmem:v5+s3+$0x0], $0xffff;
	v13 =	vadd.f32 v8, v7;
	v9 =	vadd.f32 v10, v9  }
0xcc: {  	v6 =	vld [tilespmem:s7+$0x19800]  }
0xcd: {  	v8 =	vld [tilespmem:s7+$0x19880];
	v10 =	vadd.f32 v12, v11;
	v9 =	vadd.f32 v9, v13  }
0xce: {  	v7 =	vld [tilespmem:s7+$0x19900]  }
0xcf: {  	v11 =	vld [tilespmem:s11+$0x19980];
	v9 =	vadd.f32 v10, v9  }
0xd0: {  	v12 =	vld [tilespmem:s11+$0x19A00]  }
0xd1: {  	s13 =	sadd.s32 $0xCC0, s14;
	v13 =	vld [tilespmem:s11+$0x19A80];
	[tilespmem:s23+$0x1D580] =	vst v9  }
0xd2: {  	v24 =	vadd.f32 v25, v24;
	v25 =	vadd.f32 v27, v26;
	v14 =	vld.idx.msk [tilespmem:v22+s13+$0x0], $0xffff  }
0xd3: {  	v30 =	vld.idx.msk [tilespmem:v23+s13+$0x0], $0xffff  }
0xd4: {  	v24 =	vadd.f32 v25, v24;
	v25 =	vadd.f32 v29, v28;
	v31 =	vld.idx.msk [tilespmem:v20+s13+$0x0], $0xffff  }
0xd5: {  	v32 =	vld.idx.msk [tilespmem:v21+s13+$0x0], $0xffff  }
0xd6: {  	v24 =	vadd.f32 v25, v24;
	v33 =	vld.idx.msk [tilespmem:v19+s13+$0x0], $0xffff  }
0xd7: {  	v34 =	vld.idx.msk [tilespmem:v18+s13+$0x0], $0xffff  }
0xd8: {  	[tilespmem:s28+$0x1D480] =	vst v24;
	v62 =	vld.idx.msk [tilespmem:v6+s29+$0x0], $0xffff  }
0xd9: {  	v41 =	vld.idx.msk [tilespmem:v0+s5+$0x0], $0xffff  }
0xda: {  	v10 =	vld [tilespmem:s7+$0x19980];
	v14 =	vadd.f32 v30, v14;
	v51 =	vadd.f32 v32, v31  }
0xdb: {  	v9 =	vld [tilespmem:s7+$0x19A00]  }
0xdc: {  	v56 =	vld.idx.msk [tilespmem:v11+s29+$0x0], $0xffff;
	v54 =	vadd.f32 v34, v33;
	v14 =	vadd.f32 v51, v14  }
0xdd: {  	v57 =	vld.idx.msk [tilespmem:v12+s29+$0x0], $0xffff  }
0xde: {  	v35 =	vld.idx.msk [tilespmem:v13+s29+$0x0], $0xffff;
	v14 =	vadd.f32 v54, v14  }
0xdf: {  	v63 =	vld.idx.msk [tilespmem:v8+s29+$0x0], $0xffff  }
0xe0: {  	s9 =	sadd.s32 $0xFF0, s14;
	v39 =	vld.idx.msk [tilespmem:v7+s29+$0x0], $0xffff;
	[tilespmem:s23+$0x1D600] =	vst v14  }
0xe1: {  	v58 =	vadd.f32 v56, v55;
	v14 =	vadd.f32 v53, v52;
	v36 =	vld.idx.msk [tilespmem:v22+s9+$0x0], $0xffff  }
0xe2: {  	v37 =	vld.idx.msk [tilespmem:v23+s9+$0x0], $0xffff  }
0xe3: {  	v30 =	vadd.f32 v35, v57;
	v38 =	vld.idx.msk [tilespmem:v20+s9+$0x0], $0xffff;
	v31 =	vadd.f32 v58, v14  }
0xe4: {  	v59 =	vld.idx.msk [tilespmem:v21+s9+$0x0], $0xffff  }
0xe5: {  	v60 =	vld.idx.msk [tilespmem:v19+s9+$0x0], $0xffff;
	v30 =	vadd.f32 v30, v31  }
0xe6: {  	v61 =	vld.idx.msk [tilespmem:v18+s9+$0x0], $0xffff  }
0xe7: {  	v14 =	vld [tilespmem:s7+$0x19A80];
	[tilespmem:s11+$0x1C000] =	vst v30  }
0xe8: {  	v45 =	vld.idx.msk [tilespmem:v16+s30+$0x0], $0xffff  }
0xe9: {  	v46 =	vld.idx.msk [tilespmem:v17+s30+$0x0], $0xffff  }
0xea: {  	v48 =	vld.idx.msk [tilespmem:v15+s30+$0x0], $0xffff  }
0xeb: {  	v44 =	vadd.f32 v37, v36;
	v32 =	vadd.f32 v59, v38;
	v50 =	vld.idx.msk [tilespmem:v12+s30+$0x0], $0xffff  }
0xec: {  	v51 =	vld.idx.msk [tilespmem:v13+s30+$0x0], $0xffff  }
0xed: {  	v47 =	vadd.f32 v61, v60;
	v49 =	vld.idx.msk [tilespmem:v11+s30+$0x0], $0xffff;
	v30 =	vadd.f32 v32, v44  }
0xee: {  	v25 =	vld.idx.msk [tilespmem:v10+s29+$0x0], $0xffff  }
0xef: {  	v56 =	vld.idx.msk [tilespmem:v9+s29+$0x0], $0xffff;
	v30 =	vadd.f32 v47, v30  }
0xf0: {  	v24 =	vld.idx.msk [tilespmem:v14+s29+$0x0], $0xffff  }
0xf1: {  	s17 =	sadd.s32 $0x1320, s14;
	[tilespmem:s23+$0x1D680] =	vst v30;
	v54 =	vadd.f32 v51, v50;
	v51 =	vld.idx.msk [tilespmem:v2+s5+$0x0], $0xffff  }
0xf2: {  	v27 =	vadd.f32 v46, v45;
	v33 =	vadd.f32 v49, v48;
	v30 =	vld.idx.msk [tilespmem:v22+s17+$0x0], $0xffff  }
0xf3: {  	v40 =	vld.idx.msk [tilespmem:v23+s17+$0x0], $0xffff  }
0xf4: {  	v26 =	vld.idx.msk [tilespmem:v20+s17+$0x0], $0xffff;
	v27 =	vadd.f32 v33, v27  }
0xf5: {  	v52 =	vld.idx.msk [tilespmem:v21+s17+$0x0], $0xffff  }
0xf6: {  	v53 =	vld.idx.msk [tilespmem:v19+s17+$0x0], $0xffff;
	v27 =	vadd.f32 v54, v27  }
0xf7: {  	v25 =	vadd.f32 v25, v39;
	v31 =	vadd.f32 v63, v62;
	v55 =	vld.idx.msk [tilespmem:v18+s17+$0x0], $0xffff  }
0xf8: {  	[tilespmem:s11+$0x1C080] =	vst v27;
	v27 =	vadd.f32 v40, v30;
	v30 =	vld.idx.msk [tilespmem:v1+s5+$0x0], $0xffff  }
0xf9: {  	v25 =	vadd.f32 v25, v31;
	v58 =	vld.idx.msk [tilespmem:v17+s2+$0x0], $0xffff  }
0xfa: {  	v24 =	vadd.f32 v24, v56;
	v26 =	vadd.f32 v52, v26;
	v59 =	vld.idx.msk [tilespmem:v15+s2+$0x0], $0xffff  }
0xfb: {  	v60 =	vld.idx.msk [tilespmem:v11+s2+$0x0], $0xffff  }
0xfc: {  	v24 =	vadd.f32 v24, v25;
	v26 =	vadd.f32 v26, v27;
	v27 =	vld.idx.msk [tilespmem:v16+s2+$0x0], $0xffff  }
0xfd: {  	v57 =	vld.idx.msk [tilespmem:v12+s2+$0x0], $0xffff  }
0xfe: {  	v28 =	vadd.f32 v55, v53;
	v61 =	vld.idx.msk [tilespmem:v13+s2+$0x0], $0xffff;
	[tilespmem:s7+$0x1C000] =	vst v24  }
0xff: {  	v62 =	vld.idx.msk [tilespmem:v7+s30+$0x0], $0xffff  }
0x100: {  	v63 =	vld.idx.msk [tilespmem:v9+s30+$0x0], $0xffff;
	v26 =	vadd.f32 v28, v26  }
0x101: {  	v36 =	vld.idx.msk [tilespmem:v14+s30+$0x0], $0xffff;
	v25 =	vadd.f32 v60, v59;
	v24 =	vadd.f32 v58, v27  }
0x102: {  	s22 =	sadd.s32 $0x1650, s14;
	[tilespmem:s23+$0x1D700] =	vst v26;
	v26 =	vld.idx.msk [tilespmem:v6+s30+$0x0], $0xffff  }
0x103: {  	v22 =	vld.idx.msk [tilespmem:v22+s22+$0x0], $0xffff;
	v24 =	vadd.f32 v25, v24;
	v25 =	vadd.f32 v61, v57  }
0x104: {  	v27 =	vld.idx.msk [tilespmem:v8+s30+$0x0], $0xffff  }
0x105: {  	v24 =	vadd.f32 v25, v24;
	v25 =	vld.idx.msk [tilespmem:v10+s30+$0x0], $0xffff  }
0x106: {  	v23 =	vld.idx.msk [tilespmem:v23+s22+$0x0], $0xffff  }
0x107: {  	v20 =	vld.idx.msk [tilespmem:v20+s22+$0x0], $0xffff;
	[tilespmem:s11+$0x1C100] =	vst v24  }
0x108: {  	v24 =	vld.idx.msk [tilespmem:v16+s0+$0x0], $0xffff  }
0x109: {  	v37 =	vld.idx.msk [tilespmem:v17+s0+$0x0], $0xffff  }
0x10a: {  	v26 =	vadd.f32 v27, v26;
	v27 =	vld.idx.msk [tilespmem:v15+s0+$0x0], $0xffff;
	v25 =	vadd.f32 v25, v62  }
0x10b: {  	v38 =	vld.idx.msk [tilespmem:v11+s0+$0x0], $0xffff  }
0x10c: {  	v39 =	vld.idx.msk [tilespmem:v12+s0+$0x0], $0xffff;
	v25 =	vadd.f32 v25, v26;
	v26 =	vadd.f32 v36, v63  }
0x10d: {  	v40 =	vld.idx.msk [tilespmem:v13+s0+$0x0], $0xffff  }
0x10e: {  	v21 =	vld.idx.msk [tilespmem:v21+s22+$0x0], $0xffff;
	v25 =	vadd.f32 v26, v25  }
0x10f: {  	v19 =	vld.idx.msk [tilespmem:v19+s22+$0x0], $0xffff  }
0x110: {  	v18 =	vld.idx.msk [tilespmem:v18+s22+$0x0], $0xffff;
	v24 =	vadd.f32 v37, v24;
	[tilespmem:s7+$0x1C080] =	vst v25;
	v25 =	vadd.f32 v38, v27  }
0x111: {  	v27 =	vld.idx.msk [tilespmem:v6+s2+$0x0], $0xffff  }
0x112: {  	v42 =	vld.idx.msk [tilespmem:v8+s2+$0x0], $0xffff;
	v24 =	vadd.f32 v25, v24;
	v25 =	vadd.f32 v40, v39  }
0x113: {  	v43 =	vld.idx.msk [tilespmem:v7+s2+$0x0], $0xffff  }
0x114: {  	v44 =	vld.idx.msk [tilespmem:v10+s2+$0x0], $0xffff;
	v24 =	vadd.f32 v25, v24  }
0x115: {  	v45 =	vld.idx.msk [tilespmem:v14+s2+$0x0], $0xffff  }
0x116: {  	v25 =	vld.idx.msk [tilespmem:v9+s2+$0x0], $0xffff;
	[tilespmem:s11+$0x1C180] =	vst v24  }
0x117: {  	v24 =	vld.idx.msk [tilespmem:v16+s1+$0x0], $0xffff  }
0x118: {  	v46 =	vld.idx.msk [tilespmem:v17+s1+$0x0], $0xffff  }
0x119: {  	v27 =	vadd.f32 v42, v27;
	v29 =	vadd.f32 v44, v43;
	v47 =	vld.idx.msk [tilespmem:v15+s1+$0x0], $0xffff  }
0x11a: {  	v48 =	vld.idx.msk [tilespmem:v11+s1+$0x0], $0xffff  }
0x11b: {  	v49 =	vld.idx.msk [tilespmem:v12+s1+$0x0], $0xffff;
	v27 =	vadd.f32 v29, v27;
	v25 =	vadd.f32 v45, v25  }
0x11c: {  	v50 =	vld.idx.msk [tilespmem:v13+s1+$0x0], $0xffff  }
0x11d: {  	v26 =	vld.idx.msk [tilespmem:v4+s5+$0x0], $0xffff;
	v25 =	vadd.f32 v25, v27  }
0x11e: {  	v27 =	vld.idx.msk [tilespmem:v3+s5+$0x0], $0xffff  }
0x11f: {  	v24 =	vadd.f32 v46, v24;
	v28 =	vadd.f32 v48, v47;
	[tilespmem:s7+$0x1C100] =	vst v25;
	v25 =	vld.idx.msk [tilespmem:v5+s5+$0x0], $0xffff  }
0x120: {  	v52 =	vld.idx.msk [tilespmem:v6+s0+$0x0], $0xffff  }
0x121: {  	v54 =	vadd.f32 v50, v49;
	v53 =	vld.idx.msk [tilespmem:v8+s0+$0x0], $0xffff;
	v24 =	vadd.f32 v28, v24  }
0x122: {  	v55 =	vld.idx.msk [tilespmem:v7+s0+$0x0], $0xffff  }
0x123: {  	v56 =	vld.idx.msk [tilespmem:v10+s0+$0x0], $0xffff;
	v24 =	vadd.f32 v54, v24  }
0x124: {  	v57 =	vld.idx.msk [tilespmem:v9+s0+$0x0], $0xffff  }
0x125: {  	v58 =	vadd.f32 v51, v41;
	v26 =	vadd.f32 v26, v30;
	v59 =	vld.idx.msk [tilespmem:v14+s0+$0x0], $0xffff;
	[tilespmem:s11+$0x1C200] =	vst v24  }
0x126: {  	v24 =	vld.idx.msk [tilespmem:v16+s12+$0x0], $0xffff  }
0x127: {  	v26 =	vadd.f32 v58, v26;
	v25 =	vadd.f32 v25, v27;
	v27 =	vld.idx.msk [tilespmem:v17+s12+$0x0], $0xffff  }
0x128: {  	v60 =	vadd.f32 v53, v52;
	v61 =	vld.idx.msk [tilespmem:v15+s12+$0x0], $0xffff;
	v29 =	vadd.f32 v56, v55  }
0x129: {  	v25 =	vadd.f32 v25, v26;
	v26 =	vld.idx.msk [tilespmem:v11+s12+$0x0], $0xffff  }
0x12a: {  	v62 =	vld.idx.msk [tilespmem:v12+s12+$0x0], $0xffff;
	v28 =	vadd.f32 v59, v57;
	v29 =	vadd.f32 v29, v60  }
0x12b: {  	[tilespmem:s28+$0x1D500] =	vst v25;
	v25 =	vld.idx.msk [tilespmem:v13+s12+$0x0], $0xffff  }
0x12c: {  	v63 =	vld.idx.msk [tilespmem:v1+s8+$0x0], $0xffff;
	v28 =	vadd.f32 v28, v29  }
0x12d: {  	v36 =	vld.idx.msk [tilespmem:v4+s8+$0x0], $0xffff  }
0x12e: {  	v37 =	vld.idx.msk [tilespmem:v0+s8+$0x0], $0xffff;
	v24 =	vadd.f32 v27, v24;
	[tilespmem:s7+$0x1C180] =	vst v28;
	v26 =	vadd.f32 v26, v61  }
0x12f: {  	v27 =	vld.idx.msk [tilespmem:v6+s1+$0x0], $0xffff  }
0x130: {  	v28 =	vld.idx.msk [tilespmem:v8+s1+$0x0], $0xffff;
	v24 =	vadd.f32 v26, v24;
	v25 =	vadd.f32 v25, v62  }
0x131: {  	v38 =	vld.idx.msk [tilespmem:v10+s1+$0x0], $0xffff  }
0x132: {  	v26 =	vld.idx.msk [tilespmem:v7+s1+$0x0], $0xffff;
	v24 =	vadd.f32 v25, v24  }
0x133: {  	v39 =	vld.idx.msk [tilespmem:v14+s1+$0x0], $0xffff  }
0x134: {  	v25 =	vld.idx.msk [tilespmem:v9+s1+$0x0], $0xffff;
	[tilespmem:s11+$0x1C280] =	vst v24  }
0x135: {  	v24 =	vld.idx.msk [tilespmem:v16+s10+$0x0], $0xffff  }
0x136: {  	v40 =	vld.idx.msk [tilespmem:v17+s10+$0x0], $0xffff  }
0x137: {  	v27 =	vadd.f32 v28, v27;
	v41 =	vld.idx.msk [tilespmem:v15+s10+$0x0], $0xffff;
	v26 =	vadd.f32 v38, v26  }
0x138: {  	v42 =	vld.idx.msk [tilespmem:v11+s10+$0x0], $0xffff  }
0x139: {  	v43 =	vld.idx.msk [tilespmem:v12+s10+$0x0], $0xffff;
	v26 =	vadd.f32 v26, v27;
	v25 =	vadd.f32 v39, v25  }
0x13a: {  	v27 =	vld.idx.msk [tilespmem:v13+s10+$0x0], $0xffff  }
0x13b: {  	v44 =	vld.idx.msk [tilespmem:v2+s8+$0x0], $0xffff;
	v25 =	vadd.f32 v25, v26  }
0x13c: {  	v26 =	vld.idx.msk [tilespmem:v3+s8+$0x0], $0xffff  }
0x13d: {  	v24 =	vadd.f32 v40, v24;
	v28 =	vadd.f32 v42, v41;
	[tilespmem:s7+$0x1C200] =	vst v25;
	v25 =	vld.idx.msk [tilespmem:v5+s8+$0x0], $0xffff  }
0x13e: {  	v45 =	vld.idx.msk [tilespmem:v6+s12+$0x0], $0xffff  }
0x13f: {  	v46 =	vld.idx.msk [tilespmem:v8+s12+$0x0], $0xffff;
	v24 =	vadd.f32 v28, v24;
	v27 =	vadd.f32 v27, v43  }
0x140: {  	v47 =	vld.idx.msk [tilespmem:v7+s12+$0x0], $0xffff  }
0x141: {  	v48 =	vld.idx.msk [tilespmem:v10+s12+$0x0], $0xffff;
	v24 =	vadd.f32 v27, v24  }
0x142: {  	v50 =	vld.idx.msk [tilespmem:v14+s12+$0x0], $0xffff  }
0x143: {  	v29 =	vadd.f32 v36, v63;
	v49 =	vadd.f32 v44, v37;
	v27 =	vld.idx.msk [tilespmem:v9+s12+$0x0], $0xffff;
	[tilespmem:s11+$0x1C300] =	vst v24  }
0x144: {  	v24 =	vld.idx.msk [tilespmem:v16+s20+$0x0], $0xffff  }
0x145: {  	v29 =	vadd.f32 v49, v29;
	v25 =	vadd.f32 v25, v26;
	v26 =	vld.idx.msk [tilespmem:v17+s20+$0x0], $0xffff  }
0x146: {  	v51 =	vadd.f32 v46, v45;
	v52 =	vld.idx.msk [tilespmem:v15+s20+$0x0], $0xffff;
	v28 =	vadd.f32 v48, v47  }
0x147: {  	v53 =	vld.idx.msk [tilespmem:v11+s20+$0x0], $0xffff;
	v25 =	vadd.f32 v25, v29  }
0x148: {  	v54 =	vld.idx.msk [tilespmem:v12+s20+$0x0], $0xffff;
	v28 =	vadd.f32 v28, v51;
	v27 =	vadd.f32 v50, v27  }
0x149: {  	[tilespmem:s28+$0x1D580] =	vst v25;
	v25 =	vld.idx.msk [tilespmem:v13+s20+$0x0], $0xffff  }
0x14a: {  	v55 =	vld.idx.msk [tilespmem:v1+s13+$0x0], $0xffff;
	v27 =	vadd.f32 v27, v28  }
0x14b: {  	v56 =	vld.idx.msk [tilespmem:v4+s13+$0x0], $0xffff  }
0x14c: {  	v57 =	vld.idx.msk [tilespmem:v0+s13+$0x0], $0xffff;
	v24 =	vadd.f32 v26, v24;
	v26 =	vadd.f32 v53, v52;
	[tilespmem:s7+$0x1C280] =	vst v27  }
0x14d: {  	v27 =	vld.idx.msk [tilespmem:v6+s10+$0x0], $0xffff  }
0x14e: {  	v58 =	vld.idx.msk [tilespmem:v8+s10+$0x0], $0xffff;
	v24 =	vadd.f32 v26, v24;
	v25 =	vadd.f32 v25, v54  }
0x14f: {  	v26 =	vld.idx.msk [tilespmem:v7+s10+$0x0], $0xffff  }
0x150: {  	v59 =	vld.idx.msk [tilespmem:v10+s10+$0x0], $0xffff;
	v24 =	vadd.f32 v25, v24  }
0x151: {  	v60 =	vld.idx.msk [tilespmem:v14+s10+$0x0], $0xffff  }
0x152: {  	v25 =	vld.idx.msk [tilespmem:v9+s10+$0x0], $0xffff;
	[tilespmem:s11+$0x1C380] =	vst v24  }
0x153: {  	v24 =	vld.idx.msk [tilespmem:v16+s14+$0x0], $0xffff  }
0x154: {  	v61 =	vld.idx.msk [tilespmem:v17+s14+$0x0], $0xffff  }
0x155: {  	v27 =	vadd.f32 v58, v27;
	v26 =	vadd.f32 v59, v26;
	v62 =	vld.idx.msk [tilespmem:v15+s14+$0x0], $0xffff  }
0x156: {  	v63 =	vld.idx.msk [tilespmem:v11+s14+$0x0], $0xffff  }
0x157: {  	v36 =	vld.idx.msk [tilespmem:v12+s14+$0x0], $0xffff;
	v26 =	vadd.f32 v26, v27;
	v25 =	vadd.f32 v60, v25  }
0x158: {  	v27 =	vld.idx.msk [tilespmem:v13+s14+$0x0], $0xffff  }
0x159: {  	v37 =	vld.idx.msk [tilespmem:v2+s13+$0x0], $0xffff;
	v25 =	vadd.f32 v25, v26  }
0x15a: {  	v26 =	vld.idx.msk [tilespmem:v3+s13+$0x0], $0xffff  }
0x15b: {  	v24 =	vadd.f32 v61, v24;
	v29 =	vadd.f32 v63, v62;
	[tilespmem:s7+$0x1C300] =	vst v25;
	v25 =	vld.idx.msk [tilespmem:v5+s13+$0x0], $0xffff  }
0x15c: {  	v38 =	vld.idx.msk [tilespmem:v6+s20+$0x0], $0xffff  }
0x15d: {  	v27 =	vadd.f32 v27, v36;
	v39 =	vld.idx.msk [tilespmem:v8+s20+$0x0], $0xffff;
	v24 =	vadd.f32 v29, v24  }
0x15e: {  	v40 =	vld.idx.msk [tilespmem:v7+s20+$0x0], $0xffff  }
0x15f: {  	v41 =	vld.idx.msk [tilespmem:v10+s20+$0x0], $0xffff;
	v24 =	vadd.f32 v27, v24  }
0x160: {  	v43 =	vld.idx.msk [tilespmem:v14+s20+$0x0], $0xffff  }
0x161: {  	v28 =	vadd.f32 v56, v55;
	v42 =	vadd.f32 v37, v57;
	v27 =	vld.idx.msk [tilespmem:v9+s20+$0x0], $0xffff;
	[tilespmem:s11+$0x1D400] =	vst v24  }
0x162: {  	v24 =	vld.idx.msk [tilespmem:v16+s3+$0x0], $0xffff  }
0x163: {  	v28 =	vadd.f32 v42, v28;
	v25 =	vadd.f32 v25, v26;
	v26 =	vld.idx.msk [tilespmem:v17+s3+$0x0], $0xffff  }
0x164: {  	v44 =	vadd.f32 v39, v38;
	v45 =	vld.idx.msk [tilespmem:v15+s3+$0x0], $0xffff;
	v29 =	vadd.f32 v41, v40  }
0x165: {  	v46 =	vld.idx.msk [tilespmem:v11+s3+$0x0], $0xffff;
	v25 =	vadd.f32 v25, v28  }
0x166: {  	v47 =	vld.idx.msk [tilespmem:v12+s3+$0x0], $0xffff;
	v29 =	vadd.f32 v29, v44;
	v27 =	vadd.f32 v43, v27  }
0x167: {  	[tilespmem:s28+$0x1D600] =	vst v25;
	v25 =	vld.idx.msk [tilespmem:v13+s3+$0x0], $0xffff  }
0x168: {  	v48 =	vld.idx.msk [tilespmem:v1+s9+$0x0], $0xffff;
	v27 =	vadd.f32 v27, v29  }
0x169: {  	v49 =	vld.idx.msk [tilespmem:v4+s9+$0x0], $0xffff  }
0x16a: {  	v50 =	vld.idx.msk [tilespmem:v0+s9+$0x0], $0xffff;
	v24 =	vadd.f32 v26, v24;
	v26 =	vadd.f32 v46, v45;
	[tilespmem:s7+$0x1C380] =	vst v27  }
0x16b: {  	v27 =	vld.idx.msk [tilespmem:v6+s14+$0x0], $0xffff  }
0x16c: {  	v51 =	vld.idx.msk [tilespmem:v8+s14+$0x0], $0xffff;
	v24 =	vadd.f32 v26, v24;
	v25 =	vadd.f32 v25, v47  }
0x16d: {  	v26 =	vld.idx.msk [tilespmem:v7+s14+$0x0], $0xffff  }
0x16e: {  	v52 =	vld.idx.msk [tilespmem:v10+s14+$0x0], $0xffff;
	v24 =	vadd.f32 v25, v24  }
0x16f: {  	v53 =	vld.idx.msk [tilespmem:v14+s14+$0x0], $0xffff  }
0x170: {  	v25 =	vld.idx.msk [tilespmem:v9+s14+$0x0], $0xffff;
	[tilespmem:s11+$0x1D480] =	vst v24  }
0x171: {  	v24 =	vld.idx.msk [tilespmem:v16+s5+$0x0], $0xffff  }
0x172: {  	v54 =	vld.idx.msk [tilespmem:v17+s5+$0x0], $0xffff  }
0x173: {  	v27 =	vadd.f32 v51, v27;
	v26 =	vadd.f32 v52, v26;
	v55 =	vld.idx.msk [tilespmem:v15+s5+$0x0], $0xffff  }
0x174: {  	v56 =	vld.idx.msk [tilespmem:v11+s5+$0x0], $0xffff  }
0x175: {  	v57 =	vld.idx.msk [tilespmem:v12+s5+$0x0], $0xffff;
	v26 =	vadd.f32 v26, v27;
	v25 =	vadd.f32 v53, v25  }
0x176: {  	v27 =	vld.idx.msk [tilespmem:v13+s5+$0x0], $0xffff  }
0x177: {  	v58 =	vld.idx.msk [tilespmem:v2+s9+$0x0], $0xffff;
	v25 =	vadd.f32 v25, v26  }
0x178: {  	v26 =	vld.idx.msk [tilespmem:v3+s9+$0x0], $0xffff  }
0x179: {  	v24 =	vadd.f32 v54, v24;
	v28 =	vadd.f32 v56, v55;
	[tilespmem:s7+$0x1D400] =	vst v25;
	v25 =	vld.idx.msk [tilespmem:v5+s9+$0x0], $0xffff  }
0x17a: {  	v59 =	vld.idx.msk [tilespmem:v6+s3+$0x0], $0xffff  }
0x17b: {  	v27 =	vadd.f32 v27, v57;
	v60 =	vld.idx.msk [tilespmem:v8+s3+$0x0], $0xffff;
	v24 =	vadd.f32 v28, v24  }
0x17c: {  	v61 =	vld.idx.msk [tilespmem:v7+s3+$0x0], $0xffff  }
0x17d: {  	v62 =	vld.idx.msk [tilespmem:v10+s3+$0x0], $0xffff;
	v24 =	vadd.f32 v27, v24  }
0x17e: {  	v22 =	vadd.f32 v23, v22;
	v20 =	vadd.f32 v21, v20;
	v63 =	vld.idx.msk [tilespmem:v14+s3+$0x0], $0xffff  }
0x17f: {  	v21 =	vadd.f32 v49, v48;
	v23 =	vadd.f32 v58, v50;
	v27 =	vld.idx.msk [tilespmem:v9+s3+$0x0], $0xffff;
	[tilespmem:s11+$0x1D500] =	vst v24  }
0x180: {  	v18 =	vadd.f32 v18, v19;
	v22 =	vadd.f32 v20, v22;
	v19 =	vld.idx.msk [tilespmem:v16+s8+$0x0], $0xffff  }
0x181: {  	v23 =	vadd.f32 v23, v21;
	v24 =	vadd.f32 v25, v26;
	v20 =	vld.idx.msk [tilespmem:v17+s8+$0x0], $0xffff  }
0x182: {  	v18 =	vadd.f32 v18, v22;
	v21 =	vld.idx.msk [tilespmem:v15+s8+$0x0], $0xffff;
	v28 =	vadd.f32 v62, v61  }
0x183: {  	v25 =	vld.idx.msk [tilespmem:v12+s8+$0x0], $0xffff;
	v22 =	vadd.f32 v24, v23;
	v24 =	vadd.f32 v60, v59  }
0x184: {  	v23 =	vld.idx.msk [tilespmem:v11+s8+$0x0], $0xffff  }
0x185: {  	v26 =	vld.idx.msk [tilespmem:v13+s8+$0x0], $0xffff;
	[tilespmem:s28+$0x1D680] =	vst v22;
	v22 =	vadd.f32 v28, v24;
	v24 =	vadd.f32 v63, v27  }
0x186: {  	s15 =	simm.s32 $0x2;
	s16 =	simm.s32 $0x40;
	[tilespmem:s23+$0x1D780] =	vst v18;
	s23 =	simm.s32 $0x200;
	v18 =	vld.idx.msk [tilespmem:v1+s17+$0x0], $0xffff  }
.LBB2_4:
0x187: {  	s18 =	sand.u32 $0x60, s16;
	s21 =	sand.u32 $0x1C00, s23;
	s19 =	sadd.s32 $0x10, s16;
	v27 =	vadd.f32 v24, v22;
	v28 =	vld.idx.msk [tilespmem:v4+s17+$0x0], $0xffff  }
0x188: {  	s21 =	sor.u32 s18, s21;
	s18 =	smin.u32 s19, $0x261;
	v24 =	vld.idx.msk [tilespmem:v0+s17+$0x0], $0xffff  }
0x189: {  	v19 =	vadd.f32 v20, v19;
	v21 =	vadd.f32 v23, v21;
	v22 =	vld [tilespmem:s21+$0x19800];
	s19 =	sshll.u32 s18, $0x3;
	[tilespmem:s7+$0x1D480] =	vst v27  }
0x18a: {  	s18 =	sand.u32 $0x71, s18;
	v23 =	vld [tilespmem:s21+$0x19880];
	s19 =	sand.u32 $0x1C00, s19  }
0x18b: {  	v19 =	vadd.f32 v21, v19;
	v21 =	vadd.f32 v26, v25;
	v20 =	vld [tilespmem:s21+$0x19900];
	s18 =	sor.u32 s18, s19  }
0x18c: {  	v29 =	vld [tilespmem:s18+$0x19800]  }
0x18d: {  	v19 =	vadd.f32 v21, v19;
	v25 =	vadd.f32 v28, v18;
	v27 =	vld [tilespmem:s18+$0x19880]  }
0x18e: {  	v28 =	vld [tilespmem:s18+$0x19900]  }
0x18f: {  	v26 =	vld [tilespmem:s18+$0x19980];
	[tilespmem:s11+$0x1D580] =	vst v19  }
0x190: {  	v19 =	vld.idx.msk [tilespmem:v16+s13+$0x0], $0xffff  }
0x191: {  	v32 =	vld.idx.msk [tilespmem:v17+s13+$0x0], $0xffff  }
0x192: {  	v33 =	vld.idx.msk [tilespmem:v15+s13+$0x0], $0xffff  }
0x193: {  	v34 =	vld.idx.msk [tilespmem:v11+s13+$0x0], $0xffff  }
0x194: {  	v35 =	vld.idx.msk [tilespmem:v12+s13+$0x0], $0xffff  }
0x195: {  	v36 =	vld.idx.msk [tilespmem:v13+s13+$0x0], $0xffff  }
0x196: {  	v31 =	vld [tilespmem:s18+$0x19A00]  }
0x197: {  	v30 =	vld [tilespmem:s18+$0x19A80]  }
0x198: {  	v21 =	vld [tilespmem:s21+$0x19980]  }
0x199: {  	v19 =	vadd.f32 v32, v19;
	v32 =	vadd.f32 v34, v33;
	v18 =	vld [tilespmem:s21+$0x19A00]  }
0x19a: {  	v33 =	vld.idx.msk [tilespmem:v29+s29+$0x0], $0xffff  }
0x19b: {  	v19 =	vadd.f32 v32, v19;
	v32 =	vadd.f32 v36, v35;
	v34 =	vld.idx.msk [tilespmem:v27+s29+$0x0], $0xffff  }
0x19c: {  	v35 =	vld.idx.msk [tilespmem:v28+s29+$0x0], $0xffff  }
0x19d: {  	v19 =	vadd.f32 v32, v19;
	v36 =	vld.idx.msk [tilespmem:v26+s29+$0x0], $0xffff  }
0x19e: {  	v32 =	vld.idx.msk [tilespmem:v31+s29+$0x0], $0xffff  }
0x19f: {  	v37 =	vld.idx.msk [tilespmem:v30+s29+$0x0], $0xffff;
	[tilespmem:s11+$0x1D600] =	vst v19  }
0x1a0: {  	v38 =	vld.idx.msk [tilespmem:v16+s9+$0x0], $0xffff  }
0x1a1: {  	v39 =	vld.idx.msk [tilespmem:v17+s9+$0x0], $0xffff  }
0x1a2: {  	v40 =	vld.idx.msk [tilespmem:v15+s9+$0x0], $0xffff  }
0x1a3: {  	v19 =	vadd.f32 v34, v33;
	v33 =	vadd.f32 v36, v35;
	v34 =	vld.idx.msk [tilespmem:v11+s9+$0x0], $0xffff  }
0x1a4: {  	v35 =	vld.idx.msk [tilespmem:v12+s9+$0x0], $0xffff  }
0x1a5: {  	v33 =	vadd.f32 v33, v19;
	v32 =	vadd.f32 v37, v32;
	v36 =	vld.idx.msk [tilespmem:v13+s9+$0x0], $0xffff  }
0x1a6: {  	v19 =	vld [tilespmem:s21+$0x19A80]  }
0x1a7: {  	v32 =	vadd.f32 v32, v33;
	v37 =	vld.idx.msk [tilespmem:v22+s29+$0x0], $0xffff  }
0x1a8: {  	v33 =	vld.idx.msk [tilespmem:v23+s29+$0x0], $0xffff  }
0x1a9: {  	v34 =	vadd.f32 v34, v40;
	v41 =	vld.idx.msk [tilespmem:v20+s29+$0x0], $0xffff;
	[tilespmem:s18+$0x1C000] =	vst v32;
	v32 =	vadd.f32 v39, v38  }
0x1aa: {  	v38 =	vld.idx.msk [tilespmem:v29+s30+$0x0], $0xffff  }
0x1ab: {  	v39 =	vld.idx.msk [tilespmem:v27+s30+$0x0], $0xffff;
	v32 =	vadd.f32 v34, v32;
	v34 =	vadd.f32 v36, v35  }
0x1ac: {  	v35 =	vld.idx.msk [tilespmem:v28+s30+$0x0], $0xffff  }
0x1ad: {  	v36 =	vld.idx.msk [tilespmem:v26+s30+$0x0], $0xffff;
	v32 =	vadd.f32 v34, v32  }
0x1ae: {  	v33 =	vadd.f32 v33, v37;
	v34 =	vld.idx.msk [tilespmem:v31+s30+$0x0], $0xffff  }
0x1af: {  	v37 =	vld.idx.msk [tilespmem:v30+s30+$0x0], $0xffff;
	[tilespmem:s11+$0x1D680] =	vst v32  }
0x1b0: {  	v32 =	vld.idx.msk [tilespmem:v16+s17+$0x0], $0xffff  }
0x1b1: {  	v40 =	vld.idx.msk [tilespmem:v17+s17+$0x0], $0xffff  }
0x1b2: {  	v42 =	vld.idx.msk [tilespmem:v15+s17+$0x0], $0xffff  }
0x1b3: {  	v38 =	vadd.f32 v39, v38;
	v35 =	vadd.f32 v36, v35;
	v36 =	vld.idx.msk [tilespmem:v11+s17+$0x0], $0xffff  }
0x1b4: {  	v39 =	vld.idx.msk [tilespmem:v12+s17+$0x0], $0xffff  }
0x1b5: {  	v35 =	vadd.f32 v35, v38;
	v34 =	vadd.f32 v37, v34;
	v37 =	vld.idx.msk [tilespmem:v13+s17+$0x0], $0xffff  }
0x1b6: {  	v38 =	vld.idx.msk [tilespmem:v21+s29+$0x0], $0xffff  }
0x1b7: {  	v34 =	vadd.f32 v34, v35;
	v43 =	vld.idx.msk [tilespmem:v18+s29+$0x0], $0xffff  }
0x1b8: {  	v35 =	vld.idx.msk [tilespmem:v19+s29+$0x0], $0xffff  }
0x1b9: {  	v32 =	vadd.f32 v40, v32;
	v36 =	vadd.f32 v36, v42;
	[tilespmem:s18+$0x1C080] =	vst v34;
	v34 =	vld.idx.msk [tilespmem:v6+s5+$0x0], $0xffff  }
0x1ba: {  	v40 =	vld.idx.msk [tilespmem:v31+s2+$0x0], $0xffff  }
0x1bb: {  	v32 =	vadd.f32 v36, v32;
	v36 =	vadd.f32 v37, v39;
	v42 =	vld.idx.msk [tilespmem:v29+s2+$0x0], $0xffff  }
0x1bc: {  	v37 =	vadd.f32 v38, v41;
	v38 =	vld.idx.msk [tilespmem:v27+s2+$0x0], $0xffff  }
0x1bd: {  	v32 =	vadd.f32 v36, v32;
	v39 =	vld.idx.msk [tilespmem:v28+s2+$0x0], $0xffff  }
0x1be: {  	v33 =	vadd.f32 v37, v33;
	v35 =	vadd.f32 v35, v43;
	v36 =	vld.idx.msk [tilespmem:v26+s2+$0x0], $0xffff  }
0x1bf: {  	s15 =	sadd.s32 $0x2, s15;
	v37 =	vld.idx.msk [tilespmem:v30+s2+$0x0], $0xffff;
	[tilespmem:s11+$0x1D700] =	vst v32  }
0x1c0: {  	p0 =	slt.u32 s15, $0x26;
	v32 =	vadd.f32 v35, v33;
	v33 =	vld.idx.msk [tilespmem:v16+s22+$0x0], $0xffff;
	v16 =	vmov v29  }
0x1c1: {  	v29 =	vld.idx.msk [tilespmem:v17+s22+$0x0], $0xffff;
	v17 =	vmov v27  }
0x1c2: {  	[tilespmem:s21+$0x1C000] =	vst v32;
	v27 =	vld.idx.msk [tilespmem:v15+s22+$0x0], $0xffff;
	v15 =	vmov v28  }
0x1c3: {  	v28 =	vld.idx.msk [tilespmem:v11+s22+$0x0], $0xffff;
	v11 =	vmov v26  }
0x1c4: {  	v26 =	vadd.f32 v38, v42;
	v32 =	vadd.f32 v36, v39;
	v35 =	vld.idx.msk [tilespmem:v12+s22+$0x0], $0xffff;
	v12 =	vmov v31  }
0x1c5: {  	v31 =	vld.idx.msk [tilespmem:v13+s22+$0x0], $0xffff;
	v13 =	vmov v30  }
0x1c6: {  	v26 =	vadd.f32 v32, v26;
	v32 =	vadd.f32 v37, v40;
	v30 =	vld.idx.msk [tilespmem:v22+s30+$0x0], $0xffff  }
0x1c7: {  	v36 =	vld.idx.msk [tilespmem:v23+s30+$0x0], $0xffff  }
0x1c8: {  	v26 =	vadd.f32 v32, v26;
	v37 =	vld.idx.msk [tilespmem:v20+s30+$0x0], $0xffff  }
0x1c9: {  	v29 =	vadd.f32 v29, v33;
	v27 =	vadd.f32 v28, v27;
	v32 =	vld.idx.msk [tilespmem:v21+s30+$0x0], $0xffff  }
0x1ca: {  	v28 =	vld.idx.msk [tilespmem:v18+s30+$0x0], $0xffff  }
0x1cb: {  	v33 =	vld.idx.msk [tilespmem:v19+s30+$0x0], $0xffff;
	[tilespmem:s18+$0x1C100] =	vst v26;
	v26 =	vadd.f32 v27, v29;
	v27 =	vadd.f32 v31, v35  }
0x1cc: {  	v29 =	vld.idx.msk [tilespmem:v16+s0+$0x0], $0xffff  }
0x1cd: {  	v30 =	vadd.f32 v36, v30;
	v31 =	vld.idx.msk [tilespmem:v17+s0+$0x0], $0xffff;
	v26 =	vadd.f32 v27, v26  }
0x1ce: {  	v27 =	vld.idx.msk [tilespmem:v15+s0+$0x0], $0xffff  }
0x1cf: {  	v32 =	vadd.f32 v32, v37;
	v35 =	vld.idx.msk [tilespmem:v11+s0+$0x0], $0xffff;
	[tilespmem:s11+$0x1D780] =	vst v26;
	s11 =	smov.u32 s18  }
0x1d0: {  	v26 =	vld.idx.msk [tilespmem:v12+s0+$0x0], $0xffff  }
0x1d1: {  	v30 =	vadd.f32 v32, v30;
	v28 =	vadd.f32 v33, v28;
	v32 =	vld.idx.msk [tilespmem:v13+s0+$0x0], $0xffff  }
0x1d2: {  	v33 =	vld.idx.msk [tilespmem:v8+s5+$0x0], $0xffff  }
0x1d3: {  	v28 =	vadd.f32 v28, v30;
	v30 =	vld.idx.msk [tilespmem:v7+s5+$0x0], $0xffff  }
0x1d4: {  	v36 =	vld.idx.msk [tilespmem:v10+s5+$0x0], $0xffff  }
0x1d5: {  	v27 =	vadd.f32 v35, v27;
	[tilespmem:s21+$0x1C080] =	vst v28;
	v28 =	vadd.f32 v31, v29;
	v29 =	vld.idx.msk [tilespmem:v9+s5+$0x0], $0xffff  }
0x1d6: {  	v31 =	vld.idx.msk [tilespmem:v22+s2+$0x0], $0xffff  }
0x1d7: {  	v26 =	vadd.f32 v32, v26;
	v35 =	vld.idx.msk [tilespmem:v23+s2+$0x0], $0xffff;
	v27 =	vadd.f32 v27, v28  }
0x1d8: {  	v32 =	vadd.f32 v33, v34;
	v28 =	vld.idx.msk [tilespmem:v20+s2+$0x0], $0xffff  }
0x1d9: {  	v33 =	vld.idx.msk [tilespmem:v21+s2+$0x0], $0xffff;
	v26 =	vadd.f32 v26, v27  }
0x1da: {  	v30 =	vadd.f32 v36, v30;
	v27 =	vld.idx.msk [tilespmem:v18+s2+$0x0], $0xffff  }
0x1db: {  	v34 =	vld.idx.msk [tilespmem:v19+s2+$0x0], $0xffff;
	[tilespmem:s11+$0x1C180] =	vst v26  }
0x1dc: {  	v30 =	vadd.f32 v30, v32;
	v26 =	vld.idx.msk [tilespmem:v16+s1+$0x0], $0xffff  }
0x1dd: {  	v31 =	vadd.f32 v35, v31;
	v32 =	vld.idx.msk [tilespmem:v17+s1+$0x0], $0xffff  }
0x1de: {  	v35 =	vld.idx.msk [tilespmem:v15+s1+$0x0], $0xffff  }
0x1df: {  	v28 =	vadd.f32 v33, v28;
	v33 =	vld.idx.msk [tilespmem:v11+s1+$0x0], $0xffff  }
0x1e0: {  	v36 =	vld.idx.msk [tilespmem:v12+s1+$0x0], $0xffff  }
0x1e1: {  	v28 =	vadd.f32 v28, v31;
	v27 =	vadd.f32 v34, v27;
	v31 =	vld.idx.msk [tilespmem:v13+s1+$0x0], $0xffff  }
0x1e2: {  	v34 =	vld.idx.msk [tilespmem:v14+s5+$0x0], $0xffff  }
0x1e3: {  	v27 =	vadd.f32 v27, v28;
	v28 =	vld.idx.msk [tilespmem:v2+s17+$0x0], $0xffff  }
0x1e4: {  	v37 =	vld.idx.msk [tilespmem:v3+s17+$0x0], $0xffff  }
0x1e5: {  	v26 =	vadd.f32 v32, v26;
	[tilespmem:s21+$0x1C100] =	vst v27;
	v27 =	vadd.f32 v33, v35;
	v32 =	vld.idx.msk [tilespmem:v5+s17+$0x0], $0xffff  }
0x1e6: {  	v33 =	vld.idx.msk [tilespmem:v22+s0+$0x0], $0xffff  }
0x1e7: {  	v35 =	vld.idx.msk [tilespmem:v23+s0+$0x0], $0xffff;
	v26 =	vadd.f32 v27, v26;
	v27 =	vadd.f32 v31, v36  }
0x1e8: {  	v29 =	vadd.f32 v34, v29;
	v31 =	vld.idx.msk [tilespmem:v20+s0+$0x0], $0xffff  }
0x1e9: {  	v24 =	vadd.f32 v28, v24;
	v34 =	vld.idx.msk [tilespmem:v21+s0+$0x0], $0xffff;
	v26 =	vadd.f32 v27, v26  }
0x1ea: {  	v28 =	vadd.f32 v29, v30;
	v27 =	vld.idx.msk [tilespmem:v18+s0+$0x0], $0xffff  }
0x1eb: {  	v24 =	vadd.f32 v24, v25;
	v25 =	vadd.f32 v32, v37;
	v29 =	vld.idx.msk [tilespmem:v19+s0+$0x0], $0xffff;
	[tilespmem:s11+$0x1C200] =	vst v26  }
0x1ec: {  	v26 =	vld.idx.msk [tilespmem:v16+s12+$0x0], $0xffff;
	[tilespmem:s7+$0x1D500] =	vst v28  }
0x1ed: {  	v28 =	vadd.f32 v35, v33;
	v24 =	vadd.f32 v25, v24;
	v30 =	vld.idx.msk [tilespmem:v17+s12+$0x0], $0xffff  }
0x1ee: {  	v25 =	vld.idx.msk [tilespmem:v15+s12+$0x0], $0xffff  }
0x1ef: {  	v31 =	vadd.f32 v34, v31;
	v32 =	vld.idx.msk [tilespmem:v11+s12+$0x0], $0xffff;
	[tilespmem:s28+$0x1D700] =	vst v24  }
0x1f0: {  	v24 =	vld.idx.msk [tilespmem:v12+s12+$0x0], $0xffff  }
0x1f1: {  	v28 =	vadd.f32 v31, v28;
	v27 =	vadd.f32 v29, v27;
	v29 =	vld.idx.msk [tilespmem:v13+s12+$0x0], $0xffff  }
0x1f2: {  	v31 =	vld.idx.msk [tilespmem:v6+s8+$0x0], $0xffff  }
0x1f3: {  	v27 =	vadd.f32 v27, v28;
	v28 =	vld.idx.msk [tilespmem:v8+s8+$0x0], $0xffff  }
0x1f4: {  	v33 =	vld.idx.msk [tilespmem:v7+s8+$0x0], $0xffff  }
0x1f5: {  	v26 =	vadd.f32 v30, v26;
	v25 =	vadd.f32 v32, v25;
	[tilespmem:s21+$0x1C180] =	vst v27;
	v27 =	vld.idx.msk [tilespmem:v10+s8+$0x0], $0xffff  }
0x1f6: {  	v30 =	vld.idx.msk [tilespmem:v22+s1+$0x0], $0xffff  }
0x1f7: {  	v25 =	vadd.f32 v25, v26;
	v24 =	vadd.f32 v29, v24;
	v32 =	vld.idx.msk [tilespmem:v23+s1+$0x0], $0xffff  }
0x1f8: {  	v26 =	vld.idx.msk [tilespmem:v20+s1+$0x0], $0xffff  }
0x1f9: {  	v24 =	vadd.f32 v24, v25;
	v25 =	vadd.f32 v28, v31;
	v29 =	vld.idx.msk [tilespmem:v21+s1+$0x0], $0xffff  }
0x1fa: {  	v28 =	vld.idx.msk [tilespmem:v18+s1+$0x0], $0xffff  }
0x1fb: {  	v31 =	vld.idx.msk [tilespmem:v19+s1+$0x0], $0xffff;
	[tilespmem:s11+$0x1C280] =	vst v24;
	v24 =	vadd.f32 v27, v33  }
0x1fc: {  	v27 =	vld.idx.msk [tilespmem:v16+s10+$0x0], $0xffff  }
0x1fd: {  	v30 =	vadd.f32 v32, v30;
	v32 =	vld.idx.msk [tilespmem:v17+s10+$0x0], $0xffff;
	v24 =	vadd.f32 v24, v25  }
0x1fe: {  	v25 =	vld.idx.msk [tilespmem:v15+s10+$0x0], $0xffff  }
0x1ff: {  	v26 =	vadd.f32 v29, v26;
	v29 =	vld.idx.msk [tilespmem:v11+s10+$0x0], $0xffff  }
0x200: {  	v33 =	vld.idx.msk [tilespmem:v12+s10+$0x0], $0xffff  }
0x201: {  	v26 =	vadd.f32 v26, v30;
	v28 =	vadd.f32 v31, v28;
	v30 =	vld.idx.msk [tilespmem:v13+s10+$0x0], $0xffff  }
0x202: {  	v31 =	vld.idx.msk [tilespmem:v9+s8+$0x0], $0xffff  }
0x203: {  	v26 =	vadd.f32 v28, v26;
	v28 =	vld.idx.msk [tilespmem:v14+s8+$0x0], $0xffff  }
0x204: {  	v34 =	vld.idx.msk [tilespmem:v1+s22+$0x0], $0xffff;
	v1 =	vmov v6;
	v6 =	vmov v22  }
0x205: {  	v25 =	vadd.f32 v29, v25;
	[tilespmem:s21+$0x1C200] =	vst v26;
	v26 =	vadd.f32 v32, v27;
	v27 =	vld.idx.msk [tilespmem:v4+s22+$0x0], $0xffff;
	v4 =	vmov v8  }
0x206: {  	v8 =	vmov v23;
	v22 =	vld.idx.msk [tilespmem:v22+s12+$0x0], $0xffff  }
0x207: {  	v23 =	vld.idx.msk [tilespmem:v23+s12+$0x0], $0xffff;
	v25 =	vadd.f32 v25, v26;
	v26 =	vadd.f32 v30, v33  }
0x208: {  	v29 =	vld.idx.msk [tilespmem:v20+s12+$0x0], $0xffff  }
0x209: {  	v30 =	vld.idx.msk [tilespmem:v21+s12+$0x0], $0xffff;
	v25 =	vadd.f32 v26, v25;
	v26 =	vadd.f32 v28, v31  }
0x20a: {  	v28 =	vld.idx.msk [tilespmem:v18+s12+$0x0], $0xffff  }
0x20b: {  	v31 =	vld.idx.msk [tilespmem:v19+s12+$0x0], $0xffff;
	[tilespmem:s11+$0x1C300] =	vst v25;
	v24 =	vadd.f32 v26, v24;
	v25 =	vadd.f32 v27, v34  }
0x20c: {  	v26 =	vld.idx.msk [tilespmem:v16+s20+$0x0], $0xffff  }
0x20d: {  	v22 =	vadd.f32 v23, v22;
	v23 =	vld.idx.msk [tilespmem:v17+s20+$0x0], $0xffff;
	[tilespmem:s7+$0x1D580] =	vst v24  }
0x20e: {  	v24 =	vld.idx.msk [tilespmem:v15+s20+$0x0], $0xffff  }
0x20f: {  	v27 =	vadd.f32 v30, v29;
	v29 =	vld.idx.msk [tilespmem:v11+s20+$0x0], $0xffff  }
0x210: {  	v30 =	vld.idx.msk [tilespmem:v12+s20+$0x0], $0xffff  }
0x211: {  	v22 =	vadd.f32 v27, v22;
	v27 =	vadd.f32 v31, v28;
	v28 =	vld.idx.msk [tilespmem:v13+s20+$0x0], $0xffff  }
0x212: {  	v31 =	vld.idx.msk [tilespmem:v1+s13+$0x0], $0xffff  }
0x213: {  	v22 =	vadd.f32 v27, v22;
	v27 =	vld.idx.msk [tilespmem:v4+s13+$0x0], $0xffff  }
0x214: {  	v32 =	vld.idx.msk [tilespmem:v7+s13+$0x0], $0xffff  }
0x215: {  	[tilespmem:s21+$0x1C280] =	vst v22;
	v22 =	vadd.f32 v23, v26;
	v23 =	vadd.f32 v29, v24;
	v24 =	vld.idx.msk [tilespmem:v10+s13+$0x0], $0xffff  }
0x216: {  	v26 =	vld.idx.msk [tilespmem:v6+s10+$0x0], $0xffff  }
0x217: {  	v29 =	vld.idx.msk [tilespmem:v8+s10+$0x0], $0xffff;
	v22 =	vadd.f32 v23, v22;
	v23 =	vadd.f32 v28, v30  }
0x218: {  	v28 =	vld.idx.msk [tilespmem:v20+s10+$0x0], $0xffff  }
0x219: {  	v30 =	vld.idx.msk [tilespmem:v21+s10+$0x0], $0xffff;
	v22 =	vadd.f32 v23, v22;
	v23 =	vadd.f32 v27, v31  }
0x21a: {  	v27 =	vld.idx.msk [tilespmem:v18+s10+$0x0], $0xffff  }
0x21b: {  	v31 =	vld.idx.msk [tilespmem:v19+s10+$0x0], $0xffff;
	[tilespmem:s11+$0x1C380] =	vst v22;
	v22 =	vadd.f32 v24, v32  }
0x21c: {  	v24 =	vld.idx.msk [tilespmem:v16+s14+$0x0], $0xffff  }
0x21d: {  	v26 =	vadd.f32 v29, v26;
	v29 =	vld.idx.msk [tilespmem:v17+s14+$0x0], $0xffff;
	v22 =	vadd.f32 v22, v23  }
0x21e: {  	v23 =	vld.idx.msk [tilespmem:v15+s14+$0x0], $0xffff  }
0x21f: {  	v28 =	vadd.f32 v30, v28;
	v30 =	vld.idx.msk [tilespmem:v11+s14+$0x0], $0xffff  }
0x220: {  	v32 =	vld.idx.msk [tilespmem:v12+s14+$0x0], $0xffff  }
0x221: {  	v26 =	vadd.f32 v28, v26;
	v27 =	vadd.f32 v31, v27;
	v28 =	vld.idx.msk [tilespmem:v13+s14+$0x0], $0xffff  }
0x222: {  	v31 =	vld.idx.msk [tilespmem:v9+s13+$0x0], $0xffff  }
0x223: {  	v26 =	vadd.f32 v27, v26;
	v27 =	vld.idx.msk [tilespmem:v14+s13+$0x0], $0xffff  }
0x224: {  	v33 =	vld.idx.msk [tilespmem:v0+s22+$0x0], $0xffff;
	v0 =	vmov v7;
	v7 =	vmov v20  }
0x225: {  	v24 =	vadd.f32 v29, v24;
	v23 =	vadd.f32 v30, v23;
	[tilespmem:s21+$0x1C300] =	vst v26;
	v26 =	vld.idx.msk [tilespmem:v2+s22+$0x0], $0xffff;
	v2 =	vmov v10  }
0x226: {  	v10 =	vmov v21;
	v29 =	vld.idx.msk [tilespmem:v6+s20+$0x0], $0xffff  }
0x227: {  	v23 =	vadd.f32 v23, v24;
	v24 =	vadd.f32 v28, v32;
	v30 =	vld.idx.msk [tilespmem:v8+s20+$0x0], $0xffff  }
0x228: {  	v20 =	vld.idx.msk [tilespmem:v20+s20+$0x0], $0xffff  }
0x229: {  	v23 =	vadd.f32 v24, v23;
	v24 =	vadd.f32 v27, v31;
	v21 =	vld.idx.msk [tilespmem:v21+s20+$0x0], $0xffff  }
0x22a: {  	v27 =	vld.idx.msk [tilespmem:v18+s20+$0x0], $0xffff  }
0x22b: {  	v22 =	vadd.f32 v24, v22;
	v28 =	vld.idx.msk [tilespmem:v19+s20+$0x0], $0xffff;
	[tilespmem:s11+$0x1D400] =	vst v23;
	v23 =	vadd.f32 v26, v33  }
0x22c: {  	v24 =	vld.idx.msk [tilespmem:v16+s3+$0x0], $0xffff  }
0x22d: {  	v26 =	vadd.f32 v30, v29;
	v29 =	vld.idx.msk [tilespmem:v17+s3+$0x0], $0xffff;
	[tilespmem:s7+$0x1D600] =	vst v22;
	v22 =	vadd.f32 v23, v25  }
0x22e: {  	v23 =	vld.idx.msk [tilespmem:v15+s3+$0x0], $0xffff  }
0x22f: {  	v20 =	vadd.f32 v21, v20;
	v21 =	vld.idx.msk [tilespmem:v11+s3+$0x0], $0xffff  }
0x230: {  	v25 =	vld.idx.msk [tilespmem:v12+s3+$0x0], $0xffff  }
0x231: {  	v20 =	vadd.f32 v20, v26;
	v26 =	vadd.f32 v28, v27;
	v27 =	vld.idx.msk [tilespmem:v13+s3+$0x0], $0xffff  }
0x232: {  	v28 =	vld.idx.msk [tilespmem:v1+s9+$0x0], $0xffff  }
0x233: {  	v20 =	vadd.f32 v26, v20;
	v26 =	vld.idx.msk [tilespmem:v4+s9+$0x0], $0xffff  }
0x234: {  	v30 =	vld.idx.msk [tilespmem:v0+s9+$0x0], $0xffff  }
0x235: {  	v21 =	vadd.f32 v21, v23;
	[tilespmem:s21+$0x1C380] =	vst v20;
	v20 =	vadd.f32 v29, v24;
	v23 =	vld.idx.msk [tilespmem:v2+s9+$0x0], $0xffff  }
0x236: {  	v24 =	vld.idx.msk [tilespmem:v6+s14+$0x0], $0xffff  }
0x237: {  	v29 =	vld.idx.msk [tilespmem:v8+s14+$0x0], $0xffff;
	v20 =	vadd.f32 v21, v20;
	v21 =	vadd.f32 v27, v25  }
0x238: {  	v25 =	vld.idx.msk [tilespmem:v7+s14+$0x0], $0xffff  }
0x239: {  	v27 =	vld.idx.msk [tilespmem:v10+s14+$0x0], $0xffff;
	v20 =	vadd.f32 v21, v20;
	v21 =	vadd.f32 v26, v28  }
0x23a: {  	v26 =	vld.idx.msk [tilespmem:v18+s14+$0x0], $0xffff  }
0x23b: {  	v28 =	vld.idx.msk [tilespmem:v19+s14+$0x0], $0xffff;
	[tilespmem:s11+$0x1D480] =	vst v20;
	v20 =	vadd.f32 v23, v30  }
0x23c: {  	v23 =	vld.idx.msk [tilespmem:v16+s5+$0x0], $0xffff  }
0x23d: {  	v24 =	vadd.f32 v29, v24;
	v29 =	vld.idx.msk [tilespmem:v17+s5+$0x0], $0xffff;
	v20 =	vadd.f32 v20, v21  }
0x23e: {  	v21 =	vld.idx.msk [tilespmem:v15+s5+$0x0], $0xffff  }
0x23f: {  	v25 =	vadd.f32 v27, v25;
	v27 =	vld.idx.msk [tilespmem:v11+s5+$0x0], $0xffff  }
0x240: {  	v30 =	vld.idx.msk [tilespmem:v12+s5+$0x0], $0xffff  }
0x241: {  	v24 =	vadd.f32 v25, v24;
	v25 =	vadd.f32 v28, v26;
	v26 =	vld.idx.msk [tilespmem:v13+s5+$0x0], $0xffff  }
0x242: {  	v28 =	vld.idx.msk [tilespmem:v9+s9+$0x0], $0xffff  }
0x243: {  	v24 =	vadd.f32 v25, v24;
	v25 =	vld.idx.msk [tilespmem:v14+s9+$0x0], $0xffff  }
0x244: {  	v31 =	vld.idx.msk [tilespmem:v3+s22+$0x0], $0xffff;
	v3 =	vmov v9;
	v9 =	vmov v18  }
0x245: {  	v18 =	vadd.f32 v29, v23;
	v21 =	vadd.f32 v27, v21;
	[tilespmem:s21+$0x1D400] =	vst v24;
	v23 =	vld.idx.msk [tilespmem:v5+s22+$0x0], $0xffff;
	v5 =	vmov v14  }
0x246: {  	v14 =	vmov v19;
	v24 =	vld.idx.msk [tilespmem:v6+s3+$0x0], $0xffff  }
0x247: {  	v18 =	vadd.f32 v21, v18;
	v19 =	vadd.f32 v26, v30;
	v27 =	vld.idx.msk [tilespmem:v8+s3+$0x0], $0xffff  }
0x248: {  	v26 =	vld.idx.msk [tilespmem:v7+s3+$0x0], $0xffff  }
0x249: {  	v18 =	vadd.f32 v19, v18;
	v19 =	vadd.f32 v25, v28;
	v29 =	vld.idx.msk [tilespmem:v10+s3+$0x0], $0xffff  }
0x24a: {  	v28 =	vld.idx.msk [tilespmem:v9+s3+$0x0], $0xffff  }
0x24b: {  	v21 =	vadd.f32 v23, v31;
	v30 =	vld.idx.msk [tilespmem:v14+s3+$0x0], $0xffff;
	[tilespmem:s11+$0x1D500] =	vst v18;
	v18 =	vadd.f32 v19, v20  }
0x24c: {  	v19 =	vld.idx.msk [tilespmem:v16+s8+$0x0], $0xffff  }
0x24d: {  	v24 =	vadd.f32 v27, v24;
	v20 =	vld.idx.msk [tilespmem:v17+s8+$0x0], $0xffff;
	[tilespmem:s7+$0x1D680] =	vst v18;
	v18 =	vadd.f32 v21, v22  }
.Ltmp0:
0x24e: {  	v21 =	vld.idx.msk [tilespmem:v15+s8+$0x0], $0xffff;
	(pc) =	sbr.rel @p0 .LBB2_4-.Ltmp0, $4  }
0x24f: {  	v22 =	vadd.f32 v29, v26;
	v23 =	vld.idx.msk [tilespmem:v11+s8+$0x0], $0xffff;
	[tilespmem:s28+$0x1D780] =	vst v18;
	s28 =	smov.u32 s7;
	s7 =	smov.u32 s21  }
0x250: {  	v25 =	vld.idx.msk [tilespmem:v12+s8+$0x0], $0xffff  }
0x251: {  	v22 =	vadd.f32 v22, v24;
	v24 =	vadd.f32 v30, v28;
	v26 =	vld.idx.msk [tilespmem:v13+s8+$0x0], $0xffff  }
0x252: {  	s23 =	sadd.s32 $0x100, s23;
	s16 =	sadd.s32 $0x20, s16;
	v18 =	vld.idx.msk [tilespmem:v1+s17+$0x0], $0xffff  }
0x253: {  	_ = 	snop  }
0x254: {  	v22 =	vadd.f32 v24, v22;
	_ =	sdelay $0x1  }
0x255: {  	[tilespmem:s7+$0x1D480] =	vst v22  }
0x256: {  	v22 =	vld.idx.msk [tilespmem:v6+s5+$0x0], $0xffff  }
0x257: {  	v51 =	vld.idx.msk [tilespmem:v8+s5+$0x0], $0xffff  }
0x258: {  	v19 =	vadd.f32 v20, v19;
	v52 =	vadd.f32 v23, v21;
	v53 =	vld.idx.msk [tilespmem:v7+s5+$0x0], $0xffff  }
0x259: {  	v54 =	vld.idx.msk [tilespmem:v10+s5+$0x0], $0xffff  }
0x25a: {  	v19 =	vadd.f32 v52, v19;
	v55 =	vadd.f32 v26, v25;
	v56 =	vld.idx.msk [tilespmem:v9+s5+$0x0], $0xffff  }
0x25b: {  	v57 =	vld.idx.msk [tilespmem:v14+s5+$0x0], $0xffff  }
0x25c: {  	v19 =	vadd.f32 v55, v19;
	_ =	sdelay $0x1  }
0x25d: {  	[tilespmem:s11+$0x1D580] =	vst v19;
	v58 =	vadd.f32 v51, v22;
	v59 =	vadd.f32 v54, v53  }
0x25e: {  	v60 =	vld.idx.msk [tilespmem:v16+s13+$0x0], $0xffff  }
0x25f: {  	v61 =	vld.idx.msk [tilespmem:v17+s13+$0x0], $0xffff;
	v62 =	vadd.f32 v57, v56;
	v19 =	vadd.f32 v59, v58  }
0x260: {  	v63 =	vld.idx.msk [tilespmem:v15+s13+$0x0], $0xffff  }
0x261: {  	v28 =	vld.idx.msk [tilespmem:v11+s13+$0x0], $0xffff;
	v19 =	vadd.f32 v62, v19  }
0x262: {  	v29 =	vld.idx.msk [tilespmem:v12+s13+$0x0], $0xffff  }
0x263: {  	v30 =	vld.idx.msk [tilespmem:v13+s13+$0x0], $0xffff;
	[tilespmem:s7+$0x1D500] =	vst v19  }
0x264: {  	v19 =	vld.idx.msk [tilespmem:v6+s8+$0x0], $0xffff  }
0x265: {  	v31 =	vld.idx.msk [tilespmem:v8+s8+$0x0], $0xffff  }
0x266: {  	v21 =	vadd.f32 v61, v60;
	v32 =	vadd.f32 v28, v63;
	v33 =	vld.idx.msk [tilespmem:v7+s8+$0x0], $0xffff  }
0x267: {  	v34 =	vld.idx.msk [tilespmem:v10+s8+$0x0], $0xffff  }
0x268: {  	v20 =	vadd.f32 v30, v29;
	v21 =	vadd.f32 v32, v21;
	v35 =	vld.idx.msk [tilespmem:v9+s8+$0x0], $0xffff  }
0x269: {  	v36 =	vld.idx.msk [tilespmem:v14+s8+$0x0], $0xffff  }
0x26a: {  	v20 =	vadd.f32 v20, v21;
	_ =	sdelay $0x1  }
0x26b: {  	[tilespmem:s11+$0x1D600] =	vst v20;
	v19 =	vadd.f32 v31, v19;
	v37 =	vadd.f32 v34, v33  }
0x26c: {  	v38 =	vld.idx.msk [tilespmem:v16+s9+$0x0], $0xffff  }
0x26d: {  	v39 =	vld.idx.msk [tilespmem:v17+s9+$0x0], $0xffff;
	v40 =	vadd.f32 v36, v35;
	v19 =	vadd.f32 v37, v19  }
0x26e: {  	v41 =	vld.idx.msk [tilespmem:v15+s9+$0x0], $0xffff  }
0x26f: {  	v42 =	vld.idx.msk [tilespmem:v11+s9+$0x0], $0xffff;
	v19 =	vadd.f32 v40, v19  }
0x270: {  	v43 =	vld.idx.msk [tilespmem:v12+s9+$0x0], $0xffff  }
0x271: {  	v44 =	vld.idx.msk [tilespmem:v13+s9+$0x0], $0xffff;
	[tilespmem:s7+$0x1D580] =	vst v19  }
0x272: {  	v19 =	vld.idx.msk [tilespmem:v6+s13+$0x0], $0xffff  }
0x273: {  	v45 =	vld.idx.msk [tilespmem:v8+s13+$0x0], $0xffff  }
0x274: {  	v21 =	vadd.f32 v39, v38;
	v22 =	vadd.f32 v42, v41;
	v46 =	vld.idx.msk [tilespmem:v7+s13+$0x0], $0xffff  }
0x275: {  	v47 =	vld.idx.msk [tilespmem:v10+s13+$0x0], $0xffff  }
0x276: {  	v20 =	vadd.f32 v44, v43;
	v21 =	vadd.f32 v22, v21;
	v48 =	vld.idx.msk [tilespmem:v9+s13+$0x0], $0xffff  }
0x277: {  	v49 =	vld.idx.msk [tilespmem:v14+s13+$0x0], $0xffff  }
0x278: {  	v20 =	vadd.f32 v20, v21;
	_ =	sdelay $0x1  }
0x279: {  	[tilespmem:s11+$0x1D680] =	vst v20;
	v19 =	vadd.f32 v45, v19;
	v50 =	vadd.f32 v47, v46  }
0x27a: {  	v51 =	vld.idx.msk [tilespmem:v16+s17+$0x0], $0xffff  }
0x27b: {  	v52 =	vld.idx.msk [tilespmem:v17+s17+$0x0], $0xffff;
	v53 =	vadd.f32 v49, v48;
	v19 =	vadd.f32 v50, v19  }
0x27c: {  	v54 =	vld.idx.msk [tilespmem:v15+s17+$0x0], $0xffff  }
0x27d: {  	v55 =	vld.idx.msk [tilespmem:v11+s17+$0x0], $0xffff;
	v19 =	vadd.f32 v53, v19  }
0x27e: {  	v56 =	vld.idx.msk [tilespmem:v12+s17+$0x0], $0xffff  }
0x27f: {  	v57 =	vld.idx.msk [tilespmem:v13+s17+$0x0], $0xffff;
	[tilespmem:s7+$0x1D600] =	vst v19  }
0x280: {  	v19 =	vld.idx.msk [tilespmem:v6+s9+$0x0], $0xffff  }
0x281: {  	v58 =	vld.idx.msk [tilespmem:v8+s9+$0x0], $0xffff  }
0x282: {  	v59 =	vld.idx.msk [tilespmem:v7+s9+$0x0], $0xffff  }
0x283: {  	v60 =	vld.idx.msk [tilespmem:v10+s9+$0x0], $0xffff  }
0x284: {  	v61 =	vld.idx.msk [tilespmem:v9+s9+$0x0], $0xffff  }
0x285: {  	v21 =	vadd.f32 v52, v51;
	v22 =	vadd.f32 v55, v54;
	v62 =	vld.idx.msk [tilespmem:v14+s9+$0x0], $0xffff;
	_ =	sdelay $0x1  }
0x286: {  	v27 =	vld.idx.msk [tilespmem:v0+s17+$0x0], $0xffff;
	v20 =	vadd.f32 v57, v56;
	v21 =	vadd.f32 v22, v21  }
0x287: {  	v63 =	vld.idx.msk [tilespmem:v4+s17+$0x0], $0xffff;
	v19 =	vadd.f32 v58, v19;
	v28 =	vadd.f32 v60, v59  }
0x288: {  	v33 =	vld.idx.msk [tilespmem:v2+s17+$0x0], $0xffff;
	v20 =	vadd.f32 v20, v21  }
0x289: {  	v34 =	vld.idx.msk [tilespmem:v3+s17+$0x0], $0xffff;
	v31 =	vadd.f32 v62, v61;
	v19 =	vadd.f32 v28, v19  }
0x28a: {  	v35 =	vld.idx.msk [tilespmem:v5+s17+$0x0], $0xffff;
	[tilespmem:s11+$0x1D700] =	vst v20  }
0x28b: {  	v29 =	vld.idx.msk [tilespmem:v16+s22+$0x0], $0xffff;
	v19 =	vadd.f32 v31, v19  }
0x28c: {  	v30 =	vld.idx.msk [tilespmem:v17+s22+$0x0], $0xffff  }
0x28d: {  	v32 =	vld.idx.msk [tilespmem:v15+s22+$0x0], $0xffff;
	[tilespmem:s7+$0x1D680] =	vst v19  }
0x28e: {  	v19 =	vld.idx.msk [tilespmem:v6+s17+$0x0], $0xffff  }
0x28f: {  	v36 =	vld.idx.msk [tilespmem:v8+s17+$0x0], $0xffff  }
0x290: {  	v18 =	vadd.f32 v63, v18;
	v37 =	vadd.f32 v33, v27;
	v38 =	vld.idx.msk [tilespmem:v7+s17+$0x0], $0xffff  }
0x291: {  	v39 =	vld.idx.msk [tilespmem:v10+s17+$0x0], $0xffff  }
0x292: {  	v18 =	vadd.f32 v37, v18;
	v20 =	vadd.f32 v35, v34;
	v40 =	vld.idx.msk [tilespmem:v9+s17+$0x0], $0xffff  }
0x293: {  	v41 =	vld.idx.msk [tilespmem:v14+s17+$0x0], $0xffff  }
0x294: {  	v42 =	vld.idx.msk [tilespmem:v11+s22+$0x0], $0xffff;
	v18 =	vadd.f32 v20, v18  }
0x295: {  	v43 =	vld.idx.msk [tilespmem:v12+s22+$0x0], $0xffff  }
0x296: {  	v44 =	vld.idx.msk [tilespmem:v13+s22+$0x0], $0xffff;
	[tilespmem:s28+$0x1D700] =	vst v18;
	v45 =	vadd.f32 v36, v19;
	v46 =	vadd.f32 v39, v38  }
0x297: {  	v1 =	vld.idx.msk [tilespmem:v1+s22+$0x0], $0xffff  }
0x298: {  	v47 =	vld.idx.msk [tilespmem:v4+s22+$0x0], $0xffff;
	v48 =	vadd.f32 v41, v40;
	v18 =	vadd.f32 v46, v45  }
0x299: {  	v49 =	vld.idx.msk [tilespmem:v0+s22+$0x0], $0xffff  }
0x29a: {  	v50 =	vld.idx.msk [tilespmem:v2+s22+$0x0], $0xffff;
	v18 =	vadd.f32 v48, v18  }
0x29b: {  	v51 =	vld.idx.msk [tilespmem:v3+s22+$0x0], $0xffff  }
0x29c: {  	v52 =	vld.idx.msk [tilespmem:v5+s22+$0x0], $0xffff;
	[tilespmem:s7+$0x1D700] =	vst v18  }
0x29d: {  	v53 =	vld.idx.msk [tilespmem:v6+s22+$0x0], $0xffff  }
0x29e: {  	v54 =	vld.idx.msk [tilespmem:v8+s22+$0x0], $0xffff  }
0x29f: {  	v16 =	vadd.f32 v30, v29;
	v11 =	vadd.f32 v42, v32;
	v55 =	vld.idx.msk [tilespmem:v7+s22+$0x0], $0xffff  }
0x2a0: {  	v56 =	vld.idx.msk [tilespmem:v10+s22+$0x0], $0xffff  }
0x2a1: {  	v12 =	vadd.f32 v44, v43;
	v11 =	vadd.f32 v11, v16;
	v57 =	vld.idx.msk [tilespmem:v9+s22+$0x0], $0xffff  }
0x2a2: {  	v58 =	vld.idx.msk [tilespmem:v14+s22+$0x0], $0xffff  }
0x2a3: {  	v11 =	vadd.f32 v12, v11  }
0x2a4: {  	v1 =	vadd.f32 v47, v1;
	v0 =	vadd.f32 v50, v49  }
0x2a5: {  	v59 =	vadd.f32 v54, v53;
	v60 =	vadd.f32 v56, v55  }
0x2a6: {  	v61 =	vadd.f32 v52, v51;
	v0 =	vadd.f32 v0, v1  }
0x2a7: {  	s0 =	smul.u32 $0x2800, s26;
	v62 =	vadd.f32 v58, v57;
	v2 =	vadd.f32 v60, v59  }
0x2a8: {  	v0 =	vadd.f32 v61, v0  }
0x2a9: {  	s1 =	smul.u32 $0x1400, s31;
	s0 =	sadd.s32 s25, s0;
	[tilespmem:s11+$0x1D780] =	vst v11;
	v63 =	vadd.f32 v62, v2  }
0x2aa: {  	s2 =	simm.s32 $0x0;
	s26 =	sadd.s32 $0x1, s26;
	s0 =	sshrl.u32 s0, $0x3;
	[tilespmem:s28+$0x1D780] =	vst v0  }
0x2ab: {  	s3 =	simm.s32 $0x1C000;
	p0 =	sne.s32 s26, $0x8;
	s0 =	sadd.s32 s6, s0;
	[tilespmem:s7+$0x1D780] =	vst v63  }
0x2ac: {  	[hbm4b:s0+s2] =	stream.linear.scatter [tilespmem:s3], [sflag:$0x1], $0x1400, $0x38;
	[tilespmem:$0x1E800] =	vst v63  }
.Ltmp1:
0x2ad: {  	s30 =	sadd.s32 s25, s1;
	(pc) =	sbr.rel @p0 .LBB2_3-.Ltmp1, $4  }
0x2ae: {  	s0 =	sshrl.u32 s30, $0x3  }
0x2af: {  	s31 =	simm.s32 $0x1D400;
	s0 =	sadd.s32 s6, s0  }
0x2b0: {  	[hbm4b:s0+s2] =	stream.linear.scatter [tilespmem:s31], [sflag:$0x2], $0x1400, $0x38;
	[tilespmem:$0x1E800] =	vst v63  }
0x2b1: {  	s2 =	rddreg [dreg:$0xa]  }
0x2b2: {  	s1 =	simm.s32 $0x4  }
0x2b3: {  	_ =	swait.ge [sflag:s1], $0x1400  }
0x2b4: {  	s0 =	rddreg [dreg:$0x7]  }
0x2b5: {  	p0 =	seq.s32 s2, $0xF;
	s2 =	rddreg [dreg:$0xc]  }
0x2b6: {  	s23 =	simm.s32 $0x0;
	s0 =	sadd.s32 @!p0 s0, s2  }
0x2b7: {  	s24 =	simm.s32 $0x0;
	[sflag:s1] =	ssyncset.done $0x0;
	s0 =	smul.u32 @!p0 $0x280, s0  }
0x2b8: {  	s31 =	rddreg [dreg:$0xb];
	[sflag:s1] =	ssyncadd.s32 $0xFFFFEC00;
	s1 =	simm.s32 @!p0 $0x0  }
0x2b9: {  	s2 =	simm.s32 @!p0 $0x19800;
	s22 =	smul.u32 $0x14000, s31;
	s0 =	sadd.s32 @!p0 s4, s0  }
0x2ba: {  	[tilespmem:s2], [sflag:$0x3] =	stream.linear.gather @!p0 [hbm4b:s0+s1], $0x1400, $0x38;
	[tilespmem:$0x1E800] =	vst v63  }
.LBB2_7:
0x2bb: {  	s1 =	simm.s32 $0x1  }
0x2bc: {  	_ =	swait.ge [sflag:s1], $0x1400  }
0x2bd: {  	s0 =	simm.s32 $0x10;
	[sflag:s1] =	ssyncset.done $0x0  }
0x2be: {  	s2 =	simm.s32 $0x2;
	s0 =	smin.u32 s0, $0x261;
	[sflag:s1] =	ssyncadd.s32 $0xFFFFEC00  }
0x2bf: {  	s17 =	sshll.u32 s0, $0x3;
	_ =	swait.ge [sflag:s2], $0x1400  }
0x2c0: {  	s0 =	sand.u32 $0x71, s0;
	s1 =	sand.u32 $0x1C00, s17;
	[sflag:s2] =	ssyncset.done $0x0  }
0x2c1: {  	s31 =	sor.u32 s0, s1;
	[sflag:s2] =	ssyncadd.s32 $0xFFFFEC00  }
0x2c2: {  	v22 =	vld [tilespmem:s31+$0x1AC00]  }
0x2c3: {  	v23 =	vld [tilespmem:s31+$0x1AC80]  }
0x2c4: {  	v20 =	vld [tilespmem:s31+$0x1AD00]  }
0x2c5: {  	v21 =	vld [tilespmem:s31+$0x1AD80]  }
0x2c6: {  	v19 =	vld [tilespmem:s31+$0x1AE00]  }
0x2c7: {  	s18 =	smul.u32 $0xCC00, s24;
	v18 =	vld [tilespmem:s31+$0x1AE80];
	_ =	sdelay $0x1  }
0x2c8: {  	s26 =	sshra.s32 s18, $0x2  }
0x2c9: {  	v0 =	vld.idx.msk [tilespmem:v22+s26+$0x0], $0xffff  }
0x2ca: {  	v1 =	vld.idx.msk [tilespmem:v23+s26+$0x0], $0xffff  }
0x2cb: {  	v2 =	vld.idx.msk [tilespmem:v20+s26+$0x0], $0xffff  }
0x2cc: {  	v3 =	vld.idx.msk [tilespmem:v21+s26+$0x0], $0xffff  }
0x2cd: {  	v4 =	vld.idx.msk [tilespmem:v19+s26+$0x0], $0xffff  }
0x2ce: {  	v5 =	vld.idx.msk [tilespmem:v18+s26+$0x0], $0xffff;
	_ =	sdelay $0x2  }
0x2cf: {  	s19 =	sand.u32 $0x60, s23;
	s20 =	sand.u32 $0x1C00, s23;
	v0 =	vadd.f32 v1, v0;
	v2 =	vadd.f32 v3, v2  }
0x2d0: {  	s25 =	sor.u32 s19, s20  }
0x2d1: {  	v1 =	vld [tilespmem:s25+$0x1AC00];
	v3 =	vadd.f32 v5, v4;
	v2 =	vadd.f32 v2, v0  }
0x2d2: {  	v4 =	vld [tilespmem:s25+$0x1AC80]  }
0x2d3: {  	v0 =	vld [tilespmem:s25+$0x1AD00];
	v5 =	vadd.f32 v3, v2  }
0x2d4: {  	v2 =	vld [tilespmem:s25+$0x1AD80]  }
0x2d5: {  	s28 =	sadd.s32 $0x330, s26;
	[tilespmem:s31+$0x1C000] =	vst v5;
	v5 =	vld [tilespmem:s25+$0x1AE80]  }
0x2d6: {  	v6 =	vld.idx.msk [tilespmem:v22+s28+$0x0], $0xffff  }
0x2d7: {  	v7 =	vld.idx.msk [tilespmem:v23+s28+$0x0], $0xffff  }
0x2d8: {  	v8 =	vld.idx.msk [tilespmem:v20+s28+$0x0], $0xffff  }
0x2d9: {  	v9 =	vld.idx.msk [tilespmem:v21+s28+$0x0], $0xffff  }
0x2da: {  	v10 =	vld.idx.msk [tilespmem:v19+s28+$0x0], $0xffff  }
0x2db: {  	v11 =	vld.idx.msk [tilespmem:v18+s28+$0x0], $0xffff  }
0x2dc: {  	v3 =	vld [tilespmem:s25+$0x1AE00];
	_ =	sdelay $0x1  }
0x2dd: {  	v6 =	vadd.f32 v7, v6;
	v7 =	vadd.f32 v9, v8  }
0x2de: {  	v8 =	vld.idx.msk [tilespmem:v1+s26+$0x0], $0xffff  }
0x2df: {  	v9 =	vld.idx.msk [tilespmem:v4+s26+$0x0], $0xffff;
	v6 =	vadd.f32 v7, v6;
	v7 =	vadd.f32 v11, v10  }
0x2e0: {  	v10 =	vld.idx.msk [tilespmem:v0+s26+$0x0], $0xffff  }
0x2e1: {  	v11 =	vld.idx.msk [tilespmem:v2+s26+$0x0], $0xffff;
	v6 =	vadd.f32 v7, v6  }
0x2e2: {  	v12 =	vld.idx.msk [tilespmem:v5+s26+$0x0], $0xffff  }
0x2e3: {  	s2 =	sadd.s32 $0x660, s26;
	v7 =	vld.idx.msk [tilespmem:v3+s26+$0x0], $0xffff;
	[tilespmem:s31+$0x1C080] =	vst v6  }
0x2e4: {  	v6 =	vld.idx.msk [tilespmem:v22+s2+$0x0], $0xffff  }
0x2e5: {  	v13 =	vld.idx.msk [tilespmem:v23+s2+$0x0], $0xffff  }
0x2e6: {  	v8 =	vadd.f32 v9, v8;
	v9 =	vadd.f32 v11, v10;
	v10 =	vld.idx.msk [tilespmem:v20+s2+$0x0], $0xffff  }
0x2e7: {  	v11 =	vld.idx.msk [tilespmem:v21+s2+$0x0], $0xffff  }
0x2e8: {  	v14 =	vld.idx.msk [tilespmem:v19+s2+$0x0], $0xffff;
	v8 =	vadd.f32 v9, v8;
	v7 =	vadd.f32 v12, v7  }
0x2e9: {  	v9 =	vld.idx.msk [tilespmem:v18+s2+$0x0], $0xffff  }
0x2ea: {  	v7 =	vadd.f32 v7, v8;
	_ =	sdelay $0x1  }
0x2eb: {  	v6 =	vadd.f32 v13, v6;
	[tilespmem:s25+$0x1C000] =	vst v7;
	v7 =	vadd.f32 v11, v10  }
0x2ec: {  	v8 =	vld.idx.msk [tilespmem:v1+s28+$0x0], $0xffff  }
0x2ed: {  	v10 =	vld.idx.msk [tilespmem:v0+s28+$0x0], $0xffff;
	v6 =	vadd.f32 v7, v6;
	v7 =	vadd.f32 v9, v14  }
0x2ee: {  	v9 =	vld.idx.msk [tilespmem:v4+s28+$0x0], $0xffff  }
0x2ef: {  	v6 =	vadd.f32 v7, v6;
	v7 =	vld.idx.msk [tilespmem:v2+s28+$0x0], $0xffff  }
0x2f0: {  	v11 =	vld.idx.msk [tilespmem:v3+s28+$0x0], $0xffff  }
0x2f1: {  	s0 =	sadd.s32 $0x990, s26;
	v12 =	vld.idx.msk [tilespmem:v5+s28+$0x0], $0xffff;
	[tilespmem:s31+$0x1C100] =	vst v6  }
0x2f2: {  	v6 =	vld.idx.msk [tilespmem:v22+s0+$0x0], $0xffff  }
0x2f3: {  	v13 =	vld.idx.msk [tilespmem:v23+s0+$0x0], $0xffff  }
0x2f4: {  	v8 =	vadd.f32 v9, v8;
	v9 =	vld.idx.msk [tilespmem:v20+s0+$0x0], $0xffff;
	v7 =	vadd.f32 v7, v10  }
0x2f5: {  	v10 =	vld.idx.msk [tilespmem:v21+s0+$0x0], $0xffff  }
0x2f6: {  	v14 =	vld.idx.msk [tilespmem:v19+s0+$0x0], $0xffff;
	v7 =	vadd.f32 v7, v8;
	v8 =	vadd.f32 v12, v11  }
0x2f7: {  	v11 =	vld.idx.msk [tilespmem:v18+s0+$0x0], $0xffff  }
0x2f8: {  	v7 =	vadd.f32 v8, v7;
	_ =	sdelay $0x1  }
0x2f9: {  	v6 =	vadd.f32 v13, v6;
	[tilespmem:s25+$0x1C080] =	vst v7;
	v7 =	vadd.f32 v10, v9  }
0x2fa: {  	v8 =	vld.idx.msk [tilespmem:v1+s2+$0x0], $0xffff  }
0x2fb: {  	v9 =	vld.idx.msk [tilespmem:v4+s2+$0x0], $0xffff;
	v6 =	vadd.f32 v7, v6;
	v7 =	vadd.f32 v11, v14  }
0x2fc: {  	v10 =	vld.idx.msk [tilespmem:v0+s2+$0x0], $0xffff  }
0x2fd: {  	v11 =	vld.idx.msk [tilespmem:v2+s2+$0x0], $0xffff;
	v6 =	vadd.f32 v7, v6  }
0x2fe: {  	v12 =	vld.idx.msk [tilespmem:v5+s2+$0x0], $0xffff  }
0x2ff: {  	s1 =	sadd.s32 $0xCC0, s26;
	v7 =	vld.idx.msk [tilespmem:v3+s2+$0x0], $0xffff;
	[tilespmem:s31+$0x1C180] =	vst v6  }
0x300: {  	v6 =	vld.idx.msk [tilespmem:v22+s1+$0x0], $0xffff  }
0x301: {  	v13 =	vld.idx.msk [tilespmem:v23+s1+$0x0], $0xffff  }
0x302: {  	v8 =	vadd.f32 v9, v8;
	v9 =	vld.idx.msk [tilespmem:v20+s1+$0x0], $0xffff;
	v10 =	vadd.f32 v11, v10  }
0x303: {  	v11 =	vld.idx.msk [tilespmem:v21+s1+$0x0], $0xffff  }
0x304: {  	v14 =	vld.idx.msk [tilespmem:v19+s1+$0x0], $0xffff;
	v8 =	vadd.f32 v10, v8;
	v7 =	vadd.f32 v12, v7  }
0x305: {  	v10 =	vld.idx.msk [tilespmem:v18+s1+$0x0], $0xffff  }
0x306: {  	v7 =	vadd.f32 v7, v8;
	_ =	sdelay $0x1  }
0x307: {  	v6 =	vadd.f32 v13, v6;
	[tilespmem:s25+$0x1C100] =	vst v7;
	v7 =	vadd.f32 v11, v9  }
0x308: {  	v8 =	vld.idx.msk [tilespmem:v1+s0+$0x0], $0xffff  }
0x309: {  	v9 =	vld.idx.msk [tilespmem:v4+s0+$0x0], $0xffff;
	v6 =	vadd.f32 v7, v6;
	v7 =	vadd.f32 v10, v14  }
0x30a: {  	v11 =	vld.idx.msk [tilespmem:v2+s0+$0x0], $0xffff  }
0x30b: {  	v10 =	vld.idx.msk [tilespmem:v0+s0+$0x0], $0xffff;
	v6 =	vadd.f32 v7, v6  }
0x30c: {  	v12 =	vld.idx.msk [tilespmem:v5+s0+$0x0], $0xffff  }
0x30d: {  	s12 =	sadd.s32 $0xFF0, s26;
	v7 =	vld.idx.msk [tilespmem:v3+s0+$0x0], $0xffff;
	[tilespmem:s31+$0x1C200] =	vst v6  }
0x30e: {  	v6 =	vld.idx.msk [tilespmem:v22+s12+$0x0], $0xffff  }
0x30f: {  	v13 =	vld.idx.msk [tilespmem:v23+s12+$0x0], $0xffff  }
0x310: {  	v8 =	vadd.f32 v9, v8;
	v9 =	vld.idx.msk [tilespmem:v20+s12+$0x0], $0xffff;
	v10 =	vadd.f32 v11, v10  }
0x311: {  	v11 =	vld.idx.msk [tilespmem:v21+s12+$0x0], $0xffff  }
0x312: {  	v14 =	vld.idx.msk [tilespmem:v19+s12+$0x0], $0xffff;
	v8 =	vadd.f32 v10, v8;
	v7 =	vadd.f32 v12, v7  }
0x313: {  	v10 =	vld.idx.msk [tilespmem:v18+s12+$0x0], $0xffff  }
0x314: {  	v7 =	vadd.f32 v7, v8;
	_ =	sdelay $0x1  }
0x315: {  	v6 =	vadd.f32 v13, v6;
	[tilespmem:s25+$0x1C180] =	vst v7;
	v7 =	vadd.f32 v11, v9  }
0x316: {  	v8 =	vld.idx.msk [tilespmem:v1+s1+$0x0], $0xffff  }
0x317: {  	v9 =	vld.idx.msk [tilespmem:v4+s1+$0x0], $0xffff;
	v6 =	vadd.f32 v7, v6;
	v7 =	vadd.f32 v10, v14  }
0x318: {  	v11 =	vld.idx.msk [tilespmem:v2+s1+$0x0], $0xffff  }
0x319: {  	v10 =	vld.idx.msk [tilespmem:v0+s1+$0x0], $0xffff;
	v6 =	vadd.f32 v7, v6  }
0x31a: {  	v12 =	vld.idx.msk [tilespmem:v5+s1+$0x0], $0xffff  }
0x31b: {  	s10 =	sadd.s32 $0x1320, s26;
	v7 =	vld.idx.msk [tilespmem:v3+s1+$0x0], $0xffff;
	[tilespmem:s31+$0x1C280] =	vst v6  }
0x31c: {  	v6 =	vld.idx.msk [tilespmem:v22+s10+$0x0], $0xffff  }
0x31d: {  	v13 =	vld.idx.msk [tilespmem:v23+s10+$0x0], $0xffff  }
0x31e: {  	v8 =	vadd.f32 v9, v8;
	v9 =	vld.idx.msk [tilespmem:v20+s10+$0x0], $0xffff;
	v10 =	vadd.f32 v11, v10  }
0x31f: {  	v11 =	vld.idx.msk [tilespmem:v21+s10+$0x0], $0xffff  }
0x320: {  	v14 =	vld.idx.msk [tilespmem:v19+s10+$0x0], $0xffff;
	v8 =	vadd.f32 v10, v8;
	v7 =	vadd.f32 v12, v7  }
0x321: {  	v10 =	vld.idx.msk [tilespmem:v18+s10+$0x0], $0xffff  }
0x322: {  	v7 =	vadd.f32 v7, v8;
	_ =	sdelay $0x1  }
0x323: {  	v6 =	vadd.f32 v13, v6;
	[tilespmem:s25+$0x1C200] =	vst v7;
	v7 =	vadd.f32 v11, v9  }
0x324: {  	v8 =	vld.idx.msk [tilespmem:v1+s12+$0x0], $0xffff  }
0x325: {  	v9 =	vld.idx.msk [tilespmem:v4+s12+$0x0], $0xffff;
	v6 =	vadd.f32 v7, v6;
	v7 =	vadd.f32 v10, v14  }
0x326: {  	v11 =	vld.idx.msk [tilespmem:v2+s12+$0x0], $0xffff  }
0x327: {  	v10 =	vld.idx.msk [tilespmem:v0+s12+$0x0], $0xffff;
	v6 =	vadd.f32 v7, v6  }
0x328: {  	v12 =	vld.idx.msk [tilespmem:v5+s12+$0x0], $0xffff  }
0x329: {  	s20 =	sadd.s32 $0x1650, s26;
	v7 =	vld.idx.msk [tilespmem:v3+s12+$0x0], $0xffff;
	[tilespmem:s31+$0x1C300] =	vst v6  }
0x32a: {  	v6 =	vld.idx.msk [tilespmem:v22+s20+$0x0], $0xffff  }
0x32b: {  	v13 =	vld.idx.msk [tilespmem:v23+s20+$0x0], $0xffff  }
0x32c: {  	v8 =	vadd.f32 v9, v8;
	v9 =	vld.idx.msk [tilespmem:v20+s20+$0x0], $0xffff;
	v10 =	vadd.f32 v11, v10  }
0x32d: {  	v11 =	vld.idx.msk [tilespmem:v21+s20+$0x0], $0xffff  }
0x32e: {  	v14 =	vld.idx.msk [tilespmem:v19+s20+$0x0], $0xffff;
	v8 =	vadd.f32 v10, v8;
	v7 =	vadd.f32 v12, v7  }
0x32f: {  	v10 =	vld.idx.msk [tilespmem:v18+s20+$0x0], $0xffff  }
0x330: {  	v7 =	vadd.f32 v7, v8;
	_ =	sdelay $0x1  }
0x331: {  	v6 =	vadd.f32 v13, v6;
	[tilespmem:s25+$0x1C280] =	vst v7;
	v7 =	vadd.f32 v11, v9  }
0x332: {  	v8 =	vld.idx.msk [tilespmem:v1+s10+$0x0], $0xffff  }
0x333: {  	v9 =	vld.idx.msk [tilespmem:v4+s10+$0x0], $0xffff;
	v6 =	vadd.f32 v7, v6;
	v7 =	vadd.f32 v10, v14  }
0x334: {  	s29 =	sshllo.u32 s24, $0x1;
	v11 =	vld.idx.msk [tilespmem:v2+s10+$0x0], $0xffff  }
0x335: {  	s3 =	smul.u32 $0x6600, s29;
	v10 =	vld.idx.msk [tilespmem:v0+s10+$0x0], $0xffff;
	v6 =	vadd.f32 v7, v6  }
0x336: {  	v12 =	vld.idx.msk [tilespmem:v5+s10+$0x0], $0xffff  }
0x337: {  	s14 =	sshra.s32 s3, $0x2;
	v7 =	vld.idx.msk [tilespmem:v3+s10+$0x0], $0xffff;
	[tilespmem:s31+$0x1C380] =	vst v6  }
0x338: {  	v6 =	vld.idx.msk [tilespmem:v22+s14+$0x0], $0xffff  }
0x339: {  	v13 =	vld.idx.msk [tilespmem:v23+s14+$0x0], $0xffff  }
0x33a: {  	v8 =	vadd.f32 v9, v8;
	v9 =	vld.idx.msk [tilespmem:v20+s14+$0x0], $0xffff;
	v10 =	vadd.f32 v11, v10  }
0x33b: {  	v11 =	vld.idx.msk [tilespmem:v21+s14+$0x0], $0xffff  }
0x33c: {  	v14 =	vld.idx.msk [tilespmem:v19+s14+$0x0], $0xffff;
	v8 =	vadd.f32 v10, v8;
	v7 =	vadd.f32 v12, v7  }
0x33d: {  	v10 =	vld.idx.msk [tilespmem:v18+s14+$0x0], $0xffff  }
0x33e: {  	v7 =	vadd.f32 v7, v8;
	_ =	sdelay $0x1  }
0x33f: {  	v6 =	vadd.f32 v13, v6;
	[tilespmem:s25+$0x1C300] =	vst v7;
	v7 =	vadd.f32 v11, v9  }
0x340: {  	v8 =	vld.idx.msk [tilespmem:v1+s20+$0x0], $0xffff  }
0x341: {  	v9 =	vld.idx.msk [tilespmem:v4+s20+$0x0], $0xffff;
	v6 =	vadd.f32 v7, v6;
	v7 =	vadd.f32 v10, v14  }
0x342: {  	v11 =	vld.idx.msk [tilespmem:v2+s20+$0x0], $0xffff  }
0x343: {  	v10 =	vld.idx.msk [tilespmem:v0+s20+$0x0], $0xffff;
	v6 =	vadd.f32 v7, v6  }
0x344: {  	v12 =	vld.idx.msk [tilespmem:v5+s20+$0x0], $0xffff  }
0x345: {  	s3 =	sadd.s32 $0x330, s14;
	v7 =	vld.idx.msk [tilespmem:v3+s20+$0x0], $0xffff;
	[tilespmem:s31+$0x1D400] =	vst v6  }
0x346: {  	v6 =	vld.idx.msk [tilespmem:v22+s3+$0x0], $0xffff  }
0x347: {  	s11 =	simm.s32 $0x30;
	v13 =	vld.idx.msk [tilespmem:v23+s3+$0x0], $0xffff  }
0x348: {  	s7 =	simm.s32 $0x100;
	s9 =	simm.s32 $0x20;
	s21 =	smin.u32 s11, $0x261;
	v8 =	vadd.f32 v9, v8;
	v9 =	vld.idx.msk [tilespmem:v20+s3+$0x0], $0xffff;
	v10 =	vadd.f32 v11, v10  }
0x349: {  	s9 =	sand.u32 $0x60, s9;
	s7 =	sand.u32 $0x1C00, s7;
	s11 =	sshll.u32 s21, $0x3;
	v11 =	vld.idx.msk [tilespmem:v21+s3+$0x0], $0xffff  }
0x34a: {  	s7 =	sor.u32 s9, s7;
	s9 =	sand.u32 $0x71, s21;
	s11 =	sand.u32 $0x1C00, s11;
	v14 =	vld.idx.msk [tilespmem:v19+s3+$0x0], $0xffff;
	v8 =	vadd.f32 v10, v8;
	v7 =	vadd.f32 v12, v7  }
0x34b: {  	s11 =	sor.u32 s9, s11;
	v10 =	vld.idx.msk [tilespmem:v18+s3+$0x0], $0xffff  }
0x34c: {  	v16 =	vld [tilespmem:s11+$0x1AC00];
	v7 =	vadd.f32 v7, v8  }
0x34d: {  	v17 =	vld [tilespmem:s11+$0x1AC80]  }
0x34e: {  	v15 =	vld [tilespmem:s11+$0x1AD00];
	v6 =	vadd.f32 v13, v6;
	[tilespmem:s25+$0x1C380] =	vst v7;
	v7 =	vadd.f32 v11, v9  }
0x34f: {  	v8 =	vld.idx.msk [tilespmem:v1+s14+$0x0], $0xffff  }
0x350: {  	v9 =	vld.idx.msk [tilespmem:v4+s14+$0x0], $0xffff;
	v6 =	vadd.f32 v7, v6;
	v7 =	vadd.f32 v10, v14  }
0x351: {  	v11 =	vld.idx.msk [tilespmem:v2+s14+$0x0], $0xffff  }
0x352: {  	v12 =	vld.idx.msk [tilespmem:v5+s14+$0x0], $0xffff;
	v6 =	vadd.f32 v7, v6  }
0x353: {  	v10 =	vld.idx.msk [tilespmem:v0+s14+$0x0], $0xffff  }
0x354: {  	s5 =	sadd.s32 $0x660, s14;
	v7 =	vld.idx.msk [tilespmem:v3+s14+$0x0], $0xffff;
	[tilespmem:s31+$0x1D480] =	vst v6  }
0x355: {  	v6 =	vld.idx.msk [tilespmem:v22+s5+$0x0], $0xffff  }
0x356: {  	v13 =	vld.idx.msk [tilespmem:v23+s5+$0x0], $0xffff  }
0x357: {  	v14 =	vld.idx.msk [tilespmem:v20+s5+$0x0], $0xffff  }
0x358: {  	v8 =	vadd.f32 v9, v8;
	v9 =	vadd.f32 v11, v10;
	v10 =	vld.idx.msk [tilespmem:v21+s5+$0x0], $0xffff  }
0x359: {  	v11 =	vld.idx.msk [tilespmem:v19+s5+$0x0], $0xffff  }
0x35a: {  	v8 =	vadd.f32 v9, v8;
	v7 =	vadd.f32 v12, v7;
	v9 =	vld.idx.msk [tilespmem:v18+s5+$0x0], $0xffff;
	_ =	sdelay $0x1  }
0x35b: {  	v7 =	vadd.f32 v7, v8  }
0x35c: {  	v6 =	vadd.f32 v13, v6;
	v8 =	vadd.f32 v10, v14  }
0x35d: {  	v52 =	vld.idx.msk [tilespmem:v16+s26+$0x0], $0xffff  }
0x35e: {  	v53 =	vld.idx.msk [tilespmem:v17+s26+$0x0], $0xffff;
	[tilespmem:s25+$0x1D400] =	vst v7;
	v6 =	vadd.f32 v8, v6;
	v7 =	vadd.f32 v9, v11  }
0x35f: {  	v55 =	vld.idx.msk [tilespmem:v15+s26+$0x0], $0xffff  }
0x360: {  	v24 =	vld.idx.msk [tilespmem:v1+s3+$0x0], $0xffff;
	v6 =	vadd.f32 v7, v6  }
0x361: {  	v25 =	vld.idx.msk [tilespmem:v4+s3+$0x0], $0xffff  }
0x362: {  	s8 =	sadd.s32 $0x990, s14;
	v26 =	vld.idx.msk [tilespmem:v0+s3+$0x0], $0xffff;
	[tilespmem:s31+$0x1D500] =	vst v6  }
0x363: {  	v7 =	vld.idx.msk [tilespmem:v22+s8+$0x0], $0xffff  }
0x364: {  	v8 =	vld.idx.msk [tilespmem:v23+s8+$0x0], $0xffff  }
0x365: {  	v9 =	vld.idx.msk [tilespmem:v20+s8+$0x0], $0xffff  }
0x366: {  	v10 =	vld.idx.msk [tilespmem:v21+s8+$0x0], $0xffff  }
0x367: {  	v11 =	vld.idx.msk [tilespmem:v19+s8+$0x0], $0xffff  }
0x368: {  	v12 =	vld.idx.msk [tilespmem:v18+s8+$0x0], $0xffff  }
0x369: {  	v27 =	vld.idx.msk [tilespmem:v2+s3+$0x0], $0xffff  }
0x36a: {  	v28 =	vld.idx.msk [tilespmem:v3+s3+$0x0], $0xffff  }
0x36b: {  	v29 =	vld.idx.msk [tilespmem:v5+s3+$0x0], $0xffff;
	v13 =	vadd.f32 v8, v7;
	v9 =	vadd.f32 v10, v9  }
0x36c: {  	v6 =	vld [tilespmem:s7+$0x1AC00]  }
0x36d: {  	v8 =	vld [tilespmem:s7+$0x1AC80];
	v10 =	vadd.f32 v12, v11;
	v9 =	vadd.f32 v9, v13  }
0x36e: {  	v7 =	vld [tilespmem:s7+$0x1AD00]  }
0x36f: {  	v11 =	vld [tilespmem:s11+$0x1AD80];
	v9 =	vadd.f32 v10, v9  }
0x370: {  	v12 =	vld [tilespmem:s11+$0x1AE00]  }
0x371: {  	s13 =	sadd.s32 $0xCC0, s14;
	v13 =	vld [tilespmem:s11+$0x1AE80];
	[tilespmem:s31+$0x1D580] =	vst v9  }
0x372: {  	v24 =	vadd.f32 v25, v24;
	v25 =	vadd.f32 v27, v26;
	v14 =	vld.idx.msk [tilespmem:v22+s13+$0x0], $0xffff  }
0x373: {  	v30 =	vld.idx.msk [tilespmem:v23+s13+$0x0], $0xffff  }
0x374: {  	v24 =	vadd.f32 v25, v24;
	v25 =	vadd.f32 v29, v28;
	v31 =	vld.idx.msk [tilespmem:v20+s13+$0x0], $0xffff  }
0x375: {  	v32 =	vld.idx.msk [tilespmem:v21+s13+$0x0], $0xffff  }
0x376: {  	v24 =	vadd.f32 v25, v24;
	v33 =	vld.idx.msk [tilespmem:v19+s13+$0x0], $0xffff  }
0x377: {  	v34 =	vld.idx.msk [tilespmem:v18+s13+$0x0], $0xffff  }
0x378: {  	[tilespmem:s25+$0x1D480] =	vst v24;
	v62 =	vld.idx.msk [tilespmem:v6+s26+$0x0], $0xffff  }
0x379: {  	v41 =	vld.idx.msk [tilespmem:v0+s5+$0x0], $0xffff  }
0x37a: {  	v10 =	vld [tilespmem:s7+$0x1AD80];
	v14 =	vadd.f32 v30, v14;
	v51 =	vadd.f32 v32, v31  }
0x37b: {  	v9 =	vld [tilespmem:s7+$0x1AE00]  }
0x37c: {  	v56 =	vld.idx.msk [tilespmem:v11+s26+$0x0], $0xffff;
	v54 =	vadd.f32 v34, v33;
	v14 =	vadd.f32 v51, v14  }
0x37d: {  	v57 =	vld.idx.msk [tilespmem:v12+s26+$0x0], $0xffff  }
0x37e: {  	v35 =	vld.idx.msk [tilespmem:v13+s26+$0x0], $0xffff;
	v14 =	vadd.f32 v54, v14  }
0x37f: {  	v63 =	vld.idx.msk [tilespmem:v8+s26+$0x0], $0xffff  }
0x380: {  	s9 =	sadd.s32 $0xFF0, s14;
	v39 =	vld.idx.msk [tilespmem:v7+s26+$0x0], $0xffff;
	[tilespmem:s31+$0x1D600] =	vst v14  }
0x381: {  	v58 =	vadd.f32 v56, v55;
	v14 =	vadd.f32 v53, v52;
	v36 =	vld.idx.msk [tilespmem:v22+s9+$0x0], $0xffff  }
0x382: {  	v37 =	vld.idx.msk [tilespmem:v23+s9+$0x0], $0xffff  }
0x383: {  	v30 =	vadd.f32 v35, v57;
	v38 =	vld.idx.msk [tilespmem:v20+s9+$0x0], $0xffff;
	v31 =	vadd.f32 v58, v14  }
0x384: {  	v59 =	vld.idx.msk [tilespmem:v21+s9+$0x0], $0xffff  }
0x385: {  	v60 =	vld.idx.msk [tilespmem:v19+s9+$0x0], $0xffff;
	v30 =	vadd.f32 v30, v31  }
0x386: {  	v61 =	vld.idx.msk [tilespmem:v18+s9+$0x0], $0xffff  }
0x387: {  	v14 =	vld [tilespmem:s7+$0x1AE80];
	[tilespmem:s11+$0x1C000] =	vst v30  }
0x388: {  	v45 =	vld.idx.msk [tilespmem:v16+s28+$0x0], $0xffff  }
0x389: {  	v46 =	vld.idx.msk [tilespmem:v17+s28+$0x0], $0xffff  }
0x38a: {  	v48 =	vld.idx.msk [tilespmem:v15+s28+$0x0], $0xffff  }
0x38b: {  	v44 =	vadd.f32 v37, v36;
	v32 =	vadd.f32 v59, v38;
	v50 =	vld.idx.msk [tilespmem:v12+s28+$0x0], $0xffff  }
0x38c: {  	v51 =	vld.idx.msk [tilespmem:v13+s28+$0x0], $0xffff  }
0x38d: {  	v47 =	vadd.f32 v61, v60;
	v49 =	vld.idx.msk [tilespmem:v11+s28+$0x0], $0xffff;
	v30 =	vadd.f32 v32, v44  }
0x38e: {  	v25 =	vld.idx.msk [tilespmem:v10+s26+$0x0], $0xffff  }
0x38f: {  	v56 =	vld.idx.msk [tilespmem:v9+s26+$0x0], $0xffff;
	v30 =	vadd.f32 v47, v30  }
0x390: {  	v24 =	vld.idx.msk [tilespmem:v14+s26+$0x0], $0xffff  }
0x391: {  	s17 =	sadd.s32 $0x1320, s14;
	[tilespmem:s31+$0x1D680] =	vst v30;
	v54 =	vadd.f32 v51, v50;
	v51 =	vld.idx.msk [tilespmem:v2+s5+$0x0], $0xffff  }
0x392: {  	v27 =	vadd.f32 v46, v45;
	v33 =	vadd.f32 v49, v48;
	v30 =	vld.idx.msk [tilespmem:v22+s17+$0x0], $0xffff  }
0x393: {  	v40 =	vld.idx.msk [tilespmem:v23+s17+$0x0], $0xffff  }
0x394: {  	v26 =	vld.idx.msk [tilespmem:v20+s17+$0x0], $0xffff;
	v27 =	vadd.f32 v33, v27  }
0x395: {  	v52 =	vld.idx.msk [tilespmem:v21+s17+$0x0], $0xffff  }
0x396: {  	v53 =	vld.idx.msk [tilespmem:v19+s17+$0x0], $0xffff;
	v27 =	vadd.f32 v54, v27  }
0x397: {  	v25 =	vadd.f32 v25, v39;
	v31 =	vadd.f32 v63, v62;
	v55 =	vld.idx.msk [tilespmem:v18+s17+$0x0], $0xffff  }
0x398: {  	[tilespmem:s11+$0x1C080] =	vst v27;
	v27 =	vadd.f32 v40, v30;
	v30 =	vld.idx.msk [tilespmem:v1+s5+$0x0], $0xffff  }
0x399: {  	v25 =	vadd.f32 v25, v31;
	v58 =	vld.idx.msk [tilespmem:v17+s2+$0x0], $0xffff  }
0x39a: {  	v24 =	vadd.f32 v24, v56;
	v26 =	vadd.f32 v52, v26;
	v59 =	vld.idx.msk [tilespmem:v15+s2+$0x0], $0xffff  }
0x39b: {  	v60 =	vld.idx.msk [tilespmem:v11+s2+$0x0], $0xffff  }
0x39c: {  	v24 =	vadd.f32 v24, v25;
	v26 =	vadd.f32 v26, v27;
	v27 =	vld.idx.msk [tilespmem:v16+s2+$0x0], $0xffff  }
0x39d: {  	v57 =	vld.idx.msk [tilespmem:v12+s2+$0x0], $0xffff  }
0x39e: {  	v28 =	vadd.f32 v55, v53;
	v61 =	vld.idx.msk [tilespmem:v13+s2+$0x0], $0xffff;
	[tilespmem:s7+$0x1C000] =	vst v24  }
0x39f: {  	v62 =	vld.idx.msk [tilespmem:v7+s28+$0x0], $0xffff  }
0x3a0: {  	v63 =	vld.idx.msk [tilespmem:v9+s28+$0x0], $0xffff;
	v26 =	vadd.f32 v28, v26  }
0x3a1: {  	v36 =	vld.idx.msk [tilespmem:v14+s28+$0x0], $0xffff;
	v25 =	vadd.f32 v60, v59;
	v24 =	vadd.f32 v58, v27  }
0x3a2: {  	s30 =	sadd.s32 $0x1650, s14;
	[tilespmem:s31+$0x1D700] =	vst v26;
	v26 =	vld.idx.msk [tilespmem:v6+s28+$0x0], $0xffff  }
0x3a3: {  	v22 =	vld.idx.msk [tilespmem:v22+s30+$0x0], $0xffff;
	v24 =	vadd.f32 v25, v24;
	v25 =	vadd.f32 v61, v57  }
0x3a4: {  	v27 =	vld.idx.msk [tilespmem:v8+s28+$0x0], $0xffff  }
0x3a5: {  	v24 =	vadd.f32 v25, v24;
	v25 =	vld.idx.msk [tilespmem:v10+s28+$0x0], $0xffff  }
0x3a6: {  	v23 =	vld.idx.msk [tilespmem:v23+s30+$0x0], $0xffff  }
0x3a7: {  	v20 =	vld.idx.msk [tilespmem:v20+s30+$0x0], $0xffff;
	[tilespmem:s11+$0x1C100] =	vst v24  }
0x3a8: {  	v24 =	vld.idx.msk [tilespmem:v16+s0+$0x0], $0xffff  }
0x3a9: {  	v37 =	vld.idx.msk [tilespmem:v17+s0+$0x0], $0xffff  }
0x3aa: {  	v26 =	vadd.f32 v27, v26;
	v27 =	vld.idx.msk [tilespmem:v15+s0+$0x0], $0xffff;
	v25 =	vadd.f32 v25, v62  }
0x3ab: {  	v38 =	vld.idx.msk [tilespmem:v11+s0+$0x0], $0xffff  }
0x3ac: {  	v39 =	vld.idx.msk [tilespmem:v12+s0+$0x0], $0xffff;
	v25 =	vadd.f32 v25, v26;
	v26 =	vadd.f32 v36, v63  }
0x3ad: {  	v40 =	vld.idx.msk [tilespmem:v13+s0+$0x0], $0xffff  }
0x3ae: {  	v21 =	vld.idx.msk [tilespmem:v21+s30+$0x0], $0xffff;
	v25 =	vadd.f32 v26, v25  }
0x3af: {  	v19 =	vld.idx.msk [tilespmem:v19+s30+$0x0], $0xffff  }
0x3b0: {  	v18 =	vld.idx.msk [tilespmem:v18+s30+$0x0], $0xffff;
	v24 =	vadd.f32 v37, v24;
	[tilespmem:s7+$0x1C080] =	vst v25;
	v25 =	vadd.f32 v38, v27  }
0x3b1: {  	v27 =	vld.idx.msk [tilespmem:v6+s2+$0x0], $0xffff  }
0x3b2: {  	v42 =	vld.idx.msk [tilespmem:v8+s2+$0x0], $0xffff;
	v24 =	vadd.f32 v25, v24;
	v25 =	vadd.f32 v40, v39  }
0x3b3: {  	v43 =	vld.idx.msk [tilespmem:v7+s2+$0x0], $0xffff  }
0x3b4: {  	v44 =	vld.idx.msk [tilespmem:v10+s2+$0x0], $0xffff;
	v24 =	vadd.f32 v25, v24  }
0x3b5: {  	v45 =	vld.idx.msk [tilespmem:v14+s2+$0x0], $0xffff  }
0x3b6: {  	v25 =	vld.idx.msk [tilespmem:v9+s2+$0x0], $0xffff;
	[tilespmem:s11+$0x1C180] =	vst v24  }
0x3b7: {  	v24 =	vld.idx.msk [tilespmem:v16+s1+$0x0], $0xffff  }
0x3b8: {  	v46 =	vld.idx.msk [tilespmem:v17+s1+$0x0], $0xffff  }
0x3b9: {  	v27 =	vadd.f32 v42, v27;
	v29 =	vadd.f32 v44, v43;
	v47 =	vld.idx.msk [tilespmem:v15+s1+$0x0], $0xffff  }
0x3ba: {  	v48 =	vld.idx.msk [tilespmem:v11+s1+$0x0], $0xffff  }
0x3bb: {  	v49 =	vld.idx.msk [tilespmem:v12+s1+$0x0], $0xffff;
	v27 =	vadd.f32 v29, v27;
	v25 =	vadd.f32 v45, v25  }
0x3bc: {  	v50 =	vld.idx.msk [tilespmem:v13+s1+$0x0], $0xffff  }
0x3bd: {  	v26 =	vld.idx.msk [tilespmem:v4+s5+$0x0], $0xffff;
	v25 =	vadd.f32 v25, v27  }
0x3be: {  	v27 =	vld.idx.msk [tilespmem:v3+s5+$0x0], $0xffff  }
0x3bf: {  	v24 =	vadd.f32 v46, v24;
	v28 =	vadd.f32 v48, v47;
	[tilespmem:s7+$0x1C100] =	vst v25;
	v25 =	vld.idx.msk [tilespmem:v5+s5+$0x0], $0xffff  }
0x3c0: {  	v52 =	vld.idx.msk [tilespmem:v6+s0+$0x0], $0xffff  }
0x3c1: {  	v54 =	vadd.f32 v50, v49;
	v53 =	vld.idx.msk [tilespmem:v8+s0+$0x0], $0xffff;
	v24 =	vadd.f32 v28, v24  }
0x3c2: {  	v55 =	vld.idx.msk [tilespmem:v7+s0+$0x0], $0xffff  }
0x3c3: {  	v56 =	vld.idx.msk [tilespmem:v10+s0+$0x0], $0xffff;
	v24 =	vadd.f32 v54, v24  }
0x3c4: {  	v57 =	vld.idx.msk [tilespmem:v9+s0+$0x0], $0xffff  }
0x3c5: {  	v58 =	vadd.f32 v51, v41;
	v26 =	vadd.f32 v26, v30;
	v59 =	vld.idx.msk [tilespmem:v14+s0+$0x0], $0xffff;
	[tilespmem:s11+$0x1C200] =	vst v24  }
0x3c6: {  	v24 =	vld.idx.msk [tilespmem:v16+s12+$0x0], $0xffff  }
0x3c7: {  	v26 =	vadd.f32 v58, v26;
	v25 =	vadd.f32 v25, v27;
	v27 =	vld.idx.msk [tilespmem:v17+s12+$0x0], $0xffff  }
0x3c8: {  	v60 =	vadd.f32 v53, v52;
	v61 =	vld.idx.msk [tilespmem:v15+s12+$0x0], $0xffff;
	v29 =	vadd.f32 v56, v55  }
0x3c9: {  	v25 =	vadd.f32 v25, v26;
	v26 =	vld.idx.msk [tilespmem:v11+s12+$0x0], $0xffff  }
0x3ca: {  	v62 =	vld.idx.msk [tilespmem:v12+s12+$0x0], $0xffff;
	v28 =	vadd.f32 v59, v57;
	v29 =	vadd.f32 v29, v60  }
0x3cb: {  	[tilespmem:s25+$0x1D500] =	vst v25;
	v25 =	vld.idx.msk [tilespmem:v13+s12+$0x0], $0xffff  }
0x3cc: {  	v63 =	vld.idx.msk [tilespmem:v1+s8+$0x0], $0xffff;
	v28 =	vadd.f32 v28, v29  }
0x3cd: {  	v36 =	vld.idx.msk [tilespmem:v4+s8+$0x0], $0xffff  }
0x3ce: {  	v37 =	vld.idx.msk [tilespmem:v0+s8+$0x0], $0xffff;
	v24 =	vadd.f32 v27, v24;
	[tilespmem:s7+$0x1C180] =	vst v28;
	v26 =	vadd.f32 v26, v61  }
0x3cf: {  	v27 =	vld.idx.msk [tilespmem:v6+s1+$0x0], $0xffff  }
0x3d0: {  	v28 =	vld.idx.msk [tilespmem:v8+s1+$0x0], $0xffff;
	v24 =	vadd.f32 v26, v24;
	v25 =	vadd.f32 v25, v62  }
0x3d1: {  	v38 =	vld.idx.msk [tilespmem:v10+s1+$0x0], $0xffff  }
0x3d2: {  	v26 =	vld.idx.msk [tilespmem:v7+s1+$0x0], $0xffff;
	v24 =	vadd.f32 v25, v24  }
0x3d3: {  	v39 =	vld.idx.msk [tilespmem:v14+s1+$0x0], $0xffff  }
0x3d4: {  	v25 =	vld.idx.msk [tilespmem:v9+s1+$0x0], $0xffff;
	[tilespmem:s11+$0x1C280] =	vst v24  }
0x3d5: {  	v24 =	vld.idx.msk [tilespmem:v16+s10+$0x0], $0xffff  }
0x3d6: {  	v40 =	vld.idx.msk [tilespmem:v17+s10+$0x0], $0xffff  }
0x3d7: {  	v27 =	vadd.f32 v28, v27;
	v41 =	vld.idx.msk [tilespmem:v15+s10+$0x0], $0xffff;
	v26 =	vadd.f32 v38, v26  }
0x3d8: {  	v42 =	vld.idx.msk [tilespmem:v11+s10+$0x0], $0xffff  }
0x3d9: {  	v43 =	vld.idx.msk [tilespmem:v12+s10+$0x0], $0xffff;
	v26 =	vadd.f32 v26, v27;
	v25 =	vadd.f32 v39, v25  }
0x3da: {  	v27 =	vld.idx.msk [tilespmem:v13+s10+$0x0], $0xffff  }
0x3db: {  	v44 =	vld.idx.msk [tilespmem:v2+s8+$0x0], $0xffff;
	v25 =	vadd.f32 v25, v26  }
0x3dc: {  	v26 =	vld.idx.msk [tilespmem:v3+s8+$0x0], $0xffff  }
0x3dd: {  	v24 =	vadd.f32 v40, v24;
	v28 =	vadd.f32 v42, v41;
	[tilespmem:s7+$0x1C200] =	vst v25;
	v25 =	vld.idx.msk [tilespmem:v5+s8+$0x0], $0xffff  }
0x3de: {  	v45 =	vld.idx.msk [tilespmem:v6+s12+$0x0], $0xffff  }
0x3df: {  	v46 =	vld.idx.msk [tilespmem:v8+s12+$0x0], $0xffff;
	v24 =	vadd.f32 v28, v24;
	v27 =	vadd.f32 v27, v43  }
0x3e0: {  	v47 =	vld.idx.msk [tilespmem:v7+s12+$0x0], $0xffff  }
0x3e1: {  	v48 =	vld.idx.msk [tilespmem:v10+s12+$0x0], $0xffff;
	v24 =	vadd.f32 v27, v24  }
0x3e2: {  	v50 =	vld.idx.msk [tilespmem:v14+s12+$0x0], $0xffff  }
0x3e3: {  	v29 =	vadd.f32 v36, v63;
	v49 =	vadd.f32 v44, v37;
	v27 =	vld.idx.msk [tilespmem:v9+s12+$0x0], $0xffff;
	[tilespmem:s11+$0x1C300] =	vst v24  }
0x3e4: {  	v24 =	vld.idx.msk [tilespmem:v16+s20+$0x0], $0xffff  }
0x3e5: {  	v29 =	vadd.f32 v49, v29;
	v25 =	vadd.f32 v25, v26;
	v26 =	vld.idx.msk [tilespmem:v17+s20+$0x0], $0xffff  }
0x3e6: {  	v51 =	vadd.f32 v46, v45;
	v52 =	vld.idx.msk [tilespmem:v15+s20+$0x0], $0xffff;
	v28 =	vadd.f32 v48, v47  }
0x3e7: {  	v53 =	vld.idx.msk [tilespmem:v11+s20+$0x0], $0xffff;
	v25 =	vadd.f32 v25, v29  }
0x3e8: {  	v54 =	vld.idx.msk [tilespmem:v12+s20+$0x0], $0xffff;
	v28 =	vadd.f32 v28, v51;
	v27 =	vadd.f32 v50, v27  }
0x3e9: {  	[tilespmem:s25+$0x1D580] =	vst v25;
	v25 =	vld.idx.msk [tilespmem:v13+s20+$0x0], $0xffff  }
0x3ea: {  	v55 =	vld.idx.msk [tilespmem:v1+s13+$0x0], $0xffff;
	v27 =	vadd.f32 v27, v28  }
0x3eb: {  	v56 =	vld.idx.msk [tilespmem:v4+s13+$0x0], $0xffff  }
0x3ec: {  	v57 =	vld.idx.msk [tilespmem:v0+s13+$0x0], $0xffff;
	v24 =	vadd.f32 v26, v24;
	v26 =	vadd.f32 v53, v52;
	[tilespmem:s7+$0x1C280] =	vst v27  }
0x3ed: {  	v27 =	vld.idx.msk [tilespmem:v6+s10+$0x0], $0xffff  }
0x3ee: {  	v58 =	vld.idx.msk [tilespmem:v8+s10+$0x0], $0xffff;
	v24 =	vadd.f32 v26, v24;
	v25 =	vadd.f32 v25, v54  }
0x3ef: {  	v26 =	vld.idx.msk [tilespmem:v7+s10+$0x0], $0xffff  }
0x3f0: {  	v59 =	vld.idx.msk [tilespmem:v10+s10+$0x0], $0xffff;
	v24 =	vadd.f32 v25, v24  }
0x3f1: {  	v60 =	vld.idx.msk [tilespmem:v14+s10+$0x0], $0xffff  }
0x3f2: {  	v25 =	vld.idx.msk [tilespmem:v9+s10+$0x0], $0xffff;
	[tilespmem:s11+$0x1C380] =	vst v24  }
0x3f3: {  	v24 =	vld.idx.msk [tilespmem:v16+s14+$0x0], $0xffff  }
0x3f4: {  	v61 =	vld.idx.msk [tilespmem:v17+s14+$0x0], $0xffff  }
0x3f5: {  	v27 =	vadd.f32 v58, v27;
	v26 =	vadd.f32 v59, v26;
	v62 =	vld.idx.msk [tilespmem:v15+s14+$0x0], $0xffff  }
0x3f6: {  	v63 =	vld.idx.msk [tilespmem:v11+s14+$0x0], $0xffff  }
0x3f7: {  	v36 =	vld.idx.msk [tilespmem:v12+s14+$0x0], $0xffff;
	v26 =	vadd.f32 v26, v27;
	v25 =	vadd.f32 v60, v25  }
0x3f8: {  	v27 =	vld.idx.msk [tilespmem:v13+s14+$0x0], $0xffff  }
0x3f9: {  	v37 =	vld.idx.msk [tilespmem:v2+s13+$0x0], $0xffff;
	v25 =	vadd.f32 v25, v26  }
0x3fa: {  	v26 =	vld.idx.msk [tilespmem:v3+s13+$0x0], $0xffff  }
0x3fb: {  	v24 =	vadd.f32 v61, v24;
	v29 =	vadd.f32 v63, v62;
	[tilespmem:s7+$0x1C300] =	vst v25;
	v25 =	vld.idx.msk [tilespmem:v5+s13+$0x0], $0xffff  }
0x3fc: {  	v38 =	vld.idx.msk [tilespmem:v6+s20+$0x0], $0xffff  }
0x3fd: {  	v27 =	vadd.f32 v27, v36;
	v39 =	vld.idx.msk [tilespmem:v8+s20+$0x0], $0xffff;
	v24 =	vadd.f32 v29, v24  }
0x3fe: {  	v40 =	vld.idx.msk [tilespmem:v7+s20+$0x0], $0xffff  }
0x3ff: {  	v41 =	vld.idx.msk [tilespmem:v10+s20+$0x0], $0xffff;
	v24 =	vadd.f32 v27, v24  }
0x400: {  	v43 =	vld.idx.msk [tilespmem:v14+s20+$0x0], $0xffff  }
0x401: {  	v28 =	vadd.f32 v56, v55;
	v42 =	vadd.f32 v37, v57;
	v27 =	vld.idx.msk [tilespmem:v9+s20+$0x0], $0xffff;
	[tilespmem:s11+$0x1D400] =	vst v24  }
0x402: {  	v24 =	vld.idx.msk [tilespmem:v16+s3+$0x0], $0xffff  }
0x403: {  	v28 =	vadd.f32 v42, v28;
	v25 =	vadd.f32 v25, v26;
	v26 =	vld.idx.msk [tilespmem:v17+s3+$0x0], $0xffff  }
0x404: {  	v44 =	vadd.f32 v39, v38;
	v45 =	vld.idx.msk [tilespmem:v15+s3+$0x0], $0xffff;
	v29 =	vadd.f32 v41, v40  }
0x405: {  	v46 =	vld.idx.msk [tilespmem:v11+s3+$0x0], $0xffff;
	v25 =	vadd.f32 v25, v28  }
0x406: {  	v47 =	vld.idx.msk [tilespmem:v12+s3+$0x0], $0xffff;
	v29 =	vadd.f32 v29, v44;
	v27 =	vadd.f32 v43, v27  }
0x407: {  	[tilespmem:s25+$0x1D600] =	vst v25;
	v25 =	vld.idx.msk [tilespmem:v13+s3+$0x0], $0xffff  }
0x408: {  	v48 =	vld.idx.msk [tilespmem:v1+s9+$0x0], $0xffff;
	v27 =	vadd.f32 v27, v29  }
0x409: {  	v49 =	vld.idx.msk [tilespmem:v4+s9+$0x0], $0xffff  }
0x40a: {  	v50 =	vld.idx.msk [tilespmem:v0+s9+$0x0], $0xffff;
	v24 =	vadd.f32 v26, v24;
	v26 =	vadd.f32 v46, v45;
	[tilespmem:s7+$0x1C380] =	vst v27  }
0x40b: {  	v27 =	vld.idx.msk [tilespmem:v6+s14+$0x0], $0xffff  }
0x40c: {  	v51 =	vld.idx.msk [tilespmem:v8+s14+$0x0], $0xffff;
	v24 =	vadd.f32 v26, v24;
	v25 =	vadd.f32 v25, v47  }
0x40d: {  	v26 =	vld.idx.msk [tilespmem:v7+s14+$0x0], $0xffff  }
0x40e: {  	v52 =	vld.idx.msk [tilespmem:v10+s14+$0x0], $0xffff;
	v24 =	vadd.f32 v25, v24  }
0x40f: {  	v53 =	vld.idx.msk [tilespmem:v14+s14+$0x0], $0xffff  }
0x410: {  	v25 =	vld.idx.msk [tilespmem:v9+s14+$0x0], $0xffff;
	[tilespmem:s11+$0x1D480] =	vst v24  }
0x411: {  	v24 =	vld.idx.msk [tilespmem:v16+s5+$0x0], $0xffff  }
0x412: {  	v54 =	vld.idx.msk [tilespmem:v17+s5+$0x0], $0xffff  }
0x413: {  	v27 =	vadd.f32 v51, v27;
	v26 =	vadd.f32 v52, v26;
	v55 =	vld.idx.msk [tilespmem:v15+s5+$0x0], $0xffff  }
0x414: {  	v56 =	vld.idx.msk [tilespmem:v11+s5+$0x0], $0xffff  }
0x415: {  	v57 =	vld.idx.msk [tilespmem:v12+s5+$0x0], $0xffff;
	v26 =	vadd.f32 v26, v27;
	v25 =	vadd.f32 v53, v25  }
0x416: {  	v27 =	vld.idx.msk [tilespmem:v13+s5+$0x0], $0xffff  }
0x417: {  	v58 =	vld.idx.msk [tilespmem:v2+s9+$0x0], $0xffff;
	v25 =	vadd.f32 v25, v26  }
0x418: {  	v26 =	vld.idx.msk [tilespmem:v3+s9+$0x0], $0xffff  }
0x419: {  	v24 =	vadd.f32 v54, v24;
	v28 =	vadd.f32 v56, v55;
	[tilespmem:s7+$0x1D400] =	vst v25;
	v25 =	vld.idx.msk [tilespmem:v5+s9+$0x0], $0xffff  }
0x41a: {  	v59 =	vld.idx.msk [tilespmem:v6+s3+$0x0], $0xffff  }
0x41b: {  	v27 =	vadd.f32 v27, v57;
	v60 =	vld.idx.msk [tilespmem:v8+s3+$0x0], $0xffff;
	v24 =	vadd.f32 v28, v24  }
0x41c: {  	v61 =	vld.idx.msk [tilespmem:v7+s3+$0x0], $0xffff  }
0x41d: {  	v62 =	vld.idx.msk [tilespmem:v10+s3+$0x0], $0xffff;
	v24 =	vadd.f32 v27, v24  }
0x41e: {  	v22 =	vadd.f32 v23, v22;
	v20 =	vadd.f32 v21, v20;
	v63 =	vld.idx.msk [tilespmem:v14+s3+$0x0], $0xffff  }
0x41f: {  	v21 =	vadd.f32 v49, v48;
	v23 =	vadd.f32 v58, v50;
	v27 =	vld.idx.msk [tilespmem:v9+s3+$0x0], $0xffff;
	[tilespmem:s11+$0x1D500] =	vst v24  }
0x420: {  	v18 =	vadd.f32 v18, v19;
	v22 =	vadd.f32 v20, v22;
	v19 =	vld.idx.msk [tilespmem:v16+s8+$0x0], $0xffff  }
0x421: {  	v23 =	vadd.f32 v23, v21;
	v24 =	vadd.f32 v25, v26;
	v20 =	vld.idx.msk [tilespmem:v17+s8+$0x0], $0xffff  }
0x422: {  	v18 =	vadd.f32 v18, v22;
	v21 =	vld.idx.msk [tilespmem:v15+s8+$0x0], $0xffff;
	v28 =	vadd.f32 v62, v61  }
0x423: {  	v25 =	vld.idx.msk [tilespmem:v12+s8+$0x0], $0xffff;
	v22 =	vadd.f32 v24, v23;
	v24 =	vadd.f32 v60, v59  }
0x424: {  	v23 =	vld.idx.msk [tilespmem:v11+s8+$0x0], $0xffff  }
0x425: {  	v26 =	vld.idx.msk [tilespmem:v13+s8+$0x0], $0xffff;
	[tilespmem:s25+$0x1D680] =	vst v22;
	v22 =	vadd.f32 v28, v24;
	v24 =	vadd.f32 v63, v27  }
0x426: {  	s15 =	simm.s32 $0x2;
	s16 =	simm.s32 $0x40;
	[tilespmem:s31+$0x1D780] =	vst v18;
	s31 =	simm.s32 $0x200;
	v18 =	vld.idx.msk [tilespmem:v1+s17+$0x0], $0xffff  }
.LBB2_8:
0x427: {  	s18 =	sand.u32 $0x60, s16;
	s19 =	sand.u32 $0x1C00, s31;
	s4 =	sadd.s32 $0x10, s16;
	v27 =	vadd.f32 v24, v22;
	v28 =	vld.idx.msk [tilespmem:v4+s17+$0x0], $0xffff  }
0x428: {  	s21 =	sor.u32 s18, s19;
	s4 =	smin.u32 s4, $0x261;
	v24 =	vld.idx.msk [tilespmem:v0+s17+$0x0], $0xffff  }
0x429: {  	v19 =	vadd.f32 v20, v19;
	v21 =	vadd.f32 v23, v21;
	v22 =	vld [tilespmem:s21+$0x1AC00];
	s18 =	sshll.u32 s4, $0x3;
	[tilespmem:s7+$0x1D480] =	vst v27  }
0x42a: {  	s4 =	sand.u32 $0x71, s4;
	v23 =	vld [tilespmem:s21+$0x1AC80];
	s18 =	sand.u32 $0x1C00, s18  }
0x42b: {  	v19 =	vadd.f32 v21, v19;
	v21 =	vadd.f32 v26, v25;
	v20 =	vld [tilespmem:s21+$0x1AD00];
	s18 =	sor.u32 s4, s18  }
0x42c: {  	v29 =	vld [tilespmem:s18+$0x1AC00]  }
0x42d: {  	v19 =	vadd.f32 v21, v19;
	v25 =	vadd.f32 v28, v18;
	v27 =	vld [tilespmem:s18+$0x1AC80]  }
0x42e: {  	v28 =	vld [tilespmem:s18+$0x1AD00]  }
0x42f: {  	v26 =	vld [tilespmem:s18+$0x1AD80];
	[tilespmem:s11+$0x1D580] =	vst v19  }
0x430: {  	v19 =	vld.idx.msk [tilespmem:v16+s13+$0x0], $0xffff  }
0x431: {  	v32 =	vld.idx.msk [tilespmem:v17+s13+$0x0], $0xffff  }
0x432: {  	v33 =	vld.idx.msk [tilespmem:v15+s13+$0x0], $0xffff  }
0x433: {  	v34 =	vld.idx.msk [tilespmem:v11+s13+$0x0], $0xffff  }
0x434: {  	v35 =	vld.idx.msk [tilespmem:v12+s13+$0x0], $0xffff  }
0x435: {  	v36 =	vld.idx.msk [tilespmem:v13+s13+$0x0], $0xffff  }
0x436: {  	v31 =	vld [tilespmem:s18+$0x1AE00]  }
0x437: {  	v30 =	vld [tilespmem:s18+$0x1AE80]  }
0x438: {  	v21 =	vld [tilespmem:s21+$0x1AD80]  }
0x439: {  	v19 =	vadd.f32 v32, v19;
	v32 =	vadd.f32 v34, v33;
	v18 =	vld [tilespmem:s21+$0x1AE00]  }
0x43a: {  	v33 =	vld.idx.msk [tilespmem:v29+s26+$0x0], $0xffff  }
0x43b: {  	v19 =	vadd.f32 v32, v19;
	v32 =	vadd.f32 v36, v35;
	v34 =	vld.idx.msk [tilespmem:v27+s26+$0x0], $0xffff  }
0x43c: {  	v35 =	vld.idx.msk [tilespmem:v28+s26+$0x0], $0xffff  }
0x43d: {  	v19 =	vadd.f32 v32, v19;
	v36 =	vld.idx.msk [tilespmem:v26+s26+$0x0], $0xffff  }
0x43e: {  	v32 =	vld.idx.msk [tilespmem:v31+s26+$0x0], $0xffff  }
0x43f: {  	v37 =	vld.idx.msk [tilespmem:v30+s26+$0x0], $0xffff;
	[tilespmem:s11+$0x1D600] =	vst v19  }
0x440: {  	v38 =	vld.idx.msk [tilespmem:v16+s9+$0x0], $0xffff  }
0x441: {  	v39 =	vld.idx.msk [tilespmem:v17+s9+$0x0], $0xffff  }
0x442: {  	v40 =	vld.idx.msk [tilespmem:v15+s9+$0x0], $0xffff  }
0x443: {  	v19 =	vadd.f32 v34, v33;
	v33 =	vadd.f32 v36, v35;
	v34 =	vld.idx.msk [tilespmem:v11+s9+$0x0], $0xffff  }
0x444: {  	v35 =	vld.idx.msk [tilespmem:v12+s9+$0x0], $0xffff  }
0x445: {  	v33 =	vadd.f32 v33, v19;
	v32 =	vadd.f32 v37, v32;
	v36 =	vld.idx.msk [tilespmem:v13+s9+$0x0], $0xffff  }
0x446: {  	v19 =	vld [tilespmem:s21+$0x1AE80]  }
0x447: {  	v32 =	vadd.f32 v32, v33;
	v37 =	vld.idx.msk [tilespmem:v22+s26+$0x0], $0xffff  }
0x448: {  	v33 =	vld.idx.msk [tilespmem:v23+s26+$0x0], $0xffff  }
0x449: {  	v34 =	vadd.f32 v34, v40;
	v41 =	vld.idx.msk [tilespmem:v20+s26+$0x0], $0xffff;
	[tilespmem:s18+$0x1C000] =	vst v32;
	v32 =	vadd.f32 v39, v38  }
0x44a: {  	v38 =	vld.idx.msk [tilespmem:v29+s28+$0x0], $0xffff  }
0x44b: {  	v39 =	vld.idx.msk [tilespmem:v27+s28+$0x0], $0xffff;
	v32 =	vadd.f32 v34, v32;
	v34 =	vadd.f32 v36, v35  }
0x44c: {  	v35 =	vld.idx.msk [tilespmem:v28+s28+$0x0], $0xffff  }
0x44d: {  	v36 =	vld.idx.msk [tilespmem:v26+s28+$0x0], $0xffff;
	v32 =	vadd.f32 v34, v32  }
0x44e: {  	v33 =	vadd.f32 v33, v37;
	v34 =	vld.idx.msk [tilespmem:v31+s28+$0x0], $0xffff  }
0x44f: {  	v37 =	vld.idx.msk [tilespmem:v30+s28+$0x0], $0xffff;
	[tilespmem:s11+$0x1D680] =	vst v32  }
0x450: {  	v32 =	vld.idx.msk [tilespmem:v16+s17+$0x0], $0xffff  }
0x451: {  	v40 =	vld.idx.msk [tilespmem:v17+s17+$0x0], $0xffff  }
0x452: {  	v42 =	vld.idx.msk [tilespmem:v15+s17+$0x0], $0xffff  }
0x453: {  	v38 =	vadd.f32 v39, v38;
	v35 =	vadd.f32 v36, v35;
	v36 =	vld.idx.msk [tilespmem:v11+s17+$0x0], $0xffff  }
0x454: {  	v39 =	vld.idx.msk [tilespmem:v12+s17+$0x0], $0xffff  }
0x455: {  	v35 =	vadd.f32 v35, v38;
	v34 =	vadd.f32 v37, v34;
	v37 =	vld.idx.msk [tilespmem:v13+s17+$0x0], $0xffff  }
0x456: {  	v38 =	vld.idx.msk [tilespmem:v21+s26+$0x0], $0xffff  }
0x457: {  	v34 =	vadd.f32 v34, v35;
	v43 =	vld.idx.msk [tilespmem:v18+s26+$0x0], $0xffff  }
0x458: {  	v35 =	vld.idx.msk [tilespmem:v19+s26+$0x0], $0xffff  }
0x459: {  	v32 =	vadd.f32 v40, v32;
	v36 =	vadd.f32 v36, v42;
	[tilespmem:s18+$0x1C080] =	vst v34;
	v34 =	vld.idx.msk [tilespmem:v6+s5+$0x0], $0xffff  }
0x45a: {  	v40 =	vld.idx.msk [tilespmem:v31+s2+$0x0], $0xffff  }
0x45b: {  	v32 =	vadd.f32 v36, v32;
	v36 =	vadd.f32 v37, v39;
	v42 =	vld.idx.msk [tilespmem:v29+s2+$0x0], $0xffff  }
0x45c: {  	v37 =	vadd.f32 v38, v41;
	v38 =	vld.idx.msk [tilespmem:v27+s2+$0x0], $0xffff  }
0x45d: {  	v32 =	vadd.f32 v36, v32;
	v39 =	vld.idx.msk [tilespmem:v28+s2+$0x0], $0xffff  }
0x45e: {  	v33 =	vadd.f32 v37, v33;
	v35 =	vadd.f32 v35, v43;
	v36 =	vld.idx.msk [tilespmem:v26+s2+$0x0], $0xffff  }
0x45f: {  	s15 =	sadd.s32 $0x2, s15;
	v37 =	vld.idx.msk [tilespmem:v30+s2+$0x0], $0xffff;
	[tilespmem:s11+$0x1D700] =	vst v32  }
0x460: {  	p0 =	slt.u32 s15, $0x26;
	v32 =	vadd.f32 v35, v33;
	v33 =	vld.idx.msk [tilespmem:v16+s30+$0x0], $0xffff;
	v16 =	vmov v29  }
0x461: {  	v29 =	vld.idx.msk [tilespmem:v17+s30+$0x0], $0xffff;
	v17 =	vmov v27  }
0x462: {  	[tilespmem:s21+$0x1C000] =	vst v32;
	v27 =	vld.idx.msk [tilespmem:v15+s30+$0x0], $0xffff;
	v15 =	vmov v28  }
0x463: {  	v28 =	vld.idx.msk [tilespmem:v11+s30+$0x0], $0xffff;
	v11 =	vmov v26  }
0x464: {  	v26 =	vadd.f32 v38, v42;
	v32 =	vadd.f32 v36, v39;
	v35 =	vld.idx.msk [tilespmem:v12+s30+$0x0], $0xffff;
	v12 =	vmov v31  }
0x465: {  	v31 =	vld.idx.msk [tilespmem:v13+s30+$0x0], $0xffff;
	v13 =	vmov v30  }
0x466: {  	v26 =	vadd.f32 v32, v26;
	v32 =	vadd.f32 v37, v40;
	v30 =	vld.idx.msk [tilespmem:v22+s28+$0x0], $0xffff  }
0x467: {  	v36 =	vld.idx.msk [tilespmem:v23+s28+$0x0], $0xffff  }
0x468: {  	v26 =	vadd.f32 v32, v26;
	v37 =	vld.idx.msk [tilespmem:v20+s28+$0x0], $0xffff  }
0x469: {  	v29 =	vadd.f32 v29, v33;
	v27 =	vadd.f32 v28, v27;
	v32 =	vld.idx.msk [tilespmem:v21+s28+$0x0], $0xffff  }
0x46a: {  	v28 =	vld.idx.msk [tilespmem:v18+s28+$0x0], $0xffff  }
0x46b: {  	v33 =	vld.idx.msk [tilespmem:v19+s28+$0x0], $0xffff;
	[tilespmem:s18+$0x1C100] =	vst v26;
	v26 =	vadd.f32 v27, v29;
	v27 =	vadd.f32 v31, v35  }
0x46c: {  	v29 =	vld.idx.msk [tilespmem:v16+s0+$0x0], $0xffff  }
0x46d: {  	v30 =	vadd.f32 v36, v30;
	v31 =	vld.idx.msk [tilespmem:v17+s0+$0x0], $0xffff;
	v26 =	vadd.f32 v27, v26  }
0x46e: {  	v27 =	vld.idx.msk [tilespmem:v15+s0+$0x0], $0xffff  }
0x46f: {  	v32 =	vadd.f32 v32, v37;
	v35 =	vld.idx.msk [tilespmem:v11+s0+$0x0], $0xffff;
	[tilespmem:s11+$0x1D780] =	vst v26;
	s11 =	smov.u32 s18  }
0x470: {  	v26 =	vld.idx.msk [tilespmem:v12+s0+$0x0], $0xffff  }
0x471: {  	v30 =	vadd.f32 v32, v30;
	v28 =	vadd.f32 v33, v28;
	v32 =	vld.idx.msk [tilespmem:v13+s0+$0x0], $0xffff  }
0x472: {  	v33 =	vld.idx.msk [tilespmem:v8+s5+$0x0], $0xffff  }
0x473: {  	v28 =	vadd.f32 v28, v30;
	v30 =	vld.idx.msk [tilespmem:v7+s5+$0x0], $0xffff  }
0x474: {  	v36 =	vld.idx.msk [tilespmem:v10+s5+$0x0], $0xffff  }
0x475: {  	v27 =	vadd.f32 v35, v27;
	[tilespmem:s21+$0x1C080] =	vst v28;
	v28 =	vadd.f32 v31, v29;
	v29 =	vld.idx.msk [tilespmem:v9+s5+$0x0], $0xffff  }
0x476: {  	v31 =	vld.idx.msk [tilespmem:v22+s2+$0x0], $0xffff  }
0x477: {  	v26 =	vadd.f32 v32, v26;
	v35 =	vld.idx.msk [tilespmem:v23+s2+$0x0], $0xffff;
	v27 =	vadd.f32 v27, v28  }
0x478: {  	v32 =	vadd.f32 v33, v34;
	v28 =	vld.idx.msk [tilespmem:v20+s2+$0x0], $0xffff  }
0x479: {  	v33 =	vld.idx.msk [tilespmem:v21+s2+$0x0], $0xffff;
	v26 =	vadd.f32 v26, v27  }
0x47a: {  	v30 =	vadd.f32 v36, v30;
	v27 =	vld.idx.msk [tilespmem:v18+s2+$0x0], $0xffff  }
0x47b: {  	v34 =	vld.idx.msk [tilespmem:v19+s2+$0x0], $0xffff;
	[tilespmem:s11+$0x1C180] =	vst v26  }
0x47c: {  	v30 =	vadd.f32 v30, v32;
	v26 =	vld.idx.msk [tilespmem:v16+s1+$0x0], $0xffff  }
0x47d: {  	v31 =	vadd.f32 v35, v31;
	v32 =	vld.idx.msk [tilespmem:v17+s1+$0x0], $0xffff  }
0x47e: {  	v35 =	vld.idx.msk [tilespmem:v15+s1+$0x0], $0xffff  }
0x47f: {  	v28 =	vadd.f32 v33, v28;
	v33 =	vld.idx.msk [tilespmem:v11+s1+$0x0], $0xffff  }
0x480: {  	v36 =	vld.idx.msk [tilespmem:v12+s1+$0x0], $0xffff  }
0x481: {  	v28 =	vadd.f32 v28, v31;
	v27 =	vadd.f32 v34, v27;
	v31 =	vld.idx.msk [tilespmem:v13+s1+$0x0], $0xffff  }
0x482: {  	v34 =	vld.idx.msk [tilespmem:v14+s5+$0x0], $0xffff  }
0x483: {  	v27 =	vadd.f32 v27, v28;
	v28 =	vld.idx.msk [tilespmem:v2+s17+$0x0], $0xffff  }
0x484: {  	v37 =	vld.idx.msk [tilespmem:v3+s17+$0x0], $0xffff  }
0x485: {  	v26 =	vadd.f32 v32, v26;
	[tilespmem:s21+$0x1C100] =	vst v27;
	v27 =	vadd.f32 v33, v35;
	v32 =	vld.idx.msk [tilespmem:v5+s17+$0x0], $0xffff  }
0x486: {  	v33 =	vld.idx.msk [tilespmem:v22+s0+$0x0], $0xffff  }
0x487: {  	v35 =	vld.idx.msk [tilespmem:v23+s0+$0x0], $0xffff;
	v26 =	vadd.f32 v27, v26;
	v27 =	vadd.f32 v31, v36  }
0x488: {  	v29 =	vadd.f32 v34, v29;
	v31 =	vld.idx.msk [tilespmem:v20+s0+$0x0], $0xffff  }
0x489: {  	v24 =	vadd.f32 v28, v24;
	v34 =	vld.idx.msk [tilespmem:v21+s0+$0x0], $0xffff;
	v26 =	vadd.f32 v27, v26  }
0x48a: {  	v28 =	vadd.f32 v29, v30;
	v27 =	vld.idx.msk [tilespmem:v18+s0+$0x0], $0xffff  }
0x48b: {  	v24 =	vadd.f32 v24, v25;
	v25 =	vadd.f32 v32, v37;
	v29 =	vld.idx.msk [tilespmem:v19+s0+$0x0], $0xffff;
	[tilespmem:s11+$0x1C200] =	vst v26  }
0x48c: {  	v26 =	vld.idx.msk [tilespmem:v16+s12+$0x0], $0xffff;
	[tilespmem:s7+$0x1D500] =	vst v28  }
0x48d: {  	v28 =	vadd.f32 v35, v33;
	v24 =	vadd.f32 v25, v24;
	v30 =	vld.idx.msk [tilespmem:v17+s12+$0x0], $0xffff  }
0x48e: {  	v25 =	vld.idx.msk [tilespmem:v15+s12+$0x0], $0xffff  }
0x48f: {  	v31 =	vadd.f32 v34, v31;
	v32 =	vld.idx.msk [tilespmem:v11+s12+$0x0], $0xffff;
	[tilespmem:s25+$0x1D700] =	vst v24  }
0x490: {  	v24 =	vld.idx.msk [tilespmem:v12+s12+$0x0], $0xffff  }
0x491: {  	v28 =	vadd.f32 v31, v28;
	v27 =	vadd.f32 v29, v27;
	v29 =	vld.idx.msk [tilespmem:v13+s12+$0x0], $0xffff  }
0x492: {  	v31 =	vld.idx.msk [tilespmem:v6+s8+$0x0], $0xffff  }
0x493: {  	v27 =	vadd.f32 v27, v28;
	v28 =	vld.idx.msk [tilespmem:v8+s8+$0x0], $0xffff  }
0x494: {  	v33 =	vld.idx.msk [tilespmem:v7+s8+$0x0], $0xffff  }
0x495: {  	v26 =	vadd.f32 v30, v26;
	v25 =	vadd.f32 v32, v25;
	[tilespmem:s21+$0x1C180] =	vst v27;
	v27 =	vld.idx.msk [tilespmem:v10+s8+$0x0], $0xffff  }
0x496: {  	v30 =	vld.idx.msk [tilespmem:v22+s1+$0x0], $0xffff  }
0x497: {  	v25 =	vadd.f32 v25, v26;
	v24 =	vadd.f32 v29, v24;
	v32 =	vld.idx.msk [tilespmem:v23+s1+$0x0], $0xffff  }
0x498: {  	v26 =	vld.idx.msk [tilespmem:v20+s1+$0x0], $0xffff  }
0x499: {  	v24 =	vadd.f32 v24, v25;
	v25 =	vadd.f32 v28, v31;
	v29 =	vld.idx.msk [tilespmem:v21+s1+$0x0], $0xffff  }
0x49a: {  	v28 =	vld.idx.msk [tilespmem:v18+s1+$0x0], $0xffff  }
0x49b: {  	v31 =	vld.idx.msk [tilespmem:v19+s1+$0x0], $0xffff;
	[tilespmem:s11+$0x1C280] =	vst v24;
	v24 =	vadd.f32 v27, v33  }
0x49c: {  	v27 =	vld.idx.msk [tilespmem:v16+s10+$0x0], $0xffff  }
0x49d: {  	v30 =	vadd.f32 v32, v30;
	v32 =	vld.idx.msk [tilespmem:v17+s10+$0x0], $0xffff;
	v24 =	vadd.f32 v24, v25  }
0x49e: {  	v25 =	vld.idx.msk [tilespmem:v15+s10+$0x0], $0xffff  }
0x49f: {  	v26 =	vadd.f32 v29, v26;
	v29 =	vld.idx.msk [tilespmem:v11+s10+$0x0], $0xffff  }
0x4a0: {  	v33 =	vld.idx.msk [tilespmem:v12+s10+$0x0], $0xffff  }
0x4a1: {  	v26 =	vadd.f32 v26, v30;
	v28 =	vadd.f32 v31, v28;
	v30 =	vld.idx.msk [tilespmem:v13+s10+$0x0], $0xffff  }
0x4a2: {  	v31 =	vld.idx.msk [tilespmem:v9+s8+$0x0], $0xffff  }
0x4a3: {  	v26 =	vadd.f32 v28, v26;
	v28 =	vld.idx.msk [tilespmem:v14+s8+$0x0], $0xffff  }
0x4a4: {  	v34 =	vld.idx.msk [tilespmem:v1+s30+$0x0], $0xffff;
	v1 =	vmov v6;
	v6 =	vmov v22  }
0x4a5: {  	v25 =	vadd.f32 v29, v25;
	[tilespmem:s21+$0x1C200] =	vst v26;
	v26 =	vadd.f32 v32, v27;
	v27 =	vld.idx.msk [tilespmem:v4+s30+$0x0], $0xffff;
	v4 =	vmov v8  }
0x4a6: {  	v8 =	vmov v23;
	v22 =	vld.idx.msk [tilespmem:v22+s12+$0x0], $0xffff  }
0x4a7: {  	v23 =	vld.idx.msk [tilespmem:v23+s12+$0x0], $0xffff;
	v25 =	vadd.f32 v25, v26;
	v26 =	vadd.f32 v30, v33  }
0x4a8: {  	v29 =	vld.idx.msk [tilespmem:v20+s12+$0x0], $0xffff  }
0x4a9: {  	v30 =	vld.idx.msk [tilespmem:v21+s12+$0x0], $0xffff;
	v25 =	vadd.f32 v26, v25;
	v26 =	vadd.f32 v28, v31  }
0x4aa: {  	v28 =	vld.idx.msk [tilespmem:v18+s12+$0x0], $0xffff  }
0x4ab: {  	v31 =	vld.idx.msk [tilespmem:v19+s12+$0x0], $0xffff;
	[tilespmem:s11+$0x1C300] =	vst v25;
	v24 =	vadd.f32 v26, v24;
	v25 =	vadd.f32 v27, v34  }
0x4ac: {  	v26 =	vld.idx.msk [tilespmem:v16+s20+$0x0], $0xffff  }
0x4ad: {  	v22 =	vadd.f32 v23, v22;
	v23 =	vld.idx.msk [tilespmem:v17+s20+$0x0], $0xffff;
	[tilespmem:s7+$0x1D580] =	vst v24  }
0x4ae: {  	v24 =	vld.idx.msk [tilespmem:v15+s20+$0x0], $0xffff  }
0x4af: {  	v27 =	vadd.f32 v30, v29;
	v29 =	vld.idx.msk [tilespmem:v11+s20+$0x0], $0xffff  }
0x4b0: {  	v30 =	vld.idx.msk [tilespmem:v12+s20+$0x0], $0xffff  }
0x4b1: {  	v22 =	vadd.f32 v27, v22;
	v27 =	vadd.f32 v31, v28;
	v28 =	vld.idx.msk [tilespmem:v13+s20+$0x0], $0xffff  }
0x4b2: {  	v31 =	vld.idx.msk [tilespmem:v1+s13+$0x0], $0xffff  }
0x4b3: {  	v22 =	vadd.f32 v27, v22;
	v27 =	vld.idx.msk [tilespmem:v4+s13+$0x0], $0xffff  }
0x4b4: {  	v32 =	vld.idx.msk [tilespmem:v7+s13+$0x0], $0xffff  }
0x4b5: {  	[tilespmem:s21+$0x1C280] =	vst v22;
	v22 =	vadd.f32 v23, v26;
	v23 =	vadd.f32 v29, v24;
	v24 =	vld.idx.msk [tilespmem:v10+s13+$0x0], $0xffff  }
0x4b6: {  	v26 =	vld.idx.msk [tilespmem:v6+s10+$0x0], $0xffff  }
0x4b7: {  	v29 =	vld.idx.msk [tilespmem:v8+s10+$0x0], $0xffff;
	v22 =	vadd.f32 v23, v22;
	v23 =	vadd.f32 v28, v30  }
0x4b8: {  	v28 =	vld.idx.msk [tilespmem:v20+s10+$0x0], $0xffff  }
0x4b9: {  	v30 =	vld.idx.msk [tilespmem:v21+s10+$0x0], $0xffff;
	v22 =	vadd.f32 v23, v22;
	v23 =	vadd.f32 v27, v31  }
0x4ba: {  	v27 =	vld.idx.msk [tilespmem:v18+s10+$0x0], $0xffff  }
0x4bb: {  	v31 =	vld.idx.msk [tilespmem:v19+s10+$0x0], $0xffff;
	[tilespmem:s11+$0x1C380] =	vst v22;
	v22 =	vadd.f32 v24, v32  }
0x4bc: {  	v24 =	vld.idx.msk [tilespmem:v16+s14+$0x0], $0xffff  }
0x4bd: {  	v26 =	vadd.f32 v29, v26;
	v29 =	vld.idx.msk [tilespmem:v17+s14+$0x0], $0xffff;
	v22 =	vadd.f32 v22, v23  }
0x4be: {  	v23 =	vld.idx.msk [tilespmem:v15+s14+$0x0], $0xffff  }
0x4bf: {  	v28 =	vadd.f32 v30, v28;
	v30 =	vld.idx.msk [tilespmem:v11+s14+$0x0], $0xffff  }
0x4c0: {  	v32 =	vld.idx.msk [tilespmem:v12+s14+$0x0], $0xffff  }
0x4c1: {  	v26 =	vadd.f32 v28, v26;
	v27 =	vadd.f32 v31, v27;
	v28 =	vld.idx.msk [tilespmem:v13+s14+$0x0], $0xffff  }
0x4c2: {  	v31 =	vld.idx.msk [tilespmem:v9+s13+$0x0], $0xffff  }
0x4c3: {  	v26 =	vadd.f32 v27, v26;
	v27 =	vld.idx.msk [tilespmem:v14+s13+$0x0], $0xffff  }
0x4c4: {  	v33 =	vld.idx.msk [tilespmem:v0+s30+$0x0], $0xffff;
	v0 =	vmov v7;
	v7 =	vmov v20  }
0x4c5: {  	v24 =	vadd.f32 v29, v24;
	v23 =	vadd.f32 v30, v23;
	[tilespmem:s21+$0x1C300] =	vst v26;
	v26 =	vld.idx.msk [tilespmem:v2+s30+$0x0], $0xffff;
	v2 =	vmov v10  }
0x4c6: {  	v10 =	vmov v21;
	v29 =	vld.idx.msk [tilespmem:v6+s20+$0x0], $0xffff  }
0x4c7: {  	v23 =	vadd.f32 v23, v24;
	v24 =	vadd.f32 v28, v32;
	v30 =	vld.idx.msk [tilespmem:v8+s20+$0x0], $0xffff  }
0x4c8: {  	v20 =	vld.idx.msk [tilespmem:v20+s20+$0x0], $0xffff  }
0x4c9: {  	v23 =	vadd.f32 v24, v23;
	v24 =	vadd.f32 v27, v31;
	v21 =	vld.idx.msk [tilespmem:v21+s20+$0x0], $0xffff  }
0x4ca: {  	v27 =	vld.idx.msk [tilespmem:v18+s20+$0x0], $0xffff  }
0x4cb: {  	v22 =	vadd.f32 v24, v22;
	v28 =	vld.idx.msk [tilespmem:v19+s20+$0x0], $0xffff;
	[tilespmem:s11+$0x1D400] =	vst v23;
	v23 =	vadd.f32 v26, v33  }
0x4cc: {  	v24 =	vld.idx.msk [tilespmem:v16+s3+$0x0], $0xffff  }
0x4cd: {  	v26 =	vadd.f32 v30, v29;
	v29 =	vld.idx.msk [tilespmem:v17+s3+$0x0], $0xffff;
	[tilespmem:s7+$0x1D600] =	vst v22;
	v22 =	vadd.f32 v23, v25  }
0x4ce: {  	v23 =	vld.idx.msk [tilespmem:v15+s3+$0x0], $0xffff  }
0x4cf: {  	v20 =	vadd.f32 v21, v20;
	v21 =	vld.idx.msk [tilespmem:v11+s3+$0x0], $0xffff  }
0x4d0: {  	v25 =	vld.idx.msk [tilespmem:v12+s3+$0x0], $0xffff  }
0x4d1: {  	v20 =	vadd.f32 v20, v26;
	v26 =	vadd.f32 v28, v27;
	v27 =	vld.idx.msk [tilespmem:v13+s3+$0x0], $0xffff  }
0x4d2: {  	v28 =	vld.idx.msk [tilespmem:v1+s9+$0x0], $0xffff  }
0x4d3: {  	v20 =	vadd.f32 v26, v20;
	v26 =	vld.idx.msk [tilespmem:v4+s9+$0x0], $0xffff  }
0x4d4: {  	v30 =	vld.idx.msk [tilespmem:v0+s9+$0x0], $0xffff  }
0x4d5: {  	v21 =	vadd.f32 v21, v23;
	[tilespmem:s21+$0x1C380] =	vst v20;
	v20 =	vadd.f32 v29, v24;
	v23 =	vld.idx.msk [tilespmem:v2+s9+$0x0], $0xffff  }
0x4d6: {  	v24 =	vld.idx.msk [tilespmem:v6+s14+$0x0], $0xffff  }
0x4d7: {  	v29 =	vld.idx.msk [tilespmem:v8+s14+$0x0], $0xffff;
	v20 =	vadd.f32 v21, v20;
	v21 =	vadd.f32 v27, v25  }
0x4d8: {  	v25 =	vld.idx.msk [tilespmem:v7+s14+$0x0], $0xffff  }
0x4d9: {  	v27 =	vld.idx.msk [tilespmem:v10+s14+$0x0], $0xffff;
	v20 =	vadd.f32 v21, v20;
	v21 =	vadd.f32 v26, v28  }
0x4da: {  	v26 =	vld.idx.msk [tilespmem:v18+s14+$0x0], $0xffff  }
0x4db: {  	v28 =	vld.idx.msk [tilespmem:v19+s14+$0x0], $0xffff;
	[tilespmem:s11+$0x1D480] =	vst v20;
	v20 =	vadd.f32 v23, v30  }
0x4dc: {  	v23 =	vld.idx.msk [tilespmem:v16+s5+$0x0], $0xffff  }
0x4dd: {  	v24 =	vadd.f32 v29, v24;
	v29 =	vld.idx.msk [tilespmem:v17+s5+$0x0], $0xffff;
	v20 =	vadd.f32 v20, v21  }
0x4de: {  	v21 =	vld.idx.msk [tilespmem:v15+s5+$0x0], $0xffff  }
0x4df: {  	v25 =	vadd.f32 v27, v25;
	v27 =	vld.idx.msk [tilespmem:v11+s5+$0x0], $0xffff  }
0x4e0: {  	v30 =	vld.idx.msk [tilespmem:v12+s5+$0x0], $0xffff  }
0x4e1: {  	v24 =	vadd.f32 v25, v24;
	v25 =	vadd.f32 v28, v26;
	v26 =	vld.idx.msk [tilespmem:v13+s5+$0x0], $0xffff  }
0x4e2: {  	v28 =	vld.idx.msk [tilespmem:v9+s9+$0x0], $0xffff  }
0x4e3: {  	v24 =	vadd.f32 v25, v24;
	v25 =	vld.idx.msk [tilespmem:v14+s9+$0x0], $0xffff  }
0x4e4: {  	v31 =	vld.idx.msk [tilespmem:v3+s30+$0x0], $0xffff;
	v3 =	vmov v9;
	v9 =	vmov v18  }
0x4e5: {  	v18 =	vadd.f32 v29, v23;
	v21 =	vadd.f32 v27, v21;
	[tilespmem:s21+$0x1D400] =	vst v24;
	v23 =	vld.idx.msk [tilespmem:v5+s30+$0x0], $0xffff;
	v5 =	vmov v14  }
0x4e6: {  	v14 =	vmov v19;
	v24 =	vld.idx.msk [tilespmem:v6+s3+$0x0], $0xffff  }
0x4e7: {  	v18 =	vadd.f32 v21, v18;
	v19 =	vadd.f32 v26, v30;
	v27 =	vld.idx.msk [tilespmem:v8+s3+$0x0], $0xffff  }
0x4e8: {  	v26 =	vld.idx.msk [tilespmem:v7+s3+$0x0], $0xffff  }
0x4e9: {  	v18 =	vadd.f32 v19, v18;
	v19 =	vadd.f32 v25, v28;
	v29 =	vld.idx.msk [tilespmem:v10+s3+$0x0], $0xffff  }
0x4ea: {  	v28 =	vld.idx.msk [tilespmem:v9+s3+$0x0], $0xffff  }
0x4eb: {  	v21 =	vadd.f32 v23, v31;
	v30 =	vld.idx.msk [tilespmem:v14+s3+$0x0], $0xffff;
	[tilespmem:s11+$0x1D500] =	vst v18;
	v18 =	vadd.f32 v19, v20  }
0x4ec: {  	v19 =	vld.idx.msk [tilespmem:v16+s8+$0x0], $0xffff  }
0x4ed: {  	v24 =	vadd.f32 v27, v24;
	v20 =	vld.idx.msk [tilespmem:v17+s8+$0x0], $0xffff;
	[tilespmem:s7+$0x1D680] =	vst v18;
	v18 =	vadd.f32 v21, v22  }
.Ltmp2:
0x4ee: {  	v21 =	vld.idx.msk [tilespmem:v15+s8+$0x0], $0xffff;
	(pc) =	sbr.rel @p0 .LBB2_8-.Ltmp2, $4  }
0x4ef: {  	v22 =	vadd.f32 v29, v26;
	v23 =	vld.idx.msk [tilespmem:v11+s8+$0x0], $0xffff;
	[tilespmem:s25+$0x1D780] =	vst v18;
	s25 =	smov.u32 s7;
	s7 =	smov.u32 s21  }
0x4f0: {  	v25 =	vld.idx.msk [tilespmem:v12+s8+$0x0], $0xffff  }
0x4f1: {  	v22 =	vadd.f32 v22, v24;
	v24 =	vadd.f32 v30, v28;
	v26 =	vld.idx.msk [tilespmem:v13+s8+$0x0], $0xffff  }
0x4f2: {  	s31 =	sadd.s32 $0x100, s31;
	s16 =	sadd.s32 $0x20, s16;
	v18 =	vld.idx.msk [tilespmem:v1+s17+$0x0], $0xffff  }
0x4f3: {  	_ = 	snop  }
0x4f4: {  	v22 =	vadd.f32 v24, v22;
	_ =	sdelay $0x1  }
0x4f5: {  	[tilespmem:s7+$0x1D480] =	vst v22  }
0x4f6: {  	v22 =	vld.idx.msk [tilespmem:v6+s5+$0x0], $0xffff  }
0x4f7: {  	v51 =	vld.idx.msk [tilespmem:v8+s5+$0x0], $0xffff  }
0x4f8: {  	v19 =	vadd.f32 v20, v19;
	v52 =	vadd.f32 v23, v21;
	v53 =	vld.idx.msk [tilespmem:v7+s5+$0x0], $0xffff  }
0x4f9: {  	v54 =	vld.idx.msk [tilespmem:v10+s5+$0x0], $0xffff  }
0x4fa: {  	v19 =	vadd.f32 v52, v19;
	v55 =	vadd.f32 v26, v25;
	v56 =	vld.idx.msk [tilespmem:v9+s5+$0x0], $0xffff  }
0x4fb: {  	v57 =	vld.idx.msk [tilespmem:v14+s5+$0x0], $0xffff  }
0x4fc: {  	v19 =	vadd.f32 v55, v19;
	_ =	sdelay $0x1  }
0x4fd: {  	[tilespmem:s11+$0x1D580] =	vst v19;
	v58 =	vadd.f32 v51, v22;
	v59 =	vadd.f32 v54, v53  }
0x4fe: {  	v60 =	vld.idx.msk [tilespmem:v16+s13+$0x0], $0xffff  }
0x4ff: {  	v61 =	vld.idx.msk [tilespmem:v17+s13+$0x0], $0xffff;
	v62 =	vadd.f32 v57, v56;
	v19 =	vadd.f32 v59, v58  }
0x500: {  	v63 =	vld.idx.msk [tilespmem:v15+s13+$0x0], $0xffff  }
0x501: {  	v28 =	vld.idx.msk [tilespmem:v11+s13+$0x0], $0xffff;
	v19 =	vadd.f32 v62, v19  }
0x502: {  	v29 =	vld.idx.msk [tilespmem:v12+s13+$0x0], $0xffff  }
0x503: {  	v30 =	vld.idx.msk [tilespmem:v13+s13+$0x0], $0xffff;
	[tilespmem:s7+$0x1D500] =	vst v19  }
0x504: {  	v19 =	vld.idx.msk [tilespmem:v6+s8+$0x0], $0xffff  }
0x505: {  	v31 =	vld.idx.msk [tilespmem:v8+s8+$0x0], $0xffff  }
0x506: {  	v21 =	vadd.f32 v61, v60;
	v32 =	vadd.f32 v28, v63;
	v33 =	vld.idx.msk [tilespmem:v7+s8+$0x0], $0xffff  }
0x507: {  	v34 =	vld.idx.msk [tilespmem:v10+s8+$0x0], $0xffff  }
0x508: {  	v20 =	vadd.f32 v30, v29;
	v21 =	vadd.f32 v32, v21;
	v35 =	vld.idx.msk [tilespmem:v9+s8+$0x0], $0xffff  }
0x509: {  	v36 =	vld.idx.msk [tilespmem:v14+s8+$0x0], $0xffff  }
0x50a: {  	v20 =	vadd.f32 v20, v21;
	_ =	sdelay $0x1  }
0x50b: {  	[tilespmem:s11+$0x1D600] =	vst v20;
	v19 =	vadd.f32 v31, v19;
	v37 =	vadd.f32 v34, v33  }
0x50c: {  	v38 =	vld.idx.msk [tilespmem:v16+s9+$0x0], $0xffff  }
0x50d: {  	v39 =	vld.idx.msk [tilespmem:v17+s9+$0x0], $0xffff;
	v40 =	vadd.f32 v36, v35;
	v19 =	vadd.f32 v37, v19  }
0x50e: {  	v41 =	vld.idx.msk [tilespmem:v15+s9+$0x0], $0xffff  }
0x50f: {  	v42 =	vld.idx.msk [tilespmem:v11+s9+$0x0], $0xffff;
	v19 =	vadd.f32 v40, v19  }
0x510: {  	v43 =	vld.idx.msk [tilespmem:v12+s9+$0x0], $0xffff  }
0x511: {  	v44 =	vld.idx.msk [tilespmem:v13+s9+$0x0], $0xffff;
	[tilespmem:s7+$0x1D580] =	vst v19  }
0x512: {  	v19 =	vld.idx.msk [tilespmem:v6+s13+$0x0], $0xffff  }
0x513: {  	v45 =	vld.idx.msk [tilespmem:v8+s13+$0x0], $0xffff  }
0x514: {  	v21 =	vadd.f32 v39, v38;
	v22 =	vadd.f32 v42, v41;
	v46 =	vld.idx.msk [tilespmem:v7+s13+$0x0], $0xffff  }
0x515: {  	v47 =	vld.idx.msk [tilespmem:v10+s13+$0x0], $0xffff  }
0x516: {  	v20 =	vadd.f32 v44, v43;
	v21 =	vadd.f32 v22, v21;
	v48 =	vld.idx.msk [tilespmem:v9+s13+$0x0], $0xffff  }
0x517: {  	v49 =	vld.idx.msk [tilespmem:v14+s13+$0x0], $0xffff  }
0x518: {  	v20 =	vadd.f32 v20, v21;
	_ =	sdelay $0x1  }
0x519: {  	[tilespmem:s11+$0x1D680] =	vst v20;
	v19 =	vadd.f32 v45, v19;
	v50 =	vadd.f32 v47, v46  }
0x51a: {  	v51 =	vld.idx.msk [tilespmem:v16+s17+$0x0], $0xffff  }
0x51b: {  	v52 =	vld.idx.msk [tilespmem:v17+s17+$0x0], $0xffff;
	v53 =	vadd.f32 v49, v48;
	v19 =	vadd.f32 v50, v19  }
0x51c: {  	v54 =	vld.idx.msk [tilespmem:v15+s17+$0x0], $0xffff  }
0x51d: {  	v55 =	vld.idx.msk [tilespmem:v11+s17+$0x0], $0xffff;
	v19 =	vadd.f32 v53, v19  }
0x51e: {  	v56 =	vld.idx.msk [tilespmem:v12+s17+$0x0], $0xffff  }
0x51f: {  	v57 =	vld.idx.msk [tilespmem:v13+s17+$0x0], $0xffff;
	[tilespmem:s7+$0x1D600] =	vst v19  }
0x520: {  	v19 =	vld.idx.msk [tilespmem:v6+s9+$0x0], $0xffff  }
0x521: {  	v58 =	vld.idx.msk [tilespmem:v8+s9+$0x0], $0xffff  }
0x522: {  	v59 =	vld.idx.msk [tilespmem:v7+s9+$0x0], $0xffff  }
0x523: {  	v60 =	vld.idx.msk [tilespmem:v10+s9+$0x0], $0xffff  }
0x524: {  	v61 =	vld.idx.msk [tilespmem:v9+s9+$0x0], $0xffff  }
0x525: {  	v21 =	vadd.f32 v52, v51;
	v22 =	vadd.f32 v55, v54;
	v62 =	vld.idx.msk [tilespmem:v14+s9+$0x0], $0xffff;
	_ =	sdelay $0x1  }
0x526: {  	v27 =	vld.idx.msk [tilespmem:v0+s17+$0x0], $0xffff;
	v20 =	vadd.f32 v57, v56;
	v21 =	vadd.f32 v22, v21  }
0x527: {  	v63 =	vld.idx.msk [tilespmem:v4+s17+$0x0], $0xffff;
	v19 =	vadd.f32 v58, v19;
	v28 =	vadd.f32 v60, v59  }
0x528: {  	v33 =	vld.idx.msk [tilespmem:v2+s17+$0x0], $0xffff;
	v20 =	vadd.f32 v20, v21  }
0x529: {  	v34 =	vld.idx.msk [tilespmem:v3+s17+$0x0], $0xffff;
	v31 =	vadd.f32 v62, v61;
	v19 =	vadd.f32 v28, v19  }
0x52a: {  	v35 =	vld.idx.msk [tilespmem:v5+s17+$0x0], $0xffff;
	[tilespmem:s11+$0x1D700] =	vst v20  }
0x52b: {  	v29 =	vld.idx.msk [tilespmem:v16+s30+$0x0], $0xffff;
	v19 =	vadd.f32 v31, v19  }
0x52c: {  	v30 =	vld.idx.msk [tilespmem:v17+s30+$0x0], $0xffff  }
0x52d: {  	v32 =	vld.idx.msk [tilespmem:v15+s30+$0x0], $0xffff;
	[tilespmem:s7+$0x1D680] =	vst v19  }
0x52e: {  	v19 =	vld.idx.msk [tilespmem:v6+s17+$0x0], $0xffff  }
0x52f: {  	v36 =	vld.idx.msk [tilespmem:v8+s17+$0x0], $0xffff  }
0x530: {  	v18 =	vadd.f32 v63, v18;
	v37 =	vadd.f32 v33, v27;
	v38 =	vld.idx.msk [tilespmem:v7+s17+$0x0], $0xffff  }
0x531: {  	v39 =	vld.idx.msk [tilespmem:v10+s17+$0x0], $0xffff  }
0x532: {  	v18 =	vadd.f32 v37, v18;
	v20 =	vadd.f32 v35, v34;
	v40 =	vld.idx.msk [tilespmem:v9+s17+$0x0], $0xffff  }
0x533: {  	v41 =	vld.idx.msk [tilespmem:v14+s17+$0x0], $0xffff  }
0x534: {  	v42 =	vld.idx.msk [tilespmem:v11+s30+$0x0], $0xffff;
	v18 =	vadd.f32 v20, v18  }
0x535: {  	v43 =	vld.idx.msk [tilespmem:v12+s30+$0x0], $0xffff  }
0x536: {  	v44 =	vld.idx.msk [tilespmem:v13+s30+$0x0], $0xffff;
	[tilespmem:s25+$0x1D700] =	vst v18;
	v45 =	vadd.f32 v36, v19;
	v46 =	vadd.f32 v39, v38  }
0x537: {  	v1 =	vld.idx.msk [tilespmem:v1+s30+$0x0], $0xffff  }
0x538: {  	v47 =	vld.idx.msk [tilespmem:v4+s30+$0x0], $0xffff;
	v48 =	vadd.f32 v41, v40;
	v18 =	vadd.f32 v46, v45  }
0x539: {  	v49 =	vld.idx.msk [tilespmem:v0+s30+$0x0], $0xffff  }
0x53a: {  	v50 =	vld.idx.msk [tilespmem:v2+s30+$0x0], $0xffff;
	v18 =	vadd.f32 v48, v18  }
0x53b: {  	v51 =	vld.idx.msk [tilespmem:v3+s30+$0x0], $0xffff  }
0x53c: {  	v52 =	vld.idx.msk [tilespmem:v5+s30+$0x0], $0xffff;
	[tilespmem:s7+$0x1D700] =	vst v18  }
0x53d: {  	v53 =	vld.idx.msk [tilespmem:v6+s30+$0x0], $0xffff  }
0x53e: {  	v54 =	vld.idx.msk [tilespmem:v8+s30+$0x0], $0xffff  }
0x53f: {  	v16 =	vadd.f32 v30, v29;
	v11 =	vadd.f32 v42, v32;
	v55 =	vld.idx.msk [tilespmem:v7+s30+$0x0], $0xffff  }
0x540: {  	v56 =	vld.idx.msk [tilespmem:v10+s30+$0x0], $0xffff  }
0x541: {  	v12 =	vadd.f32 v44, v43;
	v11 =	vadd.f32 v11, v16;
	v57 =	vld.idx.msk [tilespmem:v9+s30+$0x0], $0xffff  }
0x542: {  	v58 =	vld.idx.msk [tilespmem:v14+s30+$0x0], $0xffff  }
0x543: {  	v11 =	vadd.f32 v12, v11  }
0x544: {  	v1 =	vadd.f32 v47, v1;
	v0 =	vadd.f32 v50, v49  }
0x545: {  	v59 =	vadd.f32 v54, v53;
	v60 =	vadd.f32 v56, v55  }
0x546: {  	v61 =	vadd.f32 v52, v51;
	v0 =	vadd.f32 v0, v1  }
0x547: {  	s0 =	smul.u32 $0x2800, s24;
	v62 =	vadd.f32 v58, v57;
	v2 =	vadd.f32 v60, v59  }
0x548: {  	s1 =	smul.u32 $0x1400, s29;
	v0 =	vadd.f32 v61, v0  }
0x549: {  	s2 =	simm.s32 $0x0;
	s24 =	sadd.s32 $0x1, s24;
	s0 =	sadd.s32 s22, s0;
	[tilespmem:s11+$0x1D780] =	vst v11;
	v63 =	vadd.f32 v62, v2  }
0x54a: {  	s3 =	simm.s32 $0x1C000;
	p0 =	sne.s32 s24, $0x8;
	s0 =	sshrl.u32 s0, $0x3;
	[tilespmem:s25+$0x1D780] =	vst v0  }
.Ltmp3:
0x54b: {  	s0 =	sadd.s32 s6, s0;
	s30 =	sadd.s32 s22, s1;
	[tilespmem:s7+$0x1D780] =	vst v63;
	(pc) =	sbr.rel @p0 .LBB2_7-.Ltmp3, $4  }
0x54c: {  	[hbm4b:s0+s2] =	stream.linear.scatter [tilespmem:s3], [sflag:$0x1], $0x1400, $0x38;
	[tilespmem:$0x1E800] =	vst v63  }
0x54d: {  	s0 =	sshrl.u32 s30, $0x3  }
0x54e: {  	s31 =	simm.s32 $0x1D400;
	s0 =	sadd.s32 s6, s0  }
0x54f: {  	[hbm4b:s0+s2] =	stream.linear.scatter [tilespmem:s31], [sflag:$0x2], $0x1400, $0x38;
	[tilespmem:$0x1E800] =	vst v63  }
0x550: {  	s2 =	rddreg [dreg:$0xa]  }
0x551: {  	s2 =	sadd.s32 $0x1, s2  }
0x552: {  	p0 =	sne.s32 s2, $0x10  }
.Ltmp4:
0x553: {  	_ = 	snop;
	(pc) =	sbr.rel @p0 .LBB2_2-.Ltmp4, $2  }
0x554: {  	_ =	sdelay $0x2  }
0x555: {  	s4 =	rddreg [dreg:$0x1]  }
0x556: {  	s0 =	simm.s32 $0x1  }
0x557: {  	_ =	swait.ge [sflag:s0], $0x1400  }
0x558: {  	[sflag:s0] =	ssyncset.done $0x0  }
0x559: {  	s1 =	simm.s32 $0x2;
	[sflag:s0] =	ssyncadd.s32 $0xFFFFEC00  }
0x55a: {  	_ =	swait.ge [sflag:s1], $0x1400  }
0x55b: {  	s2 =	rddreg [dreg:$0x9]  }
0x55c: {  	s31 =	rddreg [dreg:$0x8];
	s2 =	sadd.s32 $0x1, s2  }
0x55d: {  	p0 =	sne.s32 s2, s31  }
.Ltmp5:
0x55e: {  	_ = 	snop;
	(pc) =	sbr.rel @p0 .LBB2_1-.Ltmp5, $3  }
0x55f: {  	_ =	sdelay $0x1  }
0x560: {  	[sflag:s1] =	ssyncset.done $0x0  }
0x561: {  	[sflag:s1] =	ssyncadd.s32 $0xFFFFEC00  }
0x562: {  	_ =	sfence.sel $0x180000  }
0x563: {  	[bflag:$0x0] =	sbarrier.arrive $0xFFFF  }
0x564: {  	_ =	strace $0x90000047  }
0x565: {  	s0 =	stileid.u32;
	[bflag:$0x2] =	sbarrier.arrive $0xFFFF  }
0x566: {  	p0 =	sne.s32 s0, $0x0;
	s0 =	rddreg [dreg:$0x3]  }
0x567: {  	s0 =	sadd.s32 @!p0 $0x100000, s0  }
0x568: {  	[sflag:s0] =	ssyncadd.tile.s32 @!p0 $0x1;
	_ =	shalt  }
.Lfunc_end2:
_tile_overlayer_lowered:
.L_overlay_start_2:
0x569: {  	(tag) =	ssettag $0x2  }
0x56a: {  	s0 =	rddreg [dreg:$0x0];
	s2 =	stileid.u32  }
0x56b: {  	s1 =	rddreg [dreg:$0x1];
	p0 =	sne.s32 s2, $0x0  }
0x56c: {  	s3 =	rddreg [dreg:$0x2];
	[bflag:$0x3] =	sbarrier.arrive $0xFFFF;
	s2 =	simm.s32 @!p0 $0x1C05  }
0x56d: {  	[timem:s3], [sflag:s2] =	dma.local @!p0 [hbm:s0], s1  }
0x56e: {  	s0 =	simm.s32 @!p0 $0x5  }
0x56f: {  	_ =	swait.ge @!p0 [sflag:s0], s1  }
0x570: {  	s1 =	ssub.s32 @!p0 $0x0, s1;
	[sflag:s0] =	ssyncset.done @!p0 $0x0  }
0x571: {  	[sflag:s0] =	ssyncadd.s32 @!p0 s1  }
0x572: {  	[bflag:$0x3] =	sbarrier.arrive $0xFFFF  }
0x573: {  	_ =	shalt  }

</sc_bundles>
